<compile_context>
chip_gen: v7x
topology: tpu7x:2x2x1
jax: 0.10.2.dev20260603
libtpu: 0.0.44.dev20260713+nightly
codegen_flags: <defaults>
</compile_context>

<pallas_src>
import functools

import jax
import jax.numpy as jnp
from jax import lax
from jax.experimental import pallas as pl
from jax.experimental.pallas import tpu as pltpu
from jax.experimental.pallas import tpu_sc as plsc

ROWS, COLS = 4096, 8192

NUM_CORES = 2
NUM_SUBCORES = 16
NW = NUM_CORES * NUM_SUBCORES
ROWS_W = ROWS // NW
CHUNK_R, CHUNK_C = 8, 4096
NCOL = COLS // CHUNK_C
NCHUNK = (ROWS_W // CHUNK_R) * NCOL
NBUF = 3
MAGIC = 8388608.0


def _sc_body(x_hbm, scale_h, off_h, out_hbm,
             scale_v, off_v, b0, b1, b2,
             si0, si1, si2, so0, so1, so2):
    wid = lax.axis_index("s") * NUM_CORES + lax.axis_index("c")
    row0 = wid * ROWS_W

    pltpu.sync_copy(scale_h, scale_v)
    pltpu.sync_copy(off_h, off_v)
    sv = scale_v[...]
    ov = off_v[...]

    bufs = [b0, b1, b2]
    sin = [si0, si1, si2]
    sout = [so0, so1, so2]

    def chunk_slice(ch):
        r = row0 + (ch // NCOL) * CHUNK_R
        c = (ch % NCOL) * CHUNK_C
        return (pl.ds(r, CHUNK_R), pl.ds(c, CHUNK_C))

    def start_in(ch, b):
        pltpu.async_copy(x_hbm.at[chunk_slice(ch)], bufs[b], sin[b])

    def wait_in(ch, b):
        pltpu.make_async_copy(x_hbm.at[chunk_slice(ch)], bufs[b],
                              sin[b]).wait()

    def start_out(ch, b):
        pltpu.async_copy(bufs[b], out_hbm.at[chunk_slice(ch)], sout[b])

    def wait_out(ch, b):
        pltpu.make_async_copy(bufs[b], out_hbm.at[chunk_slice(ch)],
                              sout[b]).wait()

    def compute(b):
        buf = bufs[b]

        @plsc.parallel_loop(0, CHUNK_C, step=16, unroll=1)
        def _compute(i):
            for r in range(CHUNK_R):
                v = buf[r, pl.ds(i, 16)]
                t = v * sv + ov
                t = jnp.minimum(jnp.maximum(t, 0.5), 15.25)
                buf[r, pl.ds(i, 16)] = (t + MAGIC) - (MAGIC + 8.0)

    start_in(0, 0)
    start_in(1, 1)
    start_in(2, 2)
    wait_in(0, 0)
    compute(0)
    start_out(0, 0)
    wait_out(0, 0)
    start_in(3, 0)
    wait_in(1, 1)
    compute(1)
    start_out(1, 1)

    @pl.loop(0, (NCHUNK - 5) // NBUF)
    def _ring(g):
        ch0 = 2 + NBUF * g
        for p in range(NBUF):
            ch = ch0 + p
            b = (2 + p) % NBUF
            wait_out(ch - 1, (b - 1) % NBUF)
            start_in(ch + 2, (b + 2) % NBUF)
            wait_in(ch, b)
            compute(b)
            start_out(ch, b)

    wait_out(NCHUNK - 4, (NCHUNK - 4) % NBUF)
    start_in(NCHUNK - 1, (NCHUNK - 1) % NBUF)
    wait_in(NCHUNK - 3, (NCHUNK - 3) % NBUF)
    compute((NCHUNK - 3) % NBUF)
    start_out(NCHUNK - 3, (NCHUNK - 3) % NBUF)
    for ch in (NCHUNK - 2, NCHUNK - 1):
        wait_out(ch - 1, (ch - 1) % NBUF)
        wait_in(ch, ch % NBUF)
        compute(ch % NBUF)
        start_out(ch, ch % NBUF)
    wait_out(NCHUNK - 1, (NCHUNK - 1) % NBUF)


_sc_call = functools.partial(
    pl.kernel,
    out_type=jax.ShapeDtypeStruct((ROWS, COLS), jnp.float32),
    mesh=plsc.VectorSubcoreMesh(core_axis_name="c", subcore_axis_name="s",
                                num_cores=NUM_CORES,
                                num_subcores=NUM_SUBCORES),
    compiler_params=pltpu.CompilerParams(use_tc_tiling_on_sc=True),
    scratch_types=[
        pltpu.VMEM((16,), jnp.float32),
        pltpu.VMEM((16,), jnp.float32),
        pltpu.VMEM((CHUNK_R, CHUNK_C), jnp.float32),
        pltpu.VMEM((CHUNK_R, CHUNK_C), jnp.float32),
        pltpu.VMEM((CHUNK_R, CHUNK_C), jnp.float32),
        pltpu.SemaphoreType.DMA,
        pltpu.SemaphoreType.DMA,
        pltpu.SemaphoreType.DMA,
        pltpu.SemaphoreType.DMA,
        pltpu.SemaphoreType.DMA,
        pltpu.SemaphoreType.DMA,
    ],
)(_sc_body)


def kernel(x, weights):
    inv_h = 1.0 / (weights[1] - weights[0])
    c2 = 0.5 - weights[0] * inv_h
    scale = jnp.full((16,), inv_h, jnp.float32)
    off = jnp.full((16,), c2, jnp.float32)
    return _sc_call(x, scale, off)

# --- scband reference (transcript-rebuilt; emitter-appended) ---
"""Pipeline reference for scband-quantize-layer-47717086659248 (READ-ONLY COPY).

The authoritative reference and input builder live on the scoring server;
editing this copy changes nothing except your own understanding.
"""

import jax, jax.numpy as jnp
import numpy as np

LEVELS = 16
TRAIN_MIN = -3.0
TRAIN_MAX = 3.0


def setup_inputs(seed: int = 0) -> dict:
    key = jax.random.key(seed)
    x = jax.random.normal(key, (4096, 8192), dtype=jnp.float32)
    # quant_style='fixed': weights = linspace(train_x.min(), train_x.max(), levels+1)[1:-1]
    weights = jnp.linspace(TRAIN_MIN, TRAIN_MAX, LEVELS + 1)[1:-1].astype(jnp.float32)
    return {"x": x, "weights": weights}


def reference(x, weights):
    # hard quantization branch (soft=False), levels != 2:
    # res = sum over cutoffs of (x > cutoff).float(); return res - levels//2
    res = jnp.zeros_like(x)
    for i in range(weights.shape[0]):
        res = res + (x > weights[i]).astype(x.dtype)
    return res - (LEVELS // 2)

if __name__ == "__main__":
    import jax
    _d = setup_inputs()
    print(jax.jit(kernel)(*tuple(_d.values())))

</pallas_src>

<mosaic_0001>
#map = affine_map<(d0, d1) -> (0, 0)>
#map1 = affine_map<(d0, d1) -> (0)>
module attributes {stable_mosaic.version = 14 : i64} {
  func.func @_sc_body(%arg0: i32, %arg1: i32, %arg2: memref<4096x8192xf32, #tpu.memory_space<hbm>>, %arg3: memref<16xf32, #tpu.memory_space<hbm>>, %arg4: memref<16xf32, #tpu.memory_space<hbm>>, %arg5: memref<4096x8192xf32, #tpu.memory_space<hbm>>, %arg6: memref<16xf32, #tpu.memory_space<vmem>>, %arg7: memref<16xf32, #tpu.memory_space<vmem>>, %arg8: memref<8x4096xf32, #tpu.memory_space<vmem>>, %arg9: memref<8x4096xf32, #tpu.memory_space<vmem>>, %arg10: memref<8x4096xf32, #tpu.memory_space<vmem>>, %arg11: memref<!tpu.dma_semaphore, #tpu.memory_space<semaphore_mem>>, %arg12: memref<!tpu.dma_semaphore, #tpu.memory_space<semaphore_mem>>, %arg13: memref<!tpu.dma_semaphore, #tpu.memory_space<semaphore_mem>>, %arg14: memref<!tpu.dma_semaphore, #tpu.memory_space<semaphore_mem>>, %arg15: memref<!tpu.dma_semaphore, #tpu.memory_space<semaphore_mem>>, %arg16: memref<!tpu.dma_semaphore, #tpu.memory_space<semaphore_mem>>) attributes {dimension_semantics = [#tpu.dimension_semantics<core_parallel>, #tpu.dimension_semantics<subcore_parallel>], iteration_bounds = array<i64: 2, 16>, scalar_prefetch = 0 : i64, scratch_operands = 11 : i64, tpu.core_type = #tpu.core_type<sc_vector_subcore>, window_params = [{transform_indices = #map}, {transform_indices = #map1}, {transform_indices = #map1}, {transform_indices = #map}]} {
    %mul3A = arith.constant 2 : i32
    %mul3A_0 = arith.muli %arg1, %mul3A : i32
    %add3A = arith.addi %mul3A_0, %arg0 : i32
    %mul3A_1 = arith.constant 128 : i32
    %mul3A_2 = arith.muli %add3A, %mul3A_1 : i32
    "tpu.region"() ({
      %run_scoped3A = tpu.sem_alloc : memref<!tpu.dma_semaphore, #tpu.memory_space<semaphore_mem>>
      tpu.enqueue_dma source(%arg3 : memref<16xf32, #tpu.memory_space<hbm>>) target(%arg6 : memref<16xf32, #tpu.memory_space<vmem>>) target_semaphore(%run_scoped3A : memref<!tpu.dma_semaphore, #tpu.memory_space<semaphore_mem>>)
      tpu.wait_dma2 semaphore(%run_scoped3A : memref<!tpu.dma_semaphore, #tpu.memory_space<semaphore_mem>>) src(%arg3 : memref<16xf32, #tpu.memory_space<hbm>>) dst(%arg6 : memref<16xf32, #tpu.memory_space<vmem>>)
      tpu.yield
    }) : () -> ()
    "tpu.region"() ({
      %run_scoped3A = tpu.sem_alloc : memref<!tpu.dma_semaphore, #tpu.memory_space<semaphore_mem>>
      tpu.enqueue_dma source(%arg4 : memref<16xf32, #tpu.memory_space<hbm>>) target(%arg7 : memref<16xf32, #tpu.memory_space<vmem>>) target_semaphore(%run_scoped3A : memref<!tpu.dma_semaphore, #tpu.memory_space<semaphore_mem>>)
      tpu.wait_dma2 semaphore(%run_scoped3A : memref<!tpu.dma_semaphore, #tpu.memory_space<semaphore_mem>>) src(%arg4 : memref<16xf32, #tpu.memory_space<hbm>>) dst(%arg7 : memref<16xf32, #tpu.memory_space<vmem>>)
      tpu.yield
    }) : () -> ()
    %get3A = arith.constant 0 : index
    %get3A_3 = tpu.vector_load %arg6[%get3A] {strides = array<i32>} : memref<16xf32, #tpu.memory_space<vmem>>, vector<16xf32>,
    %get3A_4 = vector.shape_cast %get3A_3 : vector<16xf32> to vector<16xf32>
    %get3A_5 = arith.constant 0 : index
    %get3A_6 = tpu.vector_load %arg7[%get3A_5] {strides = array<i32>} : memref<16xf32, #tpu.memory_space<vmem>>, vector<16xf32>,
    %get3A_7 = vector.shape_cast %get3A_6 : vector<16xf32> to vector<16xf32>
    %add3A_8 = arith.constant 0 : i32
    %add3A_9 = arith.addi %mul3A_2, %add3A_8 : i32
    %dma_start3A = arith.constant 0 : i32
    %dma_start3A_10 = tpu.memref_slice %arg2[%add3A_9, %dma_start3A] : memref<4096x8192xf32, #tpu.memory_space<hbm>> -> memref<8x4096xf32, #tpu.memory_space<hbm>>
    %dma_start3A_11 = arith.constant 0 : i32
    %dma_start3A_12 = tpu.memref_slice %arg2[%add3A_9, %dma_start3A_11] : memref<4096x8192xf32, #tpu.memory_space<hbm>> -> memref<8x4096xf32, #tpu.memory_space<hbm>>
    tpu.enqueue_dma source(%dma_start3A_12 : memref<8x4096xf32, #tpu.memory_space<hbm>>) target(%arg8 : memref<8x4096xf32, #tpu.memory_space<vmem>>) target_semaphore(%arg11 : memref<!tpu.dma_semaphore, #tpu.memory_space<semaphore_mem>>)
    %add3A_13 = arith.constant 0 : i32
    %add3A_14 = arith.addi %mul3A_2, %add3A_13 : i32
    %dma_start3A_15 = arith.constant 4096 : i32
    %dma_start3A_16 = tpu.memref_slice %arg2[%add3A_14, %dma_start3A_15] : memref<4096x8192xf32, #tpu.memory_space<hbm>> -> memref<8x4096xf32, #tpu.memory_space<hbm>>
    %dma_start3A_17 = arith.constant 4096 : i32
    %dma_start3A_18 = tpu.memref_slice %arg2[%add3A_14, %dma_start3A_17] : memref<4096x8192xf32, #tpu.memory_space<hbm>> -> memref<8x4096xf32, #tpu.memory_space<hbm>>
    tpu.enqueue_dma source(%dma_start3A_18 : memref<8x4096xf32, #tpu.memory_space<hbm>>) target(%arg9 : memref<8x4096xf32, #tpu.memory_space<vmem>>) target_semaphore(%arg12 : memref<!tpu.dma_semaphore, #tpu.memory_space<semaphore_mem>>)
    %add3A_19 = arith.constant 8 : i32
    %add3A_20 = arith.addi %mul3A_2, %add3A_19 : i32
    %dma_start3A_21 = arith.constant 0 : i32
    %dma_start3A_22 = tpu.memref_slice %arg2[%add3A_20, %dma_start3A_21] : memref<4096x8192xf32, #tpu.memory_space<hbm>> -> memref<8x4096xf32, #tpu.memory_space<hbm>>
    %dma_start3A_23 = arith.constant 0 : i32
    %dma_start3A_24 = tpu.memref_slice %arg2[%add3A_20, %dma_start3A_23] : memref<4096x8192xf32, #tpu.memory_space<hbm>> -> memref<8x4096xf32, #tpu.memory_space<hbm>>
    tpu.enqueue_dma source(%dma_start3A_24 : memref<8x4096xf32, #tpu.memory_space<hbm>>) target(%arg10 : memref<8x4096xf32, #tpu.memory_space<vmem>>) target_semaphore(%arg13 : memref<!tpu.dma_semaphore, #tpu.memory_space<semaphore_mem>>)
    %add3A_25 = arith.constant 0 : i32
    %add3A_26 = arith.addi %mul3A_2, %add3A_25 : i32
    %dma_wait3A = arith.constant 0 : i32
    %dma_wait3A_27 = tpu.memref_slice %arg2[%add3A_26, %dma_wait3A] : memref<4096x8192xf32, #tpu.memory_space<hbm>> -> memref<8x4096xf32, #tpu.memory_space<hbm>>
    %dma_wait3A_28 = arith.constant 0 : i32
    %dma_wait3A_29 = tpu.memref_slice %arg2[%add3A_26, %dma_wait3A_28] : memref<4096x8192xf32, #tpu.memory_space<hbm>> -> memref<8x4096xf32, #tpu.memory_space<hbm>>
    tpu.wait_dma2 semaphore(%arg11 : memref<!tpu.dma_semaphore, #tpu.memory_space<semaphore_mem>>) src(%dma_wait3A_29 : memref<8x4096xf32, #tpu.memory_space<hbm>>) dst(%arg8 : memref<8x4096xf32, #tpu.memory_space<vmem>>)
    %parallel_loop3A = arith.constant 0 : i32
    %parallel_loop3A_30 = arith.constant 4096 : i32
    %parallel_loop3A_31 = arith.constant 16 : i32
    scf.for %parallel_loop3A_144 = %parallel_loop3A to %parallel_loop3A_30 step %parallel_loop3A_31  : i32 {
      %parallel_loop3A_145 = arith.constant 0 : i32
      %parallel_loop3A_146 = arith.index_cast %parallel_loop3A_145 : i32 to index
      %parallel_loop3A_147 = arith.index_cast %parallel_loop3A_144 : i32 to index
      %parallel_loop3A_148 = tpu.vector_load %arg8[%parallel_loop3A_146, %parallel_loop3A_147] {strides = array<i32>} : memref<8x4096xf32, #tpu.memory_space<vmem>>, vector<1x16xf32>,
      %parallel_loop3A_149 = vector.shape_cast %parallel_loop3A_148 : vector<1x16xf32> to vector<16xf32>
      %parallel_loop3A_150 = arith.mulf %parallel_loop3A_149, %get3A_4 : vector<16xf32>
      %parallel_loop3A_151 = arith.addf %parallel_loop3A_150, %get3A_7 : vector<16xf32>
      %parallel_loop3A_152 = arith.constant 5.000000e-01 : f32
      %parallel_loop3A_153 = vector.broadcast %parallel_loop3A_152 : f32 to vector<16xf32>
      %parallel_loop3A_154 = arith.maximumf %parallel_loop3A_151, %parallel_loop3A_153 : vector<16xf32>
      %parallel_loop3A_155 = arith.constant 1.525000e+01 : f32
      %parallel_loop3A_156 = vector.broadcast %parallel_loop3A_155 : f32 to vector<16xf32>
      %parallel_loop3A_157 = arith.minimumf %parallel_loop3A_154, %parallel_loop3A_156 : vector<16xf32>
      %parallel_loop3A_158 = arith.constant 0x4B000000 : f32
      %parallel_loop3A_159 = vector.broadcast %parallel_loop3A_158 : f32 to vector<16xf32>
      %parallel_loop3A_160 = arith.addf %parallel_loop3A_157, %parallel_loop3A_159 : vector<16xf32>
      %parallel_loop3A_161 = arith.constant 0x4B000008 : f32
      %parallel_loop3A_162 = vector.broadcast %parallel_loop3A_161 : f32 to vector<16xf32>
      %parallel_loop3A_163 = arith.subf %parallel_loop3A_160, %parallel_loop3A_162 : vector<16xf32>
      %parallel_loop3A_164 = arith.constant 0 : i32
      %parallel_loop3A_165 = arith.index_cast %parallel_loop3A_164 : i32 to index
      %parallel_loop3A_166 = arith.index_cast %parallel_loop3A_144 : i32 to index
      %parallel_loop3A_167 = tpu.vector_load %arg8[%parallel_loop3A_165, %parallel_loop3A_166] {strides = array<i32>} : memref<8x4096xf32, #tpu.memory_space<vmem>>, vector<1x16xf32>,
      %parallel_loop3A_168 = vector.shape_cast %parallel_loop3A_167 : vector<1x16xf32> to vector<16xf32>
      %parallel_loop3A_169 = vector.shape_cast %parallel_loop3A_163 : vector<16xf32> to vector<1x16xf32>
      tpu.vector_store %arg8[%parallel_loop3A_165, %parallel_loop3A_166], %parallel_loop3A_169 {strides = array<i32>} : memref<8x4096xf32, #tpu.memory_space<vmem>>, vector<1x16xf32>,
      %parallel_loop3A_170 = arith.constant 1 : i32
      %parallel_loop3A_171 = arith.index_cast %parallel_loop3A_170 : i32 to index
      %parallel_loop3A_172 = arith.index_cast %parallel_loop3A_144 : i32 to index
      %parallel_loop3A_173 = tpu.vector_load %arg8[%parallel_loop3A_171, %parallel_loop3A_172] {strides = array<i32>} : memref<8x4096xf32, #tpu.memory_space<vmem>>, vector<1x16xf32>,
      %parallel_loop3A_174 = vector.shape_cast %parallel_loop3A_173 : vector<1x16xf32> to vector<16xf32>
      %parallel_loop3A_175 = arith.mulf %parallel_loop3A_174, %get3A_4 : vector<16xf32>
      %parallel_loop3A_176 = arith.addf %parallel_loop3A_175, %get3A_7 : vector<16xf32>
      %parallel_loop3A_177 = arith.constant 5.000000e-01 : f32
      %parallel_loop3A_178 = vector.broadcast %parallel_loop3A_177 : f32 to vector<16xf32>
      %parallel_loop3A_179 = arith.maximumf %parallel_loop3A_176, %parallel_loop3A_178 : vector<16xf32>
      %parallel_loop3A_180 = arith.constant 1.525000e+01 : f32
      %parallel_loop3A_181 = vector.broadcast %parallel_loop3A_180 : f32 to vector<16xf32>
      %parallel_loop3A_182 = arith.minimumf %parallel_loop3A_179, %parallel_loop3A_181 : vector<16xf32>
      %parallel_loop3A_183 = arith.constant 0x4B000000 : f32
      %parallel_loop3A_184 = vector.broadcast %parallel_loop3A_183 : f32 to vector<16xf32>
      %parallel_loop3A_185 = arith.addf %parallel_loop3A_182, %parallel_loop3A_184 : vector<16xf32>
      %parallel_loop3A_186 = arith.constant 0x4B000008 : f32
      %parallel_loop3A_187 = vector.broadcast %parallel_loop3A_186 : f32 to vector<16xf32>
      %parallel_loop3A_188 = arith.subf %parallel_loop3A_185, %parallel_loop3A_187 : vector<16xf32>
      %parallel_loop3A_189 = arith.constant 1 : i32
      %parallel_loop3A_190 = arith.index_cast %parallel_loop3A_189 : i32 to index
      %parallel_loop3A_191 = arith.index_cast %parallel_loop3A_144 : i32 to index
      %parallel_loop3A_192 = tpu.vector_load %arg8[%parallel_loop3A_190, %parallel_loop3A_191] {strides = array<i32>} : memref<8x4096xf32, #tpu.memory_space<vmem>>, vector<1x16xf32>,
      %parallel_loop3A_193 = vector.shape_cast %parallel_loop3A_192 : vector<1x16xf32> to vector<16xf32>
      %parallel_loop3A_194 = vector.shape_cast %parallel_loop3A_188 : vector<16xf32> to vector<1x16xf32>
      tpu.vector_store %arg8[%parallel_loop3A_190, %parallel_loop3A_191], %parallel_loop3A_194 {strides = array<i32>} : memref<8x4096xf32, #tpu.memory_space<vmem>>, vector<1x16xf32>,
      %parallel_loop3A_195 = arith.constant 2 : i32
      %parallel_loop3A_196 = arith.index_cast %parallel_loop3A_195 : i32 to index
      %parallel_loop3A_197 = arith.index_cast %parallel_loop3A_144 : i32 to index
      %parallel_loop3A_198 = tpu.vector_load %arg8[%parallel_loop3A_196, %parallel_loop3A_197] {strides = array<i32>} : memref<8x4096xf32, #tpu.memory_space<vmem>>, vector<1x16xf32>,
      %parallel_loop3A_199 = vector.shape_cast %parallel_loop3A_198 : vector<1x16xf32> to vector<16xf32>
      %parallel_loop3A_200 = arith.mulf %parallel_loop3A_199, %get3A_4 : vector<16xf32>
      %parallel_loop3A_201 = arith.addf %parallel_loop3A_200, %get3A_7 : vector<16xf32>
      %parallel_loop3A_202 = arith.constant 5.000000e-01 : f32
      %parallel_loop3A_203 = vector.broadcast %parallel_loop3A_202 : f32 to vector<16xf32>
      %parallel_loop3A_204 = arith.maximumf %parallel_loop3A_201, %parallel_loop3A_203 : vector<16xf32>
      %parallel_loop3A_205 = arith.constant 1.525000e+01 : f32
      %parallel_loop3A_206 = vector.broadcast %parallel_loop3A_205 : f32 to vector<16xf32>
      %parallel_loop3A_207 = arith.minimumf %parallel_loop3A_204, %parallel_loop3A_206 : vector<16xf32>
      %parallel_loop3A_208 = arith.constant 0x4B000000 : f32
      %parallel_loop3A_209 = vector.broadcast %parallel_loop3A_208 : f32 to vector<16xf32>
      %parallel_loop3A_210 = arith.addf %parallel_loop3A_207, %parallel_loop3A_209 : vector<16xf32>
      %parallel_loop3A_211 = arith.constant 0x4B000008 : f32
      %parallel_loop3A_212 = vector.broadcast %parallel_loop3A_211 : f32 to vector<16xf32>
      %parallel_loop3A_213 = arith.subf %parallel_loop3A_210, %parallel_loop3A_212 : vector<16xf32>
      %parallel_loop3A_214 = arith.constant 2 : i32
      %parallel_loop3A_215 = arith.index_cast %parallel_loop3A_214 : i32 to index
      %parallel_loop3A_216 = arith.index_cast %parallel_loop3A_144 : i32 to index
      %parallel_loop3A_217 = tpu.vector_load %arg8[%parallel_loop3A_215, %parallel_loop3A_216] {strides = array<i32>} : memref<8x4096xf32, #tpu.memory_space<vmem>>, vector<1x16xf32>,
      %parallel_loop3A_218 = vector.shape_cast %parallel_loop3A_217 : vector<1x16xf32> to vector<16xf32>
      %parallel_loop3A_219 = vector.shape_cast %parallel_loop3A_213 : vector<16xf32> to vector<1x16xf32>
      tpu.vector_store %arg8[%parallel_loop3A_215, %parallel_loop3A_216], %parallel_loop3A_219 {strides = array<i32>} : memref<8x4096xf32, #tpu.memory_space<vmem>>, vector<1x16xf32>,
      %parallel_loop3A_220 = arith.constant 3 : i32
      %parallel_loop3A_221 = arith.index_cast %parallel_loop3A_220 : i32 to index
      %parallel_loop3A_222 = arith.index_cast %parallel_loop3A_144 : i32 to index
      %parallel_loop3A_223 = tpu.vector_load %arg8[%parallel_loop3A_221, %parallel_loop3A_222] {strides = array<i32>} : memref<8x4096xf32, #tpu.memory_space<vmem>>, vector<1x16xf32>,
      %parallel_loop3A_224 = vector.shape_cast %parallel_loop3A_223 : vector<1x16xf32> to vector<16xf32>
      %parallel_loop3A_225 = arith.mulf %parallel_loop3A_224, %get3A_4 : vector<16xf32>
      %parallel_loop3A_226 = arith.addf %parallel_loop3A_225, %get3A_7 : vector<16xf32>
      %parallel_loop3A_227 = arith.constant 5.000000e-01 : f32
      %parallel_loop3A_228 = vector.broadcast %parallel_loop3A_227 : f32 to vector<16xf32>
      %parallel_loop3A_229 = arith.maximumf %parallel_loop3A_226, %parallel_loop3A_228 : vector<16xf32>
      %parallel_loop3A_230 = arith.constant 1.525000e+01 : f32
      %parallel_loop3A_231 = vector.broadcast %parallel_loop3A_230 : f32 to vector<16xf32>
      %parallel_loop3A_232 = arith.minimumf %parallel_loop3A_229, %parallel_loop3A_231 : vector<16xf32>
      %parallel_loop3A_233 = arith.constant 0x4B000000 : f32
      %parallel_loop3A_234 = vector.broadcast %parallel_loop3A_233 : f32 to vector<16xf32>
      %parallel_loop3A_235 = arith.addf %parallel_loop3A_232, %parallel_loop3A_234 : vector<16xf32>
      %parallel_loop3A_236 = arith.constant 0x4B000008 : f32
      %parallel_loop3A_237 = vector.broadcast %parallel_loop3A_236 : f32 to vector<16xf32>
      %parallel_loop3A_238 = arith.subf %parallel_loop3A_235, %parallel_loop3A_237 : vector<16xf32>
      %parallel_loop3A_239 = arith.constant 3 : i32
      %parallel_loop3A_240 = arith.index_cast %parallel_loop3A_239 : i32 to index
      %parallel_loop3A_241 = arith.index_cast %parallel_loop3A_144 : i32 to index
      %parallel_loop3A_242 = tpu.vector_load %arg8[%parallel_loop3A_240, %parallel_loop3A_241] {strides = array<i32>} : memref<8x4096xf32, #tpu.memory_space<vmem>>, vector<1x16xf32>,
      %parallel_loop3A_243 = vector.shape_cast %parallel_loop3A_242 : vector<1x16xf32> to vector<16xf32>
      %parallel_loop3A_244 = vector.shape_cast %parallel_loop3A_238 : vector<16xf32> to vector<1x16xf32>
      tpu.vector_store %arg8[%parallel_loop3A_240, %parallel_loop3A_241], %parallel_loop3A_244 {strides = array<i32>} : memref<8x4096xf32, #tpu.memory_space<vmem>>, vector<1x16xf32>,
      %parallel_loop3A_245 = arith.constant 4 : i32
      %parallel_loop3A_246 = arith.index_cast %parallel_loop3A_245 : i32 to index
      %parallel_loop3A_247 = arith.index_cast %parallel_loop3A_144 : i32 to index
      %parallel_loop3A_248 = tpu.vector_load %arg8[%parallel_loop3A_246, %parallel_loop3A_247] {strides = array<i32>} : memref<8x4096xf32, #tpu.memory_space<vmem>>, vector<1x16xf32>,
      %parallel_loop3A_249 = vector.shape_cast %parallel_loop3A_248 : vector<1x16xf32> to vector<16xf32>
      %parallel_loop3A_250 = arith.mulf %parallel_loop3A_249, %get3A_4 : vector<16xf32>
      %parallel_loop3A_251 = arith.addf %parallel_loop3A_250, %get3A_7 : vector<16xf32>
      %parallel_loop3A_252 = arith.constant 5.000000e-01 : f32
      %parallel_loop3A_253 = vector.broadcast %parallel_loop3A_252 : f32 to vector<16xf32>
      %parallel_loop3A_254 = arith.maximumf %parallel_loop3A_251, %parallel_loop3A_253 : vector<16xf32>
      %parallel_loop3A_255 = arith.constant 1.525000e+01 : f32
      %parallel_loop3A_256 = vector.broadcast %parallel_loop3A_255 : f32 to vector<16xf32>
      %parallel_loop3A_257 = arith.minimumf %parallel_loop3A_254, %parallel_loop3A_256 : vector<16xf32>
      %parallel_loop3A_258 = arith.constant 0x4B000000 : f32
      %parallel_loop3A_259 = vector.broadcast %parallel_loop3A_258 : f32 to vector<16xf32>
      %parallel_loop3A_260 = arith.addf %parallel_loop3A_257, %parallel_loop3A_259 : vector<16xf32>
      %parallel_loop3A_261 = arith.constant 0x4B000008 : f32
      %parallel_loop3A_262 = vector.broadcast %parallel_loop3A_261 : f32 to vector<16xf32>
      %parallel_loop3A_263 = arith.subf %parallel_loop3A_260, %parallel_loop3A_262 : vector<16xf32>
      %parallel_loop3A_264 = arith.constant 4 : i32
      %parallel_loop3A_265 = arith.index_cast %parallel_loop3A_264 : i32 to index
      %parallel_loop3A_266 = arith.index_cast %parallel_loop3A_144 : i32 to index
      %parallel_loop3A_267 = tpu.vector_load %arg8[%parallel_loop3A_265, %parallel_loop3A_266] {strides = array<i32>} : memref<8x4096xf32, #tpu.memory_space<vmem>>, vector<1x16xf32>,
      %parallel_loop3A_268 = vector.shape_cast %parallel_loop3A_267 : vector<1x16xf32> to vector<16xf32>
      %parallel_loop3A_269 = vector.shape_cast %parallel_loop3A_263 : vector<16xf32> to vector<1x16xf32>
      tpu.vector_store %arg8[%parallel_loop3A_265, %parallel_loop3A_266], %parallel_loop3A_269 {strides = array<i32>} : memref<8x4096xf32, #tpu.memory_space<vmem>>, vector<1x16xf32>,
      %parallel_loop3A_270 = arith.constant 5 : i32
      %parallel_loop3A_271 = arith.index_cast %parallel_loop3A_270 : i32 to index
      %parallel_loop3A_272 = arith.index_cast %parallel_loop3A_144 : i32 to index
      %parallel_loop3A_273 = tpu.vector_load %arg8[%parallel_loop3A_271, %parallel_loop3A_272] {strides = array<i32>} : memref<8x4096xf32, #tpu.memory_space<vmem>>, vector<1x16xf32>,
      %parallel_loop3A_274 = vector.shape_cast %parallel_loop3A_273 : vector<1x16xf32> to vector<16xf32>
      %parallel_loop3A_275 = arith.mulf %parallel_loop3A_274, %get3A_4 : vector<16xf32>
      %parallel_loop3A_276 = arith.addf %parallel_loop3A_275, %get3A_7 : vector<16xf32>
      %parallel_loop3A_277 = arith.constant 5.000000e-01 : f32
      %parallel_loop3A_278 = vector.broadcast %parallel_loop3A_277 : f32 to vector<16xf32>
      %parallel_loop3A_279 = arith.maximumf %parallel_loop3A_276, %parallel_loop3A_278 : vector<16xf32>
      %parallel_loop3A_280 = arith.constant 1.525000e+01 : f32
      %parallel_loop3A_281 = vector.broadcast %parallel_loop3A_280 : f32 to vector<16xf32>
      %parallel_loop3A_282 = arith.minimumf %parallel_loop3A_279, %parallel_loop3A_281 : vector<16xf32>
      %parallel_loop3A_283 = arith.constant 0x4B000000 : f32
      %parallel_loop3A_284 = vector.broadcast %parallel_loop3A_283 : f32 to vector<16xf32>
      %parallel_loop3A_285 = arith.addf %parallel_loop3A_282, %parallel_loop3A_284 : vector<16xf32>
      %parallel_loop3A_286 = arith.constant 0x4B000008 : f32
      %parallel_loop3A_287 = vector.broadcast %parallel_loop3A_286 : f32 to vector<16xf32>
      %parallel_loop3A_288 = arith.subf %parallel_loop3A_285, %parallel_loop3A_287 : vector<16xf32>
      %parallel_loop3A_289 = arith.constant 5 : i32
      %parallel_loop3A_290 = arith.index_cast %parallel_loop3A_289 : i32 to index
      %parallel_loop3A_291 = arith.index_cast %parallel_loop3A_144 : i32 to index
      %parallel_loop3A_292 = tpu.vector_load %arg8[%parallel_loop3A_290, %parallel_loop3A_291] {strides = array<i32>} : memref<8x4096xf32, #tpu.memory_space<vmem>>, vector<1x16xf32>,
      %parallel_loop3A_293 = vector.shape_cast %parallel_loop3A_292 : vector<1x16xf32> to vector<16xf32>
      %parallel_loop3A_294 = vector.shape_cast %parallel_loop3A_288 : vector<16xf32> to vector<1x16xf32>
      tpu.vector_store %arg8[%parallel_loop3A_290, %parallel_loop3A_291], %parallel_loop3A_294 {strides = array<i32>} : memref<8x4096xf32, #tpu.memory_space<vmem>>, vector<1x16xf32>,
      %parallel_loop3A_295 = arith.constant 6 : i32
      %parallel_loop3A_296 = arith.index_cast %parallel_loop3A_295 : i32 to index
      %parallel_loop3A_297 = arith.index_cast %parallel_loop3A_144 : i32 to index
      %parallel_loop3A_298 = tpu.vector_load %arg8[%parallel_loop3A_296, %parallel_loop3A_297] {strides = array<i32>} : memref<8x4096xf32, #tpu.memory_space<vmem>>, vector<1x16xf32>,
      %parallel_loop3A_299 = vector.shape_cast %parallel_loop3A_298 : vector<1x16xf32> to vector<16xf32>
      %parallel_loop3A_300 = arith.mulf %parallel_loop3A_299, %get3A_4 : vector<16xf32>
      %parallel_loop3A_301 = arith.addf %parallel_loop3A_300, %get3A_7 : vector<16xf32>
      %parallel_loop3A_302 = arith.constant 5.000000e-01 : f32
      %parallel_loop3A_303 = vector.broadcast %parallel_loop3A_302 : f32 to vector<16xf32>
      %parallel_loop3A_304 = arith.maximumf %parallel_loop3A_301, %parallel_loop3A_303 : vector<16xf32>
      %parallel_loop3A_305 = arith.constant 1.525000e+01 : f32
      %parallel_loop3A_306 = vector.broadcast %parallel_loop3A_305 : f32 to vector<16xf32>
      %parallel_loop3A_307 = arith.minimumf %parallel_loop3A_304, %parallel_loop3A_306 : vector<16xf32>
      %parallel_loop3A_308 = arith.constant 0x4B000000 : f32
      %parallel_loop3A_309 = vector.broadcast %parallel_loop3A_308 : f32 to vector<16xf32>
      %parallel_loop3A_310 = arith.addf %parallel_loop3A_307, %parallel_loop3A_309 : vector<16xf32>
      %parallel_loop3A_311 = arith.constant 0x4B000008 : f32
      %parallel_loop3A_312 = vector.broadcast %parallel_loop3A_311 : f32 to vector<16xf32>
      %parallel_loop3A_313 = arith.subf %parallel_loop3A_310, %parallel_loop3A_312 : vector<16xf32>
      %parallel_loop3A_314 = arith.constant 6 : i32
      %parallel_loop3A_315 = arith.index_cast %parallel_loop3A_314 : i32 to index
      %parallel_loop3A_316 = arith.index_cast %parallel_loop3A_144 : i32 to index
      %parallel_loop3A_317 = tpu.vector_load %arg8[%parallel_loop3A_315, %parallel_loop3A_316] {strides = array<i32>} : memref<8x4096xf32, #tpu.memory_space<vmem>>, vector<1x16xf32>,
      %parallel_loop3A_318 = vector.shape_cast %parallel_loop3A_317 : vector<1x16xf32> to vector<16xf32>
      %parallel_loop3A_319 = vector.shape_cast %parallel_loop3A_313 : vector<16xf32> to vector<1x16xf32>
      tpu.vector_store %arg8[%parallel_loop3A_315, %parallel_loop3A_316], %parallel_loop3A_319 {strides = array<i32>} : memref<8x4096xf32, #tpu.memory_space<vmem>>, vector<1x16xf32>,
      %parallel_loop3A_320 = arith.constant 7 : i32
      %parallel_loop3A_321 = arith.index_cast %parallel_loop3A_320 : i32 to index
      %parallel_loop3A_322 = arith.index_cast %parallel_loop3A_144 : i32 to index
      %parallel_loop3A_323 = tpu.vector_load %arg8[%parallel_loop3A_321, %parallel_loop3A_322] {strides = array<i32>} : memref<8x4096xf32, #tpu.memory_space<vmem>>, vector<1x16xf32>,
      %parallel_loop3A_324 = vector.shape_cast %parallel_loop3A_323 : vector<1x16xf32> to vector<16xf32>
      %parallel_loop3A_325 = arith.mulf %parallel_loop3A_324, %get3A_4 : vector<16xf32>
      %parallel_loop3A_326 = arith.addf %parallel_loop3A_325, %get3A_7 : vector<16xf32>
      %parallel_loop3A_327 = arith.constant 5.000000e-01 : f32
      %parallel_loop3A_328 = vector.broadcast %parallel_loop3A_327 : f32 to vector<16xf32>
      %parallel_loop3A_329 = arith.maximumf %parallel_loop3A_326, %parallel_loop3A_328 : vector<16xf32>
      %parallel_loop3A_330 = arith.constant 1.525000e+01 : f32
      %parallel_loop3A_331 = vector.broadcast %parallel_loop3A_330 : f32 to vector<16xf32>
      %parallel_loop3A_332 = arith.minimumf %parallel_loop3A_329, %parallel_loop3A_331 : vector<16xf32>
      %parallel_loop3A_333 = arith.constant 0x4B000000 : f32
      %parallel_loop3A_334 = vector.broadcast %parallel_loop3A_333 : f32 to vector<16xf32>
      %parallel_loop3A_335 = arith.addf %parallel_loop3A_332, %parallel_loop3A_334 : vector<16xf32>
      %parallel_loop3A_336 = arith.constant 0x4B000008 : f32
      %parallel_loop3A_337 = vector.broadcast %parallel_loop3A_336 : f32 to vector<16xf32>
      %parallel_loop3A_338 = arith.subf %parallel_loop3A_335, %parallel_loop3A_337 : vector<16xf32>
      %parallel_loop3A_339 = arith.constant 7 : i32
      %parallel_loop3A_340 = arith.index_cast %parallel_loop3A_339 : i32 to index
      %parallel_loop3A_341 = arith.index_cast %parallel_loop3A_144 : i32 to index
      %parallel_loop3A_342 = tpu.vector_load %arg8[%parallel_loop3A_340, %parallel_loop3A_341] {strides = array<i32>} : memref<8x4096xf32, #tpu.memory_space<vmem>>, vector<1x16xf32>,
      %parallel_loop3A_343 = vector.shape_cast %parallel_loop3A_342 : vector<1x16xf32> to vector<16xf32>
      %parallel_loop3A_344 = vector.shape_cast %parallel_loop3A_338 : vector<16xf32> to vector<1x16xf32>
      tpu.vector_store %arg8[%parallel_loop3A_340, %parallel_loop3A_341], %parallel_loop3A_344 {strides = array<i32>} : memref<8x4096xf32, #tpu.memory_space<vmem>>, vector<1x16xf32>,
    } {sc.loop_unroll_factor = 1 : i64, sc.parallel_access}
    %add3A_32 = arith.constant 0 : i32
    %add3A_33 = arith.addi %mul3A_2, %add3A_32 : i32
    %dma_start3A_34 = arith.constant 0 : i32
    %dma_start3A_35 = tpu.memref_slice %arg5[%add3A_33, %dma_start3A_34] : memref<4096x8192xf32, #tpu.memory_space<hbm>> -> memref<8x4096xf32, #tpu.memory_space<hbm>>
    %dma_start3A_36 = arith.constant 0 : i32
    %dma_start3A_37 = tpu.memref_slice %arg5[%add3A_33, %dma_start3A_36] : memref<4096x8192xf32, #tpu.memory_space<hbm>> -> memref<8x4096xf32, #tpu.memory_space<hbm>>
    tpu.enqueue_dma source(%arg8 : memref<8x4096xf32, #tpu.memory_space<vmem>>) target(%dma_start3A_37 : memref<8x4096xf32, #tpu.memory_space<hbm>>) target_semaphore(%arg14 : memref<!tpu.dma_semaphore, #tpu.memory_space<semaphore_mem>>)
    %add3A_38 = arith.constant 0 : i32
    %add3A_39 = arith.addi %mul3A_2, %add3A_38 : i32
    %dma_wait3A_40 = arith.constant 0 : i32
    %dma_wait3A_41 = tpu.memref_slice %arg5[%add3A_39, %dma_wait3A_40] : memref<4096x8192xf32, #tpu.memory_space<hbm>> -> memref<8x4096xf32, #tpu.memory_space<hbm>>
    %dma_wait3A_42 = arith.constant 0 : i32
    %dma_wait3A_43 = tpu.memref_slice %arg5[%add3A_39, %dma_wait3A_42] : memref<4096x8192xf32, #tpu.memory_space<hbm>> -> memref<8x4096xf32, #tpu.memory_space<hbm>>
    tpu.wait_dma2 semaphore(%arg14 : memref<!tpu.dma_semaphore, #tpu.memory_space<semaphore_mem>>) src(%arg8 : memref<8x4096xf32, #tpu.memory_space<vmem>>) dst(%dma_wait3A_43 : memref<8x4096xf32, #tpu.memory_space<hbm>>)
    %add3A_44 = arith.constant 8 : i32
    %add3A_45 = arith.addi %mul3A_2, %add3A_44 : i32
    %dma_start3A_46 = arith.constant 4096 : i32
    %dma_start3A_47 = tpu.memref_slice %arg2[%add3A_45, %dma_start3A_46] : memref<4096x8192xf32, #tpu.memory_space<hbm>> -> memref<8x4096xf32, #tpu.memory_space<hbm>>
    %dma_start3A_48 = arith.constant 4096 : i32
    %dma_start3A_49 = tpu.memref_slice %arg2[%add3A_45, %dma_start3A_48] : memref<4096x8192xf32, #tpu.memory_space<hbm>> -> memref<8x4096xf32, #tpu.memory_space<hbm>>
    tpu.enqueue_dma source(%dma_start3A_49 : memref<8x4096xf32, #tpu.memory_space<hbm>>) target(%arg8 : memref<8x4096xf32, #tpu.memory_space<vmem>>) target_semaphore(%arg11 : memref<!tpu.dma_semaphore, #tpu.memory_space<semaphore_mem>>)
    %add3A_50 = arith.constant 0 : i32
    %add3A_51 = arith.addi %mul3A_2, %add3A_50 : i32
    %dma_wait3A_52 = arith.constant 4096 : i32
    %dma_wait3A_53 = tpu.memref_slice %arg2[%add3A_51, %dma_wait3A_52] : memref<4096x8192xf32, #tpu.memory_space<hbm>> -> memref<8x4096xf32, #tpu.memory_space<hbm>>
    %dma_wait3A_54 = arith.constant 4096 : i32
    %dma_wait3A_55 = tpu.memref_slice %arg2[%add3A_51, %dma_wait3A_54] : memref<4096x8192xf32, #tpu.memory_space<hbm>> -> memref<8x4096xf32, #tpu.memory_space<hbm>>
    tpu.wait_dma2 semaphore(%arg12 : memref<!tpu.dma_semaphore, #tpu.memory_space<semaphore_mem>>) src(%dma_wait3A_55 : memref<8x4096xf32, #tpu.memory_space<hbm>>) dst(%arg9 : memref<8x4096xf32, #tpu.memory_space<vmem>>)
    %parallel_loop3A_56 = arith.constant 0 : i32
    %parallel_loop3A_57 = arith.constant 4096 : i32
    %parallel_loop3A_58 = arith.constant 16 : i32
    scf.for %parallel_loop3A_144 = %parallel_loop3A_56 to %parallel_loop3A_57 step %parallel_loop3A_58  : i32 {
      %parallel_loop3A_145 = arith.constant 0 : i32
      %parallel_loop3A_146 = arith.index_cast %parallel_loop3A_145 : i32 to index
      %parallel_loop3A_147 = arith.index_cast %parallel_loop3A_144 : i32 to index
      %parallel_loop3A_148 = tpu.vector_load %arg9[%parallel_loop3A_146, %parallel_loop3A_147] {strides = array<i32>} : memref<8x4096xf32, #tpu.memory_space<vmem>>, vector<1x16xf32>,
      %parallel_loop3A_149 = vector.shape_cast %parallel_loop3A_148 : vector<1x16xf32> to vector<16xf32>
      %parallel_loop3A_150 = arith.mulf %parallel_loop3A_149, %get3A_4 : vector<16xf32>
      %parallel_loop3A_151 = arith.addf %parallel_loop3A_150, %get3A_7 : vector<16xf32>
      %parallel_loop3A_152 = arith.constant 5.000000e-01 : f32
      %parallel_loop3A_153 = vector.broadcast %parallel_loop3A_152 : f32 to vector<16xf32>
      %parallel_loop3A_154 = arith.maximumf %parallel_loop3A_151, %parallel_loop3A_153 : vector<16xf32>
      %parallel_loop3A_155 = arith.constant 1.525000e+01 : f32
      %parallel_loop3A_156 = vector.broadcast %parallel_loop3A_155 : f32 to vector<16xf32>
      %parallel_loop3A_157 = arith.minimumf %parallel_loop3A_154, %parallel_loop3A_156 : vector<16xf32>
      %parallel_loop3A_158 = arith.constant 0x4B000000 : f32
      %parallel_loop3A_159 = vector.broadcast %parallel_loop3A_158 : f32 to vector<16xf32>
      %parallel_loop3A_160 = arith.addf %parallel_loop3A_157, %parallel_loop3A_159 : vector<16xf32>
      %parallel_loop3A_161 = arith.constant 0x4B000008 : f32
      %parallel_loop3A_162 = vector.broadcast %parallel_loop3A_161 : f32 to vector<16xf32>
      %parallel_loop3A_163 = arith.subf %parallel_loop3A_160, %parallel_loop3A_162 : vector<16xf32>
      %parallel_loop3A_164 = arith.constant 0 : i32
      %parallel_loop3A_165 = arith.index_cast %parallel_loop3A_164 : i32 to index
      %parallel_loop3A_166 = arith.index_cast %parallel_loop3A_144 : i32 to index
      %parallel_loop3A_167 = tpu.vector_load %arg9[%parallel_loop3A_165, %parallel_loop3A_166] {strides = array<i32>} : memref<8x4096xf32, #tpu.memory_space<vmem>>, vector<1x16xf32>,
      %parallel_loop3A_168 = vector.shape_cast %parallel_loop3A_167 : vector<1x16xf32> to vector<16xf32>
      %parallel_loop3A_169 = vector.shape_cast %parallel_loop3A_163 : vector<16xf32> to vector<1x16xf32>
      tpu.vector_store %arg9[%parallel_loop3A_165, %parallel_loop3A_166], %parallel_loop3A_169 {strides = array<i32>} : memref<8x4096xf32, #tpu.memory_space<vmem>>, vector<1x16xf32>,
      %parallel_loop3A_170 = arith.constant 1 : i32
      %parallel_loop3A_171 = arith.index_cast %parallel_loop3A_170 : i32 to index
      %parallel_loop3A_172 = arith.index_cast %parallel_loop3A_144 : i32 to index
      %parallel_loop3A_173 = tpu.vector_load %arg9[%parallel_loop3A_171, %parallel_loop3A_172] {strides = array<i32>} : memref<8x4096xf32, #tpu.memory_space<vmem>>, vector<1x16xf32>,
      %parallel_loop3A_174 = vector.shape_cast %parallel_loop3A_173 : vector<1x16xf32> to vector<16xf32>
      %parallel_loop3A_175 = arith.mulf %parallel_loop3A_174, %get3A_4 : vector<16xf32>
      %parallel_loop3A_176 = arith.addf %parallel_loop3A_175, %get3A_7 : vector<16xf32>
      %parallel_loop3A_177 = arith.constant 5.000000e-01 : f32
      %parallel_loop3A_178 = vector.broadcast %parallel_loop3A_177 : f32 to vector<16xf32>
      %parallel_loop3A_179 = arith.maximumf %parallel_loop3A_176, %parallel_loop3A_178 : vector<16xf32>
      %parallel_loop3A_180 = arith.constant 1.525000e+01 : f32
      %parallel_loop3A_181 = vector.broadcast %parallel_loop3A_180 : f32 to vector<16xf32>
      %parallel_loop3A_182 = arith.minimumf %parallel_loop3A_179, %parallel_loop3A_181 : vector<16xf32>
      %parallel_loop3A_183 = arith.constant 0x4B000000 : f32
      %parallel_loop3A_184 = vector.broadcast %parallel_loop3A_183 : f32 to vector<16xf32>
      %parallel_loop3A_185 = arith.addf %parallel_loop3A_182, %parallel_loop3A_184 : vector<16xf32>
      %parallel_loop3A_186 = arith.constant 0x4B000008 : f32
      %parallel_loop3A_187 = vector.broadcast %parallel_loop3A_186 : f32 to vector<16xf32>
      %parallel_loop3A_188 = arith.subf %parallel_loop3A_185, %parallel_loop3A_187 : vector<16xf32>
      %parallel_loop3A_189 = arith.constant 1 : i32
      %parallel_loop3A_190 = arith.index_cast %parallel_loop3A_189 : i32 to index
      %parallel_loop3A_191 = arith.index_cast %parallel_loop3A_144 : i32 to index
      %parallel_loop3A_192 = tpu.vector_load %arg9[%parallel_loop3A_190, %parallel_loop3A_191] {strides = array<i32>} : memref<8x4096xf32, #tpu.memory_space<vmem>>, vector<1x16xf32>,
      %parallel_loop3A_193 = vector.shape_cast %parallel_loop3A_192 : vector<1x16xf32> to vector<16xf32>
      %parallel_loop3A_194 = vector.shape_cast %parallel_loop3A_188 : vector<16xf32> to vector<1x16xf32>
      tpu.vector_store %arg9[%parallel_loop3A_190, %parallel_loop3A_191], %parallel_loop3A_194 {strides = array<i32>} : memref<8x4096xf32, #tpu.memory_space<vmem>>, vector<1x16xf32>,
      %parallel_loop3A_195 = arith.constant 2 : i32
      %parallel_loop3A_196 = arith.index_cast %parallel_loop3A_195 : i32 to index
      %parallel_loop3A_197 = arith.index_cast %parallel_loop3A_144 : i32 to index
      %parallel_loop3A_198 = tpu.vector_load %arg9[%parallel_loop3A_196, %parallel_loop3A_197] {strides = array<i32>} : memref<8x4096xf32, #tpu.memory_space<vmem>>, vector<1x16xf32>,
      %parallel_loop3A_199 = vector.shape_cast %parallel_loop3A_198 : vector<1x16xf32> to vector<16xf32>
      %parallel_loop3A_200 = arith.mulf %parallel_loop3A_199, %get3A_4 : vector<16xf32>
      %parallel_loop3A_201 = arith.addf %parallel_loop3A_200, %get3A_7 : vector<16xf32>
      %parallel_loop3A_202 = arith.constant 5.000000e-01 : f32
      %parallel_loop3A_203 = vector.broadcast %parallel_loop3A_202 : f32 to vector<16xf32>
      %parallel_loop3A_204 = arith.maximumf %parallel_loop3A_201, %parallel_loop3A_203 : vector<16xf32>
      %parallel_loop3A_205 = arith.constant 1.525000e+01 : f32
      %parallel_loop3A_206 = vector.broadcast %parallel_loop3A_205 : f32 to vector<16xf32>
      %parallel_loop3A_207 = arith.minimumf %parallel_loop3A_204, %parallel_loop3A_206 : vector<16xf32>
      %parallel_loop3A_208 = arith.constant 0x4B000000 : f32
      %parallel_loop3A_209 = vector.broadcast %parallel_loop3A_208 : f32 to vector<16xf32>
      %parallel_loop3A_210 = arith.addf %parallel_loop3A_207, %parallel_loop3A_209 : vector<16xf32>
      %parallel_loop3A_211 = arith.constant 0x4B000008 : f32
      %parallel_loop3A_212 = vector.broadcast %parallel_loop3A_211 : f32 to vector<16xf32>
      %parallel_loop3A_213 = arith.subf %parallel_loop3A_210, %parallel_loop3A_212 : vector<16xf32>
      %parallel_loop3A_214 = arith.constant 2 : i32
      %parallel_loop3A_215 = arith.index_cast %parallel_loop3A_214 : i32 to index
      %parallel_loop3A_216 = arith.index_cast %parallel_loop3A_144 : i32 to index
      %parallel_loop3A_217 = tpu.vector_load %arg9[%parallel_loop3A_215, %parallel_loop3A_216] {strides = array<i32>} : memref<8x4096xf32, #tpu.memory_space<vmem>>, vector<1x16xf32>,
      %parallel_loop3A_218 = vector.shape_cast %parallel_loop3A_217 : vector<1x16xf32> to vector<16xf32>
      %parallel_loop3A_219 = vector.shape_cast %parallel_loop3A_213 : vector<16xf32> to vector<1x16xf32>
      tpu.vector_store %arg9[%parallel_loop3A_215, %parallel_loop3A_216], %parallel_loop3A_219 {strides = array<i32>} : memref<8x4096xf32, #tpu.memory_space<vmem>>, vector<1x16xf32>,
      %parallel_loop3A_220 = arith.constant 3 : i32
      %parallel_loop3A_221 = arith.index_cast %parallel_loop3A_220 : i32 to index
      %parallel_loop3A_222 = arith.index_cast %parallel_loop3A_144 : i32 to index
      %parallel_loop3A_223 = tpu.vector_load %arg9[%parallel_loop3A_221, %parallel_loop3A_222] {strides = array<i32>} : memref<8x4096xf32, #tpu.memory_space<vmem>>, vector<1x16xf32>,
      %parallel_loop3A_224 = vector.shape_cast %parallel_loop3A_223 : vector<1x16xf32> to vector<16xf32>
      %parallel_loop3A_225 = arith.mulf %parallel_loop3A_224, %get3A_4 : vector<16xf32>
      %parallel_loop3A_226 = arith.addf %parallel_loop3A_225, %get3A_7 : vector<16xf32>
      %parallel_loop3A_227 = arith.constant 5.000000e-01 : f32
      %parallel_loop3A_228 = vector.broadcast %parallel_loop3A_227 : f32 to vector<16xf32>
      %parallel_loop3A_229 = arith.maximumf %parallel_loop3A_226, %parallel_loop3A_228 : vector<16xf32>
      %parallel_loop3A_230 = arith.constant 1.525000e+01 : f32
      %parallel_loop3A_231 = vector.broadcast %parallel_loop3A_230 : f32 to vector<16xf32>
      %parallel_loop3A_232 = arith.minimumf %parallel_loop3A_229, %parallel_loop3A_231 : vector<16xf32>
      %parallel_loop3A_233 = arith.constant 0x4B000000 : f32
      %parallel_loop3A_234 = vector.broadcast %parallel_loop3A_233 : f32 to vector<16xf32>
      %parallel_loop3A_235 = arith.addf %parallel_loop3A_232, %parallel_loop3A_234 : vector<16xf32>
      %parallel_loop3A_236 = arith.constant 0x4B000008 : f32
      %parallel_loop3A_237 = vector.broadcast %parallel_loop3A_236 : f32 to vector<16xf32>
      %parallel_loop3A_238 = arith.subf %parallel_loop3A_235, %parallel_loop3A_237 : vector<16xf32>
      %parallel_loop3A_239 = arith.constant 3 : i32
      %parallel_loop3A_240 = arith.index_cast %parallel_loop3A_239 : i32 to index
      %parallel_loop3A_241 = arith.index_cast %parallel_loop3A_144 : i32 to index
      %parallel_loop3A_242 = tpu.vector_load %arg9[%parallel_loop3A_240, %parallel_loop3A_241] {strides = array<i32>} : memref<8x4096xf32, #tpu.memory_space<vmem>>, vector<1x16xf32>,
      %parallel_loop3A_243 = vector.shape_cast %parallel_loop3A_242 : vector<1x16xf32> to vector<16xf32>
      %parallel_loop3A_244 = vector.shape_cast %parallel_loop3A_238 : vector<16xf32> to vector<1x16xf32>
      tpu.vector_store %arg9[%parallel_loop3A_240, %parallel_loop3A_241], %parallel_loop3A_244 {strides = array<i32>} : memref<8x4096xf32, #tpu.memory_space<vmem>>, vector<1x16xf32>,
      %parallel_loop3A_245 = arith.constant 4 : i32
      %parallel_loop3A_246 = arith.index_cast %parallel_loop3A_245 : i32 to index
      %parallel_loop3A_247 = arith.index_cast %parallel_loop3A_144 : i32 to index
      %parallel_loop3A_248 = tpu.vector_load %arg9[%parallel_loop3A_246, %parallel_loop3A_247] {strides = array<i32>} : memref<8x4096xf32, #tpu.memory_space<vmem>>, vector<1x16xf32>,
      %parallel_loop3A_249 = vector.shape_cast %parallel_loop3A_248 : vector<1x16xf32> to vector<16xf32>
      %parallel_loop3A_250 = arith.mulf %parallel_loop3A_249, %get3A_4 : vector<16xf32>
      %parallel_loop3A_251 = arith.addf %parallel_loop3A_250, %get3A_7 : vector<16xf32>
      %parallel_loop3A_252 = arith.constant 5.000000e-01 : f32
      %parallel_loop3A_253 = vector.broadcast %parallel_loop3A_252 : f32 to vector<16xf32>
      %parallel_loop3A_254 = arith.maximumf %parallel_loop3A_251, %parallel_loop3A_253 : vector<16xf32>
      %parallel_loop3A_255 = arith.constant 1.525000e+01 : f32
      %parallel_loop3A_256 = vector.broadcast %parallel_loop3A_255 : f32 to vector<16xf32>
      %parallel_loop3A_257 = arith.minimumf %parallel_loop3A_254, %parallel_loop3A_256 : vector<16xf32>
      %parallel_loop3A_258 = arith.constant 0x4B000000 : f32
      %parallel_loop3A_259 = vector.broadcast %parallel_loop3A_258 : f32 to vector<16xf32>
      %parallel_loop3A_260 = arith.addf %parallel_loop3A_257, %parallel_loop3A_259 : vector<16xf32>
      %parallel_loop3A_261 = arith.constant 0x4B000008 : f32
      %parallel_loop3A_262 = vector.broadcast %parallel_loop3A_261 : f32 to vector<16xf32>
      %parallel_loop3A_263 = arith.subf %parallel_loop3A_260, %parallel_loop3A_262 : vector<16xf32>
      %parallel_loop3A_264 = arith.constant 4 : i32
      %parallel_loop3A_265 = arith.index_cast %parallel_loop3A_264 : i32 to index
      %parallel_loop3A_266 = arith.index_cast %parallel_loop3A_144 : i32 to index
      %parallel_loop3A_267 = tpu.vector_load %arg9[%parallel_loop3A_265, %parallel_loop3A_266] {strides = array<i32>} : memref<8x4096xf32, #tpu.memory_space<vmem>>, vector<1x16xf32>,
      %parallel_loop3A_268 = vector.shape_cast %parallel_loop3A_267 : vector<1x16xf32> to vector<16xf32>
      %parallel_loop3A_269 = vector.shape_cast %parallel_loop3A_263 : vector<16xf32> to vector<1x16xf32>
      tpu.vector_store %arg9[%parallel_loop3A_265, %parallel_loop3A_266], %parallel_loop3A_269 {strides = array<i32>} : memref<8x4096xf32, #tpu.memory_space<vmem>>, vector<1x16xf32>,
      %parallel_loop3A_270 = arith.constant 5 : i32
      %parallel_loop3A_271 = arith.index_cast %parallel_loop3A_270 : i32 to index
      %parallel_loop3A_272 = arith.index_cast %parallel_loop3A_144 : i32 to index
      %parallel_loop3A_273 = tpu.vector_load %arg9[%parallel_loop3A_271, %parallel_loop3A_272] {strides = array<i32>} : memref<8x4096xf32, #tpu.memory_space<vmem>>, vector<1x16xf32>,
      %parallel_loop3A_274 = vector.shape_cast %parallel_loop3A_273 : vector<1x16xf32> to vector<16xf32>
      %parallel_loop3A_275 = arith.mulf %parallel_loop3A_274, %get3A_4 : vector<16xf32>
      %parallel_loop3A_276 = arith.addf %parallel_loop3A_275, %get3A_7 : vector<16xf32>
      %parallel_loop3A_277 = arith.constant 5.000000e-01 : f32
      %parallel_loop3A_278 = vector.broadcast %parallel_loop3A_277 : f32 to vector<16xf32>
      %parallel_loop3A_279 = arith.maximumf %parallel_loop3A_276, %parallel_loop3A_278 : vector<16xf32>
      %parallel_loop3A_280 = arith.constant 1.525000e+01 : f32
      %parallel_loop3A_281 = vector.broadcast %parallel_loop3A_280 : f32 to vector<16xf32>
      %parallel_loop3A_282 = arith.minimumf %parallel_loop3A_279, %parallel_loop3A_281 : vector<16xf32>
      %parallel_loop3A_283 = arith.constant 0x4B000000 : f32
      %parallel_loop3A_284 = vector.broadcast %parallel_loop3A_283 : f32 to vector<16xf32>
      %parallel_loop3A_285 = arith.addf %parallel_loop3A_282, %parallel_loop3A_284 : vector<16xf32>
      %parallel_loop3A_286 = arith.constant 0x4B000008 : f32
      %parallel_loop3A_287 = vector.broadcast %parallel_loop3A_286 : f32 to vector<16xf32>
      %parallel_loop3A_288 = arith.subf %parallel_loop3A_285, %parallel_loop3A_287 : vector<16xf32>
      %parallel_loop3A_289 = arith.constant 5 : i32
      %parallel_loop3A_290 = arith.index_cast %parallel_loop3A_289 : i32 to index
      %parallel_loop3A_291 = arith.index_cast %parallel_loop3A_144 : i32 to index
      %parallel_loop3A_292 = tpu.vector_load %arg9[%parallel_loop3A_290, %parallel_loop3A_291] {strides = array<i32>} : memref<8x4096xf32, #tpu.memory_space<vmem>>, vector<1x16xf32>,
      %parallel_loop3A_293 = vector.shape_cast %parallel_loop3A_292 : vector<1x16xf32> to vector<16xf32>
      %parallel_loop3A_294 = vector.shape_cast %parallel_loop3A_288 : vector<16xf32> to vector<1x16xf32>
      tpu.vector_store %arg9[%parallel_loop3A_290, %parallel_loop3A_291], %parallel_loop3A_294 {strides = array<i32>} : memref<8x4096xf32, #tpu.memory_space<vmem>>, vector<1x16xf32>,
      %parallel_loop3A_295 = arith.constant 6 : i32
      %parallel_loop3A_296 = arith.index_cast %parallel_loop3A_295 : i32 to index
      %parallel_loop3A_297 = arith.index_cast %parallel_loop3A_144 : i32 to index
      %parallel_loop3A_298 = tpu.vector_load %arg9[%parallel_loop3A_296, %parallel_loop3A_297] {strides = array<i32>} : memref<8x4096xf32, #tpu.memory_space<vmem>>, vector<1x16xf32>,
      %parallel_loop3A_299 = vector.shape_cast %parallel_loop3A_298 : vector<1x16xf32> to vector<16xf32>
      %parallel_loop3A_300 = arith.mulf %parallel_loop3A_299, %get3A_4 : vector<16xf32>
      %parallel_loop3A_301 = arith.addf %parallel_loop3A_300, %get3A_7 : vector<16xf32>
      %parallel_loop3A_302 = arith.constant 5.000000e-01 : f32
      %parallel_loop3A_303 = vector.broadcast %parallel_loop3A_302 : f32 to vector<16xf32>
      %parallel_loop3A_304 = arith.maximumf %parallel_loop3A_301, %parallel_loop3A_303 : vector<16xf32>
      %parallel_loop3A_305 = arith.constant 1.525000e+01 : f32
      %parallel_loop3A_306 = vector.broadcast %parallel_loop3A_305 : f32 to vector<16xf32>
      %parallel_loop3A_307 = arith.minimumf %parallel_loop3A_304, %parallel_loop3A_306 : vector<16xf32>
      %parallel_loop3A_308 = arith.constant 0x4B000000 : f32
      %parallel_loop3A_309 = vector.broadcast %parallel_loop3A_308 : f32 to vector<16xf32>
      %parallel_loop3A_310 = arith.addf %parallel_loop3A_307, %parallel_loop3A_309 : vector<16xf32>
      %parallel_loop3A_311 = arith.constant 0x4B000008 : f32
      %parallel_loop3A_312 = vector.broadcast %parallel_loop3A_311 : f32 to vector<16xf32>
      %parallel_loop3A_313 = arith.subf %parallel_loop3A_310, %parallel_loop3A_312 : vector<16xf32>
      %parallel_loop3A_314 = arith.constant 6 : i32
      %parallel_loop3A_315 = arith.index_cast %parallel_loop3A_314 : i32 to index
      %parallel_loop3A_316 = arith.index_cast %parallel_loop3A_144 : i32 to index
      %parallel_loop3A_317 = tpu.vector_load %arg9[%parallel_loop3A_315, %parallel_loop3A_316] {strides = array<i32>} : memref<8x4096xf32, #tpu.memory_space<vmem>>, vector<1x16xf32>,
      %parallel_loop3A_318 = vector.shape_cast %parallel_loop3A_317 : vector<1x16xf32> to vector<16xf32>
      %parallel_loop3A_319 = vector.shape_cast %parallel_loop3A_313 : vector<16xf32> to vector<1x16xf32>
      tpu.vector_store %arg9[%parallel_loop3A_315, %parallel_loop3A_316], %parallel_loop3A_319 {strides = array<i32>} : memref<8x4096xf32, #tpu.memory_space<vmem>>, vector<1x16xf32>,
      %parallel_loop3A_320 = arith.constant 7 : i32
      %parallel_loop3A_321 = arith.index_cast %parallel_loop3A_320 : i32 to index
      %parallel_loop3A_322 = arith.index_cast %parallel_loop3A_144 : i32 to index
      %parallel_loop3A_323 = tpu.vector_load %arg9[%parallel_loop3A_321, %parallel_loop3A_322] {strides = array<i32>} : memref<8x4096xf32, #tpu.memory_space<vmem>>, vector<1x16xf32>,
      %parallel_loop3A_324 = vector.shape_cast %parallel_loop3A_323 : vector<1x16xf32> to vector<16xf32>
      %parallel_loop3A_325 = arith.mulf %parallel_loop3A_324, %get3A_4 : vector<16xf32>
      %parallel_loop3A_326 = arith.addf %parallel_loop3A_325, %get3A_7 : vector<16xf32>
      %parallel_loop3A_327 = arith.constant 5.000000e-01 : f32
      %parallel_loop3A_328 = vector.broadcast %parallel_loop3A_327 : f32 to vector<16xf32>
      %parallel_loop3A_329 = arith.maximumf %parallel_loop3A_326, %parallel_loop3A_328 : vector<16xf32>
      %parallel_loop3A_330 = arith.constant 1.525000e+01 : f32
      %parallel_loop3A_331 = vector.broadcast %parallel_loop3A_330 : f32 to vector<16xf32>
      %parallel_loop3A_332 = arith.minimumf %parallel_loop3A_329, %parallel_loop3A_331 : vector<16xf32>
      %parallel_loop3A_333 = arith.constant 0x4B000000 : f32
      %parallel_loop3A_334 = vector.broadcast %parallel_loop3A_333 : f32 to vector<16xf32>
      %parallel_loop3A_335 = arith.addf %parallel_loop3A_332, %parallel_loop3A_334 : vector<16xf32>
      %parallel_loop3A_336 = arith.constant 0x4B000008 : f32
      %parallel_loop3A_337 = vector.broadcast %parallel_loop3A_336 : f32 to vector<16xf32>
      %parallel_loop3A_338 = arith.subf %parallel_loop3A_335, %parallel_loop3A_337 : vector<16xf32>
      %parallel_loop3A_339 = arith.constant 7 : i32
      %parallel_loop3A_340 = arith.index_cast %parallel_loop3A_339 : i32 to index
      %parallel_loop3A_341 = arith.index_cast %parallel_loop3A_144 : i32 to index
      %parallel_loop3A_342 = tpu.vector_load %arg9[%parallel_loop3A_340, %parallel_loop3A_341] {strides = array<i32>} : memref<8x4096xf32, #tpu.memory_space<vmem>>, vector<1x16xf32>,
      %parallel_loop3A_343 = vector.shape_cast %parallel_loop3A_342 : vector<1x16xf32> to vector<16xf32>
      %parallel_loop3A_344 = vector.shape_cast %parallel_loop3A_338 : vector<16xf32> to vector<1x16xf32>
      tpu.vector_store %arg9[%parallel_loop3A_340, %parallel_loop3A_341], %parallel_loop3A_344 {strides = array<i32>} : memref<8x4096xf32, #tpu.memory_space<vmem>>, vector<1x16xf32>,
    } {sc.loop_unroll_factor = 1 : i64, sc.parallel_access}
    %add3A_59 = arith.constant 0 : i32
    %add3A_60 = arith.addi %mul3A_2, %add3A_59 : i32
    %dma_start3A_61 = arith.constant 4096 : i32
    %dma_start3A_62 = tpu.memref_slice %arg5[%add3A_60, %dma_start3A_61] : memref<4096x8192xf32, #tpu.memory_space<hbm>> -> memref<8x4096xf32, #tpu.memory_space<hbm>>
    %dma_start3A_63 = arith.constant 4096 : i32
    %dma_start3A_64 = tpu.memref_slice %arg5[%add3A_60, %dma_start3A_63] : memref<4096x8192xf32, #tpu.memory_space<hbm>> -> memref<8x4096xf32, #tpu.memory_space<hbm>>
    tpu.enqueue_dma source(%arg9 : memref<8x4096xf32, #tpu.memory_space<vmem>>) target(%dma_start3A_64 : memref<8x4096xf32, #tpu.memory_space<hbm>>) target_semaphore(%arg15 : memref<!tpu.dma_semaphore, #tpu.memory_space<semaphore_mem>>)
    %scan3A = arith.constant 0 : i32
    %scan3A_65 = arith.constant 9 : i32
    %scan3A_66 = arith.addi %scan3A, %scan3A_65 : i32
    %scan3A_67 = arith.constant 1 : i32
    scf.for %scan3A_144 = %scan3A to %scan3A_66 step %scan3A_67  : i32 {
      %mul3A_145 = arith.constant 1 : i32
      %mul3A_146 = arith.muli %scan3A_144, %mul3A_145 : i32
      %add3A_147 = arith.constant 0 : i32
      %add3A_148 = arith.addi %add3A_147, %mul3A_146 : i32
      %mul3A_149 = arith.constant 3 : i32
      %mul3A_150 = arith.muli %mul3A_149, %add3A_148 : i32
      %add3A_151 = arith.constant 2 : i32
      %add3A_152 = arith.addi %add3A_151, %mul3A_150 : i32
      %add3A_153 = arith.constant 0 : i32
      %add3A_154 = arith.addi %add3A_152, %add3A_153 : i32
      %sub3A = arith.constant 1 : i32
      %sub3A_155 = arith.subi %add3A_154, %sub3A : i32
      %jit3A = arith.constant 2 : i32
      %div3A = arith.divsi %sub3A_155, %jit3A : i32
      %sign3A = arith.constant 0 : i32
      %sign3A_156 = arith.cmpi sgt, %sub3A_155, %sign3A : i32
      %sign3A_157 = arith.extui %sign3A_156 : i1 to i32
      %sign3A_158 = arith.constant 0 : i32
      %sign3A_159 = arith.cmpi slt, %sub3A_155, %sign3A_158 : i32
      %sign3A_160 = arith.extui %sign3A_159 : i1 to i32
      %sign3A_161 = arith.subi %sign3A_157, %sign3A_160 : i32
      %sign3A_162 = arith.constant 0 : i32
      %sign3A_163 = arith.cmpi sgt, %jit3A, %sign3A_162 : i32
      %sign3A_164 = arith.extui %sign3A_163 : i1 to i32
      %sign3A_165 = arith.constant 0 : i32
      %sign3A_166 = arith.cmpi slt, %jit3A, %sign3A_165 : i32
      %sign3A_167 = arith.extui %sign3A_166 : i1 to i32
      %sign3A_168 = arith.subi %sign3A_164, %sign3A_167 : i32
      %ne3A = arith.cmpi ne, %sign3A_161, %sign3A_168 : i32
      %rem3A = arith.remsi %sub3A_155, %jit3A : i32
      %ne3A_169 = arith.constant 0 : i32
      %ne3A_170 = arith.cmpi ne, %rem3A, %ne3A_169 : i32
      %and3A = arith.andi %ne3A, %ne3A_170 : i1
      %sub3A_171 = arith.constant 1 : i32
      %sub3A_172 = arith.subi %div3A, %sub3A_171 : i32
      %select_n3A = arith.select %and3A, %sub3A_172, %div3A : i32
      %mul3A_173 = arith.constant 8 : i32
      %mul3A_174 = arith.muli %select_n3A, %mul3A_173 : i32
      %add3A_175 = arith.addi %mul3A_2, %mul3A_174 : i32
      %jit3A_176 = arith.constant 2 : i32
      %eq3A = arith.constant 0 : i32
      %eq3A_177 = arith.cmpi eq, %jit3A_176, %eq3A : i32
      %jit3A_178 = arith.constant 1 : i32
      %select_n3A_179 = arith.select %eq3A_177, %jit3A_178, %jit3A_176 : i32
      %rem3A_180 = arith.remsi %sub3A_155, %select_n3A_179 : i32
      %ne3A_181 = arith.constant 0 : i32
      %ne3A_182 = arith.cmpi ne, %rem3A_180, %ne3A_181 : i32
      %lt3A = arith.constant 0 : i32
      %lt3A_183 = arith.cmpi slt, %rem3A_180, %lt3A : i32
      %lt3A_184 = arith.constant 0 : i32
      %lt3A_185 = arith.cmpi slt, %select_n3A_179, %lt3A_184 : i32
      %ne3A_186 = arith.xori %lt3A_183, %lt3A_185 : i1
      %and3A_187 = arith.andi %ne3A_186, %ne3A_182 : i1
      %add3A_188 = arith.addi %rem3A_180, %select_n3A_179 : i32
      %select_n3A_189 = arith.select %and3A_187, %add3A_188, %rem3A_180 : i32
      %mul3A_190 = arith.constant 4096 : i32
      %mul3A_191 = arith.muli %select_n3A_189, %mul3A_190 : i32
      %dma_wait3A_192 = tpu.memref_slice %arg5[%add3A_175, %mul3A_191] : memref<4096x8192xf32, #tpu.memory_space<hbm>> -> memref<8x4096xf32, #tpu.memory_space<hbm>>
      %dma_wait3A_193 = tpu.memref_slice %arg5[%add3A_175, %mul3A_191] : memref<4096x8192xf32, #tpu.memory_space<hbm>> -> memref<8x4096xf32, #tpu.memory_space<hbm>>
      tpu.wait_dma2 semaphore(%arg15 : memref<!tpu.dma_semaphore, #tpu.memory_space<semaphore_mem>>) src(%arg9 : memref<8x4096xf32, #tpu.memory_space<vmem>>) dst(%dma_wait3A_193 : memref<8x4096xf32, #tpu.memory_space<hbm>>)
      %add3A_194 = arith.constant 2 : i32
      %add3A_195 = arith.addi %add3A_154, %add3A_194 : i32
      %jit3A_196 = arith.constant 2 : i32
      %div3A_197 = arith.divsi %add3A_195, %jit3A_196 : i32
      %sign3A_198 = arith.constant 0 : i32
      %sign3A_199 = arith.cmpi sgt, %add3A_195, %sign3A_198 : i32
      %sign3A_200 = arith.extui %sign3A_199 : i1 to i32
      %sign3A_201 = arith.constant 0 : i32
      %sign3A_202 = arith.cmpi slt, %add3A_195, %sign3A_201 : i32
      %sign3A_203 = arith.extui %sign3A_202 : i1 to i32
      %sign3A_204 = arith.subi %sign3A_200, %sign3A_203 : i32
      %sign3A_205 = arith.constant 0 : i32
      %sign3A_206 = arith.cmpi sgt, %jit3A_196, %sign3A_205 : i32
      %sign3A_207 = arith.extui %sign3A_206 : i1 to i32
      %sign3A_208 = arith.constant 0 : i32
      %sign3A_209 = arith.cmpi slt, %jit3A_196, %sign3A_208 : i32
      %sign3A_210 = arith.extui %sign3A_209 : i1 to i32
      %sign3A_211 = arith.subi %sign3A_207, %sign3A_210 : i32
      %ne3A_212 = arith.cmpi ne, %sign3A_204, %sign3A_211 : i32
      %rem3A_213 = arith.remsi %add3A_195, %jit3A_196 : i32
      %ne3A_214 = arith.constant 0 : i32
      %ne3A_215 = arith.cmpi ne, %rem3A_213, %ne3A_214 : i32
      %and3A_216 = arith.andi %ne3A_212, %ne3A_215 : i1
      %sub3A_217 = arith.constant 1 : i32
      %sub3A_218 = arith.subi %div3A_197, %sub3A_217 : i32
      %select_n3A_219 = arith.select %and3A_216, %sub3A_218, %div3A_197 : i32
      %mul3A_220 = arith.constant 8 : i32
      %mul3A_221 = arith.muli %select_n3A_219, %mul3A_220 : i32
      %add3A_222 = arith.addi %mul3A_2, %mul3A_221 : i32
      %jit3A_223 = arith.constant 2 : i32
      %eq3A_224 = arith.constant 0 : i32
      %eq3A_225 = arith.cmpi eq, %jit3A_223, %eq3A_224 : i32
      %jit3A_226 = arith.constant 1 : i32
      %select_n3A_227 = arith.select %eq3A_225, %jit3A_226, %jit3A_223 : i32
      %rem3A_228 = arith.remsi %add3A_195, %select_n3A_227 : i32
      %ne3A_229 = arith.constant 0 : i32
      %ne3A_230 = arith.cmpi ne, %rem3A_228, %ne3A_229 : i32
      %lt3A_231 = arith.constant 0 : i32
      %lt3A_232 = arith.cmpi slt, %rem3A_228, %lt3A_231 : i32
      %lt3A_233 = arith.constant 0 : i32
      %lt3A_234 = arith.cmpi slt, %select_n3A_227, %lt3A_233 : i32
      %ne3A_235 = arith.xori %lt3A_232, %lt3A_234 : i1
      %and3A_236 = arith.andi %ne3A_235, %ne3A_230 : i1
      %add3A_237 = arith.addi %rem3A_228, %select_n3A_227 : i32
      %select_n3A_238 = arith.select %and3A_236, %add3A_237, %rem3A_228 : i32
      %mul3A_239 = arith.constant 4096 : i32
      %mul3A_240 = arith.muli %select_n3A_238, %mul3A_239 : i32
      %dma_start3A_241 = tpu.memref_slice %arg2[%add3A_222, %mul3A_240] : memref<4096x8192xf32, #tpu.memory_space<hbm>> -> memref<8x4096xf32, #tpu.memory_space<hbm>>
      %dma_start3A_242 = tpu.memref_slice %arg2[%add3A_222, %mul3A_240] : memref<4096x8192xf32, #tpu.memory_space<hbm>> -> memref<8x4096xf32, #tpu.memory_space<hbm>>
      tpu.enqueue_dma source(%dma_start3A_242 : memref<8x4096xf32, #tpu.memory_space<hbm>>) target(%arg9 : memref<8x4096xf32, #tpu.memory_space<vmem>>) target_semaphore(%arg12 : memref<!tpu.dma_semaphore, #tpu.memory_space<semaphore_mem>>)
      %jit3A_243 = arith.constant 2 : i32
      %div3A_244 = arith.divsi %add3A_154, %jit3A_243 : i32
      %sign3A_245 = arith.constant 0 : i32
      %sign3A_246 = arith.cmpi sgt, %add3A_154, %sign3A_245 : i32
      %sign3A_247 = arith.extui %sign3A_246 : i1 to i32
      %sign3A_248 = arith.constant 0 : i32
      %sign3A_249 = arith.cmpi slt, %add3A_154, %sign3A_248 : i32
      %sign3A_250 = arith.extui %sign3A_249 : i1 to i32
      %sign3A_251 = arith.subi %sign3A_247, %sign3A_250 : i32
      %sign3A_252 = arith.constant 0 : i32
      %sign3A_253 = arith.cmpi sgt, %jit3A_243, %sign3A_252 : i32
      %sign3A_254 = arith.extui %sign3A_253 : i1 to i32
      %sign3A_255 = arith.constant 0 : i32
      %sign3A_256 = arith.cmpi slt, %jit3A_243, %sign3A_255 : i32
      %sign3A_257 = arith.extui %sign3A_256 : i1 to i32
      %sign3A_258 = arith.subi %sign3A_254, %sign3A_257 : i32
      %ne3A_259 = arith.cmpi ne, %sign3A_251, %sign3A_258 : i32
      %rem3A_260 = arith.remsi %add3A_154, %jit3A_243 : i32
      %ne3A_261 = arith.constant 0 : i32
      %ne3A_262 = arith.cmpi ne, %rem3A_260, %ne3A_261 : i32
      %and3A_263 = arith.andi %ne3A_259, %ne3A_262 : i1
      %sub3A_264 = arith.constant 1 : i32
      %sub3A_265 = arith.subi %div3A_244, %sub3A_264 : i32
      %select_n3A_266 = arith.select %and3A_263, %sub3A_265, %div3A_244 : i32
      %mul3A_267 = arith.constant 8 : i32
      %mul3A_268 = arith.muli %select_n3A_266, %mul3A_267 : i32
      %add3A_269 = arith.addi %mul3A_2, %mul3A_268 : i32
      %jit3A_270 = arith.constant 2 : i32
      %eq3A_271 = arith.constant 0 : i32
      %eq3A_272 = arith.cmpi eq, %jit3A_270, %eq3A_271 : i32
      %jit3A_273 = arith.constant 1 : i32
      %select_n3A_274 = arith.select %eq3A_272, %jit3A_273, %jit3A_270 : i32
      %rem3A_275 = arith.remsi %add3A_154, %select_n3A_274 : i32
      %ne3A_276 = arith.constant 0 : i32
      %ne3A_277 = arith.cmpi ne, %rem3A_275, %ne3A_276 : i32
      %lt3A_278 = arith.constant 0 : i32
      %lt3A_279 = arith.cmpi slt, %rem3A_275, %lt3A_278 : i32
      %lt3A_280 = arith.constant 0 : i32
      %lt3A_281 = arith.cmpi slt, %select_n3A_274, %lt3A_280 : i32
      %ne3A_282 = arith.xori %lt3A_279, %lt3A_281 : i1
      %and3A_283 = arith.andi %ne3A_282, %ne3A_277 : i1
      %add3A_284 = arith.addi %rem3A_275, %select_n3A_274 : i32
      %select_n3A_285 = arith.select %and3A_283, %add3A_284, %rem3A_275 : i32
      %mul3A_286 = arith.constant 4096 : i32
      %mul3A_287 = arith.muli %select_n3A_285, %mul3A_286 : i32
      %dma_wait3A_288 = tpu.memref_slice %arg2[%add3A_269, %mul3A_287] : memref<4096x8192xf32, #tpu.memory_space<hbm>> -> memref<8x4096xf32, #tpu.memory_space<hbm>>
      %dma_wait3A_289 = tpu.memref_slice %arg2[%add3A_269, %mul3A_287] : memref<4096x8192xf32, #tpu.memory_space<hbm>> -> memref<8x4096xf32, #tpu.memory_space<hbm>>
      tpu.wait_dma2 semaphore(%arg13 : memref<!tpu.dma_semaphore, #tpu.memory_space<semaphore_mem>>) src(%dma_wait3A_289 : memref<8x4096xf32, #tpu.memory_space<hbm>>) dst(%arg10 : memref<8x4096xf32, #tpu.memory_space<vmem>>)
      %parallel_loop3A_290 = arith.constant 0 : i32
      %parallel_loop3A_291 = arith.constant 4096 : i32
      %parallel_loop3A_292 = arith.constant 16 : i32
      scf.for %parallel_loop3A_734 = %parallel_loop3A_290 to %parallel_loop3A_291 step %parallel_loop3A_292  : i32 {
        %parallel_loop3A_735 = arith.constant 0 : i32
        %parallel_loop3A_736 = arith.index_cast %parallel_loop3A_735 : i32 to index
        %parallel_loop3A_737 = arith.index_cast %parallel_loop3A_734 : i32 to index
        %parallel_loop3A_738 = tpu.vector_load %arg10[%parallel_loop3A_736, %parallel_loop3A_737] {strides = array<i32>} : memref<8x4096xf32, #tpu.memory_space<vmem>>, vector<1x16xf32>,
        %parallel_loop3A_739 = vector.shape_cast %parallel_loop3A_738 : vector<1x16xf32> to vector<16xf32>
        %parallel_loop3A_740 = arith.mulf %parallel_loop3A_739, %get3A_4 : vector<16xf32>
        %parallel_loop3A_741 = arith.addf %parallel_loop3A_740, %get3A_7 : vector<16xf32>
        %parallel_loop3A_742 = arith.constant 5.000000e-01 : f32
        %parallel_loop3A_743 = vector.broadcast %parallel_loop3A_742 : f32 to vector<16xf32>
        %parallel_loop3A_744 = arith.maximumf %parallel_loop3A_741, %parallel_loop3A_743 : vector<16xf32>
        %parallel_loop3A_745 = arith.constant 1.525000e+01 : f32
        %parallel_loop3A_746 = vector.broadcast %parallel_loop3A_745 : f32 to vector<16xf32>
        %parallel_loop3A_747 = arith.minimumf %parallel_loop3A_744, %parallel_loop3A_746 : vector<16xf32>
        %parallel_loop3A_748 = arith.constant 0x4B000000 : f32
        %parallel_loop3A_749 = vector.broadcast %parallel_loop3A_748 : f32 to vector<16xf32>
        %parallel_loop3A_750 = arith.addf %parallel_loop3A_747, %parallel_loop3A_749 : vector<16xf32>
        %parallel_loop3A_751 = arith.constant 0x4B000008 : f32
        %parallel_loop3A_752 = vector.broadcast %parallel_loop3A_751 : f32 to vector<16xf32>
        %parallel_loop3A_753 = arith.subf %parallel_loop3A_750, %parallel_loop3A_752 : vector<16xf32>
        %parallel_loop3A_754 = arith.constant 0 : i32
        %parallel_loop3A_755 = arith.index_cast %parallel_loop3A_754 : i32 to index
        %parallel_loop3A_756 = arith.index_cast %parallel_loop3A_734 : i32 to index
        %parallel_loop3A_757 = tpu.vector_load %arg10[%parallel_loop3A_755, %parallel_loop3A_756] {strides = array<i32>} : memref<8x4096xf32, #tpu.memory_space<vmem>>, vector<1x16xf32>,
        %parallel_loop3A_758 = vector.shape_cast %parallel_loop3A_757 : vector<1x16xf32> to vector<16xf32>
        %parallel_loop3A_759 = vector.shape_cast %parallel_loop3A_753 : vector<16xf32> to vector<1x16xf32>
        tpu.vector_store %arg10[%parallel_loop3A_755, %parallel_loop3A_756], %parallel_loop3A_759 {strides = array<i32>} : memref<8x4096xf32, #tpu.memory_space<vmem>>, vector<1x16xf32>,
        %parallel_loop3A_760 = arith.constant 1 : i32
        %parallel_loop3A_761 = arith.index_cast %parallel_loop3A_760 : i32 to index
        %parallel_loop3A_762 = arith.index_cast %parallel_loop3A_734 : i32 to index
        %parallel_loop3A_763 = tpu.vector_load %arg10[%parallel_loop3A_761, %parallel_loop3A_762] {strides = array<i32>} : memref<8x4096xf32, #tpu.memory_space<vmem>>, vector<1x16xf32>,
        %parallel_loop3A_764 = vector.shape_cast %parallel_loop3A_763 : vector<1x16xf32> to vector<16xf32>
        %parallel_loop3A_765 = arith.mulf %parallel_loop3A_764, %get3A_4 : vector<16xf32>
        %parallel_loop3A_766 = arith.addf %parallel_loop3A_765, %get3A_7 : vector<16xf32>
        %parallel_loop3A_767 = arith.constant 5.000000e-01 : f32
        %parallel_loop3A_768 = vector.broadcast %parallel_loop3A_767 : f32 to vector<16xf32>
        %parallel_loop3A_769 = arith.maximumf %parallel_loop3A_766, %parallel_loop3A_768 : vector<16xf32>
        %parallel_loop3A_770 = arith.constant 1.525000e+01 : f32
        %parallel_loop3A_771 = vector.broadcast %parallel_loop3A_770 : f32 to vector<16xf32>
        %parallel_loop3A_772 = arith.minimumf %parallel_loop3A_769, %parallel_loop3A_771 : vector<16xf32>
        %parallel_loop3A_773 = arith.constant 0x4B000000 : f32
        %parallel_loop3A_774 = vector.broadcast %parallel_loop3A_773 : f32 to vector<16xf32>
        %parallel_loop3A_775 = arith.addf %parallel_loop3A_772, %parallel_loop3A_774 : vector<16xf32>
        %parallel_loop3A_776 = arith.constant 0x4B000008 : f32
        %parallel_loop3A_777 = vector.broadcast %parallel_loop3A_776 : f32 to vector<16xf32>
        %parallel_loop3A_778 = arith.subf %parallel_loop3A_775, %parallel_loop3A_777 : vector<16xf32>
        %parallel_loop3A_779 = arith.constant 1 : i32
        %parallel_loop3A_780 = arith.index_cast %parallel_loop3A_779 : i32 to index
        %parallel_loop3A_781 = arith.index_cast %parallel_loop3A_734 : i32 to index
        %parallel_loop3A_782 = tpu.vector_load %arg10[%parallel_loop3A_780, %parallel_loop3A_781] {strides = array<i32>} : memref<8x4096xf32, #tpu.memory_space<vmem>>, vector<1x16xf32>,
        %parallel_loop3A_783 = vector.shape_cast %parallel_loop3A_782 : vector<1x16xf32> to vector<16xf32>
        %parallel_loop3A_784 = vector.shape_cast %parallel_loop3A_778 : vector<16xf32> to vector<1x16xf32>
        tpu.vector_store %arg10[%parallel_loop3A_780, %parallel_loop3A_781], %parallel_loop3A_784 {strides = array<i32>} : memref<8x4096xf32, #tpu.memory_space<vmem>>, vector<1x16xf32>,
        %parallel_loop3A_785 = arith.constant 2 : i32
        %parallel_loop3A_786 = arith.index_cast %parallel_loop3A_785 : i32 to index
        %parallel_loop3A_787 = arith.index_cast %parallel_loop3A_734 : i32 to index
        %parallel_loop3A_788 = tpu.vector_load %arg10[%parallel_loop3A_786, %parallel_loop3A_787] {strides = array<i32>} : memref<8x4096xf32, #tpu.memory_space<vmem>>, vector<1x16xf32>,
        %parallel_loop3A_789 = vector.shape_cast %parallel_loop3A_788 : vector<1x16xf32> to vector<16xf32>
        %parallel_loop3A_790 = arith.mulf %parallel_loop3A_789, %get3A_4 : vector<16xf32>
        %parallel_loop3A_791 = arith.addf %parallel_loop3A_790, %get3A_7 : vector<16xf32>
        %parallel_loop3A_792 = arith.constant 5.000000e-01 : f32
        %parallel_loop3A_793 = vector.broadcast %parallel_loop3A_792 : f32 to vector<16xf32>
        %parallel_loop3A_794 = arith.maximumf %parallel_loop3A_791, %parallel_loop3A_793 : vector<16xf32>
        %parallel_loop3A_795 = arith.constant 1.525000e+01 : f32
        %parallel_loop3A_796 = vector.broadcast %parallel_loop3A_795 : f32 to vector<16xf32>
        %parallel_loop3A_797 = arith.minimumf %parallel_loop3A_794, %parallel_loop3A_796 : vector<16xf32>
        %parallel_loop3A_798 = arith.constant 0x4B000000 : f32
        %parallel_loop3A_799 = vector.broadcast %parallel_loop3A_798 : f32 to vector<16xf32>
        %parallel_loop3A_800 = arith.addf %parallel_loop3A_797, %parallel_loop3A_799 : vector<16xf32>
        %parallel_loop3A_801 = arith.constant 0x4B000008 : f32
        %parallel_loop3A_802 = vector.broadcast %parallel_loop3A_801 : f32 to vector<16xf32>
        %parallel_loop3A_803 = arith.subf %parallel_loop3A_800, %parallel_loop3A_802 : vector<16xf32>
        %parallel_loop3A_804 = arith.constant 2 : i32
        %parallel_loop3A_805 = arith.index_cast %parallel_loop3A_804 : i32 to index
        %parallel_loop3A_806 = arith.index_cast %parallel_loop3A_734 : i32 to index
        %parallel_loop3A_807 = tpu.vector_load %arg10[%parallel_loop3A_805, %parallel_loop3A_806] {strides = array<i32>} : memref<8x4096xf32, #tpu.memory_space<vmem>>, vector<1x16xf32>,
        %parallel_loop3A_808 = vector.shape_cast %parallel_loop3A_807 : vector<1x16xf32> to vector<16xf32>
        %parallel_loop3A_809 = vector.shape_cast %parallel_loop3A_803 : vector<16xf32> to vector<1x16xf32>
        tpu.vector_store %arg10[%parallel_loop3A_805, %parallel_loop3A_806], %parallel_loop3A_809 {strides = array<i32>} : memref<8x4096xf32, #tpu.memory_space<vmem>>, vector<1x16xf32>,
        %parallel_loop3A_810 = arith.constant 3 : i32
        %parallel_loop3A_811 = arith.index_cast %parallel_loop3A_810 : i32 to index
        %parallel_loop3A_812 = arith.index_cast %parallel_loop3A_734 : i32 to index
        %parallel_loop3A_813 = tpu.vector_load %arg10[%parallel_loop3A_811, %parallel_loop3A_812] {strides = array<i32>} : memref<8x4096xf32, #tpu.memory_space<vmem>>, vector<1x16xf32>,
        %parallel_loop3A_814 = vector.shape_cast %parallel_loop3A_813 : vector<1x16xf32> to vector<16xf32>
        %parallel_loop3A_815 = arith.mulf %parallel_loop3A_814, %get3A_4 : vector<16xf32>
        %parallel_loop3A_816 = arith.addf %parallel_loop3A_815, %get3A_7 : vector<16xf32>
        %parallel_loop3A_817 = arith.constant 5.000000e-01 : f32
        %parallel_loop3A_818 = vector.broadcast %parallel_loop3A_817 : f32 to vector<16xf32>
        %parallel_loop3A_819 = arith.maximumf %parallel_loop3A_816, %parallel_loop3A_818 : vector<16xf32>
        %parallel_loop3A_820 = arith.constant 1.525000e+01 : f32
        %parallel_loop3A_821 = vector.broadcast %parallel_loop3A_820 : f32 to vector<16xf32>
        %parallel_loop3A_822 = arith.minimumf %parallel_loop3A_819, %parallel_loop3A_821 : vector<16xf32>
        %parallel_loop3A_823 = arith.constant 0x4B000000 : f32
        %parallel_loop3A_824 = vector.broadcast %parallel_loop3A_823 : f32 to vector<16xf32>
        %parallel_loop3A_825 = arith.addf %parallel_loop3A_822, %parallel_loop3A_824 : vector<16xf32>
        %parallel_loop3A_826 = arith.constant 0x4B000008 : f32
        %parallel_loop3A_827 = vector.broadcast %parallel_loop3A_826 : f32 to vector<16xf32>
        %parallel_loop3A_828 = arith.subf %parallel_loop3A_825, %parallel_loop3A_827 : vector<16xf32>
        %parallel_loop3A_829 = arith.constant 3 : i32
        %parallel_loop3A_830 = arith.index_cast %parallel_loop3A_829 : i32 to index
        %parallel_loop3A_831 = arith.index_cast %parallel_loop3A_734 : i32 to index
        %parallel_loop3A_832 = tpu.vector_load %arg10[%parallel_loop3A_830, %parallel_loop3A_831] {strides = array<i32>} : memref<8x4096xf32, #tpu.memory_space<vmem>>, vector<1x16xf32>,
        %parallel_loop3A_833 = vector.shape_cast %parallel_loop3A_832 : vector<1x16xf32> to vector<16xf32>
        %parallel_loop3A_834 = vector.shape_cast %parallel_loop3A_828 : vector<16xf32> to vector<1x16xf32>
        tpu.vector_store %arg10[%parallel_loop3A_830, %parallel_loop3A_831], %parallel_loop3A_834 {strides = array<i32>} : memref<8x4096xf32, #tpu.memory_space<vmem>>, vector<1x16xf32>,
        %parallel_loop3A_835 = arith.constant 4 : i32
        %parallel_loop3A_836 = arith.index_cast %parallel_loop3A_835 : i32 to index
        %parallel_loop3A_837 = arith.index_cast %parallel_loop3A_734 : i32 to index
        %parallel_loop3A_838 = tpu.vector_load %arg10[%parallel_loop3A_836, %parallel_loop3A_837] {strides = array<i32>} : memref<8x4096xf32, #tpu.memory_space<vmem>>, vector<1x16xf32>,
        %parallel_loop3A_839 = vector.shape_cast %parallel_loop3A_838 : vector<1x16xf32> to vector<16xf32>
        %parallel_loop3A_840 = arith.mulf %parallel_loop3A_839, %get3A_4 : vector<16xf32>
        %parallel_loop3A_841 = arith.addf %parallel_loop3A_840, %get3A_7 : vector<16xf32>
        %parallel_loop3A_842 = arith.constant 5.000000e-01 : f32
        %parallel_loop3A_843 = vector.broadcast %parallel_loop3A_842 : f32 to vector<16xf32>
        %parallel_loop3A_844 = arith.maximumf %parallel_loop3A_841, %parallel_loop3A_843 : vector<16xf32>
        %parallel_loop3A_845 = arith.constant 1.525000e+01 : f32
        %parallel_loop3A_846 = vector.broadcast %parallel_loop3A_845 : f32 to vector<16xf32>
        %parallel_loop3A_847 = arith.minimumf %parallel_loop3A_844, %parallel_loop3A_846 : vector<16xf32>
        %parallel_loop3A_848 = arith.constant 0x4B000000 : f32
        %parallel_loop3A_849 = vector.broadcast %parallel_loop3A_848 : f32 to vector<16xf32>
        %parallel_loop3A_850 = arith.addf %parallel_loop3A_847, %parallel_loop3A_849 : vector<16xf32>
        %parallel_loop3A_851 = arith.constant 0x4B000008 : f32
        %parallel_loop3A_852 = vector.broadcast %parallel_loop3A_851 : f32 to vector<16xf32>
        %parallel_loop3A_853 = arith.subf %parallel_loop3A_850, %parallel_loop3A_852 : vector<16xf32>
        %parallel_loop3A_854 = arith.constant 4 : i32
        %parallel_loop3A_855 = arith.index_cast %parallel_loop3A_854 : i32 to index
        %parallel_loop3A_856 = arith.index_cast %parallel_loop3A_734 : i32 to index
        %parallel_loop3A_857 = tpu.vector_load %arg10[%parallel_loop3A_855, %parallel_loop3A_856] {strides = array<i32>} : memref<8x4096xf32, #tpu.memory_space<vmem>>, vector<1x16xf32>,
        %parallel_loop3A_858 = vector.shape_cast %parallel_loop3A_857 : vector<1x16xf32> to vector<16xf32>
        %parallel_loop3A_859 = vector.shape_cast %parallel_loop3A_853 : vector<16xf32> to vector<1x16xf32>
        tpu.vector_store %arg10[%parallel_loop3A_855, %parallel_loop3A_856], %parallel_loop3A_859 {strides = array<i32>} : memref<8x4096xf32, #tpu.memory_space<vmem>>, vector<1x16xf32>,
        %parallel_loop3A_860 = arith.constant 5 : i32
        %parallel_loop3A_861 = arith.index_cast %parallel_loop3A_860 : i32 to index
        %parallel_loop3A_862 = arith.index_cast %parallel_loop3A_734 : i32 to index
        %parallel_loop3A_863 = tpu.vector_load %arg10[%parallel_loop3A_861, %parallel_loop3A_862] {strides = array<i32>} : memref<8x4096xf32, #tpu.memory_space<vmem>>, vector<1x16xf32>,
        %parallel_loop3A_864 = vector.shape_cast %parallel_loop3A_863 : vector<1x16xf32> to vector<16xf32>
        %parallel_loop3A_865 = arith.mulf %parallel_loop3A_864, %get3A_4 : vector<16xf32>
        %parallel_loop3A_866 = arith.addf %parallel_loop3A_865, %get3A_7 : vector<16xf32>
        %parallel_loop3A_867 = arith.constant 5.000000e-01 : f32
        %parallel_loop3A_868 = vector.broadcast %parallel_loop3A_867 : f32 to vector<16xf32>
        %parallel_loop3A_869 = arith.maximumf %parallel_loop3A_866, %parallel_loop3A_868 : vector<16xf32>
        %parallel_loop3A_870 = arith.constant 1.525000e+01 : f32
        %parallel_loop3A_871 = vector.broadcast %parallel_loop3A_870 : f32 to vector<16xf32>
        %parallel_loop3A_872 = arith.minimumf %parallel_loop3A_869, %parallel_loop3A_871 : vector<16xf32>
        %parallel_loop3A_873 = arith.constant 0x4B000000 : f32
        %parallel_loop3A_874 = vector.broadcast %parallel_loop3A_873 : f32 to vector<16xf32>
        %parallel_loop3A_875 = arith.addf %parallel_loop3A_872, %parallel_loop3A_874 : vector<16xf32>
        %parallel_loop3A_876 = arith.constant 0x4B000008 : f32
        %parallel_loop3A_877 = vector.broadcast %parallel_loop3A_876 : f32 to vector<16xf32>
        %parallel_loop3A_878 = arith.subf %parallel_loop3A_875, %parallel_loop3A_877 : vector<16xf32>
        %parallel_loop3A_879 = arith.constant 5 : i32
        %parallel_loop3A_880 = arith.index_cast %parallel_loop3A_879 : i32 to index
        %parallel_loop3A_881 = arith.index_cast %parallel_loop3A_734 : i32 to index
        %parallel_loop3A_882 = tpu.vector_load %arg10[%parallel_loop3A_880, %parallel_loop3A_881] {strides = array<i32>} : memref<8x4096xf32, #tpu.memory_space<vmem>>, vector<1x16xf32>,
        %parallel_loop3A_883 = vector.shape_cast %parallel_loop3A_882 : vector<1x16xf32> to vector<16xf32>
        %parallel_loop3A_884 = vector.shape_cast %parallel_loop3A_878 : vector<16xf32> to vector<1x16xf32>
        tpu.vector_store %arg10[%parallel_loop3A_880, %parallel_loop3A_881], %parallel_loop3A_884 {strides = array<i32>} : memref<8x4096xf32, #tpu.memory_space<vmem>>, vector<1x16xf32>,
        %parallel_loop3A_885 = arith.constant 6 : i32
        %parallel_loop3A_886 = arith.index_cast %parallel_loop3A_885 : i32 to index
        %parallel_loop3A_887 = arith.index_cast %parallel_loop3A_734 : i32 to index
        %parallel_loop3A_888 = tpu.vector_load %arg10[%parallel_loop3A_886, %parallel_loop3A_887] {strides = array<i32>} : memref<8x4096xf32, #tpu.memory_space<vmem>>, vector<1x16xf32>,
        %parallel_loop3A_889 = vector.shape_cast %parallel_loop3A_888 : vector<1x16xf32> to vector<16xf32>
        %parallel_loop3A_890 = arith.mulf %parallel_loop3A_889, %get3A_4 : vector<16xf32>
        %parallel_loop3A_891 = arith.addf %parallel_loop3A_890, %get3A_7 : vector<16xf32>
        %parallel_loop3A_892 = arith.constant 5.000000e-01 : f32
        %parallel_loop3A_893 = vector.broadcast %parallel_loop3A_892 : f32 to vector<16xf32>
        %parallel_loop3A_894 = arith.maximumf %parallel_loop3A_891, %parallel_loop3A_893 : vector<16xf32>
        %parallel_loop3A_895 = arith.constant 1.525000e+01 : f32
        %parallel_loop3A_896 = vector.broadcast %parallel_loop3A_895 : f32 to vector<16xf32>
        %parallel_loop3A_897 = arith.minimumf %parallel_loop3A_894, %parallel_loop3A_896 : vector<16xf32>
        %parallel_loop3A_898 = arith.constant 0x4B000000 : f32
        %parallel_loop3A_899 = vector.broadcast %parallel_loop3A_898 : f32 to vector<16xf32>
        %parallel_loop3A_900 = arith.addf %parallel_loop3A_897, %parallel_loop3A_899 : vector<16xf32>
        %parallel_loop3A_901 = arith.constant 0x4B000008 : f32
        %parallel_loop3A_902 = vector.broadcast %parallel_loop3A_901 : f32 to vector<16xf32>
        %parallel_loop3A_903 = arith.subf %parallel_loop3A_900, %parallel_loop3A_902 : vector<16xf32>
        %parallel_loop3A_904 = arith.constant 6 : i32
        %parallel_loop3A_905 = arith.index_cast %parallel_loop3A_904 : i32 to index
        %parallel_loop3A_906 = arith.index_cast %parallel_loop3A_734 : i32 to index
        %parallel_loop3A_907 = tpu.vector_load %arg10[%parallel_loop3A_905, %parallel_loop3A_906] {strides = array<i32>} : memref<8x4096xf32, #tpu.memory_space<vmem>>, vector<1x16xf32>,
        %parallel_loop3A_908 = vector.shape_cast %parallel_loop3A_907 : vector<1x16xf32> to vector<16xf32>
        %parallel_loop3A_909 = vector.shape_cast %parallel_loop3A_903 : vector<16xf32> to vector<1x16xf32>
        tpu.vector_store %arg10[%parallel_loop3A_905, %parallel_loop3A_906], %parallel_loop3A_909 {strides = array<i32>} : memref<8x4096xf32, #tpu.memory_space<vmem>>, vector<1x16xf32>,
        %parallel_loop3A_910 = arith.constant 7 : i32
        %parallel_loop3A_911 = arith.index_cast %parallel_loop3A_910 : i32 to index
        %parallel_loop3A_912 = arith.index_cast %parallel_loop3A_734 : i32 to index
        %parallel_loop3A_913 = tpu.vector_load %arg10[%parallel_loop3A_911, %parallel_loop3A_912] {strides = array<i32>} : memref<8x4096xf32, #tpu.memory_space<vmem>>, vector<1x16xf32>,
        %parallel_loop3A_914 = vector.shape_cast %parallel_loop3A_913 : vector<1x16xf32> to vector<16xf32>
        %parallel_loop3A_915 = arith.mulf %parallel_loop3A_914, %get3A_4 : vector<16xf32>
        %parallel_loop3A_916 = arith.addf %parallel_loop3A_915, %get3A_7 : vector<16xf32>
        %parallel_loop3A_917 = arith.constant 5.000000e-01 : f32
        %parallel_loop3A_918 = vector.broadcast %parallel_loop3A_917 : f32 to vector<16xf32>
        %parallel_loop3A_919 = arith.maximumf %parallel_loop3A_916, %parallel_loop3A_918 : vector<16xf32>
        %parallel_loop3A_920 = arith.constant 1.525000e+01 : f32
        %parallel_loop3A_921 = vector.broadcast %parallel_loop3A_920 : f32 to vector<16xf32>
        %parallel_loop3A_922 = arith.minimumf %parallel_loop3A_919, %parallel_loop3A_921 : vector<16xf32>
        %parallel_loop3A_923 = arith.constant 0x4B000000 : f32
        %parallel_loop3A_924 = vector.broadcast %parallel_loop3A_923 : f32 to vector<16xf32>
        %parallel_loop3A_925 = arith.addf %parallel_loop3A_922, %parallel_loop3A_924 : vector<16xf32>
        %parallel_loop3A_926 = arith.constant 0x4B000008 : f32
        %parallel_loop3A_927 = vector.broadcast %parallel_loop3A_926 : f32 to vector<16xf32>
        %parallel_loop3A_928 = arith.subf %parallel_loop3A_925, %parallel_loop3A_927 : vector<16xf32>
        %parallel_loop3A_929 = arith.constant 7 : i32
        %parallel_loop3A_930 = arith.index_cast %parallel_loop3A_929 : i32 to index
        %parallel_loop3A_931 = arith.index_cast %parallel_loop3A_734 : i32 to index
        %parallel_loop3A_932 = tpu.vector_load %arg10[%parallel_loop3A_930, %parallel_loop3A_931] {strides = array<i32>} : memref<8x4096xf32, #tpu.memory_space<vmem>>, vector<1x16xf32>,
        %parallel_loop3A_933 = vector.shape_cast %parallel_loop3A_932 : vector<1x16xf32> to vector<16xf32>
        %parallel_loop3A_934 = vector.shape_cast %parallel_loop3A_928 : vector<16xf32> to vector<1x16xf32>
        tpu.vector_store %arg10[%parallel_loop3A_930, %parallel_loop3A_931], %parallel_loop3A_934 {strides = array<i32>} : memref<8x4096xf32, #tpu.memory_space<vmem>>, vector<1x16xf32>,
      } {sc.loop_unroll_factor = 1 : i64, sc.parallel_access}
      %jit3A_293 = arith.constant 2 : i32
      %div3A_294 = arith.divsi %add3A_154, %jit3A_293 : i32
      %sign3A_295 = arith.constant 0 : i32
      %sign3A_296 = arith.cmpi sgt, %add3A_154, %sign3A_295 : i32
      %sign3A_297 = arith.extui %sign3A_296 : i1 to i32
      %sign3A_298 = arith.constant 0 : i32
      %sign3A_299 = arith.cmpi slt, %add3A_154, %sign3A_298 : i32
      %sign3A_300 = arith.extui %sign3A_299 : i1 to i32
      %sign3A_301 = arith.subi %sign3A_297, %sign3A_300 : i32
      %sign3A_302 = arith.constant 0 : i32
      %sign3A_303 = arith.cmpi sgt, %jit3A_293, %sign3A_302 : i32
      %sign3A_304 = arith.extui %sign3A_303 : i1 to i32
      %sign3A_305 = arith.constant 0 : i32
      %sign3A_306 = arith.cmpi slt, %jit3A_293, %sign3A_305 : i32
      %sign3A_307 = arith.extui %sign3A_306 : i1 to i32
      %sign3A_308 = arith.subi %sign3A_304, %sign3A_307 : i32
      %ne3A_309 = arith.cmpi ne, %sign3A_301, %sign3A_308 : i32
      %rem3A_310 = arith.remsi %add3A_154, %jit3A_293 : i32
      %ne3A_311 = arith.constant 0 : i32
      %ne3A_312 = arith.cmpi ne, %rem3A_310, %ne3A_311 : i32
      %and3A_313 = arith.andi %ne3A_309, %ne3A_312 : i1
      %sub3A_314 = arith.constant 1 : i32
      %sub3A_315 = arith.subi %div3A_294, %sub3A_314 : i32
      %select_n3A_316 = arith.select %and3A_313, %sub3A_315, %div3A_294 : i32
      %mul3A_317 = arith.constant 8 : i32
      %mul3A_318 = arith.muli %select_n3A_316, %mul3A_317 : i32
      %add3A_319 = arith.addi %mul3A_2, %mul3A_318 : i32
      %jit3A_320 = arith.constant 2 : i32
      %eq3A_321 = arith.constant 0 : i32
      %eq3A_322 = arith.cmpi eq, %jit3A_320, %eq3A_321 : i32
      %jit3A_323 = arith.constant 1 : i32
      %select_n3A_324 = arith.select %eq3A_322, %jit3A_323, %jit3A_320 : i32
      %rem3A_325 = arith.remsi %add3A_154, %select_n3A_324 : i32
      %ne3A_326 = arith.constant 0 : i32
      %ne3A_327 = arith.cmpi ne, %rem3A_325, %ne3A_326 : i32
      %lt3A_328 = arith.constant 0 : i32
      %lt3A_329 = arith.cmpi slt, %rem3A_325, %lt3A_328 : i32
      %lt3A_330 = arith.constant 0 : i32
      %lt3A_331 = arith.cmpi slt, %select_n3A_324, %lt3A_330 : i32
      %ne3A_332 = arith.xori %lt3A_329, %lt3A_331 : i1
      %and3A_333 = arith.andi %ne3A_332, %ne3A_327 : i1
      %add3A_334 = arith.addi %rem3A_325, %select_n3A_324 : i32
      %select_n3A_335 = arith.select %and3A_333, %add3A_334, %rem3A_325 : i32
      %mul3A_336 = arith.constant 4096 : i32
      %mul3A_337 = arith.muli %select_n3A_335, %mul3A_336 : i32
      %dma_start3A_338 = tpu.memref_slice %arg5[%add3A_319, %mul3A_337] : memref<4096x8192xf32, #tpu.memory_space<hbm>> -> memref<8x4096xf32, #tpu.memory_space<hbm>>
      %dma_start3A_339 = tpu.memref_slice %arg5[%add3A_319, %mul3A_337] : memref<4096x8192xf32, #tpu.memory_space<hbm>> -> memref<8x4096xf32, #tpu.memory_space<hbm>>
      tpu.enqueue_dma source(%arg10 : memref<8x4096xf32, #tpu.memory_space<vmem>>) target(%dma_start3A_339 : memref<8x4096xf32, #tpu.memory_space<hbm>>) target_semaphore(%arg16 : memref<!tpu.dma_semaphore, #tpu.memory_space<semaphore_mem>>)
      %add3A_340 = arith.constant 1 : i32
      %add3A_341 = arith.addi %add3A_152, %add3A_340 : i32
      %sub3A_342 = arith.constant 1 : i32
      %sub3A_343 = arith.subi %add3A_341, %sub3A_342 : i32
      %jit3A_344 = arith.constant 2 : i32
      %div3A_345 = arith.divsi %sub3A_343, %jit3A_344 : i32
      %sign3A_346 = arith.constant 0 : i32
      %sign3A_347 = arith.cmpi sgt, %sub3A_343, %sign3A_346 : i32
      %sign3A_348 = arith.extui %sign3A_347 : i1 to i32
      %sign3A_349 = arith.constant 0 : i32
      %sign3A_350 = arith.cmpi slt, %sub3A_343, %sign3A_349 : i32
      %sign3A_351 = arith.extui %sign3A_350 : i1 to i32
      %sign3A_352 = arith.subi %sign3A_348, %sign3A_351 : i32
      %sign3A_353 = arith.constant 0 : i32
      %sign3A_354 = arith.cmpi sgt, %jit3A_344, %sign3A_353 : i32
      %sign3A_355 = arith.extui %sign3A_354 : i1 to i32
      %sign3A_356 = arith.constant 0 : i32
      %sign3A_357 = arith.cmpi slt, %jit3A_344, %sign3A_356 : i32
      %sign3A_358 = arith.extui %sign3A_357 : i1 to i32
      %sign3A_359 = arith.subi %sign3A_355, %sign3A_358 : i32
      %ne3A_360 = arith.cmpi ne, %sign3A_352, %sign3A_359 : i32
      %rem3A_361 = arith.remsi %sub3A_343, %jit3A_344 : i32
      %ne3A_362 = arith.constant 0 : i32
      %ne3A_363 = arith.cmpi ne, %rem3A_361, %ne3A_362 : i32
      %and3A_364 = arith.andi %ne3A_360, %ne3A_363 : i1
      %sub3A_365 = arith.constant 1 : i32
      %sub3A_366 = arith.subi %div3A_345, %sub3A_365 : i32
      %select_n3A_367 = arith.select %and3A_364, %sub3A_366, %div3A_345 : i32
      %mul3A_368 = arith.constant 8 : i32
      %mul3A_369 = arith.muli %select_n3A_367, %mul3A_368 : i32
      %add3A_370 = arith.addi %mul3A_2, %mul3A_369 : i32
      %jit3A_371 = arith.constant 2 : i32
      %eq3A_372 = arith.constant 0 : i32
      %eq3A_373 = arith.cmpi eq, %jit3A_371, %eq3A_372 : i32
      %jit3A_374 = arith.constant 1 : i32
      %select_n3A_375 = arith.select %eq3A_373, %jit3A_374, %jit3A_371 : i32
      %rem3A_376 = arith.remsi %sub3A_343, %select_n3A_375 : i32
      %ne3A_377 = arith.constant 0 : i32
      %ne3A_378 = arith.cmpi ne, %rem3A_376, %ne3A_377 : i32
      %lt3A_379 = arith.constant 0 : i32
      %lt3A_380 = arith.cmpi slt, %rem3A_376, %lt3A_379 : i32
      %lt3A_381 = arith.constant 0 : i32
      %lt3A_382 = arith.cmpi slt, %select_n3A_375, %lt3A_381 : i32
      %ne3A_383 = arith.xori %lt3A_380, %lt3A_382 : i1
      %and3A_384 = arith.andi %ne3A_383, %ne3A_378 : i1
      %add3A_385 = arith.addi %rem3A_376, %select_n3A_375 : i32
      %select_n3A_386 = arith.select %and3A_384, %add3A_385, %rem3A_376 : i32
      %mul3A_387 = arith.constant 4096 : i32
      %mul3A_388 = arith.muli %select_n3A_386, %mul3A_387 : i32
      %dma_wait3A_389 = tpu.memref_slice %arg5[%add3A_370, %mul3A_388] : memref<4096x8192xf32, #tpu.memory_space<hbm>> -> memref<8x4096xf32, #tpu.memory_space<hbm>>
      %dma_wait3A_390 = tpu.memref_slice %arg5[%add3A_370, %mul3A_388] : memref<4096x8192xf32, #tpu.memory_space<hbm>> -> memref<8x4096xf32, #tpu.memory_space<hbm>>
      tpu.wait_dma2 semaphore(%arg16 : memref<!tpu.dma_semaphore, #tpu.memory_space<semaphore_mem>>) src(%arg10 : memref<8x4096xf32, #tpu.memory_space<vmem>>) dst(%dma_wait3A_390 : memref<8x4096xf32, #tpu.memory_space<hbm>>)
      %add3A_391 = arith.constant 2 : i32
      %add3A_392 = arith.addi %add3A_341, %add3A_391 : i32
      %jit3A_393 = arith.constant 2 : i32
      %div3A_394 = arith.divsi %add3A_392, %jit3A_393 : i32
      %sign3A_395 = arith.constant 0 : i32
      %sign3A_396 = arith.cmpi sgt, %add3A_392, %sign3A_395 : i32
      %sign3A_397 = arith.extui %sign3A_396 : i1 to i32
      %sign3A_398 = arith.constant 0 : i32
      %sign3A_399 = arith.cmpi slt, %add3A_392, %sign3A_398 : i32
      %sign3A_400 = arith.extui %sign3A_399 : i1 to i32
      %sign3A_401 = arith.subi %sign3A_397, %sign3A_400 : i32
      %sign3A_402 = arith.constant 0 : i32
      %sign3A_403 = arith.cmpi sgt, %jit3A_393, %sign3A_402 : i32
      %sign3A_404 = arith.extui %sign3A_403 : i1 to i32
      %sign3A_405 = arith.constant 0 : i32
      %sign3A_406 = arith.cmpi slt, %jit3A_393, %sign3A_405 : i32
      %sign3A_407 = arith.extui %sign3A_406 : i1 to i32
      %sign3A_408 = arith.subi %sign3A_404, %sign3A_407 : i32
      %ne3A_409 = arith.cmpi ne, %sign3A_401, %sign3A_408 : i32
      %rem3A_410 = arith.remsi %add3A_392, %jit3A_393 : i32
      %ne3A_411 = arith.constant 0 : i32
      %ne3A_412 = arith.cmpi ne, %rem3A_410, %ne3A_411 : i32
      %and3A_413 = arith.andi %ne3A_409, %ne3A_412 : i1
      %sub3A_414 = arith.constant 1 : i32
      %sub3A_415 = arith.subi %div3A_394, %sub3A_414 : i32
      %select_n3A_416 = arith.select %and3A_413, %sub3A_415, %div3A_394 : i32
      %mul3A_417 = arith.constant 8 : i32
      %mul3A_418 = arith.muli %select_n3A_416, %mul3A_417 : i32
      %add3A_419 = arith.addi %mul3A_2, %mul3A_418 : i32
      %jit3A_420 = arith.constant 2 : i32
      %eq3A_421 = arith.constant 0 : i32
      %eq3A_422 = arith.cmpi eq, %jit3A_420, %eq3A_421 : i32
      %jit3A_423 = arith.constant 1 : i32
      %select_n3A_424 = arith.select %eq3A_422, %jit3A_423, %jit3A_420 : i32
      %rem3A_425 = arith.remsi %add3A_392, %select_n3A_424 : i32
      %ne3A_426 = arith.constant 0 : i32
      %ne3A_427 = arith.cmpi ne, %rem3A_425, %ne3A_426 : i32
      %lt3A_428 = arith.constant 0 : i32
      %lt3A_429 = arith.cmpi slt, %rem3A_425, %lt3A_428 : i32
      %lt3A_430 = arith.constant 0 : i32
      %lt3A_431 = arith.cmpi slt, %select_n3A_424, %lt3A_430 : i32
      %ne3A_432 = arith.xori %lt3A_429, %lt3A_431 : i1
      %and3A_433 = arith.andi %ne3A_432, %ne3A_427 : i1
      %add3A_434 = arith.addi %rem3A_425, %select_n3A_424 : i32
      %select_n3A_435 = arith.select %and3A_433, %add3A_434, %rem3A_425 : i32
      %mul3A_436 = arith.constant 4096 : i32
      %mul3A_437 = arith.muli %select_n3A_435, %mul3A_436 : i32
      %dma_start3A_438 = tpu.memref_slice %arg2[%add3A_419, %mul3A_437] : memref<4096x8192xf32, #tpu.memory_space<hbm>> -> memref<8x4096xf32, #tpu.memory_space<hbm>>
      %dma_start3A_439 = tpu.memref_slice %arg2[%add3A_419, %mul3A_437] : memref<4096x8192xf32, #tpu.memory_space<hbm>> -> memref<8x4096xf32, #tpu.memory_space<hbm>>
      tpu.enqueue_dma source(%dma_start3A_439 : memref<8x4096xf32, #tpu.memory_space<hbm>>) target(%arg10 : memref<8x4096xf32, #tpu.memory_space<vmem>>) target_semaphore(%arg13 : memref<!tpu.dma_semaphore, #tpu.memory_space<semaphore_mem>>)
      %jit3A_440 = arith.constant 2 : i32
      %div3A_441 = arith.divsi %add3A_341, %jit3A_440 : i32
      %sign3A_442 = arith.constant 0 : i32
      %sign3A_443 = arith.cmpi sgt, %add3A_341, %sign3A_442 : i32
      %sign3A_444 = arith.extui %sign3A_443 : i1 to i32
      %sign3A_445 = arith.constant 0 : i32
      %sign3A_446 = arith.cmpi slt, %add3A_341, %sign3A_445 : i32
      %sign3A_447 = arith.extui %sign3A_446 : i1 to i32
      %sign3A_448 = arith.subi %sign3A_444, %sign3A_447 : i32
      %sign3A_449 = arith.constant 0 : i32
      %sign3A_450 = arith.cmpi sgt, %jit3A_440, %sign3A_449 : i32
      %sign3A_451 = arith.extui %sign3A_450 : i1 to i32
      %sign3A_452 = arith.constant 0 : i32
      %sign3A_453 = arith.cmpi slt, %jit3A_440, %sign3A_452 : i32
      %sign3A_454 = arith.extui %sign3A_453 : i1 to i32
      %sign3A_455 = arith.subi %sign3A_451, %sign3A_454 : i32
      %ne3A_456 = arith.cmpi ne, %sign3A_448, %sign3A_455 : i32
      %rem3A_457 = arith.remsi %add3A_341, %jit3A_440 : i32
      %ne3A_458 = arith.constant 0 : i32
      %ne3A_459 = arith.cmpi ne, %rem3A_457, %ne3A_458 : i32
      %and3A_460 = arith.andi %ne3A_456, %ne3A_459 : i1
      %sub3A_461 = arith.constant 1 : i32
      %sub3A_462 = arith.subi %div3A_441, %sub3A_461 : i32
      %select_n3A_463 = arith.select %and3A_460, %sub3A_462, %div3A_441 : i32
      %mul3A_464 = arith.constant 8 : i32
      %mul3A_465 = arith.muli %select_n3A_463, %mul3A_464 : i32
      %add3A_466 = arith.addi %mul3A_2, %mul3A_465 : i32
      %jit3A_467 = arith.constant 2 : i32
      %eq3A_468 = arith.constant 0 : i32
      %eq3A_469 = arith.cmpi eq, %jit3A_467, %eq3A_468 : i32
      %jit3A_470 = arith.constant 1 : i32
      %select_n3A_471 = arith.select %eq3A_469, %jit3A_470, %jit3A_467 : i32
      %rem3A_472 = arith.remsi %add3A_341, %select_n3A_471 : i32
      %ne3A_473 = arith.constant 0 : i32
      %ne3A_474 = arith.cmpi ne, %rem3A_472, %ne3A_473 : i32
      %lt3A_475 = arith.constant 0 : i32
      %lt3A_476 = arith.cmpi slt, %rem3A_472, %lt3A_475 : i32
      %lt3A_477 = arith.constant 0 : i32
      %lt3A_478 = arith.cmpi slt, %select_n3A_471, %lt3A_477 : i32
      %ne3A_479 = arith.xori %lt3A_476, %lt3A_478 : i1
      %and3A_480 = arith.andi %ne3A_479, %ne3A_474 : i1
      %add3A_481 = arith.addi %rem3A_472, %select_n3A_471 : i32
      %select_n3A_482 = arith.select %and3A_480, %add3A_481, %rem3A_472 : i32
      %mul3A_483 = arith.constant 4096 : i32
      %mul3A_484 = arith.muli %select_n3A_482, %mul3A_483 : i32
      %dma_wait3A_485 = tpu.memref_slice %arg2[%add3A_466, %mul3A_484] : memref<4096x8192xf32, #tpu.memory_space<hbm>> -> memref<8x4096xf32, #tpu.memory_space<hbm>>
      %dma_wait3A_486 = tpu.memref_slice %arg2[%add3A_466, %mul3A_484] : memref<4096x8192xf32, #tpu.memory_space<hbm>> -> memref<8x4096xf32, #tpu.memory_space<hbm>>
      tpu.wait_dma2 semaphore(%arg11 : memref<!tpu.dma_semaphore, #tpu.memory_space<semaphore_mem>>) src(%dma_wait3A_486 : memref<8x4096xf32, #tpu.memory_space<hbm>>) dst(%arg8 : memref<8x4096xf32, #tpu.memory_space<vmem>>)
      %parallel_loop3A_487 = arith.constant 0 : i32
      %parallel_loop3A_488 = arith.constant 4096 : i32
      %parallel_loop3A_489 = arith.constant 16 : i32
      scf.for %parallel_loop3A_734 = %parallel_loop3A_487 to %parallel_loop3A_488 step %parallel_loop3A_489  : i32 {
        %parallel_loop3A_735 = arith.constant 0 : i32
        %parallel_loop3A_736 = arith.index_cast %parallel_loop3A_735 : i32 to index
        %parallel_loop3A_737 = arith.index_cast %parallel_loop3A_734 : i32 to index
        %parallel_loop3A_738 = tpu.vector_load %arg8[%parallel_loop3A_736, %parallel_loop3A_737] {strides = array<i32>} : memref<8x4096xf32, #tpu.memory_space<vmem>>, vector<1x16xf32>,
        %parallel_loop3A_739 = vector.shape_cast %parallel_loop3A_738 : vector<1x16xf32> to vector<16xf32>
        %parallel_loop3A_740 = arith.mulf %parallel_loop3A_739, %get3A_4 : vector<16xf32>
        %parallel_loop3A_741 = arith.addf %parallel_loop3A_740, %get3A_7 : vector<16xf32>
        %parallel_loop3A_742 = arith.constant 5.000000e-01 : f32
        %parallel_loop3A_743 = vector.broadcast %parallel_loop3A_742 : f32 to vector<16xf32>
        %parallel_loop3A_744 = arith.maximumf %parallel_loop3A_741, %parallel_loop3A_743 : vector<16xf32>
        %parallel_loop3A_745 = arith.constant 1.525000e+01 : f32
        %parallel_loop3A_746 = vector.broadcast %parallel_loop3A_745 : f32 to vector<16xf32>
        %parallel_loop3A_747 = arith.minimumf %parallel_loop3A_744, %parallel_loop3A_746 : vector<16xf32>
        %parallel_loop3A_748 = arith.constant 0x4B000000 : f32
        %parallel_loop3A_749 = vector.broadcast %parallel_loop3A_748 : f32 to vector<16xf32>
        %parallel_loop3A_750 = arith.addf %parallel_loop3A_747, %parallel_loop3A_749 : vector<16xf32>
        %parallel_loop3A_751 = arith.constant 0x4B000008 : f32
        %parallel_loop3A_752 = vector.broadcast %parallel_loop3A_751 : f32 to vector<16xf32>
        %parallel_loop3A_753 = arith.subf %parallel_loop3A_750, %parallel_loop3A_752 : vector<16xf32>
        %parallel_loop3A_754 = arith.constant 0 : i32
        %parallel_loop3A_755 = arith.index_cast %parallel_loop3A_754 : i32 to index
        %parallel_loop3A_756 = arith.index_cast %parallel_loop3A_734 : i32 to index
        %parallel_loop3A_757 = tpu.vector_load %arg8[%parallel_loop3A_755, %parallel_loop3A_756] {strides = array<i32>} : memref<8x4096xf32, #tpu.memory_space<vmem>>, vector<1x16xf32>,
        %parallel_loop3A_758 = vector.shape_cast %parallel_loop3A_757 : vector<1x16xf32> to vector<16xf32>
        %parallel_loop3A_759 = vector.shape_cast %parallel_loop3A_753 : vector<16xf32> to vector<1x16xf32>
        tpu.vector_store %arg8[%parallel_loop3A_755, %parallel_loop3A_756], %parallel_loop3A_759 {strides = array<i32>} : memref<8x4096xf32, #tpu.memory_space<vmem>>, vector<1x16xf32>,
        %parallel_loop3A_760 = arith.constant 1 : i32
        %parallel_loop3A_761 = arith.index_cast %parallel_loop3A_760 : i32 to index
        %parallel_loop3A_762 = arith.index_cast %parallel_loop3A_734 : i32 to index
        %parallel_loop3A_763 = tpu.vector_load %arg8[%parallel_loop3A_761, %parallel_loop3A_762] {strides = array<i32>} : memref<8x4096xf32, #tpu.memory_space<vmem>>, vector<1x16xf32>,
        %parallel_loop3A_764 = vector.shape_cast %parallel_loop3A_763 : vector<1x16xf32> to vector<16xf32>
        %parallel_loop3A_765 = arith.mulf %parallel_loop3A_764, %get3A_4 : vector<16xf32>
        %parallel_loop3A_766 = arith.addf %parallel_loop3A_765, %get3A_7 : vector<16xf32>
        %parallel_loop3A_767 = arith.constant 5.000000e-01 : f32
        %parallel_loop3A_768 = vector.broadcast %parallel_loop3A_767 : f32 to vector<16xf32>
        %parallel_loop3A_769 = arith.maximumf %parallel_loop3A_766, %parallel_loop3A_768 : vector<16xf32>
        %parallel_loop3A_770 = arith.constant 1.525000e+01 : f32
        %parallel_loop3A_771 = vector.broadcast %parallel_loop3A_770 : f32 to vector<16xf32>
        %parallel_loop3A_772 = arith.minimumf %parallel_loop3A_769, %parallel_loop3A_771 : vector<16xf32>
        %parallel_loop3A_773 = arith.constant 0x4B000000 : f32
        %parallel_loop3A_774 = vector.broadcast %parallel_loop3A_773 : f32 to vector<16xf32>
        %parallel_loop3A_775 = arith.addf %parallel_loop3A_772, %parallel_loop3A_774 : vector<16xf32>
        %parallel_loop3A_776 = arith.constant 0x4B000008 : f32
        %parallel_loop3A_777 = vector.broadcast %parallel_loop3A_776 : f32 to vector<16xf32>
        %parallel_loop3A_778 = arith.subf %parallel_loop3A_775, %parallel_loop3A_777 : vector<16xf32>
        %parallel_loop3A_779 = arith.constant 1 : i32
        %parallel_loop3A_780 = arith.index_cast %parallel_loop3A_779 : i32 to index
        %parallel_loop3A_781 = arith.index_cast %parallel_loop3A_734 : i32 to index
        %parallel_loop3A_782 = tpu.vector_load %arg8[%parallel_loop3A_780, %parallel_loop3A_781] {strides = array<i32>} : memref<8x4096xf32, #tpu.memory_space<vmem>>, vector<1x16xf32>,
        %parallel_loop3A_783 = vector.shape_cast %parallel_loop3A_782 : vector<1x16xf32> to vector<16xf32>
        %parallel_loop3A_784 = vector.shape_cast %parallel_loop3A_778 : vector<16xf32> to vector<1x16xf32>
        tpu.vector_store %arg8[%parallel_loop3A_780, %parallel_loop3A_781], %parallel_loop3A_784 {strides = array<i32>} : memref<8x4096xf32, #tpu.memory_space<vmem>>, vector<1x16xf32>,
        %parallel_loop3A_785 = arith.constant 2 : i32
        %parallel_loop3A_786 = arith.index_cast %parallel_loop3A_785 : i32 to index
        %parallel_loop3A_787 = arith.index_cast %parallel_loop3A_734 : i32 to index
        %parallel_loop3A_788 = tpu.vector_load %arg8[%parallel_loop3A_786, %parallel_loop3A_787] {strides = array<i32>} : memref<8x4096xf32, #tpu.memory_space<vmem>>, vector<1x16xf32>,
        %parallel_loop3A_789 = vector.shape_cast %parallel_loop3A_788 : vector<1x16xf32> to vector<16xf32>
        %parallel_loop3A_790 = arith.mulf %parallel_loop3A_789, %get3A_4 : vector<16xf32>
        %parallel_loop3A_791 = arith.addf %parallel_loop3A_790, %get3A_7 : vector<16xf32>
        %parallel_loop3A_792 = arith.constant 5.000000e-01 : f32
        %parallel_loop3A_793 = vector.broadcast %parallel_loop3A_792 : f32 to vector<16xf32>
        %parallel_loop3A_794 = arith.maximumf %parallel_loop3A_791, %parallel_loop3A_793 : vector<16xf32>
        %parallel_loop3A_795 = arith.constant 1.525000e+01 : f32
        %parallel_loop3A_796 = vector.broadcast %parallel_loop3A_795 : f32 to vector<16xf32>
        %parallel_loop3A_797 = arith.minimumf %parallel_loop3A_794, %parallel_loop3A_796 : vector<16xf32>
        %parallel_loop3A_798 = arith.constant 0x4B000000 : f32
        %parallel_loop3A_799 = vector.broadcast %parallel_loop3A_798 : f32 to vector<16xf32>
        %parallel_loop3A_800 = arith.addf %parallel_loop3A_797, %parallel_loop3A_799 : vector<16xf32>
        %parallel_loop3A_801 = arith.constant 0x4B000008 : f32
        %parallel_loop3A_802 = vector.broadcast %parallel_loop3A_801 : f32 to vector<16xf32>
        %parallel_loop3A_803 = arith.subf %parallel_loop3A_800, %parallel_loop3A_802 : vector<16xf32>
        %parallel_loop3A_804 = arith.constant 2 : i32
        %parallel_loop3A_805 = arith.index_cast %parallel_loop3A_804 : i32 to index
        %parallel_loop3A_806 = arith.index_cast %parallel_loop3A_734 : i32 to index
        %parallel_loop3A_807 = tpu.vector_load %arg8[%parallel_loop3A_805, %parallel_loop3A_806] {strides = array<i32>} : memref<8x4096xf32, #tpu.memory_space<vmem>>, vector<1x16xf32>,
        %parallel_loop3A_808 = vector.shape_cast %parallel_loop3A_807 : vector<1x16xf32> to vector<16xf32>
        %parallel_loop3A_809 = vector.shape_cast %parallel_loop3A_803 : vector<16xf32> to vector<1x16xf32>
        tpu.vector_store %arg8[%parallel_loop3A_805, %parallel_loop3A_806], %parallel_loop3A_809 {strides = array<i32>} : memref<8x4096xf32, #tpu.memory_space<vmem>>, vector<1x16xf32>,
        %parallel_loop3A_810 = arith.constant 3 : i32
        %parallel_loop3A_811 = arith.index_cast %parallel_loop3A_810 : i32 to index
        %parallel_loop3A_812 = arith.index_cast %parallel_loop3A_734 : i32 to index
        %parallel_loop3A_813 = tpu.vector_load %arg8[%parallel_loop3A_811, %parallel_loop3A_812] {strides = array<i32>} : memref<8x4096xf32, #tpu.memory_space<vmem>>, vector<1x16xf32>,
        %parallel_loop3A_814 = vector.shape_cast %parallel_loop3A_813 : vector<1x16xf32> to vector<16xf32>
        %parallel_loop3A_815 = arith.mulf %parallel_loop3A_814, %get3A_4 : vector<16xf32>
        %parallel_loop3A_816 = arith.addf %parallel_loop3A_815, %get3A_7 : vector<16xf32>
        %parallel_loop3A_817 = arith.constant 5.000000e-01 : f32
        %parallel_loop3A_818 = vector.broadcast %parallel_loop3A_817 : f32 to vector<16xf32>
        %parallel_loop3A_819 = arith.maximumf %parallel_loop3A_816, %parallel_loop3A_818 : vector<16xf32>
        %parallel_loop3A_820 = arith.constant 1.525000e+01 : f32
        %parallel_loop3A_821 = vector.broadcast %parallel_loop3A_820 : f32 to vector<16xf32>
        %parallel_loop3A_822 = arith.minimumf %parallel_loop3A_819, %parallel_loop3A_821 : vector<16xf32>
        %parallel_loop3A_823 = arith.constant 0x4B000000 : f32
        %parallel_loop3A_824 = vector.broadcast %parallel_loop3A_823 : f32 to vector<16xf32>
        %parallel_loop3A_825 = arith.addf %parallel_loop3A_822, %parallel_loop3A_824 : vector<16xf32>
        %parallel_loop3A_826 = arith.constant 0x4B000008 : f32
        %parallel_loop3A_827 = vector.broadcast %parallel_loop3A_826 : f32 to vector<16xf32>
        %parallel_loop3A_828 = arith.subf %parallel_loop3A_825, %parallel_loop3A_827 : vector<16xf32>
        %parallel_loop3A_829 = arith.constant 3 : i32
        %parallel_loop3A_830 = arith.index_cast %parallel_loop3A_829 : i32 to index
        %parallel_loop3A_831 = arith.index_cast %parallel_loop3A_734 : i32 to index
        %parallel_loop3A_832 = tpu.vector_load %arg8[%parallel_loop3A_830, %parallel_loop3A_831] {strides = array<i32>} : memref<8x4096xf32, #tpu.memory_space<vmem>>, vector<1x16xf32>,
        %parallel_loop3A_833 = vector.shape_cast %parallel_loop3A_832 : vector<1x16xf32> to vector<16xf32>
        %parallel_loop3A_834 = vector.shape_cast %parallel_loop3A_828 : vector<16xf32> to vector<1x16xf32>
        tpu.vector_store %arg8[%parallel_loop3A_830, %parallel_loop3A_831], %parallel_loop3A_834 {strides = array<i32>} : memref<8x4096xf32, #tpu.memory_space<vmem>>, vector<1x16xf32>,
        %parallel_loop3A_835 = arith.constant 4 : i32
        %parallel_loop3A_836 = arith.index_cast %parallel_loop3A_835 : i32 to index
        %parallel_loop3A_837 = arith.index_cast %parallel_loop3A_734 : i32 to index
        %parallel_loop3A_838 = tpu.vector_load %arg8[%parallel_loop3A_836, %parallel_loop3A_837] {strides = array<i32>} : memref<8x4096xf32, #tpu.memory_space<vmem>>, vector<1x16xf32>,
        %parallel_loop3A_839 = vector.shape_cast %parallel_loop3A_838 : vector<1x16xf32> to vector<16xf32>
        %parallel_loop3A_840 = arith.mulf %parallel_loop3A_839, %get3A_4 : vector<16xf32>
        %parallel_loop3A_841 = arith.addf %parallel_loop3A_840, %get3A_7 : vector<16xf32>
        %parallel_loop3A_842 = arith.constant 5.000000e-01 : f32
        %parallel_loop3A_843 = vector.broadcast %parallel_loop3A_842 : f32 to vector<16xf32>
        %parallel_loop3A_844 = arith.maximumf %parallel_loop3A_841, %parallel_loop3A_843 : vector<16xf32>
        %parallel_loop3A_845 = arith.constant 1.525000e+01 : f32
        %parallel_loop3A_846 = vector.broadcast %parallel_loop3A_845 : f32 to vector<16xf32>
        %parallel_loop3A_847 = arith.minimumf %parallel_loop3A_844, %parallel_loop3A_846 : vector<16xf32>
        %parallel_loop3A_848 = arith.constant 0x4B000000 : f32
        %parallel_loop3A_849 = vector.broadcast %parallel_loop3A_848 : f32 to vector<16xf32>
        %parallel_loop3A_850 = arith.addf %parallel_loop3A_847, %parallel_loop3A_849 : vector<16xf32>
        %parallel_loop3A_851 = arith.constant 0x4B000008 : f32
        %parallel_loop3A_852 = vector.broadcast %parallel_loop3A_851 : f32 to vector<16xf32>
        %parallel_loop3A_853 = arith.subf %parallel_loop3A_850, %parallel_loop3A_852 : vector<16xf32>
        %parallel_loop3A_854 = arith.constant 4 : i32
        %parallel_loop3A_855 = arith.index_cast %parallel_loop3A_854 : i32 to index
        %parallel_loop3A_856 = arith.index_cast %parallel_loop3A_734 : i32 to index
        %parallel_loop3A_857 = tpu.vector_load %arg8[%parallel_loop3A_855, %parallel_loop3A_856] {strides = array<i32>} : memref<8x4096xf32, #tpu.memory_space<vmem>>, vector<1x16xf32>,
        %parallel_loop3A_858 = vector.shape_cast %parallel_loop3A_857 : vector<1x16xf32> to vector<16xf32>
        %parallel_loop3A_859 = vector.shape_cast %parallel_loop3A_853 : vector<16xf32> to vector<1x16xf32>
        tpu.vector_store %arg8[%parallel_loop3A_855, %parallel_loop3A_856], %parallel_loop3A_859 {strides = array<i32>} : memref<8x4096xf32, #tpu.memory_space<vmem>>, vector<1x16xf32>,
        %parallel_loop3A_860 = arith.constant 5 : i32
        %parallel_loop3A_861 = arith.index_cast %parallel_loop3A_860 : i32 to index
        %parallel_loop3A_862 = arith.index_cast %parallel_loop3A_734 : i32 to index
        %parallel_loop3A_863 = tpu.vector_load %arg8[%parallel_loop3A_861, %parallel_loop3A_862] {strides = array<i32>} : memref<8x4096xf32, #tpu.memory_space<vmem>>, vector<1x16xf32>,
        %parallel_loop3A_864 = vector.shape_cast %parallel_loop3A_863 : vector<1x16xf32> to vector<16xf32>
        %parallel_loop3A_865 = arith.mulf %parallel_loop3A_864, %get3A_4 : vector<16xf32>
        %parallel_loop3A_866 = arith.addf %parallel_loop3A_865, %get3A_7 : vector<16xf32>
        %parallel_loop3A_867 = arith.constant 5.000000e-01 : f32
        %parallel_loop3A_868 = vector.broadcast %parallel_loop3A_867 : f32 to vector<16xf32>
        %parallel_loop3A_869 = arith.maximumf %parallel_loop3A_866, %parallel_loop3A_868 : vector<16xf32>
        %parallel_loop3A_870 = arith.constant 1.525000e+01 : f32
        %parallel_loop3A_871 = vector.broadcast %parallel_loop3A_870 : f32 to vector<16xf32>
        %parallel_loop3A_872 = arith.minimumf %parallel_loop3A_869, %parallel_loop3A_871 : vector<16xf32>
        %parallel_loop3A_873 = arith.constant 0x4B000000 : f32
        %parallel_loop3A_874 = vector.broadcast %parallel_loop3A_873 : f32 to vector<16xf32>
        %parallel_loop3A_875 = arith.addf %parallel_loop3A_872, %parallel_loop3A_874 : vector<16xf32>
        %parallel_loop3A_876 = arith.constant 0x4B000008 : f32
        %parallel_loop3A_877 = vector.broadcast %parallel_loop3A_876 : f32 to vector<16xf32>
        %parallel_loop3A_878 = arith.subf %parallel_loop3A_875, %parallel_loop3A_877 : vector<16xf32>
        %parallel_loop3A_879 = arith.constant 5 : i32
        %parallel_loop3A_880 = arith.index_cast %parallel_loop3A_879 : i32 to index
        %parallel_loop3A_881 = arith.index_cast %parallel_loop3A_734 : i32 to index
        %parallel_loop3A_882 = tpu.vector_load %arg8[%parallel_loop3A_880, %parallel_loop3A_881] {strides = array<i32>} : memref<8x4096xf32, #tpu.memory_space<vmem>>, vector<1x16xf32>,
        %parallel_loop3A_883 = vector.shape_cast %parallel_loop3A_882 : vector<1x16xf32> to vector<16xf32>
        %parallel_loop3A_884 = vector.shape_cast %parallel_loop3A_878 : vector<16xf32> to vector<1x16xf32>
        tpu.vector_store %arg8[%parallel_loop3A_880, %parallel_loop3A_881], %parallel_loop3A_884 {strides = array<i32>} : memref<8x4096xf32, #tpu.memory_space<vmem>>, vector<1x16xf32>,
        %parallel_loop3A_885 = arith.constant 6 : i32
        %parallel_loop3A_886 = arith.index_cast %parallel_loop3A_885 : i32 to index
        %parallel_loop3A_887 = arith.index_cast %parallel_loop3A_734 : i32 to index
        %parallel_loop3A_888 = tpu.vector_load %arg8[%parallel_loop3A_886, %parallel_loop3A_887] {strides = array<i32>} : memref<8x4096xf32, #tpu.memory_space<vmem>>, vector<1x16xf32>,
        %parallel_loop3A_889 = vector.shape_cast %parallel_loop3A_888 : vector<1x16xf32> to vector<16xf32>
        %parallel_loop3A_890 = arith.mulf %parallel_loop3A_889, %get3A_4 : vector<16xf32>
        %parallel_loop3A_891 = arith.addf %parallel_loop3A_890, %get3A_7 : vector<16xf32>
        %parallel_loop3A_892 = arith.constant 5.000000e-01 : f32
        %parallel_loop3A_893 = vector.broadcast %parallel_loop3A_892 : f32 to vector<16xf32>
        %parallel_loop3A_894 = arith.maximumf %parallel_loop3A_891, %parallel_loop3A_893 : vector<16xf32>
        %parallel_loop3A_895 = arith.constant 1.525000e+01 : f32
        %parallel_loop3A_896 = vector.broadcast %parallel_loop3A_895 : f32 to vector<16xf32>
        %parallel_loop3A_897 = arith.minimumf %parallel_loop3A_894, %parallel_loop3A_896 : vector<16xf32>
        %parallel_loop3A_898 = arith.constant 0x4B000000 : f32
        %parallel_loop3A_899 = vector.broadcast %parallel_loop3A_898 : f32 to vector<16xf32>
        %parallel_loop3A_900 = arith.addf %parallel_loop3A_897, %parallel_loop3A_899 : vector<16xf32>
        %parallel_loop3A_901 = arith.constant 0x4B000008 : f32
        %parallel_loop3A_902 = vector.broadcast %parallel_loop3A_901 : f32 to vector<16xf32>
        %parallel_loop3A_903 = arith.subf %parallel_loop3A_900, %parallel_loop3A_902 : vector<16xf32>
        %parallel_loop3A_904 = arith.constant 6 : i32
        %parallel_loop3A_905 = arith.index_cast %parallel_loop3A_904 : i32 to index
        %parallel_loop3A_906 = arith.index_cast %parallel_loop3A_734 : i32 to index
        %parallel_loop3A_907 = tpu.vector_load %arg8[%parallel_loop3A_905, %parallel_loop3A_906] {strides = array<i32>} : memref<8x4096xf32, #tpu.memory_space<vmem>>, vector<1x16xf32>,
        %parallel_loop3A_908 = vector.shape_cast %parallel_loop3A_907 : vector<1x16xf32> to vector<16xf32>
        %parallel_loop3A_909 = vector.shape_cast %parallel_loop3A_903 : vector<16xf32> to vector<1x16xf32>
        tpu.vector_store %arg8[%parallel_loop3A_905, %parallel_loop3A_906], %parallel_loop3A_909 {strides = array<i32>} : memref<8x4096xf32, #tpu.memory_space<vmem>>, vector<1x16xf32>,
        %parallel_loop3A_910 = arith.constant 7 : i32
        %parallel_loop3A_911 = arith.index_cast %parallel_loop3A_910 : i32 to index
        %parallel_loop3A_912 = arith.index_cast %parallel_loop3A_734 : i32 to index
        %parallel_loop3A_913 = tpu.vector_load %arg8[%parallel_loop3A_911, %parallel_loop3A_912] {strides = array<i32>} : memref<8x4096xf32, #tpu.memory_space<vmem>>, vector<1x16xf32>,
        %parallel_loop3A_914 = vector.shape_cast %parallel_loop3A_913 : vector<1x16xf32> to vector<16xf32>
        %parallel_loop3A_915 = arith.mulf %parallel_loop3A_914, %get3A_4 : vector<16xf32>
        %parallel_loop3A_916 = arith.addf %parallel_loop3A_915, %get3A_7 : vector<16xf32>
        %parallel_loop3A_917 = arith.constant 5.000000e-01 : f32
        %parallel_loop3A_918 = vector.broadcast %parallel_loop3A_917 : f32 to vector<16xf32>
        %parallel_loop3A_919 = arith.maximumf %parallel_loop3A_916, %parallel_loop3A_918 : vector<16xf32>
        %parallel_loop3A_920 = arith.constant 1.525000e+01 : f32
        %parallel_loop3A_921 = vector.broadcast %parallel_loop3A_920 : f32 to vector<16xf32>
        %parallel_loop3A_922 = arith.minimumf %parallel_loop3A_919, %parallel_loop3A_921 : vector<16xf32>
        %parallel_loop3A_923 = arith.constant 0x4B000000 : f32
        %parallel_loop3A_924 = vector.broadcast %parallel_loop3A_923 : f32 to vector<16xf32>
        %parallel_loop3A_925 = arith.addf %parallel_loop3A_922, %parallel_loop3A_924 : vector<16xf32>
        %parallel_loop3A_926 = arith.constant 0x4B000008 : f32
        %parallel_loop3A_927 = vector.broadcast %parallel_loop3A_926 : f32 to vector<16xf32>
        %parallel_loop3A_928 = arith.subf %parallel_loop3A_925, %parallel_loop3A_927 : vector<16xf32>
        %parallel_loop3A_929 = arith.constant 7 : i32
        %parallel_loop3A_930 = arith.index_cast %parallel_loop3A_929 : i32 to index
        %parallel_loop3A_931 = arith.index_cast %parallel_loop3A_734 : i32 to index
        %parallel_loop3A_932 = tpu.vector_load %arg8[%parallel_loop3A_930, %parallel_loop3A_931] {strides = array<i32>} : memref<8x4096xf32, #tpu.memory_space<vmem>>, vector<1x16xf32>,
        %parallel_loop3A_933 = vector.shape_cast %parallel_loop3A_932 : vector<1x16xf32> to vector<16xf32>
        %parallel_loop3A_934 = vector.shape_cast %parallel_loop3A_928 : vector<16xf32> to vector<1x16xf32>
        tpu.vector_store %arg8[%parallel_loop3A_930, %parallel_loop3A_931], %parallel_loop3A_934 {strides = array<i32>} : memref<8x4096xf32, #tpu.memory_space<vmem>>, vector<1x16xf32>,
      } {sc.loop_unroll_factor = 1 : i64, sc.parallel_access}
      %jit3A_490 = arith.constant 2 : i32
      %div3A_491 = arith.divsi %add3A_341, %jit3A_490 : i32
      %sign3A_492 = arith.constant 0 : i32
      %sign3A_493 = arith.cmpi sgt, %add3A_341, %sign3A_492 : i32
      %sign3A_494 = arith.extui %sign3A_493 : i1 to i32
      %sign3A_495 = arith.constant 0 : i32
      %sign3A_496 = arith.cmpi slt, %add3A_341, %sign3A_495 : i32
      %sign3A_497 = arith.extui %sign3A_496 : i1 to i32
      %sign3A_498 = arith.subi %sign3A_494, %sign3A_497 : i32
      %sign3A_499 = arith.constant 0 : i32
      %sign3A_500 = arith.cmpi sgt, %jit3A_490, %sign3A_499 : i32
      %sign3A_501 = arith.extui %sign3A_500 : i1 to i32
      %sign3A_502 = arith.constant 0 : i32
      %sign3A_503 = arith.cmpi slt, %jit3A_490, %sign3A_502 : i32
      %sign3A_504 = arith.extui %sign3A_503 : i1 to i32
      %sign3A_505 = arith.subi %sign3A_501, %sign3A_504 : i32
      %ne3A_506 = arith.cmpi ne, %sign3A_498, %sign3A_505 : i32
      %rem3A_507 = arith.remsi %add3A_341, %jit3A_490 : i32
      %ne3A_508 = arith.constant 0 : i32
      %ne3A_509 = arith.cmpi ne, %rem3A_507, %ne3A_508 : i32
      %and3A_510 = arith.andi %ne3A_506, %ne3A_509 : i1
      %sub3A_511 = arith.constant 1 : i32
      %sub3A_512 = arith.subi %div3A_491, %sub3A_511 : i32
      %select_n3A_513 = arith.select %and3A_510, %sub3A_512, %div3A_491 : i32
      %mul3A_514 = arith.constant 8 : i32
      %mul3A_515 = arith.muli %select_n3A_513, %mul3A_514 : i32
      %add3A_516 = arith.addi %mul3A_2, %mul3A_515 : i32
      %jit3A_517 = arith.constant 2 : i32
      %eq3A_518 = arith.constant 0 : i32
      %eq3A_519 = arith.cmpi eq, %jit3A_517, %eq3A_518 : i32
      %jit3A_520 = arith.constant 1 : i32
      %select_n3A_521 = arith.select %eq3A_519, %jit3A_520, %jit3A_517 : i32
      %rem3A_522 = arith.remsi %add3A_341, %select_n3A_521 : i32
      %ne3A_523 = arith.constant 0 : i32
      %ne3A_524 = arith.cmpi ne, %rem3A_522, %ne3A_523 : i32
      %lt3A_525 = arith.constant 0 : i32
      %lt3A_526 = arith.cmpi slt, %rem3A_522, %lt3A_525 : i32
      %lt3A_527 = arith.constant 0 : i32
      %lt3A_528 = arith.cmpi slt, %select_n3A_521, %lt3A_527 : i32
      %ne3A_529 = arith.xori %lt3A_526, %lt3A_528 : i1
      %and3A_530 = arith.andi %ne3A_529, %ne3A_524 : i1
      %add3A_531 = arith.addi %rem3A_522, %select_n3A_521 : i32
      %select_n3A_532 = arith.select %and3A_530, %add3A_531, %rem3A_522 : i32
      %mul3A_533 = arith.constant 4096 : i32
      %mul3A_534 = arith.muli %select_n3A_532, %mul3A_533 : i32
      %dma_start3A_535 = tpu.memref_slice %arg5[%add3A_516, %mul3A_534] : memref<4096x8192xf32, #tpu.memory_space<hbm>> -> memref<8x4096xf32, #tpu.memory_space<hbm>>
      %dma_start3A_536 = tpu.memref_slice %arg5[%add3A_516, %mul3A_534] : memref<4096x8192xf32, #tpu.memory_space<hbm>> -> memref<8x4096xf32, #tpu.memory_space<hbm>>
      tpu.enqueue_dma source(%arg8 : memref<8x4096xf32, #tpu.memory_space<vmem>>) target(%dma_start3A_536 : memref<8x4096xf32, #tpu.memory_space<hbm>>) target_semaphore(%arg14 : memref<!tpu.dma_semaphore, #tpu.memory_space<semaphore_mem>>)
      %add3A_537 = arith.constant 2 : i32
      %add3A_538 = arith.addi %add3A_152, %add3A_537 : i32
      %sub3A_539 = arith.constant 1 : i32
      %sub3A_540 = arith.subi %add3A_538, %sub3A_539 : i32
      %jit3A_541 = arith.constant 2 : i32
      %div3A_542 = arith.divsi %sub3A_540, %jit3A_541 : i32
      %sign3A_543 = arith.constant 0 : i32
      %sign3A_544 = arith.cmpi sgt, %sub3A_540, %sign3A_543 : i32
      %sign3A_545 = arith.extui %sign3A_544 : i1 to i32
      %sign3A_546 = arith.constant 0 : i32
      %sign3A_547 = arith.cmpi slt, %sub3A_540, %sign3A_546 : i32
      %sign3A_548 = arith.extui %sign3A_547 : i1 to i32
      %sign3A_549 = arith.subi %sign3A_545, %sign3A_548 : i32
      %sign3A_550 = arith.constant 0 : i32
      %sign3A_551 = arith.cmpi sgt, %jit3A_541, %sign3A_550 : i32
      %sign3A_552 = arith.extui %sign3A_551 : i1 to i32
      %sign3A_553 = arith.constant 0 : i32
      %sign3A_554 = arith.cmpi slt, %jit3A_541, %sign3A_553 : i32
      %sign3A_555 = arith.extui %sign3A_554 : i1 to i32
      %sign3A_556 = arith.subi %sign3A_552, %sign3A_555 : i32
      %ne3A_557 = arith.cmpi ne, %sign3A_549, %sign3A_556 : i32
      %rem3A_558 = arith.remsi %sub3A_540, %jit3A_541 : i32
      %ne3A_559 = arith.constant 0 : i32
      %ne3A_560 = arith.cmpi ne, %rem3A_558, %ne3A_559 : i32
      %and3A_561 = arith.andi %ne3A_557, %ne3A_560 : i1
      %sub3A_562 = arith.constant 1 : i32
      %sub3A_563 = arith.subi %div3A_542, %sub3A_562 : i32
      %select_n3A_564 = arith.select %and3A_561, %sub3A_563, %div3A_542 : i32
      %mul3A_565 = arith.constant 8 : i32
      %mul3A_566 = arith.muli %select_n3A_564, %mul3A_565 : i32
      %add3A_567 = arith.addi %mul3A_2, %mul3A_566 : i32
      %jit3A_568 = arith.constant 2 : i32
      %eq3A_569 = arith.constant 0 : i32
      %eq3A_570 = arith.cmpi eq, %jit3A_568, %eq3A_569 : i32
      %jit3A_571 = arith.constant 1 : i32
      %select_n3A_572 = arith.select %eq3A_570, %jit3A_571, %jit3A_568 : i32
      %rem3A_573 = arith.remsi %sub3A_540, %select_n3A_572 : i32
      %ne3A_574 = arith.constant 0 : i32
      %ne3A_575 = arith.cmpi ne, %rem3A_573, %ne3A_574 : i32
      %lt3A_576 = arith.constant 0 : i32
      %lt3A_577 = arith.cmpi slt, %rem3A_573, %lt3A_576 : i32
      %lt3A_578 = arith.constant 0 : i32
      %lt3A_579 = arith.cmpi slt, %select_n3A_572, %lt3A_578 : i32
      %ne3A_580 = arith.xori %lt3A_577, %lt3A_579 : i1
      %and3A_581 = arith.andi %ne3A_580, %ne3A_575 : i1
      %add3A_582 = arith.addi %rem3A_573, %select_n3A_572 : i32
      %select_n3A_583 = arith.select %and3A_581, %add3A_582, %rem3A_573 : i32
      %mul3A_584 = arith.constant 4096 : i32
      %mul3A_585 = arith.muli %select_n3A_583, %mul3A_584 : i32
      %dma_wait3A_586 = tpu.memref_slice %arg5[%add3A_567, %mul3A_585] : memref<4096x8192xf32, #tpu.memory_space<hbm>> -> memref<8x4096xf32, #tpu.memory_space<hbm>>
      %dma_wait3A_587 = tpu.memref_slice %arg5[%add3A_567, %mul3A_585] : memref<4096x8192xf32, #tpu.memory_space<hbm>> -> memref<8x4096xf32, #tpu.memory_space<hbm>>
      tpu.wait_dma2 semaphore(%arg14 : memref<!tpu.dma_semaphore, #tpu.memory_space<semaphore_mem>>) src(%arg8 : memref<8x4096xf32, #tpu.memory_space<vmem>>) dst(%dma_wait3A_587 : memref<8x4096xf32, #tpu.memory_space<hbm>>)
      %add3A_588 = arith.constant 2 : i32
      %add3A_589 = arith.addi %add3A_538, %add3A_588 : i32
      %jit3A_590 = arith.constant 2 : i32
      %div3A_591 = arith.divsi %add3A_589, %jit3A_590 : i32
      %sign3A_592 = arith.constant 0 : i32
      %sign3A_593 = arith.cmpi sgt, %add3A_589, %sign3A_592 : i32
      %sign3A_594 = arith.extui %sign3A_593 : i1 to i32
      %sign3A_595 = arith.constant 0 : i32
      %sign3A_596 = arith.cmpi slt, %add3A_589, %sign3A_595 : i32
      %sign3A_597 = arith.extui %sign3A_596 : i1 to i32
      %sign3A_598 = arith.subi %sign3A_594, %sign3A_597 : i32
      %sign3A_599 = arith.constant 0 : i32
      %sign3A_600 = arith.cmpi sgt, %jit3A_590, %sign3A_599 : i32
      %sign3A_601 = arith.extui %sign3A_600 : i1 to i32
      %sign3A_602 = arith.constant 0 : i32
      %sign3A_603 = arith.cmpi slt, %jit3A_590, %sign3A_602 : i32
      %sign3A_604 = arith.extui %sign3A_603 : i1 to i32
      %sign3A_605 = arith.subi %sign3A_601, %sign3A_604 : i32
      %ne3A_606 = arith.cmpi ne, %sign3A_598, %sign3A_605 : i32
      %rem3A_607 = arith.remsi %add3A_589, %jit3A_590 : i32
      %ne3A_608 = arith.constant 0 : i32
      %ne3A_609 = arith.cmpi ne, %rem3A_607, %ne3A_608 : i32
      %and3A_610 = arith.andi %ne3A_606, %ne3A_609 : i1
      %sub3A_611 = arith.constant 1 : i32
      %sub3A_612 = arith.subi %div3A_591, %sub3A_611 : i32
      %select_n3A_613 = arith.select %and3A_610, %sub3A_612, %div3A_591 : i32
      %mul3A_614 = arith.constant 8 : i32
      %mul3A_615 = arith.muli %select_n3A_613, %mul3A_614 : i32
      %add3A_616 = arith.addi %mul3A_2, %mul3A_615 : i32
      %jit3A_617 = arith.constant 2 : i32
      %eq3A_618 = arith.constant 0 : i32
      %eq3A_619 = arith.cmpi eq, %jit3A_617, %eq3A_618 : i32
      %jit3A_620 = arith.constant 1 : i32
      %select_n3A_621 = arith.select %eq3A_619, %jit3A_620, %jit3A_617 : i32
      %rem3A_622 = arith.remsi %add3A_589, %select_n3A_621 : i32
      %ne3A_623 = arith.constant 0 : i32
      %ne3A_624 = arith.cmpi ne, %rem3A_622, %ne3A_623 : i32
      %lt3A_625 = arith.constant 0 : i32
      %lt3A_626 = arith.cmpi slt, %rem3A_622, %lt3A_625 : i32
      %lt3A_627 = arith.constant 0 : i32
      %lt3A_628 = arith.cmpi slt, %select_n3A_621, %lt3A_627 : i32
      %ne3A_629 = arith.xori %lt3A_626, %lt3A_628 : i1
      %and3A_630 = arith.andi %ne3A_629, %ne3A_624 : i1
      %add3A_631 = arith.addi %rem3A_622, %select_n3A_621 : i32
      %select_n3A_632 = arith.select %and3A_630, %add3A_631, %rem3A_622 : i32
      %mul3A_633 = arith.constant 4096 : i32
      %mul3A_634 = arith.muli %select_n3A_632, %mul3A_633 : i32
      %dma_start3A_635 = tpu.memref_slice %arg2[%add3A_616, %mul3A_634] : memref<4096x8192xf32, #tpu.memory_space<hbm>> -> memref<8x4096xf32, #tpu.memory_space<hbm>>
      %dma_start3A_636 = tpu.memref_slice %arg2[%add3A_616, %mul3A_634] : memref<4096x8192xf32, #tpu.memory_space<hbm>> -> memref<8x4096xf32, #tpu.memory_space<hbm>>
      tpu.enqueue_dma source(%dma_start3A_636 : memref<8x4096xf32, #tpu.memory_space<hbm>>) target(%arg8 : memref<8x4096xf32, #tpu.memory_space<vmem>>) target_semaphore(%arg11 : memref<!tpu.dma_semaphore, #tpu.memory_space<semaphore_mem>>)
      %jit3A_637 = arith.constant 2 : i32
      %div3A_638 = arith.divsi %add3A_538, %jit3A_637 : i32
      %sign3A_639 = arith.constant 0 : i32
      %sign3A_640 = arith.cmpi sgt, %add3A_538, %sign3A_639 : i32
      %sign3A_641 = arith.extui %sign3A_640 : i1 to i32
      %sign3A_642 = arith.constant 0 : i32
      %sign3A_643 = arith.cmpi slt, %add3A_538, %sign3A_642 : i32
      %sign3A_644 = arith.extui %sign3A_643 : i1 to i32
      %sign3A_645 = arith.subi %sign3A_641, %sign3A_644 : i32
      %sign3A_646 = arith.constant 0 : i32
      %sign3A_647 = arith.cmpi sgt, %jit3A_637, %sign3A_646 : i32
      %sign3A_648 = arith.extui %sign3A_647 : i1 to i32
      %sign3A_649 = arith.constant 0 : i32
      %sign3A_650 = arith.cmpi slt, %jit3A_637, %sign3A_649 : i32
      %sign3A_651 = arith.extui %sign3A_650 : i1 to i32
      %sign3A_652 = arith.subi %sign3A_648, %sign3A_651 : i32
      %ne3A_653 = arith.cmpi ne, %sign3A_645, %sign3A_652 : i32
      %rem3A_654 = arith.remsi %add3A_538, %jit3A_637 : i32
      %ne3A_655 = arith.constant 0 : i32
      %ne3A_656 = arith.cmpi ne, %rem3A_654, %ne3A_655 : i32
      %and3A_657 = arith.andi %ne3A_653, %ne3A_656 : i1
      %sub3A_658 = arith.constant 1 : i32
      %sub3A_659 = arith.subi %div3A_638, %sub3A_658 : i32
      %select_n3A_660 = arith.select %and3A_657, %sub3A_659, %div3A_638 : i32
      %mul3A_661 = arith.constant 8 : i32
      %mul3A_662 = arith.muli %select_n3A_660, %mul3A_661 : i32
      %add3A_663 = arith.addi %mul3A_2, %mul3A_662 : i32
      %jit3A_664 = arith.constant 2 : i32
      %eq3A_665 = arith.constant 0 : i32
      %eq3A_666 = arith.cmpi eq, %jit3A_664, %eq3A_665 : i32
      %jit3A_667 = arith.constant 1 : i32
      %select_n3A_668 = arith.select %eq3A_666, %jit3A_667, %jit3A_664 : i32
      %rem3A_669 = arith.remsi %add3A_538, %select_n3A_668 : i32
      %ne3A_670 = arith.constant 0 : i32
      %ne3A_671 = arith.cmpi ne, %rem3A_669, %ne3A_670 : i32
      %lt3A_672 = arith.constant 0 : i32
      %lt3A_673 = arith.cmpi slt, %rem3A_669, %lt3A_672 : i32
      %lt3A_674 = arith.constant 0 : i32
      %lt3A_675 = arith.cmpi slt, %select_n3A_668, %lt3A_674 : i32
      %ne3A_676 = arith.xori %lt3A_673, %lt3A_675 : i1
      %and3A_677 = arith.andi %ne3A_676, %ne3A_671 : i1
      %add3A_678 = arith.addi %rem3A_669, %select_n3A_668 : i32
      %select_n3A_679 = arith.select %and3A_677, %add3A_678, %rem3A_669 : i32
      %mul3A_680 = arith.constant 4096 : i32
      %mul3A_681 = arith.muli %select_n3A_679, %mul3A_680 : i32
      %dma_wait3A_682 = tpu.memref_slice %arg2[%add3A_663, %mul3A_681] : memref<4096x8192xf32, #tpu.memory_space<hbm>> -> memref<8x4096xf32, #tpu.memory_space<hbm>>
      %dma_wait3A_683 = tpu.memref_slice %arg2[%add3A_663, %mul3A_681] : memref<4096x8192xf32, #tpu.memory_space<hbm>> -> memref<8x4096xf32, #tpu.memory_space<hbm>>
      tpu.wait_dma2 semaphore(%arg12 : memref<!tpu.dma_semaphore, #tpu.memory_space<semaphore_mem>>) src(%dma_wait3A_683 : memref<8x4096xf32, #tpu.memory_space<hbm>>) dst(%arg9 : memref<8x4096xf32, #tpu.memory_space<vmem>>)
      %parallel_loop3A_684 = arith.constant 0 : i32
      %parallel_loop3A_685 = arith.constant 4096 : i32
      %parallel_loop3A_686 = arith.constant 16 : i32
      scf.for %parallel_loop3A_734 = %parallel_loop3A_684 to %parallel_loop3A_685 step %parallel_loop3A_686  : i32 {
        %parallel_loop3A_735 = arith.constant 0 : i32
        %parallel_loop3A_736 = arith.index_cast %parallel_loop3A_735 : i32 to index
        %parallel_loop3A_737 = arith.index_cast %parallel_loop3A_734 : i32 to index
        %parallel_loop3A_738 = tpu.vector_load %arg9[%parallel_loop3A_736, %parallel_loop3A_737] {strides = array<i32>} : memref<8x4096xf32, #tpu.memory_space<vmem>>, vector<1x16xf32>,
        %parallel_loop3A_739 = vector.shape_cast %parallel_loop3A_738 : vector<1x16xf32> to vector<16xf32>
        %parallel_loop3A_740 = arith.mulf %parallel_loop3A_739, %get3A_4 : vector<16xf32>
        %parallel_loop3A_741 = arith.addf %parallel_loop3A_740, %get3A_7 : vector<16xf32>
        %parallel_loop3A_742 = arith.constant 5.000000e-01 : f32
        %parallel_loop3A_743 = vector.broadcast %parallel_loop3A_742 : f32 to vector<16xf32>
        %parallel_loop3A_744 = arith.maximumf %parallel_loop3A_741, %parallel_loop3A_743 : vector<16xf32>
        %parallel_loop3A_745 = arith.constant 1.525000e+01 : f32
        %parallel_loop3A_746 = vector.broadcast %parallel_loop3A_745 : f32 to vector<16xf32>
        %parallel_loop3A_747 = arith.minimumf %parallel_loop3A_744, %parallel_loop3A_746 : vector<16xf32>
        %parallel_loop3A_748 = arith.constant 0x4B000000 : f32
        %parallel_loop3A_749 = vector.broadcast %parallel_loop3A_748 : f32 to vector<16xf32>
        %parallel_loop3A_750 = arith.addf %parallel_loop3A_747, %parallel_loop3A_749 : vector<16xf32>
        %parallel_loop3A_751 = arith.constant 0x4B000008 : f32
        %parallel_loop3A_752 = vector.broadcast %parallel_loop3A_751 : f32 to vector<16xf32>
        %parallel_loop3A_753 = arith.subf %parallel_loop3A_750, %parallel_loop3A_752 : vector<16xf32>
        %parallel_loop3A_754 = arith.constant 0 : i32
        %parallel_loop3A_755 = arith.index_cast %parallel_loop3A_754 : i32 to index
        %parallel_loop3A_756 = arith.index_cast %parallel_loop3A_734 : i32 to index
        %parallel_loop3A_757 = tpu.vector_load %arg9[%parallel_loop3A_755, %parallel_loop3A_756] {strides = array<i32>} : memref<8x4096xf32, #tpu.memory_space<vmem>>, vector<1x16xf32>,
        %parallel_loop3A_758 = vector.shape_cast %parallel_loop3A_757 : vector<1x16xf32> to vector<16xf32>
        %parallel_loop3A_759 = vector.shape_cast %parallel_loop3A_753 : vector<16xf32> to vector<1x16xf32>
        tpu.vector_store %arg9[%parallel_loop3A_755, %parallel_loop3A_756], %parallel_loop3A_759 {strides = array<i32>} : memref<8x4096xf32, #tpu.memory_space<vmem>>, vector<1x16xf32>,
        %parallel_loop3A_760 = arith.constant 1 : i32
        %parallel_loop3A_761 = arith.index_cast %parallel_loop3A_760 : i32 to index
        %parallel_loop3A_762 = arith.index_cast %parallel_loop3A_734 : i32 to index
        %parallel_loop3A_763 = tpu.vector_load %arg9[%parallel_loop3A_761, %parallel_loop3A_762] {strides = array<i32>} : memref<8x4096xf32, #tpu.memory_space<vmem>>, vector<1x16xf32>,
        %parallel_loop3A_764 = vector.shape_cast %parallel_loop3A_763 : vector<1x16xf32> to vector<16xf32>
        %parallel_loop3A_765 = arith.mulf %parallel_loop3A_764, %get3A_4 : vector<16xf32>
        %parallel_loop3A_766 = arith.addf %parallel_loop3A_765, %get3A_7 : vector<16xf32>
        %parallel_loop3A_767 = arith.constant 5.000000e-01 : f32
        %parallel_loop3A_768 = vector.broadcast %parallel_loop3A_767 : f32 to vector<16xf32>
        %parallel_loop3A_769 = arith.maximumf %parallel_loop3A_766, %parallel_loop3A_768 : vector<16xf32>
        %parallel_loop3A_770 = arith.constant 1.525000e+01 : f32
        %parallel_loop3A_771 = vector.broadcast %parallel_loop3A_770 : f32 to vector<16xf32>
        %parallel_loop3A_772 = arith.minimumf %parallel_loop3A_769, %parallel_loop3A_771 : vector<16xf32>
        %parallel_loop3A_773 = arith.constant 0x4B000000 : f32
        %parallel_loop3A_774 = vector.broadcast %parallel_loop3A_773 : f32 to vector<16xf32>
        %parallel_loop3A_775 = arith.addf %parallel_loop3A_772, %parallel_loop3A_774 : vector<16xf32>
        %parallel_loop3A_776 = arith.constant 0x4B000008 : f32
        %parallel_loop3A_777 = vector.broadcast %parallel_loop3A_776 : f32 to vector<16xf32>
        %parallel_loop3A_778 = arith.subf %parallel_loop3A_775, %parallel_loop3A_777 : vector<16xf32>
        %parallel_loop3A_779 = arith.constant 1 : i32
        %parallel_loop3A_780 = arith.index_cast %parallel_loop3A_779 : i32 to index
        %parallel_loop3A_781 = arith.index_cast %parallel_loop3A_734 : i32 to index
        %parallel_loop3A_782 = tpu.vector_load %arg9[%parallel_loop3A_780, %parallel_loop3A_781] {strides = array<i32>} : memref<8x4096xf32, #tpu.memory_space<vmem>>, vector<1x16xf32>,
        %parallel_loop3A_783 = vector.shape_cast %parallel_loop3A_782 : vector<1x16xf32> to vector<16xf32>
        %parallel_loop3A_784 = vector.shape_cast %parallel_loop3A_778 : vector<16xf32> to vector<1x16xf32>
        tpu.vector_store %arg9[%parallel_loop3A_780, %parallel_loop3A_781], %parallel_loop3A_784 {strides = array<i32>} : memref<8x4096xf32, #tpu.memory_space<vmem>>, vector<1x16xf32>,
        %parallel_loop3A_785 = arith.constant 2 : i32
        %parallel_loop3A_786 = arith.index_cast %parallel_loop3A_785 : i32 to index
        %parallel_loop3A_787 = arith.index_cast %parallel_loop3A_734 : i32 to index
        %parallel_loop3A_788 = tpu.vector_load %arg9[%parallel_loop3A_786, %parallel_loop3A_787] {strides = array<i32>} : memref<8x4096xf32, #tpu.memory_space<vmem>>, vector<1x16xf32>,
        %parallel_loop3A_789 = vector.shape_cast %parallel_loop3A_788 : vector<1x16xf32> to vector<16xf32>
        %parallel_loop3A_790 = arith.mulf %parallel_loop3A_789, %get3A_4 : vector<16xf32>
        %parallel_loop3A_791 = arith.addf %parallel_loop3A_790, %get3A_7 : vector<16xf32>
        %parallel_loop3A_792 = arith.constant 5.000000e-01 : f32
        %parallel_loop3A_793 = vector.broadcast %parallel_loop3A_792 : f32 to vector<16xf32>
        %parallel_loop3A_794 = arith.maximumf %parallel_loop3A_791, %parallel_loop3A_793 : vector<16xf32>
        %parallel_loop3A_795 = arith.constant 1.525000e+01 : f32
        %parallel_loop3A_796 = vector.broadcast %parallel_loop3A_795 : f32 to vector<16xf32>
        %parallel_loop3A_797 = arith.minimumf %parallel_loop3A_794, %parallel_loop3A_796 : vector<16xf32>
        %parallel_loop3A_798 = arith.constant 0x4B000000 : f32
        %parallel_loop3A_799 = vector.broadcast %parallel_loop3A_798 : f32 to vector<16xf32>
        %parallel_loop3A_800 = arith.addf %parallel_loop3A_797, %parallel_loop3A_799 : vector<16xf32>
        %parallel_loop3A_801 = arith.constant 0x4B000008 : f32
        %parallel_loop3A_802 = vector.broadcast %parallel_loop3A_801 : f32 to vector<16xf32>
        %parallel_loop3A_803 = arith.subf %parallel_loop3A_800, %parallel_loop3A_802 : vector<16xf32>
        %parallel_loop3A_804 = arith.constant 2 : i32
        %parallel_loop3A_805 = arith.index_cast %parallel_loop3A_804 : i32 to index
        %parallel_loop3A_806 = arith.index_cast %parallel_loop3A_734 : i32 to index
        %parallel_loop3A_807 = tpu.vector_load %arg9[%parallel_loop3A_805, %parallel_loop3A_806] {strides = array<i32>} : memref<8x4096xf32, #tpu.memory_space<vmem>>, vector<1x16xf32>,
        %parallel_loop3A_808 = vector.shape_cast %parallel_loop3A_807 : vector<1x16xf32> to vector<16xf32>
        %parallel_loop3A_809 = vector.shape_cast %parallel_loop3A_803 : vector<16xf32> to vector<1x16xf32>
        tpu.vector_store %arg9[%parallel_loop3A_805, %parallel_loop3A_806], %parallel_loop3A_809 {strides = array<i32>} : memref<8x4096xf32, #tpu.memory_space<vmem>>, vector<1x16xf32>,
        %parallel_loop3A_810 = arith.constant 3 : i32
        %parallel_loop3A_811 = arith.index_cast %parallel_loop3A_810 : i32 to index
        %parallel_loop3A_812 = arith.index_cast %parallel_loop3A_734 : i32 to index
        %parallel_loop3A_813 = tpu.vector_load %arg9[%parallel_loop3A_811, %parallel_loop3A_812] {strides = array<i32>} : memref<8x4096xf32, #tpu.memory_space<vmem>>, vector<1x16xf32>,
        %parallel_loop3A_814 = vector.shape_cast %parallel_loop3A_813 : vector<1x16xf32> to vector<16xf32>
        %parallel_loop3A_815 = arith.mulf %parallel_loop3A_814, %get3A_4 : vector<16xf32>
        %parallel_loop3A_816 = arith.addf %parallel_loop3A_815, %get3A_7 : vector<16xf32>
        %parallel_loop3A_817 = arith.constant 5.000000e-01 : f32
        %parallel_loop3A_818 = vector.broadcast %parallel_loop3A_817 : f32 to vector<16xf32>
        %parallel_loop3A_819 = arith.maximumf %parallel_loop3A_816, %parallel_loop3A_818 : vector<16xf32>
        %parallel_loop3A_820 = arith.constant 1.525000e+01 : f32
        %parallel_loop3A_821 = vector.broadcast %parallel_loop3A_820 : f32 to vector<16xf32>
        %parallel_loop3A_822 = arith.minimumf %parallel_loop3A_819, %parallel_loop3A_821 : vector<16xf32>
        %parallel_loop3A_823 = arith.constant 0x4B000000 : f32
        %parallel_loop3A_824 = vector.broadcast %parallel_loop3A_823 : f32 to vector<16xf32>
        %parallel_loop3A_825 = arith.addf %parallel_loop3A_822, %parallel_loop3A_824 : vector<16xf32>
        %parallel_loop3A_826 = arith.constant 0x4B000008 : f32
        %parallel_loop3A_827 = vector.broadcast %parallel_loop3A_826 : f32 to vector<16xf32>
        %parallel_loop3A_828 = arith.subf %parallel_loop3A_825, %parallel_loop3A_827 : vector<16xf32>
        %parallel_loop3A_829 = arith.constant 3 : i32
        %parallel_loop3A_830 = arith.index_cast %parallel_loop3A_829 : i32 to index
        %parallel_loop3A_831 = arith.index_cast %parallel_loop3A_734 : i32 to index
        %parallel_loop3A_832 = tpu.vector_load %arg9[%parallel_loop3A_830, %parallel_loop3A_831] {strides = array<i32>} : memref<8x4096xf32, #tpu.memory_space<vmem>>, vector<1x16xf32>,
        %parallel_loop3A_833 = vector.shape_cast %parallel_loop3A_832 : vector<1x16xf32> to vector<16xf32>
        %parallel_loop3A_834 = vector.shape_cast %parallel_loop3A_828 : vector<16xf32> to vector<1x16xf32>
        tpu.vector_store %arg9[%parallel_loop3A_830, %parallel_loop3A_831], %parallel_loop3A_834 {strides = array<i32>} : memref<8x4096xf32, #tpu.memory_space<vmem>>, vector<1x16xf32>,
        %parallel_loop3A_835 = arith.constant 4 : i32
        %parallel_loop3A_836 = arith.index_cast %parallel_loop3A_835 : i32 to index
        %parallel_loop3A_837 = arith.index_cast %parallel_loop3A_734 : i32 to index
        %parallel_loop3A_838 = tpu.vector_load %arg9[%parallel_loop3A_836, %parallel_loop3A_837] {strides = array<i32>} : memref<8x4096xf32, #tpu.memory_space<vmem>>, vector<1x16xf32>,
        %parallel_loop3A_839 = vector.shape_cast %parallel_loop3A_838 : vector<1x16xf32> to vector<16xf32>
        %parallel_loop3A_840 = arith.mulf %parallel_loop3A_839, %get3A_4 : vector<16xf32>
        %parallel_loop3A_841 = arith.addf %parallel_loop3A_840, %get3A_7 : vector<16xf32>
        %parallel_loop3A_842 = arith.constant 5.000000e-01 : f32
        %parallel_loop3A_843 = vector.broadcast %parallel_loop3A_842 : f32 to vector<16xf32>
        %parallel_loop3A_844 = arith.maximumf %parallel_loop3A_841, %parallel_loop3A_843 : vector<16xf32>
        %parallel_loop3A_845 = arith.constant 1.525000e+01 : f32
        %parallel_loop3A_846 = vector.broadcast %parallel_loop3A_845 : f32 to vector<16xf32>
        %parallel_loop3A_847 = arith.minimumf %parallel_loop3A_844, %parallel_loop3A_846 : vector<16xf32>
        %parallel_loop3A_848 = arith.constant 0x4B000000 : f32
        %parallel_loop3A_849 = vector.broadcast %parallel_loop3A_848 : f32 to vector<16xf32>
        %parallel_loop3A_850 = arith.addf %parallel_loop3A_847, %parallel_loop3A_849 : vector<16xf32>
        %parallel_loop3A_851 = arith.constant 0x4B000008 : f32
        %parallel_loop3A_852 = vector.broadcast %parallel_loop3A_851 : f32 to vector<16xf32>
        %parallel_loop3A_853 = arith.subf %parallel_loop3A_850, %parallel_loop3A_852 : vector<16xf32>
        %parallel_loop3A_854 = arith.constant 4 : i32
        %parallel_loop3A_855 = arith.index_cast %parallel_loop3A_854 : i32 to index
        %parallel_loop3A_856 = arith.index_cast %parallel_loop3A_734 : i32 to index
        %parallel_loop3A_857 = tpu.vector_load %arg9[%parallel_loop3A_855, %parallel_loop3A_856] {strides = array<i32>} : memref<8x4096xf32, #tpu.memory_space<vmem>>, vector<1x16xf32>,
        %parallel_loop3A_858 = vector.shape_cast %parallel_loop3A_857 : vector<1x16xf32> to vector<16xf32>
        %parallel_loop3A_859 = vector.shape_cast %parallel_loop3A_853 : vector<16xf32> to vector<1x16xf32>
        tpu.vector_store %arg9[%parallel_loop3A_855, %parallel_loop3A_856], %parallel_loop3A_859 {strides = array<i32>} : memref<8x4096xf32, #tpu.memory_space<vmem>>, vector<1x16xf32>,
        %parallel_loop3A_860 = arith.constant 5 : i32
        %parallel_loop3A_861 = arith.index_cast %parallel_loop3A_860 : i32 to index
        %parallel_loop3A_862 = arith.index_cast %parallel_loop3A_734 : i32 to index
        %parallel_loop3A_863 = tpu.vector_load %arg9[%parallel_loop3A_861, %parallel_loop3A_862] {strides = array<i32>} : memref<8x4096xf32, #tpu.memory_space<vmem>>, vector<1x16xf32>,
        %parallel_loop3A_864 = vector.shape_cast %parallel_loop3A_863 : vector<1x16xf32> to vector<16xf32>
        %parallel_loop3A_865 = arith.mulf %parallel_loop3A_864, %get3A_4 : vector<16xf32>
        %parallel_loop3A_866 = arith.addf %parallel_loop3A_865, %get3A_7 : vector<16xf32>
        %parallel_loop3A_867 = arith.constant 5.000000e-01 : f32
        %parallel_loop3A_868 = vector.broadcast %parallel_loop3A_867 : f32 to vector<16xf32>
        %parallel_loop3A_869 = arith.maximumf %parallel_loop3A_866, %parallel_loop3A_868 : vector<16xf32>
        %parallel_loop3A_870 = arith.constant 1.525000e+01 : f32
        %parallel_loop3A_871 = vector.broadcast %parallel_loop3A_870 : f32 to vector<16xf32>
        %parallel_loop3A_872 = arith.minimumf %parallel_loop3A_869, %parallel_loop3A_871 : vector<16xf32>
        %parallel_loop3A_873 = arith.constant 0x4B000000 : f32
        %parallel_loop3A_874 = vector.broadcast %parallel_loop3A_873 : f32 to vector<16xf32>
        %parallel_loop3A_875 = arith.addf %parallel_loop3A_872, %parallel_loop3A_874 : vector<16xf32>
        %parallel_loop3A_876 = arith.constant 0x4B000008 : f32
        %parallel_loop3A_877 = vector.broadcast %parallel_loop3A_876 : f32 to vector<16xf32>
        %parallel_loop3A_878 = arith.subf %parallel_loop3A_875, %parallel_loop3A_877 : vector<16xf32>
        %parallel_loop3A_879 = arith.constant 5 : i32
        %parallel_loop3A_880 = arith.index_cast %parallel_loop3A_879 : i32 to index
        %parallel_loop3A_881 = arith.index_cast %parallel_loop3A_734 : i32 to index
        %parallel_loop3A_882 = tpu.vector_load %arg9[%parallel_loop3A_880, %parallel_loop3A_881] {strides = array<i32>} : memref<8x4096xf32, #tpu.memory_space<vmem>>, vector<1x16xf32>,
        %parallel_loop3A_883 = vector.shape_cast %parallel_loop3A_882 : vector<1x16xf32> to vector<16xf32>
        %parallel_loop3A_884 = vector.shape_cast %parallel_loop3A_878 : vector<16xf32> to vector<1x16xf32>
        tpu.vector_store %arg9[%parallel_loop3A_880, %parallel_loop3A_881], %parallel_loop3A_884 {strides = array<i32>} : memref<8x4096xf32, #tpu.memory_space<vmem>>, vector<1x16xf32>,
        %parallel_loop3A_885 = arith.constant 6 : i32
        %parallel_loop3A_886 = arith.index_cast %parallel_loop3A_885 : i32 to index
        %parallel_loop3A_887 = arith.index_cast %parallel_loop3A_734 : i32 to index
        %parallel_loop3A_888 = tpu.vector_load %arg9[%parallel_loop3A_886, %parallel_loop3A_887] {strides = array<i32>} : memref<8x4096xf32, #tpu.memory_space<vmem>>, vector<1x16xf32>,
        %parallel_loop3A_889 = vector.shape_cast %parallel_loop3A_888 : vector<1x16xf32> to vector<16xf32>
        %parallel_loop3A_890 = arith.mulf %parallel_loop3A_889, %get3A_4 : vector<16xf32>
        %parallel_loop3A_891 = arith.addf %parallel_loop3A_890, %get3A_7 : vector<16xf32>
        %parallel_loop3A_892 = arith.constant 5.000000e-01 : f32
        %parallel_loop3A_893 = vector.broadcast %parallel_loop3A_892 : f32 to vector<16xf32>
        %parallel_loop3A_894 = arith.maximumf %parallel_loop3A_891, %parallel_loop3A_893 : vector<16xf32>
        %parallel_loop3A_895 = arith.constant 1.525000e+01 : f32
        %parallel_loop3A_896 = vector.broadcast %parallel_loop3A_895 : f32 to vector<16xf32>
        %parallel_loop3A_897 = arith.minimumf %parallel_loop3A_894, %parallel_loop3A_896 : vector<16xf32>
        %parallel_loop3A_898 = arith.constant 0x4B000000 : f32
        %parallel_loop3A_899 = vector.broadcast %parallel_loop3A_898 : f32 to vector<16xf32>
        %parallel_loop3A_900 = arith.addf %parallel_loop3A_897, %parallel_loop3A_899 : vector<16xf32>
        %parallel_loop3A_901 = arith.constant 0x4B000008 : f32
        %parallel_loop3A_902 = vector.broadcast %parallel_loop3A_901 : f32 to vector<16xf32>
        %parallel_loop3A_903 = arith.subf %parallel_loop3A_900, %parallel_loop3A_902 : vector<16xf32>
        %parallel_loop3A_904 = arith.constant 6 : i32
        %parallel_loop3A_905 = arith.index_cast %parallel_loop3A_904 : i32 to index
        %parallel_loop3A_906 = arith.index_cast %parallel_loop3A_734 : i32 to index
        %parallel_loop3A_907 = tpu.vector_load %arg9[%parallel_loop3A_905, %parallel_loop3A_906] {strides = array<i32>} : memref<8x4096xf32, #tpu.memory_space<vmem>>, vector<1x16xf32>,
        %parallel_loop3A_908 = vector.shape_cast %parallel_loop3A_907 : vector<1x16xf32> to vector<16xf32>
        %parallel_loop3A_909 = vector.shape_cast %parallel_loop3A_903 : vector<16xf32> to vector<1x16xf32>
        tpu.vector_store %arg9[%parallel_loop3A_905, %parallel_loop3A_906], %parallel_loop3A_909 {strides = array<i32>} : memref<8x4096xf32, #tpu.memory_space<vmem>>, vector<1x16xf32>,
        %parallel_loop3A_910 = arith.constant 7 : i32
        %parallel_loop3A_911 = arith.index_cast %parallel_loop3A_910 : i32 to index
        %parallel_loop3A_912 = arith.index_cast %parallel_loop3A_734 : i32 to index
        %parallel_loop3A_913 = tpu.vector_load %arg9[%parallel_loop3A_911, %parallel_loop3A_912] {strides = array<i32>} : memref<8x4096xf32, #tpu.memory_space<vmem>>, vector<1x16xf32>,
        %parallel_loop3A_914 = vector.shape_cast %parallel_loop3A_913 : vector<1x16xf32> to vector<16xf32>
        %parallel_loop3A_915 = arith.mulf %parallel_loop3A_914, %get3A_4 : vector<16xf32>
        %parallel_loop3A_916 = arith.addf %parallel_loop3A_915, %get3A_7 : vector<16xf32>
        %parallel_loop3A_917 = arith.constant 5.000000e-01 : f32
        %parallel_loop3A_918 = vector.broadcast %parallel_loop3A_917 : f32 to vector<16xf32>
        %parallel_loop3A_919 = arith.maximumf %parallel_loop3A_916, %parallel_loop3A_918 : vector<16xf32>
        %parallel_loop3A_920 = arith.constant 1.525000e+01 : f32
        %parallel_loop3A_921 = vector.broadcast %parallel_loop3A_920 : f32 to vector<16xf32>
        %parallel_loop3A_922 = arith.minimumf %parallel_loop3A_919, %parallel_loop3A_921 : vector<16xf32>
        %parallel_loop3A_923 = arith.constant 0x4B000000 : f32
        %parallel_loop3A_924 = vector.broadcast %parallel_loop3A_923 : f32 to vector<16xf32>
        %parallel_loop3A_925 = arith.addf %parallel_loop3A_922, %parallel_loop3A_924 : vector<16xf32>
        %parallel_loop3A_926 = arith.constant 0x4B000008 : f32
        %parallel_loop3A_927 = vector.broadcast %parallel_loop3A_926 : f32 to vector<16xf32>
        %parallel_loop3A_928 = arith.subf %parallel_loop3A_925, %parallel_loop3A_927 : vector<16xf32>
        %parallel_loop3A_929 = arith.constant 7 : i32
        %parallel_loop3A_930 = arith.index_cast %parallel_loop3A_929 : i32 to index
        %parallel_loop3A_931 = arith.index_cast %parallel_loop3A_734 : i32 to index
        %parallel_loop3A_932 = tpu.vector_load %arg9[%parallel_loop3A_930, %parallel_loop3A_931] {strides = array<i32>} : memref<8x4096xf32, #tpu.memory_space<vmem>>, vector<1x16xf32>,
        %parallel_loop3A_933 = vector.shape_cast %parallel_loop3A_932 : vector<1x16xf32> to vector<16xf32>
        %parallel_loop3A_934 = vector.shape_cast %parallel_loop3A_928 : vector<16xf32> to vector<1x16xf32>
        tpu.vector_store %arg9[%parallel_loop3A_930, %parallel_loop3A_931], %parallel_loop3A_934 {strides = array<i32>} : memref<8x4096xf32, #tpu.memory_space<vmem>>, vector<1x16xf32>,
      } {sc.loop_unroll_factor = 1 : i64, sc.parallel_access}
      %jit3A_687 = arith.constant 2 : i32
      %div3A_688 = arith.divsi %add3A_538, %jit3A_687 : i32
      %sign3A_689 = arith.constant 0 : i32
      %sign3A_690 = arith.cmpi sgt, %add3A_538, %sign3A_689 : i32
      %sign3A_691 = arith.extui %sign3A_690 : i1 to i32
      %sign3A_692 = arith.constant 0 : i32
      %sign3A_693 = arith.cmpi slt, %add3A_538, %sign3A_692 : i32
      %sign3A_694 = arith.extui %sign3A_693 : i1 to i32
      %sign3A_695 = arith.subi %sign3A_691, %sign3A_694 : i32
      %sign3A_696 = arith.constant 0 : i32
      %sign3A_697 = arith.cmpi sgt, %jit3A_687, %sign3A_696 : i32
      %sign3A_698 = arith.extui %sign3A_697 : i1 to i32
      %sign3A_699 = arith.constant 0 : i32
      %sign3A_700 = arith.cmpi slt, %jit3A_687, %sign3A_699 : i32
      %sign3A_701 = arith.extui %sign3A_700 : i1 to i32
      %sign3A_702 = arith.subi %sign3A_698, %sign3A_701 : i32
      %ne3A_703 = arith.cmpi ne, %sign3A_695, %sign3A_702 : i32
      %rem3A_704 = arith.remsi %add3A_538, %jit3A_687 : i32
      %ne3A_705 = arith.constant 0 : i32
      %ne3A_706 = arith.cmpi ne, %rem3A_704, %ne3A_705 : i32
      %and3A_707 = arith.andi %ne3A_703, %ne3A_706 : i1
      %sub3A_708 = arith.constant 1 : i32
      %sub3A_709 = arith.subi %div3A_688, %sub3A_708 : i32
      %select_n3A_710 = arith.select %and3A_707, %sub3A_709, %div3A_688 : i32
      %mul3A_711 = arith.constant 8 : i32
      %mul3A_712 = arith.muli %select_n3A_710, %mul3A_711 : i32
      %add3A_713 = arith.addi %mul3A_2, %mul3A_712 : i32
      %jit3A_714 = arith.constant 2 : i32
      %eq3A_715 = arith.constant 0 : i32
      %eq3A_716 = arith.cmpi eq, %jit3A_714, %eq3A_715 : i32
      %jit3A_717 = arith.constant 1 : i32
      %select_n3A_718 = arith.select %eq3A_716, %jit3A_717, %jit3A_714 : i32
      %rem3A_719 = arith.remsi %add3A_538, %select_n3A_718 : i32
      %ne3A_720 = arith.constant 0 : i32
      %ne3A_721 = arith.cmpi ne, %rem3A_719, %ne3A_720 : i32
      %lt3A_722 = arith.constant 0 : i32
      %lt3A_723 = arith.cmpi slt, %rem3A_719, %lt3A_722 : i32
      %lt3A_724 = arith.constant 0 : i32
      %lt3A_725 = arith.cmpi slt, %select_n3A_718, %lt3A_724 : i32
      %ne3A_726 = arith.xori %lt3A_723, %lt3A_725 : i1
      %and3A_727 = arith.andi %ne3A_726, %ne3A_721 : i1
      %add3A_728 = arith.addi %rem3A_719, %select_n3A_718 : i32
      %select_n3A_729 = arith.select %and3A_727, %add3A_728, %rem3A_719 : i32
      %mul3A_730 = arith.constant 4096 : i32
      %mul3A_731 = arith.muli %select_n3A_729, %mul3A_730 : i32
      %dma_start3A_732 = tpu.memref_slice %arg5[%add3A_713, %mul3A_731] : memref<4096x8192xf32, #tpu.memory_space<hbm>> -> memref<8x4096xf32, #tpu.memory_space<hbm>>
      %dma_start3A_733 = tpu.memref_slice %arg5[%add3A_713, %mul3A_731] : memref<4096x8192xf32, #tpu.memory_space<hbm>> -> memref<8x4096xf32, #tpu.memory_space<hbm>>
      tpu.enqueue_dma source(%arg9 : memref<8x4096xf32, #tpu.memory_space<vmem>>) target(%dma_start3A_733 : memref<8x4096xf32, #tpu.memory_space<hbm>>) target_semaphore(%arg15 : memref<!tpu.dma_semaphore, #tpu.memory_space<semaphore_mem>>)
    }
    %scan3A_68 = arith.constant 9 : i32
    %add3A_69 = arith.constant 112 : i32
    %add3A_70 = arith.addi %mul3A_2, %add3A_69 : i32
    %dma_wait3A_71 = arith.constant 0 : i32
    %dma_wait3A_72 = tpu.memref_slice %arg5[%add3A_70, %dma_wait3A_71] : memref<4096x8192xf32, #tpu.memory_space<hbm>> -> memref<8x4096xf32, #tpu.memory_space<hbm>>
    %dma_wait3A_73 = arith.constant 0 : i32
    %dma_wait3A_74 = tpu.memref_slice %arg5[%add3A_70, %dma_wait3A_73] : memref<4096x8192xf32, #tpu.memory_space<hbm>> -> memref<8x4096xf32, #tpu.memory_space<hbm>>
    tpu.wait_dma2 semaphore(%arg15 : memref<!tpu.dma_semaphore, #tpu.memory_space<semaphore_mem>>) src(%arg9 : memref<8x4096xf32, #tpu.memory_space<vmem>>) dst(%dma_wait3A_74 : memref<8x4096xf32, #tpu.memory_space<hbm>>)
    %add3A_75 = arith.constant 120 : i32
    %add3A_76 = arith.addi %mul3A_2, %add3A_75 : i32
    %dma_start3A_77 = arith.constant 4096 : i32
    %dma_start3A_78 = tpu.memref_slice %arg2[%add3A_76, %dma_start3A_77] : memref<4096x8192xf32, #tpu.memory_space<hbm>> -> memref<8x4096xf32, #tpu.memory_space<hbm>>
    %dma_start3A_79 = arith.constant 4096 : i32
    %dma_start3A_80 = tpu.memref_slice %arg2[%add3A_76, %dma_start3A_79] : memref<4096x8192xf32, #tpu.memory_space<hbm>> -> memref<8x4096xf32, #tpu.memory_space<hbm>>
    tpu.enqueue_dma source(%dma_start3A_80 : memref<8x4096xf32, #tpu.memory_space<hbm>>) target(%arg9 : memref<8x4096xf32, #tpu.memory_space<vmem>>) target_semaphore(%arg12 : memref<!tpu.dma_semaphore, #tpu.memory_space<semaphore_mem>>)
    %add3A_81 = arith.constant 112 : i32
    %add3A_82 = arith.addi %mul3A_2, %add3A_81 : i32
    %dma_wait3A_83 = arith.constant 4096 : i32
    %dma_wait3A_84 = tpu.memref_slice %arg2[%add3A_82, %dma_wait3A_83] : memref<4096x8192xf32, #tpu.memory_space<hbm>> -> memref<8x4096xf32, #tpu.memory_space<hbm>>
    %dma_wait3A_85 = arith.constant 4096 : i32
    %dma_wait3A_86 = tpu.memref_slice %arg2[%add3A_82, %dma_wait3A_85] : memref<4096x8192xf32, #tpu.memory_space<hbm>> -> memref<8x4096xf32, #tpu.memory_space<hbm>>
    tpu.wait_dma2 semaphore(%arg13 : memref<!tpu.dma_semaphore, #tpu.memory_space<semaphore_mem>>) src(%dma_wait3A_86 : memref<8x4096xf32, #tpu.memory_space<hbm>>) dst(%arg10 : memref<8x4096xf32, #tpu.memory_space<vmem>>)
    %parallel_loop3A_87 = arith.constant 0 : i32
    %parallel_loop3A_88 = arith.constant 4096 : i32
    %parallel_loop3A_89 = arith.constant 16 : i32
    scf.for %parallel_loop3A_144 = %parallel_loop3A_87 to %parallel_loop3A_88 step %parallel_loop3A_89  : i32 {
      %parallel_loop3A_145 = arith.constant 0 : i32
      %parallel_loop3A_146 = arith.index_cast %parallel_loop3A_145 : i32 to index
      %parallel_loop3A_147 = arith.index_cast %parallel_loop3A_144 : i32 to index
      %parallel_loop3A_148 = tpu.vector_load %arg10[%parallel_loop3A_146, %parallel_loop3A_147] {strides = array<i32>} : memref<8x4096xf32, #tpu.memory_space<vmem>>, vector<1x16xf32>,
      %parallel_loop3A_149 = vector.shape_cast %parallel_loop3A_148 : vector<1x16xf32> to vector<16xf32>
      %parallel_loop3A_150 = arith.mulf %parallel_loop3A_149, %get3A_4 : vector<16xf32>
      %parallel_loop3A_151 = arith.addf %parallel_loop3A_150, %get3A_7 : vector<16xf32>
      %parallel_loop3A_152 = arith.constant 5.000000e-01 : f32
      %parallel_loop3A_153 = vector.broadcast %parallel_loop3A_152 : f32 to vector<16xf32>
      %parallel_loop3A_154 = arith.maximumf %parallel_loop3A_151, %parallel_loop3A_153 : vector<16xf32>
      %parallel_loop3A_155 = arith.constant 1.525000e+01 : f32
      %parallel_loop3A_156 = vector.broadcast %parallel_loop3A_155 : f32 to vector<16xf32>
      %parallel_loop3A_157 = arith.minimumf %parallel_loop3A_154, %parallel_loop3A_156 : vector<16xf32>
      %parallel_loop3A_158 = arith.constant 0x4B000000 : f32
      %parallel_loop3A_159 = vector.broadcast %parallel_loop3A_158 : f32 to vector<16xf32>
      %parallel_loop3A_160 = arith.addf %parallel_loop3A_157, %parallel_loop3A_159 : vector<16xf32>
      %parallel_loop3A_161 = arith.constant 0x4B000008 : f32
      %parallel_loop3A_162 = vector.broadcast %parallel_loop3A_161 : f32 to vector<16xf32>
      %parallel_loop3A_163 = arith.subf %parallel_loop3A_160, %parallel_loop3A_162 : vector<16xf32>
      %parallel_loop3A_164 = arith.constant 0 : i32
      %parallel_loop3A_165 = arith.index_cast %parallel_loop3A_164 : i32 to index
      %parallel_loop3A_166 = arith.index_cast %parallel_loop3A_144 : i32 to index
      %parallel_loop3A_167 = tpu.vector_load %arg10[%parallel_loop3A_165, %parallel_loop3A_166] {strides = array<i32>} : memref<8x4096xf32, #tpu.memory_space<vmem>>, vector<1x16xf32>,
      %parallel_loop3A_168 = vector.shape_cast %parallel_loop3A_167 : vector<1x16xf32> to vector<16xf32>
      %parallel_loop3A_169 = vector.shape_cast %parallel_loop3A_163 : vector<16xf32> to vector<1x16xf32>
      tpu.vector_store %arg10[%parallel_loop3A_165, %parallel_loop3A_166], %parallel_loop3A_169 {strides = array<i32>} : memref<8x4096xf32, #tpu.memory_space<vmem>>, vector<1x16xf32>,
      %parallel_loop3A_170 = arith.constant 1 : i32
      %parallel_loop3A_171 = arith.index_cast %parallel_loop3A_170 : i32 to index
      %parallel_loop3A_172 = arith.index_cast %parallel_loop3A_144 : i32 to index
      %parallel_loop3A_173 = tpu.vector_load %arg10[%parallel_loop3A_171, %parallel_loop3A_172] {strides = array<i32>} : memref<8x4096xf32, #tpu.memory_space<vmem>>, vector<1x16xf32>,
      %parallel_loop3A_174 = vector.shape_cast %parallel_loop3A_173 : vector<1x16xf32> to vector<16xf32>
      %parallel_loop3A_175 = arith.mulf %parallel_loop3A_174, %get3A_4 : vector<16xf32>
      %parallel_loop3A_176 = arith.addf %parallel_loop3A_175, %get3A_7 : vector<16xf32>
      %parallel_loop3A_177 = arith.constant 5.000000e-01 : f32
      %parallel_loop3A_178 = vector.broadcast %parallel_loop3A_177 : f32 to vector<16xf32>
      %parallel_loop3A_179 = arith.maximumf %parallel_loop3A_176, %parallel_loop3A_178 : vector<16xf32>
      %parallel_loop3A_180 = arith.constant 1.525000e+01 : f32
      %parallel_loop3A_181 = vector.broadcast %parallel_loop3A_180 : f32 to vector<16xf32>
      %parallel_loop3A_182 = arith.minimumf %parallel_loop3A_179, %parallel_loop3A_181 : vector<16xf32>
      %parallel_loop3A_183 = arith.constant 0x4B000000 : f32
      %parallel_loop3A_184 = vector.broadcast %parallel_loop3A_183 : f32 to vector<16xf32>
      %parallel_loop3A_185 = arith.addf %parallel_loop3A_182, %parallel_loop3A_184 : vector<16xf32>
      %parallel_loop3A_186 = arith.constant 0x4B000008 : f32
      %parallel_loop3A_187 = vector.broadcast %parallel_loop3A_186 : f32 to vector<16xf32>
      %parallel_loop3A_188 = arith.subf %parallel_loop3A_185, %parallel_loop3A_187 : vector<16xf32>
      %parallel_loop3A_189 = arith.constant 1 : i32
      %parallel_loop3A_190 = arith.index_cast %parallel_loop3A_189 : i32 to index
      %parallel_loop3A_191 = arith.index_cast %parallel_loop3A_144 : i32 to index
      %parallel_loop3A_192 = tpu.vector_load %arg10[%parallel_loop3A_190, %parallel_loop3A_191] {strides = array<i32>} : memref<8x4096xf32, #tpu.memory_space<vmem>>, vector<1x16xf32>,
      %parallel_loop3A_193 = vector.shape_cast %parallel_loop3A_192 : vector<1x16xf32> to vector<16xf32>
      %parallel_loop3A_194 = vector.shape_cast %parallel_loop3A_188 : vector<16xf32> to vector<1x16xf32>
      tpu.vector_store %arg10[%parallel_loop3A_190, %parallel_loop3A_191], %parallel_loop3A_194 {strides = array<i32>} : memref<8x4096xf32, #tpu.memory_space<vmem>>, vector<1x16xf32>,
      %parallel_loop3A_195 = arith.constant 2 : i32
      %parallel_loop3A_196 = arith.index_cast %parallel_loop3A_195 : i32 to index
      %parallel_loop3A_197 = arith.index_cast %parallel_loop3A_144 : i32 to index
      %parallel_loop3A_198 = tpu.vector_load %arg10[%parallel_loop3A_196, %parallel_loop3A_197] {strides = array<i32>} : memref<8x4096xf32, #tpu.memory_space<vmem>>, vector<1x16xf32>,
      %parallel_loop3A_199 = vector.shape_cast %parallel_loop3A_198 : vector<1x16xf32> to vector<16xf32>
      %parallel_loop3A_200 = arith.mulf %parallel_loop3A_199, %get3A_4 : vector<16xf32>
      %parallel_loop3A_201 = arith.addf %parallel_loop3A_200, %get3A_7 : vector<16xf32>
      %parallel_loop3A_202 = arith.constant 5.000000e-01 : f32
      %parallel_loop3A_203 = vector.broadcast %parallel_loop3A_202 : f32 to vector<16xf32>
      %parallel_loop3A_204 = arith.maximumf %parallel_loop3A_201, %parallel_loop3A_203 : vector<16xf32>
      %parallel_loop3A_205 = arith.constant 1.525000e+01 : f32
      %parallel_loop3A_206 = vector.broadcast %parallel_loop3A_205 : f32 to vector<16xf32>
      %parallel_loop3A_207 = arith.minimumf %parallel_loop3A_204, %parallel_loop3A_206 : vector<16xf32>
      %parallel_loop3A_208 = arith.constant 0x4B000000 : f32
      %parallel_loop3A_209 = vector.broadcast %parallel_loop3A_208 : f32 to vector<16xf32>
      %parallel_loop3A_210 = arith.addf %parallel_loop3A_207, %parallel_loop3A_209 : vector<16xf32>
      %parallel_loop3A_211 = arith.constant 0x4B000008 : f32
      %parallel_loop3A_212 = vector.broadcast %parallel_loop3A_211 : f32 to vector<16xf32>
      %parallel_loop3A_213 = arith.subf %parallel_loop3A_210, %parallel_loop3A_212 : vector<16xf32>
      %parallel_loop3A_214 = arith.constant 2 : i32
      %parallel_loop3A_215 = arith.index_cast %parallel_loop3A_214 : i32 to index
      %parallel_loop3A_216 = arith.index_cast %parallel_loop3A_144 : i32 to index
      %parallel_loop3A_217 = tpu.vector_load %arg10[%parallel_loop3A_215, %parallel_loop3A_216] {strides = array<i32>} : memref<8x4096xf32, #tpu.memory_space<vmem>>, vector<1x16xf32>,
      %parallel_loop3A_218 = vector.shape_cast %parallel_loop3A_217 : vector<1x16xf32> to vector<16xf32>
      %parallel_loop3A_219 = vector.shape_cast %parallel_loop3A_213 : vector<16xf32> to vector<1x16xf32>
      tpu.vector_store %arg10[%parallel_loop3A_215, %parallel_loop3A_216], %parallel_loop3A_219 {strides = array<i32>} : memref<8x4096xf32, #tpu.memory_space<vmem>>, vector<1x16xf32>,
      %parallel_loop3A_220 = arith.constant 3 : i32
      %parallel_loop3A_221 = arith.index_cast %parallel_loop3A_220 : i32 to index
      %parallel_loop3A_222 = arith.index_cast %parallel_loop3A_144 : i32 to index
      %parallel_loop3A_223 = tpu.vector_load %arg10[%parallel_loop3A_221, %parallel_loop3A_222] {strides = array<i32>} : memref<8x4096xf32, #tpu.memory_space<vmem>>, vector<1x16xf32>,
      %parallel_loop3A_224 = vector.shape_cast %parallel_loop3A_223 : vector<1x16xf32> to vector<16xf32>
      %parallel_loop3A_225 = arith.mulf %parallel_loop3A_224, %get3A_4 : vector<16xf32>
      %parallel_loop3A_226 = arith.addf %parallel_loop3A_225, %get3A_7 : vector<16xf32>
      %parallel_loop3A_227 = arith.constant 5.000000e-01 : f32
      %parallel_loop3A_228 = vector.broadcast %parallel_loop3A_227 : f32 to vector<16xf32>
      %parallel_loop3A_229 = arith.maximumf %parallel_loop3A_226, %parallel_loop3A_228 : vector<16xf32>
      %parallel_loop3A_230 = arith.constant 1.525000e+01 : f32
      %parallel_loop3A_231 = vector.broadcast %parallel_loop3A_230 : f32 to vector<16xf32>
      %parallel_loop3A_232 = arith.minimumf %parallel_loop3A_229, %parallel_loop3A_231 : vector<16xf32>
      %parallel_loop3A_233 = arith.constant 0x4B000000 : f32
      %parallel_loop3A_234 = vector.broadcast %parallel_loop3A_233 : f32 to vector<16xf32>
      %parallel_loop3A_235 = arith.addf %parallel_loop3A_232, %parallel_loop3A_234 : vector<16xf32>
      %parallel_loop3A_236 = arith.constant 0x4B000008 : f32
      %parallel_loop3A_237 = vector.broadcast %parallel_loop3A_236 : f32 to vector<16xf32>
      %parallel_loop3A_238 = arith.subf %parallel_loop3A_235, %parallel_loop3A_237 : vector<16xf32>
      %parallel_loop3A_239 = arith.constant 3 : i32
      %parallel_loop3A_240 = arith.index_cast %parallel_loop3A_239 : i32 to index
      %parallel_loop3A_241 = arith.index_cast %parallel_loop3A_144 : i32 to index
      %parallel_loop3A_242 = tpu.vector_load %arg10[%parallel_loop3A_240, %parallel_loop3A_241] {strides = array<i32>} : memref<8x4096xf32, #tpu.memory_space<vmem>>, vector<1x16xf32>,
      %parallel_loop3A_243 = vector.shape_cast %parallel_loop3A_242 : vector<1x16xf32> to vector<16xf32>
      %parallel_loop3A_244 = vector.shape_cast %parallel_loop3A_238 : vector<16xf32> to vector<1x16xf32>
      tpu.vector_store %arg10[%parallel_loop3A_240, %parallel_loop3A_241], %parallel_loop3A_244 {strides = array<i32>} : memref<8x4096xf32, #tpu.memory_space<vmem>>, vector<1x16xf32>,
      %parallel_loop3A_245 = arith.constant 4 : i32
      %parallel_loop3A_246 = arith.index_cast %parallel_loop3A_245 : i32 to index
      %parallel_loop3A_247 = arith.index_cast %parallel_loop3A_144 : i32 to index
      %parallel_loop3A_248 = tpu.vector_load %arg10[%parallel_loop3A_246, %parallel_loop3A_247] {strides = array<i32>} : memref<8x4096xf32, #tpu.memory_space<vmem>>, vector<1x16xf32>,
      %parallel_loop3A_249 = vector.shape_cast %parallel_loop3A_248 : vector<1x16xf32> to vector<16xf32>
      %parallel_loop3A_250 = arith.mulf %parallel_loop3A_249, %get3A_4 : vector<16xf32>
      %parallel_loop3A_251 = arith.addf %parallel_loop3A_250, %get3A_7 : vector<16xf32>
      %parallel_loop3A_252 = arith.constant 5.000000e-01 : f32
      %parallel_loop3A_253 = vector.broadcast %parallel_loop3A_252 : f32 to vector<16xf32>
      %parallel_loop3A_254 = arith.maximumf %parallel_loop3A_251, %parallel_loop3A_253 : vector<16xf32>
      %parallel_loop3A_255 = arith.constant 1.525000e+01 : f32
      %parallel_loop3A_256 = vector.broadcast %parallel_loop3A_255 : f32 to vector<16xf32>
      %parallel_loop3A_257 = arith.minimumf %parallel_loop3A_254, %parallel_loop3A_256 : vector<16xf32>
      %parallel_loop3A_258 = arith.constant 0x4B000000 : f32
      %parallel_loop3A_259 = vector.broadcast %parallel_loop3A_258 : f32 to vector<16xf32>
      %parallel_loop3A_260 = arith.addf %parallel_loop3A_257, %parallel_loop3A_259 : vector<16xf32>
      %parallel_loop3A_261 = arith.constant 0x4B000008 : f32
      %parallel_loop3A_262 = vector.broadcast %parallel_loop3A_261 : f32 to vector<16xf32>
      %parallel_loop3A_263 = arith.subf %parallel_loop3A_260, %parallel_loop3A_262 : vector<16xf32>
      %parallel_loop3A_264 = arith.constant 4 : i32
      %parallel_loop3A_265 = arith.index_cast %parallel_loop3A_264 : i32 to index
      %parallel_loop3A_266 = arith.index_cast %parallel_loop3A_144 : i32 to index
      %parallel_loop3A_267 = tpu.vector_load %arg10[%parallel_loop3A_265, %parallel_loop3A_266] {strides = array<i32>} : memref<8x4096xf32, #tpu.memory_space<vmem>>, vector<1x16xf32>,
      %parallel_loop3A_268 = vector.shape_cast %parallel_loop3A_267 : vector<1x16xf32> to vector<16xf32>
      %parallel_loop3A_269 = vector.shape_cast %parallel_loop3A_263 : vector<16xf32> to vector<1x16xf32>
      tpu.vector_store %arg10[%parallel_loop3A_265, %parallel_loop3A_266], %parallel_loop3A_269 {strides = array<i32>} : memref<8x4096xf32, #tpu.memory_space<vmem>>, vector<1x16xf32>,
      %parallel_loop3A_270 = arith.constant 5 : i32
      %parallel_loop3A_271 = arith.index_cast %parallel_loop3A_270 : i32 to index
      %parallel_loop3A_272 = arith.index_cast %parallel_loop3A_144 : i32 to index
      %parallel_loop3A_273 = tpu.vector_load %arg10[%parallel_loop3A_271, %parallel_loop3A_272] {strides = array<i32>} : memref<8x4096xf32, #tpu.memory_space<vmem>>, vector<1x16xf32>,
      %parallel_loop3A_274 = vector.shape_cast %parallel_loop3A_273 : vector<1x16xf32> to vector<16xf32>
      %parallel_loop3A_275 = arith.mulf %parallel_loop3A_274, %get3A_4 : vector<16xf32>
      %parallel_loop3A_276 = arith.addf %parallel_loop3A_275, %get3A_7 : vector<16xf32>
      %parallel_loop3A_277 = arith.constant 5.000000e-01 : f32
      %parallel_loop3A_278 = vector.broadcast %parallel_loop3A_277 : f32 to vector<16xf32>
      %parallel_loop3A_279 = arith.maximumf %parallel_loop3A_276, %parallel_loop3A_278 : vector<16xf32>
      %parallel_loop3A_280 = arith.constant 1.525000e+01 : f32
      %parallel_loop3A_281 = vector.broadcast %parallel_loop3A_280 : f32 to vector<16xf32>
      %parallel_loop3A_282 = arith.minimumf %parallel_loop3A_279, %parallel_loop3A_281 : vector<16xf32>
      %parallel_loop3A_283 = arith.constant 0x4B000000 : f32
      %parallel_loop3A_284 = vector.broadcast %parallel_loop3A_283 : f32 to vector<16xf32>
      %parallel_loop3A_285 = arith.addf %parallel_loop3A_282, %parallel_loop3A_284 : vector<16xf32>
      %parallel_loop3A_286 = arith.constant 0x4B000008 : f32
      %parallel_loop3A_287 = vector.broadcast %parallel_loop3A_286 : f32 to vector<16xf32>
      %parallel_loop3A_288 = arith.subf %parallel_loop3A_285, %parallel_loop3A_287 : vector<16xf32>
      %parallel_loop3A_289 = arith.constant 5 : i32
      %parallel_loop3A_290 = arith.index_cast %parallel_loop3A_289 : i32 to index
      %parallel_loop3A_291 = arith.index_cast %parallel_loop3A_144 : i32 to index
      %parallel_loop3A_292 = tpu.vector_load %arg10[%parallel_loop3A_290, %parallel_loop3A_291] {strides = array<i32>} : memref<8x4096xf32, #tpu.memory_space<vmem>>, vector<1x16xf32>,
      %parallel_loop3A_293 = vector.shape_cast %parallel_loop3A_292 : vector<1x16xf32> to vector<16xf32>
      %parallel_loop3A_294 = vector.shape_cast %parallel_loop3A_288 : vector<16xf32> to vector<1x16xf32>
      tpu.vector_store %arg10[%parallel_loop3A_290, %parallel_loop3A_291], %parallel_loop3A_294 {strides = array<i32>} : memref<8x4096xf32, #tpu.memory_space<vmem>>, vector<1x16xf32>,
      %parallel_loop3A_295 = arith.constant 6 : i32
      %parallel_loop3A_296 = arith.index_cast %parallel_loop3A_295 : i32 to index
      %parallel_loop3A_297 = arith.index_cast %parallel_loop3A_144 : i32 to index
      %parallel_loop3A_298 = tpu.vector_load %arg10[%parallel_loop3A_296, %parallel_loop3A_297] {strides = array<i32>} : memref<8x4096xf32, #tpu.memory_space<vmem>>, vector<1x16xf32>,
      %parallel_loop3A_299 = vector.shape_cast %parallel_loop3A_298 : vector<1x16xf32> to vector<16xf32>
      %parallel_loop3A_300 = arith.mulf %parallel_loop3A_299, %get3A_4 : vector<16xf32>
      %parallel_loop3A_301 = arith.addf %parallel_loop3A_300, %get3A_7 : vector<16xf32>
      %parallel_loop3A_302 = arith.constant 5.000000e-01 : f32
      %parallel_loop3A_303 = vector.broadcast %parallel_loop3A_302 : f32 to vector<16xf32>
      %parallel_loop3A_304 = arith.maximumf %parallel_loop3A_301, %parallel_loop3A_303 : vector<16xf32>
      %parallel_loop3A_305 = arith.constant 1.525000e+01 : f32
      %parallel_loop3A_306 = vector.broadcast %parallel_loop3A_305 : f32 to vector<16xf32>
      %parallel_loop3A_307 = arith.minimumf %parallel_loop3A_304, %parallel_loop3A_306 : vector<16xf32>
      %parallel_loop3A_308 = arith.constant 0x4B000000 : f32
      %parallel_loop3A_309 = vector.broadcast %parallel_loop3A_308 : f32 to vector<16xf32>
      %parallel_loop3A_310 = arith.addf %parallel_loop3A_307, %parallel_loop3A_309 : vector<16xf32>
      %parallel_loop3A_311 = arith.constant 0x4B000008 : f32
      %parallel_loop3A_312 = vector.broadcast %parallel_loop3A_311 : f32 to vector<16xf32>
      %parallel_loop3A_313 = arith.subf %parallel_loop3A_310, %parallel_loop3A_312 : vector<16xf32>
      %parallel_loop3A_314 = arith.constant 6 : i32
      %parallel_loop3A_315 = arith.index_cast %parallel_loop3A_314 : i32 to index
      %parallel_loop3A_316 = arith.index_cast %parallel_loop3A_144 : i32 to index
      %parallel_loop3A_317 = tpu.vector_load %arg10[%parallel_loop3A_315, %parallel_loop3A_316] {strides = array<i32>} : memref<8x4096xf32, #tpu.memory_space<vmem>>, vector<1x16xf32>,
      %parallel_loop3A_318 = vector.shape_cast %parallel_loop3A_317 : vector<1x16xf32> to vector<16xf32>
      %parallel_loop3A_319 = vector.shape_cast %parallel_loop3A_313 : vector<16xf32> to vector<1x16xf32>
      tpu.vector_store %arg10[%parallel_loop3A_315, %parallel_loop3A_316], %parallel_loop3A_319 {strides = array<i32>} : memref<8x4096xf32, #tpu.memory_space<vmem>>, vector<1x16xf32>,
      %parallel_loop3A_320 = arith.constant 7 : i32
      %parallel_loop3A_321 = arith.index_cast %parallel_loop3A_320 : i32 to index
      %parallel_loop3A_322 = arith.index_cast %parallel_loop3A_144 : i32 to index
      %parallel_loop3A_323 = tpu.vector_load %arg10[%parallel_loop3A_321, %parallel_loop3A_322] {strides = array<i32>} : memref<8x4096xf32, #tpu.memory_space<vmem>>, vector<1x16xf32>,
      %parallel_loop3A_324 = vector.shape_cast %parallel_loop3A_323 : vector<1x16xf32> to vector<16xf32>
      %parallel_loop3A_325 = arith.mulf %parallel_loop3A_324, %get3A_4 : vector<16xf32>
      %parallel_loop3A_326 = arith.addf %parallel_loop3A_325, %get3A_7 : vector<16xf32>
      %parallel_loop3A_327 = arith.constant 5.000000e-01 : f32
      %parallel_loop3A_328 = vector.broadcast %parallel_loop3A_327 : f32 to vector<16xf32>
      %parallel_loop3A_329 = arith.maximumf %parallel_loop3A_326, %parallel_loop3A_328 : vector<16xf32>
      %parallel_loop3A_330 = arith.constant 1.525000e+01 : f32
      %parallel_loop3A_331 = vector.broadcast %parallel_loop3A_330 : f32 to vector<16xf32>
      %parallel_loop3A_332 = arith.minimumf %parallel_loop3A_329, %parallel_loop3A_331 : vector<16xf32>
      %parallel_loop3A_333 = arith.constant 0x4B000000 : f32
      %parallel_loop3A_334 = vector.broadcast %parallel_loop3A_333 : f32 to vector<16xf32>
      %parallel_loop3A_335 = arith.addf %parallel_loop3A_332, %parallel_loop3A_334 : vector<16xf32>
      %parallel_loop3A_336 = arith.constant 0x4B000008 : f32
      %parallel_loop3A_337 = vector.broadcast %parallel_loop3A_336 : f32 to vector<16xf32>
      %parallel_loop3A_338 = arith.subf %parallel_loop3A_335, %parallel_loop3A_337 : vector<16xf32>
      %parallel_loop3A_339 = arith.constant 7 : i32
      %parallel_loop3A_340 = arith.index_cast %parallel_loop3A_339 : i32 to index
      %parallel_loop3A_341 = arith.index_cast %parallel_loop3A_144 : i32 to index
      %parallel_loop3A_342 = tpu.vector_load %arg10[%parallel_loop3A_340, %parallel_loop3A_341] {strides = array<i32>} : memref<8x4096xf32, #tpu.memory_space<vmem>>, vector<1x16xf32>,
      %parallel_loop3A_343 = vector.shape_cast %parallel_loop3A_342 : vector<1x16xf32> to vector<16xf32>
      %parallel_loop3A_344 = vector.shape_cast %parallel_loop3A_338 : vector<16xf32> to vector<1x16xf32>
      tpu.vector_store %arg10[%parallel_loop3A_340, %parallel_loop3A_341], %parallel_loop3A_344 {strides = array<i32>} : memref<8x4096xf32, #tpu.memory_space<vmem>>, vector<1x16xf32>,
    } {sc.loop_unroll_factor = 1 : i64, sc.parallel_access}
    %add3A_90 = arith.constant 112 : i32
    %add3A_91 = arith.addi %mul3A_2, %add3A_90 : i32
    %dma_start3A_92 = arith.constant 4096 : i32
    %dma_start3A_93 = tpu.memref_slice %arg5[%add3A_91, %dma_start3A_92] : memref<4096x8192xf32, #tpu.memory_space<hbm>> -> memref<8x4096xf32, #tpu.memory_space<hbm>>
    %dma_start3A_94 = arith.constant 4096 : i32
    %dma_start3A_95 = tpu.memref_slice %arg5[%add3A_91, %dma_start3A_94] : memref<4096x8192xf32, #tpu.memory_space<hbm>> -> memref<8x4096xf32, #tpu.memory_space<hbm>>
    tpu.enqueue_dma source(%arg10 : memref<8x4096xf32, #tpu.memory_space<vmem>>) target(%dma_start3A_95 : memref<8x4096xf32, #tpu.memory_space<hbm>>) target_semaphore(%arg16 : memref<!tpu.dma_semaphore, #tpu.memory_space<semaphore_mem>>)
    %add3A_96 = arith.constant 112 : i32
    %add3A_97 = arith.addi %mul3A_2, %add3A_96 : i32
    %dma_wait3A_98 = arith.constant 4096 : i32
    %dma_wait3A_99 = tpu.memref_slice %arg5[%add3A_97, %dma_wait3A_98] : memref<4096x8192xf32, #tpu.memory_space<hbm>> -> memref<8x4096xf32, #tpu.memory_space<hbm>>
    %dma_wait3A_100 = arith.constant 4096 : i32
    %dma_wait3A_101 = tpu.memref_slice %arg5[%add3A_97, %dma_wait3A_100] : memref<4096x8192xf32, #tpu.memory_space<hbm>> -> memref<8x4096xf32, #tpu.memory_space<hbm>>
    tpu.wait_dma2 semaphore(%arg16 : memref<!tpu.dma_semaphore, #tpu.memory_space<semaphore_mem>>) src(%arg10 : memref<8x4096xf32, #tpu.memory_space<vmem>>) dst(%dma_wait3A_101 : memref<8x4096xf32, #tpu.memory_space<hbm>>)
    %add3A_102 = arith.constant 120 : i32
    %add3A_103 = arith.addi %mul3A_2, %add3A_102 : i32
    %dma_wait3A_104 = arith.constant 0 : i32
    %dma_wait3A_105 = tpu.memref_slice %arg2[%add3A_103, %dma_wait3A_104] : memref<4096x8192xf32, #tpu.memory_space<hbm>> -> memref<8x4096xf32, #tpu.memory_space<hbm>>
    %dma_wait3A_106 = arith.constant 0 : i32
    %dma_wait3A_107 = tpu.memref_slice %arg2[%add3A_103, %dma_wait3A_106] : memref<4096x8192xf32, #tpu.memory_space<hbm>> -> memref<8x4096xf32, #tpu.memory_space<hbm>>
    tpu.wait_dma2 semaphore(%arg11 : memref<!tpu.dma_semaphore, #tpu.memory_space<semaphore_mem>>) src(%dma_wait3A_107 : memref<8x4096xf32, #tpu.memory_space<hbm>>) dst(%arg8 : memref<8x4096xf32, #tpu.memory_space<vmem>>)
    %parallel_loop3A_108 = arith.constant 0 : i32
    %parallel_loop3A_109 = arith.constant 4096 : i32
    %parallel_loop3A_110 = arith.constant 16 : i32
    scf.for %parallel_loop3A_144 = %parallel_loop3A_108 to %parallel_loop3A_109 step %parallel_loop3A_110  : i32 {
      %parallel_loop3A_145 = arith.constant 0 : i32
      %parallel_loop3A_146 = arith.index_cast %parallel_loop3A_145 : i32 to index
      %parallel_loop3A_147 = arith.index_cast %parallel_loop3A_144 : i32 to index
      %parallel_loop3A_148 = tpu.vector_load %arg8[%parallel_loop3A_146, %parallel_loop3A_147] {strides = array<i32>} : memref<8x4096xf32, #tpu.memory_space<vmem>>, vector<1x16xf32>,
      %parallel_loop3A_149 = vector.shape_cast %parallel_loop3A_148 : vector<1x16xf32> to vector<16xf32>
      %parallel_loop3A_150 = arith.mulf %parallel_loop3A_149, %get3A_4 : vector<16xf32>
      %parallel_loop3A_151 = arith.addf %parallel_loop3A_150, %get3A_7 : vector<16xf32>
      %parallel_loop3A_152 = arith.constant 5.000000e-01 : f32
      %parallel_loop3A_153 = vector.broadcast %parallel_loop3A_152 : f32 to vector<16xf32>
      %parallel_loop3A_154 = arith.maximumf %parallel_loop3A_151, %parallel_loop3A_153 : vector<16xf32>
      %parallel_loop3A_155 = arith.constant 1.525000e+01 : f32
      %parallel_loop3A_156 = vector.broadcast %parallel_loop3A_155 : f32 to vector<16xf32>
      %parallel_loop3A_157 = arith.minimumf %parallel_loop3A_154, %parallel_loop3A_156 : vector<16xf32>
      %parallel_loop3A_158 = arith.constant 0x4B000000 : f32
      %parallel_loop3A_159 = vector.broadcast %parallel_loop3A_158 : f32 to vector<16xf32>
      %parallel_loop3A_160 = arith.addf %parallel_loop3A_157, %parallel_loop3A_159 : vector<16xf32>
      %parallel_loop3A_161 = arith.constant 0x4B000008 : f32
      %parallel_loop3A_162 = vector.broadcast %parallel_loop3A_161 : f32 to vector<16xf32>
      %parallel_loop3A_163 = arith.subf %parallel_loop3A_160, %parallel_loop3A_162 : vector<16xf32>
      %parallel_loop3A_164 = arith.constant 0 : i32
      %parallel_loop3A_165 = arith.index_cast %parallel_loop3A_164 : i32 to index
      %parallel_loop3A_166 = arith.index_cast %parallel_loop3A_144 : i32 to index
      %parallel_loop3A_167 = tpu.vector_load %arg8[%parallel_loop3A_165, %parallel_loop3A_166] {strides = array<i32>} : memref<8x4096xf32, #tpu.memory_space<vmem>>, vector<1x16xf32>,
      %parallel_loop3A_168 = vector.shape_cast %parallel_loop3A_167 : vector<1x16xf32> to vector<16xf32>
      %parallel_loop3A_169 = vector.shape_cast %parallel_loop3A_163 : vector<16xf32> to vector<1x16xf32>
      tpu.vector_store %arg8[%parallel_loop3A_165, %parallel_loop3A_166], %parallel_loop3A_169 {strides = array<i32>} : memref<8x4096xf32, #tpu.memory_space<vmem>>, vector<1x16xf32>,
      %parallel_loop3A_170 = arith.constant 1 : i32
      %parallel_loop3A_171 = arith.index_cast %parallel_loop3A_170 : i32 to index
      %parallel_loop3A_172 = arith.index_cast %parallel_loop3A_144 : i32 to index
      %parallel_loop3A_173 = tpu.vector_load %arg8[%parallel_loop3A_171, %parallel_loop3A_172] {strides = array<i32>} : memref<8x4096xf32, #tpu.memory_space<vmem>>, vector<1x16xf32>,
      %parallel_loop3A_174 = vector.shape_cast %parallel_loop3A_173 : vector<1x16xf32> to vector<16xf32>
      %parallel_loop3A_175 = arith.mulf %parallel_loop3A_174, %get3A_4 : vector<16xf32>
      %parallel_loop3A_176 = arith.addf %parallel_loop3A_175, %get3A_7 : vector<16xf32>
      %parallel_loop3A_177 = arith.constant 5.000000e-01 : f32
      %parallel_loop3A_178 = vector.broadcast %parallel_loop3A_177 : f32 to vector<16xf32>
      %parallel_loop3A_179 = arith.maximumf %parallel_loop3A_176, %parallel_loop3A_178 : vector<16xf32>
      %parallel_loop3A_180 = arith.constant 1.525000e+01 : f32
      %parallel_loop3A_181 = vector.broadcast %parallel_loop3A_180 : f32 to vector<16xf32>
      %parallel_loop3A_182 = arith.minimumf %parallel_loop3A_179, %parallel_loop3A_181 : vector<16xf32>
      %parallel_loop3A_183 = arith.constant 0x4B000000 : f32
      %parallel_loop3A_184 = vector.broadcast %parallel_loop3A_183 : f32 to vector<16xf32>
      %parallel_loop3A_185 = arith.addf %parallel_loop3A_182, %parallel_loop3A_184 : vector<16xf32>
      %parallel_loop3A_186 = arith.constant 0x4B000008 : f32
      %parallel_loop3A_187 = vector.broadcast %parallel_loop3A_186 : f32 to vector<16xf32>
      %parallel_loop3A_188 = arith.subf %parallel_loop3A_185, %parallel_loop3A_187 : vector<16xf32>
      %parallel_loop3A_189 = arith.constant 1 : i32
      %parallel_loop3A_190 = arith.index_cast %parallel_loop3A_189 : i32 to index
      %parallel_loop3A_191 = arith.index_cast %parallel_loop3A_144 : i32 to index
      %parallel_loop3A_192 = tpu.vector_load %arg8[%parallel_loop3A_190, %parallel_loop3A_191] {strides = array<i32>} : memref<8x4096xf32, #tpu.memory_space<vmem>>, vector<1x16xf32>,
      %parallel_loop3A_193 = vector.shape_cast %parallel_loop3A_192 : vector<1x16xf32> to vector<16xf32>
      %parallel_loop3A_194 = vector.shape_cast %parallel_loop3A_188 : vector<16xf32> to vector<1x16xf32>
      tpu.vector_store %arg8[%parallel_loop3A_190, %parallel_loop3A_191], %parallel_loop3A_194 {strides = array<i32>} : memref<8x4096xf32, #tpu.memory_space<vmem>>, vector<1x16xf32>,
      %parallel_loop3A_195 = arith.constant 2 : i32
      %parallel_loop3A_196 = arith.index_cast %parallel_loop3A_195 : i32 to index
      %parallel_loop3A_197 = arith.index_cast %parallel_loop3A_144 : i32 to index
      %parallel_loop3A_198 = tpu.vector_load %arg8[%parallel_loop3A_196, %parallel_loop3A_197] {strides = array<i32>} : memref<8x4096xf32, #tpu.memory_space<vmem>>, vector<1x16xf32>,
      %parallel_loop3A_199 = vector.shape_cast %parallel_loop3A_198 : vector<1x16xf32> to vector<16xf32>
      %parallel_loop3A_200 = arith.mulf %parallel_loop3A_199, %get3A_4 : vector<16xf32>
      %parallel_loop3A_201 = arith.addf %parallel_loop3A_200, %get3A_7 : vector<16xf32>
      %parallel_loop3A_202 = arith.constant 5.000000e-01 : f32
      %parallel_loop3A_203 = vector.broadcast %parallel_loop3A_202 : f32 to vector<16xf32>
      %parallel_loop3A_204 = arith.maximumf %parallel_loop3A_201, %parallel_loop3A_203 : vector<16xf32>
      %parallel_loop3A_205 = arith.constant 1.525000e+01 : f32
      %parallel_loop3A_206 = vector.broadcast %parallel_loop3A_205 : f32 to vector<16xf32>
      %parallel_loop3A_207 = arith.minimumf %parallel_loop3A_204, %parallel_loop3A_206 : vector<16xf32>
      %parallel_loop3A_208 = arith.constant 0x4B000000 : f32
      %parallel_loop3A_209 = vector.broadcast %parallel_loop3A_208 : f32 to vector<16xf32>
      %parallel_loop3A_210 = arith.addf %parallel_loop3A_207, %parallel_loop3A_209 : vector<16xf32>
      %parallel_loop3A_211 = arith.constant 0x4B000008 : f32
      %parallel_loop3A_212 = vector.broadcast %parallel_loop3A_211 : f32 to vector<16xf32>
      %parallel_loop3A_213 = arith.subf %parallel_loop3A_210, %parallel_loop3A_212 : vector<16xf32>
      %parallel_loop3A_214 = arith.constant 2 : i32
      %parallel_loop3A_215 = arith.index_cast %parallel_loop3A_214 : i32 to index
      %parallel_loop3A_216 = arith.index_cast %parallel_loop3A_144 : i32 to index
      %parallel_loop3A_217 = tpu.vector_load %arg8[%parallel_loop3A_215, %parallel_loop3A_216] {strides = array<i32>} : memref<8x4096xf32, #tpu.memory_space<vmem>>, vector<1x16xf32>,
      %parallel_loop3A_218 = vector.shape_cast %parallel_loop3A_217 : vector<1x16xf32> to vector<16xf32>
      %parallel_loop3A_219 = vector.shape_cast %parallel_loop3A_213 : vector<16xf32> to vector<1x16xf32>
      tpu.vector_store %arg8[%parallel_loop3A_215, %parallel_loop3A_216], %parallel_loop3A_219 {strides = array<i32>} : memref<8x4096xf32, #tpu.memory_space<vmem>>, vector<1x16xf32>,
      %parallel_loop3A_220 = arith.constant 3 : i32
      %parallel_loop3A_221 = arith.index_cast %parallel_loop3A_220 : i32 to index
      %parallel_loop3A_222 = arith.index_cast %parallel_loop3A_144 : i32 to index
      %parallel_loop3A_223 = tpu.vector_load %arg8[%parallel_loop3A_221, %parallel_loop3A_222] {strides = array<i32>} : memref<8x4096xf32, #tpu.memory_space<vmem>>, vector<1x16xf32>,
      %parallel_loop3A_224 = vector.shape_cast %parallel_loop3A_223 : vector<1x16xf32> to vector<16xf32>
      %parallel_loop3A_225 = arith.mulf %parallel_loop3A_224, %get3A_4 : vector<16xf32>
      %parallel_loop3A_226 = arith.addf %parallel_loop3A_225, %get3A_7 : vector<16xf32>
      %parallel_loop3A_227 = arith.constant 5.000000e-01 : f32
      %parallel_loop3A_228 = vector.broadcast %parallel_loop3A_227 : f32 to vector<16xf32>
      %parallel_loop3A_229 = arith.maximumf %parallel_loop3A_226, %parallel_loop3A_228 : vector<16xf32>
      %parallel_loop3A_230 = arith.constant 1.525000e+01 : f32
      %parallel_loop3A_231 = vector.broadcast %parallel_loop3A_230 : f32 to vector<16xf32>
      %parallel_loop3A_232 = arith.minimumf %parallel_loop3A_229, %parallel_loop3A_231 : vector<16xf32>
      %parallel_loop3A_233 = arith.constant 0x4B000000 : f32
      %parallel_loop3A_234 = vector.broadcast %parallel_loop3A_233 : f32 to vector<16xf32>
      %parallel_loop3A_235 = arith.addf %parallel_loop3A_232, %parallel_loop3A_234 : vector<16xf32>
      %parallel_loop3A_236 = arith.constant 0x4B000008 : f32
      %parallel_loop3A_237 = vector.broadcast %parallel_loop3A_236 : f32 to vector<16xf32>
      %parallel_loop3A_238 = arith.subf %parallel_loop3A_235, %parallel_loop3A_237 : vector<16xf32>
      %parallel_loop3A_239 = arith.constant 3 : i32
      %parallel_loop3A_240 = arith.index_cast %parallel_loop3A_239 : i32 to index
      %parallel_loop3A_241 = arith.index_cast %parallel_loop3A_144 : i32 to index
      %parallel_loop3A_242 = tpu.vector_load %arg8[%parallel_loop3A_240, %parallel_loop3A_241] {strides = array<i32>} : memref<8x4096xf32, #tpu.memory_space<vmem>>, vector<1x16xf32>,
      %parallel_loop3A_243 = vector.shape_cast %parallel_loop3A_242 : vector<1x16xf32> to vector<16xf32>
      %parallel_loop3A_244 = vector.shape_cast %parallel_loop3A_238 : vector<16xf32> to vector<1x16xf32>
      tpu.vector_store %arg8[%parallel_loop3A_240, %parallel_loop3A_241], %parallel_loop3A_244 {strides = array<i32>} : memref<8x4096xf32, #tpu.memory_space<vmem>>, vector<1x16xf32>,
      %parallel_loop3A_245 = arith.constant 4 : i32
      %parallel_loop3A_246 = arith.index_cast %parallel_loop3A_245 : i32 to index
      %parallel_loop3A_247 = arith.index_cast %parallel_loop3A_144 : i32 to index
      %parallel_loop3A_248 = tpu.vector_load %arg8[%parallel_loop3A_246, %parallel_loop3A_247] {strides = array<i32>} : memref<8x4096xf32, #tpu.memory_space<vmem>>, vector<1x16xf32>,
      %parallel_loop3A_249 = vector.shape_cast %parallel_loop3A_248 : vector<1x16xf32> to vector<16xf32>
      %parallel_loop3A_250 = arith.mulf %parallel_loop3A_249, %get3A_4 : vector<16xf32>
      %parallel_loop3A_251 = arith.addf %parallel_loop3A_250, %get3A_7 : vector<16xf32>
      %parallel_loop3A_252 = arith.constant 5.000000e-01 : f32
      %parallel_loop3A_253 = vector.broadcast %parallel_loop3A_252 : f32 to vector<16xf32>
      %parallel_loop3A_254 = arith.maximumf %parallel_loop3A_251, %parallel_loop3A_253 : vector<16xf32>
      %parallel_loop3A_255 = arith.constant 1.525000e+01 : f32
      %parallel_loop3A_256 = vector.broadcast %parallel_loop3A_255 : f32 to vector<16xf32>
      %parallel_loop3A_257 = arith.minimumf %parallel_loop3A_254, %parallel_loop3A_256 : vector<16xf32>
      %parallel_loop3A_258 = arith.constant 0x4B000000 : f32
      %parallel_loop3A_259 = vector.broadcast %parallel_loop3A_258 : f32 to vector<16xf32>
      %parallel_loop3A_260 = arith.addf %parallel_loop3A_257, %parallel_loop3A_259 : vector<16xf32>
      %parallel_loop3A_261 = arith.constant 0x4B000008 : f32
      %parallel_loop3A_262 = vector.broadcast %parallel_loop3A_261 : f32 to vector<16xf32>
      %parallel_loop3A_263 = arith.subf %parallel_loop3A_260, %parallel_loop3A_262 : vector<16xf32>
      %parallel_loop3A_264 = arith.constant 4 : i32
      %parallel_loop3A_265 = arith.index_cast %parallel_loop3A_264 : i32 to index
      %parallel_loop3A_266 = arith.index_cast %parallel_loop3A_144 : i32 to index
      %parallel_loop3A_267 = tpu.vector_load %arg8[%parallel_loop3A_265, %parallel_loop3A_266] {strides = array<i32>} : memref<8x4096xf32, #tpu.memory_space<vmem>>, vector<1x16xf32>,
      %parallel_loop3A_268 = vector.shape_cast %parallel_loop3A_267 : vector<1x16xf32> to vector<16xf32>
      %parallel_loop3A_269 = vector.shape_cast %parallel_loop3A_263 : vector<16xf32> to vector<1x16xf32>
      tpu.vector_store %arg8[%parallel_loop3A_265, %parallel_loop3A_266], %parallel_loop3A_269 {strides = array<i32>} : memref<8x4096xf32, #tpu.memory_space<vmem>>, vector<1x16xf32>,
      %parallel_loop3A_270 = arith.constant 5 : i32
      %parallel_loop3A_271 = arith.index_cast %parallel_loop3A_270 : i32 to index
      %parallel_loop3A_272 = arith.index_cast %parallel_loop3A_144 : i32 to index
      %parallel_loop3A_273 = tpu.vector_load %arg8[%parallel_loop3A_271, %parallel_loop3A_272] {strides = array<i32>} : memref<8x4096xf32, #tpu.memory_space<vmem>>, vector<1x16xf32>,
      %parallel_loop3A_274 = vector.shape_cast %parallel_loop3A_273 : vector<1x16xf32> to vector<16xf32>
      %parallel_loop3A_275 = arith.mulf %parallel_loop3A_274, %get3A_4 : vector<16xf32>
      %parallel_loop3A_276 = arith.addf %parallel_loop3A_275, %get3A_7 : vector<16xf32>
      %parallel_loop3A_277 = arith.constant 5.000000e-01 : f32
      %parallel_loop3A_278 = vector.broadcast %parallel_loop3A_277 : f32 to vector<16xf32>
      %parallel_loop3A_279 = arith.maximumf %parallel_loop3A_276, %parallel_loop3A_278 : vector<16xf32>
      %parallel_loop3A_280 = arith.constant 1.525000e+01 : f32
      %parallel_loop3A_281 = vector.broadcast %parallel_loop3A_280 : f32 to vector<16xf32>
      %parallel_loop3A_282 = arith.minimumf %parallel_loop3A_279, %parallel_loop3A_281 : vector<16xf32>
      %parallel_loop3A_283 = arith.constant 0x4B000000 : f32
      %parallel_loop3A_284 = vector.broadcast %parallel_loop3A_283 : f32 to vector<16xf32>
      %parallel_loop3A_285 = arith.addf %parallel_loop3A_282, %parallel_loop3A_284 : vector<16xf32>
      %parallel_loop3A_286 = arith.constant 0x4B000008 : f32
      %parallel_loop3A_287 = vector.broadcast %parallel_loop3A_286 : f32 to vector<16xf32>
      %parallel_loop3A_288 = arith.subf %parallel_loop3A_285, %parallel_loop3A_287 : vector<16xf32>
      %parallel_loop3A_289 = arith.constant 5 : i32
      %parallel_loop3A_290 = arith.index_cast %parallel_loop3A_289 : i32 to index
      %parallel_loop3A_291 = arith.index_cast %parallel_loop3A_144 : i32 to index
      %parallel_loop3A_292 = tpu.vector_load %arg8[%parallel_loop3A_290, %parallel_loop3A_291] {strides = array<i32>} : memref<8x4096xf32, #tpu.memory_space<vmem>>, vector<1x16xf32>,
      %parallel_loop3A_293 = vector.shape_cast %parallel_loop3A_292 : vector<1x16xf32> to vector<16xf32>
      %parallel_loop3A_294 = vector.shape_cast %parallel_loop3A_288 : vector<16xf32> to vector<1x16xf32>
      tpu.vector_store %arg8[%parallel_loop3A_290, %parallel_loop3A_291], %parallel_loop3A_294 {strides = array<i32>} : memref<8x4096xf32, #tpu.memory_space<vmem>>, vector<1x16xf32>,
      %parallel_loop3A_295 = arith.constant 6 : i32
      %parallel_loop3A_296 = arith.index_cast %parallel_loop3A_295 : i32 to index
      %parallel_loop3A_297 = arith.index_cast %parallel_loop3A_144 : i32 to index
      %parallel_loop3A_298 = tpu.vector_load %arg8[%parallel_loop3A_296, %parallel_loop3A_297] {strides = array<i32>} : memref<8x4096xf32, #tpu.memory_space<vmem>>, vector<1x16xf32>,
      %parallel_loop3A_299 = vector.shape_cast %parallel_loop3A_298 : vector<1x16xf32> to vector<16xf32>
      %parallel_loop3A_300 = arith.mulf %parallel_loop3A_299, %get3A_4 : vector<16xf32>
      %parallel_loop3A_301 = arith.addf %parallel_loop3A_300, %get3A_7 : vector<16xf32>
      %parallel_loop3A_302 = arith.constant 5.000000e-01 : f32
      %parallel_loop3A_303 = vector.broadcast %parallel_loop3A_302 : f32 to vector<16xf32>
      %parallel_loop3A_304 = arith.maximumf %parallel_loop3A_301, %parallel_loop3A_303 : vector<16xf32>
      %parallel_loop3A_305 = arith.constant 1.525000e+01 : f32
      %parallel_loop3A_306 = vector.broadcast %parallel_loop3A_305 : f32 to vector<16xf32>
      %parallel_loop3A_307 = arith.minimumf %parallel_loop3A_304, %parallel_loop3A_306 : vector<16xf32>
      %parallel_loop3A_308 = arith.constant 0x4B000000 : f32
      %parallel_loop3A_309 = vector.broadcast %parallel_loop3A_308 : f32 to vector<16xf32>
      %parallel_loop3A_310 = arith.addf %parallel_loop3A_307, %parallel_loop3A_309 : vector<16xf32>
      %parallel_loop3A_311 = arith.constant 0x4B000008 : f32
      %parallel_loop3A_312 = vector.broadcast %parallel_loop3A_311 : f32 to vector<16xf32>
      %parallel_loop3A_313 = arith.subf %parallel_loop3A_310, %parallel_loop3A_312 : vector<16xf32>
      %parallel_loop3A_314 = arith.constant 6 : i32
      %parallel_loop3A_315 = arith.index_cast %parallel_loop3A_314 : i32 to index
      %parallel_loop3A_316 = arith.index_cast %parallel_loop3A_144 : i32 to index
      %parallel_loop3A_317 = tpu.vector_load %arg8[%parallel_loop3A_315, %parallel_loop3A_316] {strides = array<i32>} : memref<8x4096xf32, #tpu.memory_space<vmem>>, vector<1x16xf32>,
      %parallel_loop3A_318 = vector.shape_cast %parallel_loop3A_317 : vector<1x16xf32> to vector<16xf32>
      %parallel_loop3A_319 = vector.shape_cast %parallel_loop3A_313 : vector<16xf32> to vector<1x16xf32>
      tpu.vector_store %arg8[%parallel_loop3A_315, %parallel_loop3A_316], %parallel_loop3A_319 {strides = array<i32>} : memref<8x4096xf32, #tpu.memory_space<vmem>>, vector<1x16xf32>,
      %parallel_loop3A_320 = arith.constant 7 : i32
      %parallel_loop3A_321 = arith.index_cast %parallel_loop3A_320 : i32 to index
      %parallel_loop3A_322 = arith.index_cast %parallel_loop3A_144 : i32 to index
      %parallel_loop3A_323 = tpu.vector_load %arg8[%parallel_loop3A_321, %parallel_loop3A_322] {strides = array<i32>} : memref<8x4096xf32, #tpu.memory_space<vmem>>, vector<1x16xf32>,
      %parallel_loop3A_324 = vector.shape_cast %parallel_loop3A_323 : vector<1x16xf32> to vector<16xf32>
      %parallel_loop3A_325 = arith.mulf %parallel_loop3A_324, %get3A_4 : vector<16xf32>
      %parallel_loop3A_326 = arith.addf %parallel_loop3A_325, %get3A_7 : vector<16xf32>
      %parallel_loop3A_327 = arith.constant 5.000000e-01 : f32
      %parallel_loop3A_328 = vector.broadcast %parallel_loop3A_327 : f32 to vector<16xf32>
      %parallel_loop3A_329 = arith.maximumf %parallel_loop3A_326, %parallel_loop3A_328 : vector<16xf32>
      %parallel_loop3A_330 = arith.constant 1.525000e+01 : f32
      %parallel_loop3A_331 = vector.broadcast %parallel_loop3A_330 : f32 to vector<16xf32>
      %parallel_loop3A_332 = arith.minimumf %parallel_loop3A_329, %parallel_loop3A_331 : vector<16xf32>
      %parallel_loop3A_333 = arith.constant 0x4B000000 : f32
      %parallel_loop3A_334 = vector.broadcast %parallel_loop3A_333 : f32 to vector<16xf32>
      %parallel_loop3A_335 = arith.addf %parallel_loop3A_332, %parallel_loop3A_334 : vector<16xf32>
      %parallel_loop3A_336 = arith.constant 0x4B000008 : f32
      %parallel_loop3A_337 = vector.broadcast %parallel_loop3A_336 : f32 to vector<16xf32>
      %parallel_loop3A_338 = arith.subf %parallel_loop3A_335, %parallel_loop3A_337 : vector<16xf32>
      %parallel_loop3A_339 = arith.constant 7 : i32
      %parallel_loop3A_340 = arith.index_cast %parallel_loop3A_339 : i32 to index
      %parallel_loop3A_341 = arith.index_cast %parallel_loop3A_144 : i32 to index
      %parallel_loop3A_342 = tpu.vector_load %arg8[%parallel_loop3A_340, %parallel_loop3A_341] {strides = array<i32>} : memref<8x4096xf32, #tpu.memory_space<vmem>>, vector<1x16xf32>,
      %parallel_loop3A_343 = vector.shape_cast %parallel_loop3A_342 : vector<1x16xf32> to vector<16xf32>
      %parallel_loop3A_344 = vector.shape_cast %parallel_loop3A_338 : vector<16xf32> to vector<1x16xf32>
      tpu.vector_store %arg8[%parallel_loop3A_340, %parallel_loop3A_341], %parallel_loop3A_344 {strides = array<i32>} : memref<8x4096xf32, #tpu.memory_space<vmem>>, vector<1x16xf32>,
    } {sc.loop_unroll_factor = 1 : i64, sc.parallel_access}
    %add3A_111 = arith.constant 120 : i32
    %add3A_112 = arith.addi %mul3A_2, %add3A_111 : i32
    %dma_start3A_113 = arith.constant 0 : i32
    %dma_start3A_114 = tpu.memref_slice %arg5[%add3A_112, %dma_start3A_113] : memref<4096x8192xf32, #tpu.memory_space<hbm>> -> memref<8x4096xf32, #tpu.memory_space<hbm>>
    %dma_start3A_115 = arith.constant 0 : i32
    %dma_start3A_116 = tpu.memref_slice %arg5[%add3A_112, %dma_start3A_115] : memref<4096x8192xf32, #tpu.memory_space<hbm>> -> memref<8x4096xf32, #tpu.memory_space<hbm>>
    tpu.enqueue_dma source(%arg8 : memref<8x4096xf32, #tpu.memory_space<vmem>>) target(%dma_start3A_116 : memref<8x4096xf32, #tpu.memory_space<hbm>>) target_semaphore(%arg14 : memref<!tpu.dma_semaphore, #tpu.memory_space<semaphore_mem>>)
    %add3A_117 = arith.constant 120 : i32
    %add3A_118 = arith.addi %mul3A_2, %add3A_117 : i32
    %dma_wait3A_119 = arith.constant 0 : i32
    %dma_wait3A_120 = tpu.memref_slice %arg5[%add3A_118, %dma_wait3A_119] : memref<4096x8192xf32, #tpu.memory_space<hbm>> -> memref<8x4096xf32, #tpu.memory_space<hbm>>
    %dma_wait3A_121 = arith.constant 0 : i32
    %dma_wait3A_122 = tpu.memref_slice %arg5[%add3A_118, %dma_wait3A_121] : memref<4096x8192xf32, #tpu.memory_space<hbm>> -> memref<8x4096xf32, #tpu.memory_space<hbm>>
    tpu.wait_dma2 semaphore(%arg14 : memref<!tpu.dma_semaphore, #tpu.memory_space<semaphore_mem>>) src(%arg8 : memref<8x4096xf32, #tpu.memory_space<vmem>>) dst(%dma_wait3A_122 : memref<8x4096xf32, #tpu.memory_space<hbm>>)
    %add3A_123 = arith.constant 120 : i32
    %add3A_124 = arith.addi %mul3A_2, %add3A_123 : i32
    %dma_wait3A_125 = arith.constant 4096 : i32
    %dma_wait3A_126 = tpu.memref_slice %arg2[%add3A_124, %dma_wait3A_125] : memref<4096x8192xf32, #tpu.memory_space<hbm>> -> memref<8x4096xf32, #tpu.memory_space<hbm>>
    %dma_wait3A_127 = arith.constant 4096 : i32
    %dma_wait3A_128 = tpu.memref_slice %arg2[%add3A_124, %dma_wait3A_127] : memref<4096x8192xf32, #tpu.memory_space<hbm>> -> memref<8x4096xf32, #tpu.memory_space<hbm>>
    tpu.wait_dma2 semaphore(%arg12 : memref<!tpu.dma_semaphore, #tpu.memory_space<semaphore_mem>>) src(%dma_wait3A_128 : memref<8x4096xf32, #tpu.memory_space<hbm>>) dst(%arg9 : memref<8x4096xf32, #tpu.memory_space<vmem>>)
    %parallel_loop3A_129 = arith.constant 0 : i32
    %parallel_loop3A_130 = arith.constant 4096 : i32
    %parallel_loop3A_131 = arith.constant 16 : i32
    scf.for %parallel_loop3A_144 = %parallel_loop3A_129 to %parallel_loop3A_130 step %parallel_loop3A_131  : i32 {
      %parallel_loop3A_145 = arith.constant 0 : i32
      %parallel_loop3A_146 = arith.index_cast %parallel_loop3A_145 : i32 to index
      %parallel_loop3A_147 = arith.index_cast %parallel_loop3A_144 : i32 to index
      %parallel_loop3A_148 = tpu.vector_load %arg9[%parallel_loop3A_146, %parallel_loop3A_147] {strides = array<i32>} : memref<8x4096xf32, #tpu.memory_space<vmem>>, vector<1x16xf32>,
      %parallel_loop3A_149 = vector.shape_cast %parallel_loop3A_148 : vector<1x16xf32> to vector<16xf32>
      %parallel_loop3A_150 = arith.mulf %parallel_loop3A_149, %get3A_4 : vector<16xf32>
      %parallel_loop3A_151 = arith.addf %parallel_loop3A_150, %get3A_7 : vector<16xf32>
      %parallel_loop3A_152 = arith.constant 5.000000e-01 : f32
      %parallel_loop3A_153 = vector.broadcast %parallel_loop3A_152 : f32 to vector<16xf32>
      %parallel_loop3A_154 = arith.maximumf %parallel_loop3A_151, %parallel_loop3A_153 : vector<16xf32>
      %parallel_loop3A_155 = arith.constant 1.525000e+01 : f32
      %parallel_loop3A_156 = vector.broadcast %parallel_loop3A_155 : f32 to vector<16xf32>
      %parallel_loop3A_157 = arith.minimumf %parallel_loop3A_154, %parallel_loop3A_156 : vector<16xf32>
      %parallel_loop3A_158 = arith.constant 0x4B000000 : f32
      %parallel_loop3A_159 = vector.broadcast %parallel_loop3A_158 : f32 to vector<16xf32>
      %parallel_loop3A_160 = arith.addf %parallel_loop3A_157, %parallel_loop3A_159 : vector<16xf32>
      %parallel_loop3A_161 = arith.constant 0x4B000008 : f32
      %parallel_loop3A_162 = vector.broadcast %parallel_loop3A_161 : f32 to vector<16xf32>
      %parallel_loop3A_163 = arith.subf %parallel_loop3A_160, %parallel_loop3A_162 : vector<16xf32>
      %parallel_loop3A_164 = arith.constant 0 : i32
      %parallel_loop3A_165 = arith.index_cast %parallel_loop3A_164 : i32 to index
      %parallel_loop3A_166 = arith.index_cast %parallel_loop3A_144 : i32 to index
      %parallel_loop3A_167 = tpu.vector_load %arg9[%parallel_loop3A_165, %parallel_loop3A_166] {strides = array<i32>} : memref<8x4096xf32, #tpu.memory_space<vmem>>, vector<1x16xf32>,
      %parallel_loop3A_168 = vector.shape_cast %parallel_loop3A_167 : vector<1x16xf32> to vector<16xf32>
      %parallel_loop3A_169 = vector.shape_cast %parallel_loop3A_163 : vector<16xf32> to vector<1x16xf32>
      tpu.vector_store %arg9[%parallel_loop3A_165, %parallel_loop3A_166], %parallel_loop3A_169 {strides = array<i32>} : memref<8x4096xf32, #tpu.memory_space<vmem>>, vector<1x16xf32>,
      %parallel_loop3A_170 = arith.constant 1 : i32
      %parallel_loop3A_171 = arith.index_cast %parallel_loop3A_170 : i32 to index
      %parallel_loop3A_172 = arith.index_cast %parallel_loop3A_144 : i32 to index
      %parallel_loop3A_173 = tpu.vector_load %arg9[%parallel_loop3A_171, %parallel_loop3A_172] {strides = array<i32>} : memref<8x4096xf32, #tpu.memory_space<vmem>>, vector<1x16xf32>,
      %parallel_loop3A_174 = vector.shape_cast %parallel_loop3A_173 : vector<1x16xf32> to vector<16xf32>
      %parallel_loop3A_175 = arith.mulf %parallel_loop3A_174, %get3A_4 : vector<16xf32>
      %parallel_loop3A_176 = arith.addf %parallel_loop3A_175, %get3A_7 : vector<16xf32>
      %parallel_loop3A_177 = arith.constant 5.000000e-01 : f32
      %parallel_loop3A_178 = vector.broadcast %parallel_loop3A_177 : f32 to vector<16xf32>
      %parallel_loop3A_179 = arith.maximumf %parallel_loop3A_176, %parallel_loop3A_178 : vector<16xf32>
      %parallel_loop3A_180 = arith.constant 1.525000e+01 : f32
      %parallel_loop3A_181 = vector.broadcast %parallel_loop3A_180 : f32 to vector<16xf32>
      %parallel_loop3A_182 = arith.minimumf %parallel_loop3A_179, %parallel_loop3A_181 : vector<16xf32>
      %parallel_loop3A_183 = arith.constant 0x4B000000 : f32
      %parallel_loop3A_184 = vector.broadcast %parallel_loop3A_183 : f32 to vector<16xf32>
      %parallel_loop3A_185 = arith.addf %parallel_loop3A_182, %parallel_loop3A_184 : vector<16xf32>
      %parallel_loop3A_186 = arith.constant 0x4B000008 : f32
      %parallel_loop3A_187 = vector.broadcast %parallel_loop3A_186 : f32 to vector<16xf32>
      %parallel_loop3A_188 = arith.subf %parallel_loop3A_185, %parallel_loop3A_187 : vector<16xf32>
      %parallel_loop3A_189 = arith.constant 1 : i32
      %parallel_loop3A_190 = arith.index_cast %parallel_loop3A_189 : i32 to index
      %parallel_loop3A_191 = arith.index_cast %parallel_loop3A_144 : i32 to index
      %parallel_loop3A_192 = tpu.vector_load %arg9[%parallel_loop3A_190, %parallel_loop3A_191] {strides = array<i32>} : memref<8x4096xf32, #tpu.memory_space<vmem>>, vector<1x16xf32>,
      %parallel_loop3A_193 = vector.shape_cast %parallel_loop3A_192 : vector<1x16xf32> to vector<16xf32>
      %parallel_loop3A_194 = vector.shape_cast %parallel_loop3A_188 : vector<16xf32> to vector<1x16xf32>
      tpu.vector_store %arg9[%parallel_loop3A_190, %parallel_loop3A_191], %parallel_loop3A_194 {strides = array<i32>} : memref<8x4096xf32, #tpu.memory_space<vmem>>, vector<1x16xf32>,
      %parallel_loop3A_195 = arith.constant 2 : i32
      %parallel_loop3A_196 = arith.index_cast %parallel_loop3A_195 : i32 to index
      %parallel_loop3A_197 = arith.index_cast %parallel_loop3A_144 : i32 to index
      %parallel_loop3A_198 = tpu.vector_load %arg9[%parallel_loop3A_196, %parallel_loop3A_197] {strides = array<i32>} : memref<8x4096xf32, #tpu.memory_space<vmem>>, vector<1x16xf32>,
      %parallel_loop3A_199 = vector.shape_cast %parallel_loop3A_198 : vector<1x16xf32> to vector<16xf32>
      %parallel_loop3A_200 = arith.mulf %parallel_loop3A_199, %get3A_4 : vector<16xf32>
      %parallel_loop3A_201 = arith.addf %parallel_loop3A_200, %get3A_7 : vector<16xf32>
      %parallel_loop3A_202 = arith.constant 5.000000e-01 : f32
      %parallel_loop3A_203 = vector.broadcast %parallel_loop3A_202 : f32 to vector<16xf32>
      %parallel_loop3A_204 = arith.maximumf %parallel_loop3A_201, %parallel_loop3A_203 : vector<16xf32>
      %parallel_loop3A_205 = arith.constant 1.525000e+01 : f32
      %parallel_loop3A_206 = vector.broadcast %parallel_loop3A_205 : f32 to vector<16xf32>
      %parallel_loop3A_207 = arith.minimumf %parallel_loop3A_204, %parallel_loop3A_206 : vector<16xf32>
      %parallel_loop3A_208 = arith.constant 0x4B000000 : f32
      %parallel_loop3A_209 = vector.broadcast %parallel_loop3A_208 : f32 to vector<16xf32>
      %parallel_loop3A_210 = arith.addf %parallel_loop3A_207, %parallel_loop3A_209 : vector<16xf32>
      %parallel_loop3A_211 = arith.constant 0x4B000008 : f32
      %parallel_loop3A_212 = vector.broadcast %parallel_loop3A_211 : f32 to vector<16xf32>
      %parallel_loop3A_213 = arith.subf %parallel_loop3A_210, %parallel_loop3A_212 : vector<16xf32>
      %parallel_loop3A_214 = arith.constant 2 : i32
      %parallel_loop3A_215 = arith.index_cast %parallel_loop3A_214 : i32 to index
      %parallel_loop3A_216 = arith.index_cast %parallel_loop3A_144 : i32 to index
      %parallel_loop3A_217 = tpu.vector_load %arg9[%parallel_loop3A_215, %parallel_loop3A_216] {strides = array<i32>} : memref<8x4096xf32, #tpu.memory_space<vmem>>, vector<1x16xf32>,
      %parallel_loop3A_218 = vector.shape_cast %parallel_loop3A_217 : vector<1x16xf32> to vector<16xf32>
      %parallel_loop3A_219 = vector.shape_cast %parallel_loop3A_213 : vector<16xf32> to vector<1x16xf32>
      tpu.vector_store %arg9[%parallel_loop3A_215, %parallel_loop3A_216], %parallel_loop3A_219 {strides = array<i32>} : memref<8x4096xf32, #tpu.memory_space<vmem>>, vector<1x16xf32>,
      %parallel_loop3A_220 = arith.constant 3 : i32
      %parallel_loop3A_221 = arith.index_cast %parallel_loop3A_220 : i32 to index
      %parallel_loop3A_222 = arith.index_cast %parallel_loop3A_144 : i32 to index
      %parallel_loop3A_223 = tpu.vector_load %arg9[%parallel_loop3A_221, %parallel_loop3A_222] {strides = array<i32>} : memref<8x4096xf32, #tpu.memory_space<vmem>>, vector<1x16xf32>,
      %parallel_loop3A_224 = vector.shape_cast %parallel_loop3A_223 : vector<1x16xf32> to vector<16xf32>
      %parallel_loop3A_225 = arith.mulf %parallel_loop3A_224, %get3A_4 : vector<16xf32>
      %parallel_loop3A_226 = arith.addf %parallel_loop3A_225, %get3A_7 : vector<16xf32>
      %parallel_loop3A_227 = arith.constant 5.000000e-01 : f32
      %parallel_loop3A_228 = vector.broadcast %parallel_loop3A_227 : f32 to vector<16xf32>
      %parallel_loop3A_229 = arith.maximumf %parallel_loop3A_226, %parallel_loop3A_228 : vector<16xf32>
      %parallel_loop3A_230 = arith.constant 1.525000e+01 : f32
      %parallel_loop3A_231 = vector.broadcast %parallel_loop3A_230 : f32 to vector<16xf32>
      %parallel_loop3A_232 = arith.minimumf %parallel_loop3A_229, %parallel_loop3A_231 : vector<16xf32>
      %parallel_loop3A_233 = arith.constant 0x4B000000 : f32
      %parallel_loop3A_234 = vector.broadcast %parallel_loop3A_233 : f32 to vector<16xf32>
      %parallel_loop3A_235 = arith.addf %parallel_loop3A_232, %parallel_loop3A_234 : vector<16xf32>
      %parallel_loop3A_236 = arith.constant 0x4B000008 : f32
      %parallel_loop3A_237 = vector.broadcast %parallel_loop3A_236 : f32 to vector<16xf32>
      %parallel_loop3A_238 = arith.subf %parallel_loop3A_235, %parallel_loop3A_237 : vector<16xf32>
      %parallel_loop3A_239 = arith.constant 3 : i32
      %parallel_loop3A_240 = arith.index_cast %parallel_loop3A_239 : i32 to index
      %parallel_loop3A_241 = arith.index_cast %parallel_loop3A_144 : i32 to index
      %parallel_loop3A_242 = tpu.vector_load %arg9[%parallel_loop3A_240, %parallel_loop3A_241] {strides = array<i32>} : memref<8x4096xf32, #tpu.memory_space<vmem>>, vector<1x16xf32>,
      %parallel_loop3A_243 = vector.shape_cast %parallel_loop3A_242 : vector<1x16xf32> to vector<16xf32>
      %parallel_loop3A_244 = vector.shape_cast %parallel_loop3A_238 : vector<16xf32> to vector<1x16xf32>
      tpu.vector_store %arg9[%parallel_loop3A_240, %parallel_loop3A_241], %parallel_loop3A_244 {strides = array<i32>} : memref<8x4096xf32, #tpu.memory_space<vmem>>, vector<1x16xf32>,
      %parallel_loop3A_245 = arith.constant 4 : i32
      %parallel_loop3A_246 = arith.index_cast %parallel_loop3A_245 : i32 to index
      %parallel_loop3A_247 = arith.index_cast %parallel_loop3A_144 : i32 to index
      %parallel_loop3A_248 = tpu.vector_load %arg9[%parallel_loop3A_246, %parallel_loop3A_247] {strides = array<i32>} : memref<8x4096xf32, #tpu.memory_space<vmem>>, vector<1x16xf32>,
      %parallel_loop3A_249 = vector.shape_cast %parallel_loop3A_248 : vector<1x16xf32> to vector<16xf32>
      %parallel_loop3A_250 = arith.mulf %parallel_loop3A_249, %get3A_4 : vector<16xf32>
      %parallel_loop3A_251 = arith.addf %parallel_loop3A_250, %get3A_7 : vector<16xf32>
      %parallel_loop3A_252 = arith.constant 5.000000e-01 : f32
      %parallel_loop3A_253 = vector.broadcast %parallel_loop3A_252 : f32 to vector<16xf32>
      %parallel_loop3A_254 = arith.maximumf %parallel_loop3A_251, %parallel_loop3A_253 : vector<16xf32>
      %parallel_loop3A_255 = arith.constant 1.525000e+01 : f32
      %parallel_loop3A_256 = vector.broadcast %parallel_loop3A_255 : f32 to vector<16xf32>
      %parallel_loop3A_257 = arith.minimumf %parallel_loop3A_254, %parallel_loop3A_256 : vector<16xf32>
      %parallel_loop3A_258 = arith.constant 0x4B000000 : f32
      %parallel_loop3A_259 = vector.broadcast %parallel_loop3A_258 : f32 to vector<16xf32>
      %parallel_loop3A_260 = arith.addf %parallel_loop3A_257, %parallel_loop3A_259 : vector<16xf32>
      %parallel_loop3A_261 = arith.constant 0x4B000008 : f32
      %parallel_loop3A_262 = vector.broadcast %parallel_loop3A_261 : f32 to vector<16xf32>
      %parallel_loop3A_263 = arith.subf %parallel_loop3A_260, %parallel_loop3A_262 : vector<16xf32>
      %parallel_loop3A_264 = arith.constant 4 : i32
      %parallel_loop3A_265 = arith.index_cast %parallel_loop3A_264 : i32 to index
      %parallel_loop3A_266 = arith.index_cast %parallel_loop3A_144 : i32 to index
      %parallel_loop3A_267 = tpu.vector_load %arg9[%parallel_loop3A_265, %parallel_loop3A_266] {strides = array<i32>} : memref<8x4096xf32, #tpu.memory_space<vmem>>, vector<1x16xf32>,
      %parallel_loop3A_268 = vector.shape_cast %parallel_loop3A_267 : vector<1x16xf32> to vector<16xf32>
      %parallel_loop3A_269 = vector.shape_cast %parallel_loop3A_263 : vector<16xf32> to vector<1x16xf32>
      tpu.vector_store %arg9[%parallel_loop3A_265, %parallel_loop3A_266], %parallel_loop3A_269 {strides = array<i32>} : memref<8x4096xf32, #tpu.memory_space<vmem>>, vector<1x16xf32>,
      %parallel_loop3A_270 = arith.constant 5 : i32
      %parallel_loop3A_271 = arith.index_cast %parallel_loop3A_270 : i32 to index
      %parallel_loop3A_272 = arith.index_cast %parallel_loop3A_144 : i32 to index
      %parallel_loop3A_273 = tpu.vector_load %arg9[%parallel_loop3A_271, %parallel_loop3A_272] {strides = array<i32>} : memref<8x4096xf32, #tpu.memory_space<vmem>>, vector<1x16xf32>,
      %parallel_loop3A_274 = vector.shape_cast %parallel_loop3A_273 : vector<1x16xf32> to vector<16xf32>
      %parallel_loop3A_275 = arith.mulf %parallel_loop3A_274, %get3A_4 : vector<16xf32>
      %parallel_loop3A_276 = arith.addf %parallel_loop3A_275, %get3A_7 : vector<16xf32>
      %parallel_loop3A_277 = arith.constant 5.000000e-01 : f32
      %parallel_loop3A_278 = vector.broadcast %parallel_loop3A_277 : f32 to vector<16xf32>
      %parallel_loop3A_279 = arith.maximumf %parallel_loop3A_276, %parallel_loop3A_278 : vector<16xf32>
      %parallel_loop3A_280 = arith.constant 1.525000e+01 : f32
      %parallel_loop3A_281 = vector.broadcast %parallel_loop3A_280 : f32 to vector<16xf32>
      %parallel_loop3A_282 = arith.minimumf %parallel_loop3A_279, %parallel_loop3A_281 : vector<16xf32>
      %parallel_loop3A_283 = arith.constant 0x4B000000 : f32
      %parallel_loop3A_284 = vector.broadcast %parallel_loop3A_283 : f32 to vector<16xf32>
      %parallel_loop3A_285 = arith.addf %parallel_loop3A_282, %parallel_loop3A_284 : vector<16xf32>
      %parallel_loop3A_286 = arith.constant 0x4B000008 : f32
      %parallel_loop3A_287 = vector.broadcast %parallel_loop3A_286 : f32 to vector<16xf32>
      %parallel_loop3A_288 = arith.subf %parallel_loop3A_285, %parallel_loop3A_287 : vector<16xf32>
      %parallel_loop3A_289 = arith.constant 5 : i32
      %parallel_loop3A_290 = arith.index_cast %parallel_loop3A_289 : i32 to index
      %parallel_loop3A_291 = arith.index_cast %parallel_loop3A_144 : i32 to index
      %parallel_loop3A_292 = tpu.vector_load %arg9[%parallel_loop3A_290, %parallel_loop3A_291] {strides = array<i32>} : memref<8x4096xf32, #tpu.memory_space<vmem>>, vector<1x16xf32>,
      %parallel_loop3A_293 = vector.shape_cast %parallel_loop3A_292 : vector<1x16xf32> to vector<16xf32>
      %parallel_loop3A_294 = vector.shape_cast %parallel_loop3A_288 : vector<16xf32> to vector<1x16xf32>
      tpu.vector_store %arg9[%parallel_loop3A_290, %parallel_loop3A_291], %parallel_loop3A_294 {strides = array<i32>} : memref<8x4096xf32, #tpu.memory_space<vmem>>, vector<1x16xf32>,
      %parallel_loop3A_295 = arith.constant 6 : i32
      %parallel_loop3A_296 = arith.index_cast %parallel_loop3A_295 : i32 to index
      %parallel_loop3A_297 = arith.index_cast %parallel_loop3A_144 : i32 to index
      %parallel_loop3A_298 = tpu.vector_load %arg9[%parallel_loop3A_296, %parallel_loop3A_297] {strides = array<i32>} : memref<8x4096xf32, #tpu.memory_space<vmem>>, vector<1x16xf32>,
      %parallel_loop3A_299 = vector.shape_cast %parallel_loop3A_298 : vector<1x16xf32> to vector<16xf32>
      %parallel_loop3A_300 = arith.mulf %parallel_loop3A_299, %get3A_4 : vector<16xf32>
      %parallel_loop3A_301 = arith.addf %parallel_loop3A_300, %get3A_7 : vector<16xf32>
      %parallel_loop3A_302 = arith.constant 5.000000e-01 : f32
      %parallel_loop3A_303 = vector.broadcast %parallel_loop3A_302 : f32 to vector<16xf32>
      %parallel_loop3A_304 = arith.maximumf %parallel_loop3A_301, %parallel_loop3A_303 : vector<16xf32>
      %parallel_loop3A_305 = arith.constant 1.525000e+01 : f32
      %parallel_loop3A_306 = vector.broadcast %parallel_loop3A_305 : f32 to vector<16xf32>
      %parallel_loop3A_307 = arith.minimumf %parallel_loop3A_304, %parallel_loop3A_306 : vector<16xf32>
      %parallel_loop3A_308 = arith.constant 0x4B000000 : f32
      %parallel_loop3A_309 = vector.broadcast %parallel_loop3A_308 : f32 to vector<16xf32>
      %parallel_loop3A_310 = arith.addf %parallel_loop3A_307, %parallel_loop3A_309 : vector<16xf32>
      %parallel_loop3A_311 = arith.constant 0x4B000008 : f32
      %parallel_loop3A_312 = vector.broadcast %parallel_loop3A_311 : f32 to vector<16xf32>
      %parallel_loop3A_313 = arith.subf %parallel_loop3A_310, %parallel_loop3A_312 : vector<16xf32>
      %parallel_loop3A_314 = arith.constant 6 : i32
      %parallel_loop3A_315 = arith.index_cast %parallel_loop3A_314 : i32 to index
      %parallel_loop3A_316 = arith.index_cast %parallel_loop3A_144 : i32 to index
      %parallel_loop3A_317 = tpu.vector_load %arg9[%parallel_loop3A_315, %parallel_loop3A_316] {strides = array<i32>} : memref<8x4096xf32, #tpu.memory_space<vmem>>, vector<1x16xf32>,
      %parallel_loop3A_318 = vector.shape_cast %parallel_loop3A_317 : vector<1x16xf32> to vector<16xf32>
      %parallel_loop3A_319 = vector.shape_cast %parallel_loop3A_313 : vector<16xf32> to vector<1x16xf32>
      tpu.vector_store %arg9[%parallel_loop3A_315, %parallel_loop3A_316], %parallel_loop3A_319 {strides = array<i32>} : memref<8x4096xf32, #tpu.memory_space<vmem>>, vector<1x16xf32>,
      %parallel_loop3A_320 = arith.constant 7 : i32
      %parallel_loop3A_321 = arith.index_cast %parallel_loop3A_320 : i32 to index
      %parallel_loop3A_322 = arith.index_cast %parallel_loop3A_144 : i32 to index
      %parallel_loop3A_323 = tpu.vector_load %arg9[%parallel_loop3A_321, %parallel_loop3A_322] {strides = array<i32>} : memref<8x4096xf32, #tpu.memory_space<vmem>>, vector<1x16xf32>,
      %parallel_loop3A_324 = vector.shape_cast %parallel_loop3A_323 : vector<1x16xf32> to vector<16xf32>
      %parallel_loop3A_325 = arith.mulf %parallel_loop3A_324, %get3A_4 : vector<16xf32>
      %parallel_loop3A_326 = arith.addf %parallel_loop3A_325, %get3A_7 : vector<16xf32>
      %parallel_loop3A_327 = arith.constant 5.000000e-01 : f32
      %parallel_loop3A_328 = vector.broadcast %parallel_loop3A_327 : f32 to vector<16xf32>
      %parallel_loop3A_329 = arith.maximumf %parallel_loop3A_326, %parallel_loop3A_328 : vector<16xf32>
      %parallel_loop3A_330 = arith.constant 1.525000e+01 : f32
      %parallel_loop3A_331 = vector.broadcast %parallel_loop3A_330 : f32 to vector<16xf32>
      %parallel_loop3A_332 = arith.minimumf %parallel_loop3A_329, %parallel_loop3A_331 : vector<16xf32>
      %parallel_loop3A_333 = arith.constant 0x4B000000 : f32
      %parallel_loop3A_334 = vector.broadcast %parallel_loop3A_333 : f32 to vector<16xf32>
      %parallel_loop3A_335 = arith.addf %parallel_loop3A_332, %parallel_loop3A_334 : vector<16xf32>
      %parallel_loop3A_336 = arith.constant 0x4B000008 : f32
      %parallel_loop3A_337 = vector.broadcast %parallel_loop3A_336 : f32 to vector<16xf32>
      %parallel_loop3A_338 = arith.subf %parallel_loop3A_335, %parallel_loop3A_337 : vector<16xf32>
      %parallel_loop3A_339 = arith.constant 7 : i32
      %parallel_loop3A_340 = arith.index_cast %parallel_loop3A_339 : i32 to index
      %parallel_loop3A_341 = arith.index_cast %parallel_loop3A_144 : i32 to index
      %parallel_loop3A_342 = tpu.vector_load %arg9[%parallel_loop3A_340, %parallel_loop3A_341] {strides = array<i32>} : memref<8x4096xf32, #tpu.memory_space<vmem>>, vector<1x16xf32>,
      %parallel_loop3A_343 = vector.shape_cast %parallel_loop3A_342 : vector<1x16xf32> to vector<16xf32>
      %parallel_loop3A_344 = vector.shape_cast %parallel_loop3A_338 : vector<16xf32> to vector<1x16xf32>
      tpu.vector_store %arg9[%parallel_loop3A_340, %parallel_loop3A_341], %parallel_loop3A_344 {strides = array<i32>} : memref<8x4096xf32, #tpu.memory_space<vmem>>, vector<1x16xf32>,
    } {sc.loop_unroll_factor = 1 : i64, sc.parallel_access}
    %add3A_132 = arith.constant 120 : i32
    %add3A_133 = arith.addi %mul3A_2, %add3A_132 : i32
    %dma_start3A_134 = arith.constant 4096 : i32
    %dma_start3A_135 = tpu.memref_slice %arg5[%add3A_133, %dma_start3A_134] : memref<4096x8192xf32, #tpu.memory_space<hbm>> -> memref<8x4096xf32, #tpu.memory_space<hbm>>
    %dma_start3A_136 = arith.constant 4096 : i32
    %dma_start3A_137 = tpu.memref_slice %arg5[%add3A_133, %dma_start3A_136] : memref<4096x8192xf32, #tpu.memory_space<hbm>> -> memref<8x4096xf32, #tpu.memory_space<hbm>>
    tpu.enqueue_dma source(%arg9 : memref<8x4096xf32, #tpu.memory_space<vmem>>) target(%dma_start3A_137 : memref<8x4096xf32, #tpu.memory_space<hbm>>) target_semaphore(%arg15 : memref<!tpu.dma_semaphore, #tpu.memory_space<semaphore_mem>>)
    %add3A_138 = arith.constant 120 : i32
    %add3A_139 = arith.addi %mul3A_2, %add3A_138 : i32
    %dma_wait3A_140 = arith.constant 4096 : i32
    %dma_wait3A_141 = tpu.memref_slice %arg5[%add3A_139, %dma_wait3A_140] : memref<4096x8192xf32, #tpu.memory_space<hbm>> -> memref<8x4096xf32, #tpu.memory_space<hbm>>
    %dma_wait3A_142 = arith.constant 4096 : i32
    %dma_wait3A_143 = tpu.memref_slice %arg5[%add3A_139, %dma_wait3A_142] : memref<4096x8192xf32, #tpu.memory_space<hbm>> -> memref<8x4096xf32, #tpu.memory_space<hbm>>
    tpu.wait_dma2 semaphore(%arg15 : memref<!tpu.dma_semaphore, #tpu.memory_space<semaphore_mem>>) src(%arg9 : memref<8x4096xf32, #tpu.memory_space<vmem>>) dst(%dma_wait3A_143 : memref<8x4096xf32, #tpu.memory_space<hbm>>)
    return
  }
}

</mosaic_0001>

<sc_bundles>
// kernel: kernel.3.cloned.1.call-start
scs
__scs_entry_jumppad:
0x0: {  	(pc) =	sbr.rel $0x88, $3  }
0x1: {  	(tag) =	ssettag $0x0;
	lr =	simm.s32 $0x1  }
0x2: {  	[smem:$0x3F9F] =	sst lr;
	_ =	strace $0xD0000000  }
0x3: {  	_ = 	snop  }
0x4: {  	_ = 	snop  }
0x5: {  	_ = 	snop  }
0x6: {  	_ = 	snop  }
0x7: {  	_ = 	snop  }
__scs_overlays_trampoline_lowered:
0x8: {  	[smem:$0x3FAE] =	sst s0  }
0x9: {  	[smem:$0x3FAF] =	sst s1  }
0xa: {  	[smem:$0x3FB0] =	sst s2  }
0xb: {  	[smem:$0x3FB1] =	sst s3  }
0xc: {  	[smem:$0x3FB2] =	sst s4  }
0xd: {  	[smem:$0x3FB3] =	sst s5  }
0xe: {  	[smem:$0x3FB4] =	sst s6  }
0xf: {  	[smem:$0x3FB5] =	sst s7  }
0x10: {  	[smem:$0x3FB6] =	sst s8  }
0x11: {  	[smem:$0x3FB7] =	sst s9;
	s0 =	simm.s32 @!p0 $0x0  }
0x12: {  	s1 =	sld [smem:$0x3F9D];
	s0 =	simm.s32 @p0 $0x1  }
0x13: {  	[smem:$0x3FB8] =	sst s0;
	s0 =	simm.s32 @!p1 $0x0  }
0x14: {  	s2 =	sld [smem:$0x3F9C];
	s0 =	simm.s32 @p1 $0x1  }
0x15: {  	[smem:$0x3FB9] =	sst s0;
	s0 =	simm.s32 @!p2 $0x0  }
0x16: {  	s3 =	sld [smem:$0x3FDB];
	s0 =	simm.s32 @p2 $0x1  }
0x17: {  	s4 =	simm.s32 $0x1BF5;
	[smem:$0x3FBB] =	sst s0  }
0x18: {  	s0 =	sld [smem:$0x3F9E];
	_ =	swait.ge [sflag:s4], $0x0  }
0x19: {  	s7 =	sld [smem:$0x3F9F]  }
0x1a: {  	s8 =	sadd.s32 $0xFFFFE003, lr  }
0x1b: {  	s9 =	sadd.s32 $0xFFFFFEF7, lr;
	s5 =	simm.s32 $0xFFFFFFFF;
	p2 =	slt.u32 s8, $0xFFFFF086  }
0x1c: {  	p1 =	slt.u32 s9, $0xF7A;
	s5 =	simm.s32 @!p2 $0x0  }
0x1d: {  	s5 =	simm.s32 @p1 $0x1;
	p0 =	seq.s32 s7, s2  }
0x1e: {  	s7 =	smul.u32 @!p0 $0xF7A, s2;
	p2 =	seq.s32 @!p0 s5, $0x0  }
0x1f: {  	s9 =	smul.u32 $0xF7A, s1;
	s8 =	simm.s32 @!p0 $0x1BF5;
	p2 =	por !p2, p0  }
0x20: {  	[sflag:s8] =	ssyncset.s32 @!p0 $0xFFFFF086;
	s6 =	sadd.s32 @!p0 s3, s7;
	s7 =	simm.s32 @!p0 $0x108  }
0x21: {  	s3 =	sadd.s32 s3, s9;
	s6 =	sadd.s32 @!p0 $0x88, s6;
	s7 =	simm.s32 @p2 $0x1082  }
0x22: {  	[simem:s7], [sflag:s8] =	dma.local @!p0 [hbm:s6], $0xF7A  }
0x23: {  	s9 =	sor.u32 $0xD0000000, s2;
	s6 =	simm.s32 $0x108;
	_ =	swait.ge @!p0 [sflag:s8], $0x0  }
0x24: {  	s3 =	sadd.s32 $0x88, s3;
	s6 =	simm.s32 @!p1 $0x1082;
	[sflag:s4] =	ssyncset.s32 $0xFFFFF086  }
0x25: {  	[simem:s6], [sflag:s4] =	dma.local [hbm:s3], $0xF7A  }
0x26: {  	[smem:$0x3F9F] =	sst s1;
	(tag) =	ssettag s2;
	_ =	strace s9  }
0x27: {  	s1 =	sld [smem:$0x3FAF]  }
0x28: {  	s2 =	sld [smem:$0x3FB0]  }
0x29: {  	s4 =	sld [smem:$0x3FB2]  }
0x2a: {  	p0 =	seq.s32 s5, $0x0;
	s5 =	sld [smem:$0x3FB3]  }
0x2b: {  	s6 =	sld [smem:$0x3FB4]  }
0x2c: {  	s7 =	sld [smem:$0x3FB5]  }
0x2d: {  	s3 =	simm.s32 $0x108;
	s8 =	sld [smem:$0x3FB6]  }
0x2e: {  	s3 =	simm.s32 @!p0 $0x1082;
	s9 =	sld [smem:$0x3FB7]  }
0x2f: {  	lr =	sadd.s32 s0, s3;
	s0 =	sld [smem:$0x3FAE]  }
0x30: {  	s3 =	sld [smem:$0x3FB1]  }
0x31: {  	[smem:$0x3FBA] =	sst s10  }
0x32: {  	s10 =	sld [smem:$0x3FB8];
	_ =	sdelay $0x3  }
0x33: {  	p0 =	seq.s32 s10, $0x1;
	s10 =	sld [smem:$0x3FBA];
	_ =	sdelay $0x3  }
0x34: {  	[smem:$0x3FBA] =	sst s10  }
0x35: {  	s10 =	sld [smem:$0x3FB9];
	_ =	sdelay $0x3  }
0x36: {  	p1 =	seq.s32 s10, $0x1;
	s10 =	sld [smem:$0x3FBA];
	_ =	sdelay $0x3  }
0x37: {  	[smem:$0x3FBA] =	sst s10  }
0x38: {  	s10 =	sld [smem:$0x3FBB]  }
0x39: {  	_ = 	snop;
	(pc) =	sbr.ind lr, $3  }
0x3a: {  	_ = 	snop  }
0x3b: {  	_ = 	snop  }
0x3c: {  	p2 =	seq.s32 s10, $0x1;
	s10 =	sld [smem:$0x3FBA]  }
0x3d: {  	_ =	shalt  }
0x3e: {  	_ =	shalt  }
0x3f: {  	_ =	shalt  }
0x40: {  	_ =	shalt  }
0x41: {  	_ =	shalt  }
0x42: {  	_ =	shalt  }
0x43: {  	_ =	shalt  }
0x44: {  	_ =	shalt  }
0x45: {  	_ =	shalt  }
0x46: {  	_ =	shalt  }
0x47: {  	_ =	shalt  }
0x48: {  	_ =	shalt  }
0x49: {  	_ =	shalt  }
0x4a: {  	_ =	shalt  }
0x4b: {  	_ =	shalt  }
0x4c: {  	_ =	shalt  }
0x4d: {  	_ =	shalt  }
0x4e: {  	_ =	shalt  }
0x4f: {  	_ =	shalt  }
0x50: {  	_ =	shalt  }
0x51: {  	_ =	shalt  }
0x52: {  	_ =	shalt  }
0x53: {  	_ =	shalt  }
0x54: {  	_ =	shalt  }
0x55: {  	_ =	shalt  }
0x56: {  	_ =	shalt  }
0x57: {  	_ =	shalt  }
0x58: {  	_ =	shalt  }
0x59: {  	_ =	shalt  }
0x5a: {  	_ =	shalt  }
0x5b: {  	_ =	shalt  }
0x5c: {  	_ =	shalt  }
0x5d: {  	_ =	shalt  }
0x5e: {  	_ =	shalt  }
0x5f: {  	_ =	shalt  }
0x60: {  	_ =	shalt  }
0x61: {  	_ =	shalt  }
0x62: {  	_ =	shalt  }
0x63: {  	_ =	shalt  }
0x64: {  	_ =	shalt  }
0x65: {  	_ =	shalt  }
0x66: {  	_ =	shalt  }
0x67: {  	_ =	shalt  }
0x68: {  	_ =	shalt  }
0x69: {  	_ =	shalt  }
0x6a: {  	_ =	shalt  }
0x6b: {  	_ =	shalt  }
0x6c: {  	_ =	shalt  }
0x6d: {  	_ =	shalt  }
0x6e: {  	_ =	shalt  }
0x6f: {  	_ =	shalt  }
0x70: {  	_ =	shalt  }
0x71: {  	_ =	shalt  }
0x72: {  	_ =	shalt  }
0x73: {  	_ =	shalt  }
0x74: {  	_ =	shalt  }
0x75: {  	_ =	shalt  }
0x76: {  	_ =	shalt  }
0x77: {  	_ =	shalt  }
0x78: {  	_ =	shalt  }
0x79: {  	_ =	shalt  }
0x7a: {  	_ =	shalt  }
0x7b: {  	_ =	shalt  }
0x7c: {  	_ =	shalt  }
0x7d: {  	_ =	shalt  }
0x7e: {  	_ =	shalt  }
0x7f: {  	_ =	shalt  }
0x80: {  	_ =	shalt  }
0x81: {  	_ =	shalt  }
0x82: {  	_ =	shalt  }
0x83: {  	_ =	shalt  }
0x84: {  	_ =	shalt  }
0x85: {  	_ =	shalt  }
0x86: {  	_ =	shalt  }
0x87: {  	_ =	shalt  }
.Lfunc_end0:
.L_simem_size_0:
called_computation_lowered:
.L_overlay_start_0:
0x88: {  	s2 =	sld [smem:$0x3FD9]  }
0x89: {  	s3 =	sld [smem:$0x3FFE];
	_ =	sdelay $0x1  }
0x8a: {  	s1 =	srdreg.scid  }
0x8b: {  	s0 =	sand.u32 $0x1, s1  }
0x8c: {  	s17 =	sshll.u32 s0, $0xA;
	s2 =	sadd.s32 s3, s2  }
0x8d: {  	s2 =	sadd.s32 s2, s17  }
0x8e: {  	[smem:$0x3FC6] =	sst s2  }
0x8f: {  	_ = 	snop  }
0x90: {  	s2 =	sld [smem:$0x3FC9]  }
0x91: {  	s18 =	sld [smem:$0x3FD0];
	(tm) =	ssettm $0x1  }
0x92: {  	s4 =	sld [smem:$0x3FFB];
	_ =	sdelay $0x3  }
0x93: {  	_ =	strace s4  }
0x94: {  	s4 =	sld [smem:$0x3FFC];
	_ =	sdelay $0x3  }
0x95: {  	_ =	strace s4  }
0x96: {  	s4 =	sld [smem:$0x3FFD];
	_ =	sdelay $0x3  }
0x97: {  	_ =	strace s4  }
0x98: {  	_ =	strace $0x8FFFFFFF  }
0x99: {  	s19 =	sld [smem:$0x3FDB];
	_ =	sdelay $0x1  }
0x9a: {  	s5 =	simm.s32 $_scs_section_size  }
0x9b: {  	s6 =	simm.s32 $_size__tile_overlayer_lowered;
	s7 =	simm.s32 $_tile_overlayer_lowered  }
0x9c: {  	s22 =	simm.s32 $0x1BFF;
	s21 =	sshll.u32 s7, $0x1;
	s4 =	sadd.s32 s5, s19  }
0x9d: {  	s8 =	simm.s32 $0x0;
	s20 =	sshll.u32 s6, $0x1;
	s6 =	sadd.s32 s21, s4  }
0x9e: {  	[timem:s8], [sflag:s22] =	dma.local [hbm:s6], s20  }
0x9f: {  	_ =	swait.ge [sflag:s22], s20  }
0xa0: {  	s5 =	ssub.s32 $0x0, s20;
	[sflag:s22] =	ssyncset.done $0x0  }
0xa1: {  	[sflag:s22] =	ssyncadd.s32 s5;
	_ =	sdelay $0x1  }
0xa2: {  	s23 =	simm.s32 $0x1B8B  }
0xa3: {  	_ =	swait.ge [sflag:s23], $0x1  }
0xa4: {  	[sflag:s23] =	ssyncset.done $0x0  }
0xa5: {  	s25 =	simm.s32 $0x1B8E;
	s24 =	sld [smem:$0x3FFE];
	[sflag:s23] =	ssyncadd.s32 $0xFFFFFFFF  }
0xa6: {  	s26 =	simm.s32 $execute0_lowered;
	[smem:$0x3FD2] =	sst s25  }
0xa7: {  	s6 =	sshll.u32 s26, $0x1;
	_ =	strace $0x80000046;
	[dreg:$0x1] =	wrdreg $0xFFFFFFFF  }
0xa8: {  	s28 =	simm.s32 $_size_execute0_lowered;
	s4 =	sadd.s32 s4, s6;
	[dreg:$0x0] =	wrdreg $0x0  }
0xa9: {  	s6 =	sshll.u32 s28, $0x1;
	[dreg:$0x2] =	wrdreg s4  }
0xaa: {  	[dreg:$0x3] =	wrdreg s6  }
0xab: {  	[dreg:$0x4] =	wrdreg $0xC0  }
0xac: {  	_ =	task [dreg:s8], $0x5FFFF  }
0xad: {  	[dreg:$0x1] =	wrdreg $0xFFFFFFFF  }
0xae: {  	[dreg:$0x0] =	wrdreg $0x60  }
0xaf: {  	[dreg:$0x2] =	wrdreg s2  }
0xb0: {  	[dreg:$0x3] =	wrdreg s24  }
0xb1: {  	[dreg:$0x4] =	wrdreg s18  }
0xb2: {  	[dreg:$0x5] =	wrdreg $0x9  }
0xb3: {  	_ =	task.clear_ibuf [dreg:s8], $0x6FFFF;
	_ =	strace $0x90000046  }
0xb4: {  	s29 =	simm.s32 $0x9;
	_ =	strace $0x80000048  }
0xb5: {  	_ =	swait.ge [sflag:s29], $0x1  }
0xb6: {  	[sflag:s29] =	ssyncadd.s32 $0xFFFFFFFF  }
0xb7: {  	_ =	strace $0x90000048  }
0xb8: {  	_ =	sfence  }
0xb9: {  	s30 =	sld [smem:$0x0];
	_ =	sdelay $0x2  }
0xba: {  	s31 =	sshll.u32 s1, $0xD;
	s1 =	sshrl.u32 s1, $0x2  }
0xbb: {  	s3 =	sand.u32 $0x4000, s31;
	s1 =	sadd.s32 s1, s30  }
0xbc: {  	s0 =	sor.u32 s3, s0;
	s1 =	sshll.u32 s1, $0x11  }
0xbd: {  	s0 =	sor.u32 s1, s0  }
0xbe: {  	s0 =	sadd.s32 $0x8F2B, s0  }
0xbf: {  	[sflag:s0] =	ssyncadd.remote.s32 $0x1  }
0xc0: {  	_ =	sfence.sel $0xFFFF  }
0xc1: {  	[dreg:$0x0] =	wrdreg $0xFFFFFFFF;
	(pc) =	sbr.abs _section_cstart, $3  }
0xc2: {  	[dreg:$0x1] =	wrdreg $0xFFFFFFFF  }
0xc3: {  	_ =	task.clear_ibuf [dreg:s8], $0x2FFFF;
	_ =	strace $0x9FFFFFFF  }
0xc4: {  	(tm) =	ssettm $0x7FFFFFFF  }
0xc5: {  	_ =	shalt  }
tec
execute0_lowered:
.L_overlay_start_1:
0x0: {  	(tag) =	ssettag $0x1  }
0x1: {  	s1 =	rddreg [dreg:$0x0]  }
0x2: {  	s0 =	rddreg [dreg:$0x1]  }
0x3: {  	s2 =	rddreg [dreg:$0x2];
	s4 =	simm.s32 $0x0  }
0x4: {  	s3 =	srdreg.scid;
	s5 =	stileid.u32;
	s28 =	simm.s32 $0x5  }
0x5: {  	[smem:$0x7FF] =	sst s4;
	s3 =	sand.u32 $0x1, s3;
	s5 =	sshll.u32 s5, $0x8  }
0x6: {  	s7 =	sadd.s32 $0x800, s0;
	s0 =	sadd.s32 $0x600, s0;
	s6 =	sshll.u32 s3, $0x7  }
0x7: {  	_ =	strace $0x80000047;
	s3 =	ssub.s32 $0x2, s3;
	s5 =	sor.u32 s6, s5  }
0x8: {  	[dreg:$0x4] =	wrdreg s7;
	s19 =	sshrl.u32 s3, $0x1;
	s6 =	sshll.u32 s5, $0xA  }
0x9: {  	[dreg:$0x5] =	wrdreg s0;
	s0 =	ssub.s32 s3, s19;
	s20 =	sadd.s32 s1, s6  }
0xa: {  	s21 =	sor.u32 $0x1000, s6;
	s0 =	smax.u32 s0, $0x1;
	[dreg:$0x6] =	wrdreg s20  }
0xb: {  	s29 =	simm.s32 $0x3;
	s8 =	sadd.s32 s1, s21;
	[dreg:$0xf] =	wrdreg s0  }
0xc: {  	s30 =	simm.s32 $0x6;
	s22 =	sadd.s32 $0x2000, s20;
	[dreg:$0x7] =	wrdreg s8  }
0xd: {  	s31 =	simm.s32 $0x0;
	s7 =	sadd.s32 $0x3000, s20;
	[dreg:$0x8] =	wrdreg s22  }
0xe: {  	s23 =	sor.u32 $0x1F000, s6;
	s3 =	sadd.s32 s2, s21;
	[dreg:$0x9] =	wrdreg s7  }
0xf: {  	s10 =	sadd.s32 s2, s6;
	s24 =	sadd.s32 s1, s23;
	[dreg:$0xa] =	wrdreg s3  }
0x10: {  	s13 =	sshrl.u32 s5, $0x3;
	s25 =	sadd.s32 $0x1D000, s10;
	[dreg:$0xb] =	wrdreg s24  }
0x11: {  	s19 =	simm.s32 $0x7;
	s26 =	sadd.s32 $0x1E000, s10;
	[dreg:$0xc] =	wrdreg s25  }
0x12: {  	s21 =	simm.s32 $0x100;
	[dreg:$0xd] =	wrdreg s26;
	s3 =	sadd.s32 s2, s23  }
0x13: {  	s22 =	simm.s32 $0x8100;
	s23 =	simm.s32 $0x10100;
	s24 =	simm.s32 $0x1  }
0x14: {  	s25 =	simm.s32 $0x4;
	s26 =	simm.s32 $0x2;
	[dreg:$0xe] =	wrdreg s3  }
.LBB2_1:
0x15: {  	s0 =	rddreg [dreg:$0x4]  }
0x16: {  	[tilespmem:s4], [sflag:$0x7] =	stream.linear.gather [hbm4b:s0+s4], $0x80, $0x38;
	[tilespmem:$0x18100] =	vst v63  }
0x17: {  	_ =	swait.ge [sflag:s19], $0x80  }
0x18: {  	[sflag:s19] =	ssyncset.done $0x0  }
0x19: {  	s3 =	simm.s32 $0x80;
	s9 =	rddreg [dreg:$0x5];
	[sflag:s19] =	ssyncadd.s32 $0xFFFFFF80  }
0x1a: {  	[tilespmem:s3], [sflag:$0x7] =	stream.linear.gather [hbm4b:s9+s4], $0x80, $0x38;
	[tilespmem:$0x18100] =	vst v63  }
0x1b: {  	_ =	swait.ge [sflag:s19], $0x80  }
0x1c: {  	[sflag:s19] =	ssyncset.done $0x0  }
0x1d: {  	[sflag:s19] =	ssyncadd.s32 $0xFFFFFF80  }
0x1e: {  	s11 =	rddreg [dreg:$0x6];
	v1 =	vld [tilespmem:$0x0]  }
0x1f: {  	v0 =	vld [tilespmem:$0x80];
	[tilespmem:s21], [sflag:$0x1] =	stream.linear.gather [hbm4b:s11+s4], $0x8000, $0x38  }
0x20: {  	s12 =	rddreg [dreg:$0x7]  }
0x21: {  	[tilespmem:s22], [sflag:$0x2] =	stream.linear.gather [hbm4b:s12+s4], $0x8000, $0x38;
	[tilespmem:$0x18100] =	vst v63  }
0x22: {  	s14 =	rddreg [dreg:$0x8]  }
0x23: {  	[tilespmem:s23], [sflag:$0x3] =	stream.linear.gather [hbm4b:s14+s4], $0x8000, $0x38;
	[tilespmem:$0x18100] =	vst v63  }
0x24: {  	s15 =	simm.s32 $0x0;
	_ =	swait.ge [sflag:s24], $0x8000  }
0x25: {  	s16 =	sand.u32 $0x7C00, s4;
	s0 =	sand.u32 $0x70, s15;
	[sflag:s24] =	ssyncset.done $0x0  }
0x26: {  	s6 =	sor.u32 s0, s16;
	[sflag:s24] =	ssyncadd.s32 $0xFFFF8000  }
0x27: {  	v2 =	vld [tilespmem:s6+$0x100]  }
0x28: {  	v3 =	vld [tilespmem:s6+$0x180]  }
0x29: {  	v4 =	vld [tilespmem:s6+$0x200]  }
0x2a: {  	v5 =	vld [tilespmem:s6+$0x280]  }
0x2b: {  	s17 =	simm.s32 $0x10;
	s0 =	simm.s32 $0x80;
	v6 =	vld [tilespmem:s6+$0x300]  }
0x2c: {  	s5 =	sand.u32 $0x7C00, s0;
	s3 =	sand.u32 $0x70, s17;
	v7 =	vld [tilespmem:s6+$0x380]  }
0x2d: {  	s3 =	sor.u32 s3, s5;
	v8 =	vld [tilespmem:s6+$0x400]  }
0x2e: {  	v10 =	vld [tilespmem:s3+$0x180]  }
0x2f: {  	v2 =	vmul.f32 v2, v1;
	v3 =	vmul.f32 v3, v1  }
0x30: {  	v11 =	vld [tilespmem:s3+$0x200];
	v4 =	vmul.f32 v4, v1;
	v5 =	vmul.f32 v5, v1  }
0x31: {  	v6 =	vmul.f32 v6, v1;
	v7 =	vmul.f32 v7, v1  }
0x32: {  	v8 =	vmul.f32 v8, v1;
	v2 =	vadd.f32 v2, v0;
	v3 =	vadd.f32 v3, v0  }
0x33: {  	v10 =	vmul.f32 v10, v1;
	v4 =	vadd.f32 v4, v0;
	v5 =	vadd.f32 v5, v0  }
0x34: {  	v6 =	vadd.f32 v6, v0;
	v7 =	vadd.f32 v7, v0  }
0x35: {  	v11 =	vmul.f32 v11, v1;
	v8 =	vadd.f32 v8, v0;
	v10 =	vadd.f32 v10, v0  }
0x36: {  	v2 =	vmax.f32 v2, $5.000000000e-01;
	v3 =	vmax.f32 v3, $5.000000000e-01;
	v4 =	vmax.f32 v4, $5.000000000e-01  }
0x37: {  	v5 =	vmax.f32 v5, $5.000000000e-01;
	v6 =	vmax.f32 v6, $5.000000000e-01;
	v2 =	vmin.f32 v2, $1.525000000e+01  }
0x38: {  	v9 =	vld [tilespmem:s3+$0x100];
	v7 =	vmax.f32 v7, $5.000000000e-01;
	v3 =	vmin.f32 v3, $1.525000000e+01;
	v2 =	vadd.f32 $8.388608000e+06, v2  }
0x39: {  	s9 =	simm.s32 $0x20;
	v12 =	vld [tilespmem:s3+$0x280];
	v8 =	vmax.f32 v8, $5.000000000e-01;
	v4 =	vmin.f32 v4, $1.525000000e+01;
	v3 =	vadd.f32 $8.388608000e+06, v3  }
0x3a: {  	s18 =	sand.u32 $0x70, s9;
	s11 =	simm.s32 $0x100;
	v13 =	vld [tilespmem:s3+$0x300];
	v5 =	vmin.f32 v5, $1.525000000e+01;
	v4 =	vadd.f32 $8.388608000e+06, v4;
	v2 =	vadd.f32 $-8.388616000e+06, v2  }
0x3b: {  	s8 =	sand.u32 $0x7C00, s11;
	v14 =	vld [tilespmem:s3+$0x380];
	v6 =	vmin.f32 v6, $1.525000000e+01;
	v5 =	vadd.f32 $8.388608000e+06, v5;
	v3 =	vadd.f32 $-8.388616000e+06, v3  }
0x3c: {  	s5 =	sor.u32 s18, s8;
	v7 =	vmin.f32 v7, $1.525000000e+01;
	[tilespmem:s6+$0x100] =	vst v2;
	v2 =	vadd.f32 $-8.388616000e+06, v4;
	v4 =	vadd.f32 $8.388608000e+06, v6;
	v6 =	vld [tilespmem:s3+$0x400]  }
0x3d: {  	v8 =	vmin.f32 v8, $1.525000000e+01;
	[tilespmem:s6+$0x180] =	vst v3;
	v3 =	vadd.f32 $-8.388616000e+06, v5;
	v5 =	vadd.f32 $8.388608000e+06, v7;
	v7 =	vld [tilespmem:s5+$0x100]  }
0x3e: {  	[tilespmem:s6+$0x200] =	vst v2;
	v2 =	vadd.f32 $-8.388616000e+06, v4;
	v4 =	vadd.f32 $8.388608000e+06, v8  }
0x3f: {  	s20 =	sand.u32 $0x7, s4;
	v9 =	vmul.f32 v9, v1;
	v11 =	vadd.f32 v11, v0;
	v8 =	vld [tilespmem:s5+$0x180];
	[tilespmem:s6+$0x280] =	vst v3;
	v3 =	vadd.f32 $-8.388616000e+06, v5  }
0x40: {  	s8 =	sshll.u32 s20, $0x4;
	v10 =	vmax.f32 v10, $5.000000000e-01;
	v5 =	vmul.f32 v12, v1;
	[tilespmem:s6+$0x300] =	vst v2;
	v2 =	vadd.f32 $-8.388616000e+06, v4  }
0x41: {  	s8 =	sadd.s32 $0x0, s8;
	v12 =	vmul.f32 v13, v1;
	v4 =	vadd.f32 v9, v0;
	v9 =	vmul.f32 v14, v1;
	[tilespmem:s6+$0x380] =	vst v3  }
0x42: {  	v5 =	vadd.f32 v5, v0;
	v6 =	vmul.f32 v6, v1;
	[tilespmem:s6+$0x400] =	vst v2;
	v2 =	vmul.f32 v7, v1;
	s6 =	sor.u32 $0x380, s8  }
0x43: {  	v7 =	vadd.f32 v12, v0;
	v9 =	vadd.f32 v9, v0;
	v4 =	vmax.f32 v4, $5.000000000e-01;
	v13 =	vld [tilespmem:s6+$0x100]  }
0x44: {  	v12 =	vmax.f32 v11, $5.000000000e-01;
	v5 =	vmax.f32 v5, $5.000000000e-01;
	v3 =	vmul.f32 v8, v1  }
0x45: {  	v6 =	vadd.f32 v6, v0;
	v4 =	vmin.f32 v4, $1.525000000e+01;
	v8 =	vmax.f32 v7, $5.000000000e-01  }
0x46: {  	v7 =	vmax.f32 v9, $5.000000000e-01;
	v9 =	vmin.f32 v10, $1.525000000e+01;
	v11 =	vadd.f32 $8.388608000e+06, v4  }
0x47: {  	v4 =	vmin.f32 v12, $1.525000000e+01;
	v12 =	vmin.f32 v5, $1.525000000e+01;
	v6 =	vmax.f32 v6, $5.000000000e-01  }
0x48: {  	s12 =	simm.s32 $0x0;
	s8 =	simm.s32 $0x100;
	v5 =	vld [tilespmem:s5+$0x200];
	v10 =	vadd.f32 $8.388608000e+06, v9;
	v9 =	vadd.f32 $8.388608000e+06, v4;
	v4 =	vmul.f32 v13, v1  }
.LBB2_2:
0x49: {  	s9 =	sadd.s32 $0x10, s9;
	v13 =	vld [tilespmem:s5+$0x280];
	s11 =	sadd.s32 $0x80, s11;
	v11 =	vadd.f32 $-8.388616000e+06, v11;
	v12 =	vadd.f32 $8.388608000e+06, v12;
	v8 =	vmin.f32 v8, $1.525000000e+01  }
0x4a: {  	v7 =	vmin.f32 v7, $1.525000000e+01;
	s14 =	sand.u32 $0x70, s9;
	s15 =	sand.u32 $0x7C00, s11;
	v14 =	vld [tilespmem:s5+$0x300];
	v10 =	vadd.f32 $-8.388616000e+06, v10;
	v4 =	vadd.f32 v4, v0  }
0x4b: {  	v6 =	vmin.f32 v6, $1.525000000e+01;
	v9 =	vadd.f32 $-8.388616000e+06, v9;
	v8 =	vadd.f32 $8.388608000e+06, v8;
	v15 =	vld [tilespmem:s5+$0x380];
	[tilespmem:s3+$0x100] =	vst v11  }
0x4c: {  	v7 =	vadd.f32 $8.388608000e+06, v7;
	s14 =	sor.u32 s14, s15;
	v11 =	vld [tilespmem:s5+$0x400];
	[tilespmem:s3+$0x180] =	vst v10;
	v10 =	vadd.f32 $-8.388616000e+06, v12;
	v4 =	vmax.f32 v4, $5.000000000e-01  }
0x4d: {  	v6 =	vadd.f32 $8.388608000e+06, v6;
	v8 =	vadd.f32 $-8.388616000e+06, v8;
	v12 =	vld [tilespmem:s14+$0x100];
	[tilespmem:s3+$0x200] =	vst v9;
	v4 =	vmin.f32 v4, $1.525000000e+01  }
0x4e: {  	s12 =	sadd.s32 $0x1, s12;
	v7 =	vadd.f32 $-8.388616000e+06, v7;
	v5 =	vmul.f32 v5, v1;
	v9 =	vld [tilespmem:s14+$0x180];
	[tilespmem:s3+$0x280] =	vst v10;
	v4 =	vadd.f32 $8.388608000e+06, v4  }
0x4f: {  	s15 =	sand.u32 $0x7, s12;
	v6 =	vadd.f32 $-8.388616000e+06, v6;
	v10 =	vmul.f32 v13, v1;
	v13 =	vmul.f32 v14, v1;
	[tilespmem:s3+$0x300] =	vst v8  }
0x50: {  	p0 =	slt.u32 s9, $0xFF0;
	s15 =	sshll.u32 s15, $0x4;
	v8 =	vadd.f32 v2, v0;
	v14 =	vmul.f32 v15, v1;
	[tilespmem:s3+$0x380] =	vst v7;
	v4 =	vadd.f32 $-8.388616000e+06, v4  }
0x51: {  	s15 =	sadd.s32 s15, s0;
	s0 =	smov.u32 s8;
	s8 =	smov.u32 s11;
	v5 =	vadd.f32 v5, v0;
	v7 =	vadd.f32 v3, v0;
	v11 =	vmul.f32 v11, v1;
	[tilespmem:s3+$0x400] =	vst v6  }
0x52: {  	v6 =	vadd.f32 v10, v0;
	v10 =	vadd.f32 v13, v0;
	s3 =	smov.u32 s5;
	s5 =	smov.u32 s14;
	v2 =	vmul.f32 v12, v1;
	[tilespmem:s6+$0x100] =	vst v4;
	s6 =	sor.u32 $0x380, s15  }
0x53: {  	v4 =	vadd.f32 v14, v0;
	v3 =	vmul.f32 v9, v1;
	v9 =	vadd.f32 v11, v0;
	v13 =	vld [tilespmem:s6+$0x100]  }
.Ltmp0:
0x54: {  	v5 =	vmax.f32 v5, $5.000000000e-01;
	v12 =	vmax.f32 v7, $5.000000000e-01;
	v11 =	vmax.f32 v8, $5.000000000e-01;
	(pc) =	sbr.rel @p0 .LBB2_2-.Ltmp0, $4  }
0x55: {  	v14 =	vmax.f32 v6, $5.000000000e-01;
	v8 =	vmax.f32 v10, $5.000000000e-01;
	v7 =	vmax.f32 v4, $5.000000000e-01  }
0x56: {  	v10 =	vmin.f32 v12, $1.525000000e+01;
	v4 =	vmin.f32 v11, $1.525000000e+01;
	v6 =	vmax.f32 v9, $5.000000000e-01  }
0x57: {  	v12 =	vmin.f32 v14, $1.525000000e+01;
	v11 =	vadd.f32 $8.388608000e+06, v4;
	v4 =	vmin.f32 v5, $1.525000000e+01  }
0x58: {  	v10 =	vadd.f32 $8.388608000e+06, v10;
	v9 =	vadd.f32 $8.388608000e+06, v4;
	v5 =	vld [tilespmem:s5+$0x200];
	v4 =	vmul.f32 v13, v1  }
0x59: {  	v11 =	vadd.f32 $-8.388616000e+06, v11  }
0x5a: {  	v12 =	vadd.f32 $8.388608000e+06, v12;
	v8 =	vmin.f32 v8, $1.525000000e+01;
	v2 =	vadd.f32 v2, v0  }
0x5b: {  	v13 =	vld [tilespmem:s5+$0x280];
	v7 =	vmin.f32 v7, $1.525000000e+01;
	v3 =	vadd.f32 v3, v0;
	v10 =	vadd.f32 $-8.388616000e+06, v10  }
0x5c: {  	v14 =	vld [tilespmem:s5+$0x300];
	v6 =	vmin.f32 v6, $1.525000000e+01;
	v9 =	vadd.f32 $-8.388616000e+06, v9;
	v8 =	vadd.f32 $8.388608000e+06, v8  }
0x5d: {  	v15 =	vld [tilespmem:s5+$0x380];
	v7 =	vadd.f32 $8.388608000e+06, v7;
	v6 =	vadd.f32 $8.388608000e+06, v6  }
0x5e: {  	v16 =	vld [tilespmem:s5+$0x400];
	v12 =	vadd.f32 $-8.388616000e+06, v12;
	v2 =	vmax.f32 v2, $5.000000000e-01;
	v8 =	vadd.f32 $-8.388616000e+06, v8  }
0x5f: {  	v3 =	vmax.f32 v3, $5.000000000e-01;
	v7 =	vadd.f32 $-8.388616000e+06, v7;
	v6 =	vadd.f32 $-8.388616000e+06, v6  }
0x60: {  	v2 =	vmin.f32 v2, $1.525000000e+01;
	v3 =	vmin.f32 v3, $1.525000000e+01;
	v5 =	vmul.f32 v5, v1  }
0x61: {  	v2 =	vadd.f32 $8.388608000e+06, v2;
	v3 =	vadd.f32 $8.388608000e+06, v3;
	v13 =	vmul.f32 v13, v1  }
0x62: {  	[tilespmem:s3+$0x100] =	vst v11;
	v14 =	vmul.f32 v14, v1;
	v15 =	vmul.f32 v15, v1;
	v5 =	vadd.f32 v5, v0  }
0x63: {  	[tilespmem:s3+$0x180] =	vst v10;
	v16 =	vmul.f32 v16, v1;
	v2 =	vadd.f32 $-8.388616000e+06, v2;
	v3 =	vadd.f32 $-8.388616000e+06, v3  }
0x64: {  	[tilespmem:s3+$0x200] =	vst v9;
	v13 =	vadd.f32 v13, v0;
	v14 =	vadd.f32 v14, v0  }
0x65: {  	[tilespmem:s3+$0x280] =	vst v12;
	v11 =	vadd.f32 v15, v0;
	v15 =	vadd.f32 v16, v0;
	v5 =	vmax.f32 v5, $5.000000000e-01  }
0x66: {  	[tilespmem:s3+$0x300] =	vst v8;
	v9 =	vmax.f32 v13, $5.000000000e-01;
	v10 =	vmax.f32 v14, $5.000000000e-01;
	v5 =	vmin.f32 v5, $1.525000000e+01  }
0x67: {  	[tilespmem:s3+$0x380] =	vst v7;
	v11 =	vmax.f32 v11, $5.000000000e-01;
	v7 =	vmin.f32 v9, $1.525000000e+01;
	v5 =	vadd.f32 $8.388608000e+06, v5  }
0x68: {  	[tilespmem:s3+$0x400] =	vst v6;
	v8 =	vmax.f32 v15, $5.000000000e-01;
	v6 =	vadd.f32 $8.388608000e+06, v7;
	v7 =	vmin.f32 v10, $1.525000000e+01  }
0x69: {  	[tilespmem:s5+$0x100] =	vst v2;
	v9 =	vmin.f32 v11, $1.525000000e+01;
	v2 =	vadd.f32 $-8.388616000e+06, v5;
	v5 =	vadd.f32 $8.388608000e+06, v7  }
0x6a: {  	s7 =	sadd.s32 $0x1, s12;
	[tilespmem:s5+$0x180] =	vst v3;
	v7 =	vmin.f32 v8, $1.525000000e+01;
	v3 =	vadd.f32 $-8.388616000e+06, v6;
	v6 =	vadd.f32 $8.388608000e+06, v9  }
0x6b: {  	s9 =	sand.u32 $0x7, s7;
	s3 =	sadd.s32 $0x1, s7;
	[tilespmem:s5+$0x200] =	vst v2;
	v2 =	vadd.f32 $-8.388616000e+06, v5;
	v5 =	vadd.f32 $8.388608000e+06, v7  }
0x6c: {  	s9 =	sshll.u32 s9, $0x4;
	s3 =	sand.u32 $0x7, s3;
	[tilespmem:s5+$0x280] =	vst v3;
	v3 =	vadd.f32 $-8.388616000e+06, v6  }
0x6d: {  	s0 =	sadd.s32 s9, s0;
	s3 =	sshll.u32 s3, $0x4;
	[tilespmem:s5+$0x300] =	vst v2;
	v2 =	vadd.f32 $-8.388616000e+06, v5  }
0x6e: {  	s0 =	sor.u32 $0x380, s0;
	s3 =	sadd.s32 s3, s8;
	[tilespmem:s5+$0x380] =	vst v3  }
0x6f: {  	s3 =	sor.u32 $0x380, s3;
	v3 =	vld [tilespmem:s0+$0x100];
	[tilespmem:s5+$0x400] =	vst v2  }
0x70: {  	v2 =	vld [tilespmem:s3+$0x100];
	_ =	sdelay $0x3  }
0x71: {  	v3 =	vmul.f32 v3, v1  }
0x72: {  	v4 =	vadd.f32 v4, v0;
	v2 =	vmul.f32 v2, v1  }
0x73: {  	v3 =	vadd.f32 v3, v0  }
0x74: {  	v4 =	vmax.f32 v4, $5.000000000e-01;
	v2 =	vadd.f32 v2, v0  }
0x75: {  	v4 =	vmin.f32 v4, $1.525000000e+01;
	v3 =	vmax.f32 v3, $5.000000000e-01  }
0x76: {  	v4 =	vadd.f32 $8.388608000e+06, v4;
	v3 =	vmin.f32 v3, $1.525000000e+01;
	v2 =	vmax.f32 v2, $5.000000000e-01  }
0x77: {  	v3 =	vadd.f32 $8.388608000e+06, v3;
	v2 =	vmin.f32 v2, $1.525000000e+01  }
0x78: {  	v4 =	vadd.f32 $-8.388616000e+06, v4;
	v2 =	vadd.f32 $8.388608000e+06, v2  }
0x79: {  	v3 =	vadd.f32 $-8.388616000e+06, v3  }
0x7a: {  	[tilespmem:s6+$0x100] =	vst v4;
	v2 =	vadd.f32 $-8.388616000e+06, v2  }
0x7b: {  	[tilespmem:s0+$0x100] =	vst v3  }
0x7c: {  	s0 =	simm.s32 $0x0;
	[tilespmem:s3+$0x100] =	vst v2  }
0x7d: {  	[hbm4b:s10+s0] =	stream.linear.scatter [tilespmem:s21], [sflag:$0x4], $0x8000, $0x38;
	[tilespmem:$0x18100] =	vst v63  }
0x7e: {  	_ =	swait.ge [sflag:s25], $0x8000  }
0x7f: {  	[sflag:s25] =	ssyncset.done $0x0  }
0x80: {  	s9 =	rddreg [dreg:$0x9];
	[sflag:s25] =	ssyncadd.s32 $0xFFFF8000  }
0x81: {  	[tilespmem:s21], [sflag:$0x1] =	stream.linear.gather [hbm4b:s9+s0], $0x8000, $0x38;
	[tilespmem:$0x18100] =	vst v63  }
0x82: {  	s11 =	simm.s32 $0x0;
	_ =	swait.ge [sflag:s26], $0x8000  }
0x83: {  	s12 =	sand.u32 $0x7C00, s0;
	s3 =	sand.u32 $0x70, s11;
	[sflag:s26] =	ssyncset.done $0x0  }
0x84: {  	s14 =	sor.u32 s3, s12;
	[sflag:s26] =	ssyncadd.s32 $0xFFFF8000  }
0x85: {  	v2 =	vld [tilespmem:s14+$0x8100]  }
0x86: {  	v3 =	vld [tilespmem:s14+$0x8180]  }
0x87: {  	v4 =	vld [tilespmem:s14+$0x8200]  }
0x88: {  	v5 =	vld [tilespmem:s14+$0x8280]  }
0x89: {  	s15 =	simm.s32 $0x10;
	s3 =	simm.s32 $0x80;
	v6 =	vld [tilespmem:s14+$0x8300]  }
0x8a: {  	s5 =	sand.u32 $0x70, s15;
	s16 =	sand.u32 $0x7C00, s3;
	v7 =	vld [tilespmem:s14+$0x8380]  }
0x8b: {  	s5 =	sor.u32 s5, s16;
	v8 =	vld [tilespmem:s14+$0x8400]  }
0x8c: {  	v10 =	vld [tilespmem:s5+$0x8180]  }
0x8d: {  	v2 =	vmul.f32 v2, v1;
	v3 =	vmul.f32 v3, v1  }
0x8e: {  	v11 =	vld [tilespmem:s5+$0x8200];
	v4 =	vmul.f32 v4, v1;
	v5 =	vmul.f32 v5, v1  }
0x8f: {  	v6 =	vmul.f32 v6, v1;
	v7 =	vmul.f32 v7, v1  }
0x90: {  	v8 =	vmul.f32 v8, v1;
	v2 =	vadd.f32 v2, v0;
	v3 =	vadd.f32 v3, v0  }
0x91: {  	v10 =	vmul.f32 v10, v1;
	v4 =	vadd.f32 v4, v0;
	v5 =	vadd.f32 v5, v0  }
0x92: {  	v6 =	vadd.f32 v6, v0;
	v7 =	vadd.f32 v7, v0  }
0x93: {  	v11 =	vmul.f32 v11, v1;
	v8 =	vadd.f32 v8, v0;
	v10 =	vadd.f32 v10, v0  }
0x94: {  	v2 =	vmax.f32 v2, $5.000000000e-01;
	v3 =	vmax.f32 v3, $5.000000000e-01;
	v4 =	vmax.f32 v4, $5.000000000e-01  }
0x95: {  	v5 =	vmax.f32 v5, $5.000000000e-01;
	v6 =	vmax.f32 v6, $5.000000000e-01;
	v2 =	vmin.f32 v2, $1.525000000e+01  }
0x96: {  	v9 =	vld [tilespmem:s5+$0x8100];
	v7 =	vmax.f32 v7, $5.000000000e-01;
	v3 =	vmin.f32 v3, $1.525000000e+01;
	v2 =	vadd.f32 $8.388608000e+06, v2  }
0x97: {  	s11 =	simm.s32 $0x20;
	v12 =	vld [tilespmem:s5+$0x8280];
	v8 =	vmax.f32 v8, $5.000000000e-01;
	v4 =	vmin.f32 v4, $1.525000000e+01;
	v3 =	vadd.f32 $8.388608000e+06, v3  }
0x98: {  	s12 =	simm.s32 $0x100;
	s17 =	sand.u32 $0x70, s11;
	v13 =	vld [tilespmem:s5+$0x8300];
	v5 =	vmin.f32 v5, $1.525000000e+01;
	v4 =	vadd.f32 $8.388608000e+06, v4;
	v2 =	vadd.f32 $-8.388616000e+06, v2  }
0x99: {  	s18 =	sand.u32 $0x7C00, s12;
	v14 =	vld [tilespmem:s5+$0x8380];
	v6 =	vmin.f32 v6, $1.525000000e+01;
	v5 =	vadd.f32 $8.388608000e+06, v5;
	v3 =	vadd.f32 $-8.388616000e+06, v3  }
0x9a: {  	s6 =	sor.u32 s17, s18;
	v7 =	vmin.f32 v7, $1.525000000e+01;
	[tilespmem:s14+$0x8100] =	vst v2;
	v2 =	vadd.f32 $-8.388616000e+06, v4;
	v4 =	vadd.f32 $8.388608000e+06, v6;
	v6 =	vld [tilespmem:s5+$0x8400]  }
0x9b: {  	v8 =	vmin.f32 v8, $1.525000000e+01;
	[tilespmem:s14+$0x8180] =	vst v3;
	v3 =	vadd.f32 $-8.388616000e+06, v5;
	v5 =	vadd.f32 $8.388608000e+06, v7;
	v7 =	vld [tilespmem:s6+$0x8100]  }
0x9c: {  	[tilespmem:s14+$0x8200] =	vst v2;
	v2 =	vadd.f32 $-8.388616000e+06, v4;
	v4 =	vadd.f32 $8.388608000e+06, v8  }
0x9d: {  	s20 =	sand.u32 $0x7, s0;
	v9 =	vmul.f32 v9, v1;
	v11 =	vadd.f32 v11, v0;
	v8 =	vld [tilespmem:s6+$0x8180];
	[tilespmem:s14+$0x8280] =	vst v3;
	v3 =	vadd.f32 $-8.388616000e+06, v5  }
0x9e: {  	s9 =	sshll.u32 s20, $0x4;
	v10 =	vmax.f32 v10, $5.000000000e-01;
	v5 =	vmul.f32 v12, v1;
	[tilespmem:s14+$0x8300] =	vst v2;
	v2 =	vadd.f32 $-8.388616000e+06, v4  }
0x9f: {  	s9 =	sadd.s32 $0x0, s9;
	v12 =	vmul.f32 v13, v1;
	v4 =	vadd.f32 v9, v0;
	v9 =	vmul.f32 v14, v1;
	[tilespmem:s14+$0x8380] =	vst v3  }
0xa0: {  	s8 =	sor.u32 $0x380, s9;
	v5 =	vadd.f32 v5, v0;
	v6 =	vmul.f32 v6, v1;
	[tilespmem:s14+$0x8400] =	vst v2;
	v2 =	vmul.f32 v7, v1  }
0xa1: {  	v7 =	vadd.f32 v12, v0;
	v9 =	vadd.f32 v9, v0;
	v4 =	vmax.f32 v4, $5.000000000e-01;
	v13 =	vld [tilespmem:s8+$0x8100]  }
0xa2: {  	v12 =	vmax.f32 v11, $5.000000000e-01;
	v5 =	vmax.f32 v5, $5.000000000e-01;
	v3 =	vmul.f32 v8, v1  }
0xa3: {  	v6 =	vadd.f32 v6, v0;
	v4 =	vmin.f32 v4, $1.525000000e+01;
	v8 =	vmax.f32 v7, $5.000000000e-01  }
0xa4: {  	v7 =	vmax.f32 v9, $5.000000000e-01;
	v9 =	vmin.f32 v10, $1.525000000e+01;
	v11 =	vadd.f32 $8.388608000e+06, v4  }
0xa5: {  	v4 =	vmin.f32 v12, $1.525000000e+01;
	v12 =	vmin.f32 v5, $1.525000000e+01;
	v6 =	vmax.f32 v6, $5.000000000e-01  }
0xa6: {  	s9 =	simm.s32 $0x100;
	v5 =	vld [tilespmem:s6+$0x8200];
	v10 =	vadd.f32 $8.388608000e+06, v9;
	v9 =	vadd.f32 $8.388608000e+06, v4;
	v4 =	vmul.f32 v13, v1  }
.LBB2_4:
0xa7: {  	s11 =	sadd.s32 $0x10, s11;
	v13 =	vld [tilespmem:s6+$0x8280];
	s12 =	sadd.s32 $0x80, s12;
	v11 =	vadd.f32 $-8.388616000e+06, v11;
	v12 =	vadd.f32 $8.388608000e+06, v12;
	v8 =	vmin.f32 v8, $1.525000000e+01  }
0xa8: {  	v7 =	vmin.f32 v7, $1.525000000e+01;
	s14 =	sand.u32 $0x70, s11;
	s15 =	sand.u32 $0x7C00, s12;
	v14 =	vld [tilespmem:s6+$0x8300];
	v10 =	vadd.f32 $-8.388616000e+06, v10;
	v4 =	vadd.f32 v4, v0  }
0xa9: {  	v6 =	vmin.f32 v6, $1.525000000e+01;
	v9 =	vadd.f32 $-8.388616000e+06, v9;
	v8 =	vadd.f32 $8.388608000e+06, v8;
	v15 =	vld [tilespmem:s6+$0x8380];
	[tilespmem:s5+$0x8100] =	vst v11  }
0xaa: {  	v7 =	vadd.f32 $8.388608000e+06, v7;
	s14 =	sor.u32 s14, s15;
	v11 =	vld [tilespmem:s6+$0x8400];
	[tilespmem:s5+$0x8180] =	vst v10;
	v10 =	vadd.f32 $-8.388616000e+06, v12;
	v4 =	vmax.f32 v4, $5.000000000e-01  }
0xab: {  	v6 =	vadd.f32 $8.388608000e+06, v6;
	v8 =	vadd.f32 $-8.388616000e+06, v8;
	v12 =	vld [tilespmem:s14+$0x8100];
	[tilespmem:s5+$0x8200] =	vst v9;
	v4 =	vmin.f32 v4, $1.525000000e+01  }
0xac: {  	s0 =	sadd.s32 $0x1, s0;
	v7 =	vadd.f32 $-8.388616000e+06, v7;
	v5 =	vmul.f32 v5, v1;
	v9 =	vld [tilespmem:s14+$0x8180];
	[tilespmem:s5+$0x8280] =	vst v10;
	v4 =	vadd.f32 $8.388608000e+06, v4  }
0xad: {  	s15 =	sand.u32 $0x7, s0;
	v6 =	vadd.f32 $-8.388616000e+06, v6;
	v10 =	vmul.f32 v13, v1;
	v13 =	vmul.f32 v14, v1;
	[tilespmem:s5+$0x8300] =	vst v8  }
0xae: {  	p0 =	slt.u32 s11, $0xFF0;
	s15 =	sshll.u32 s15, $0x4;
	v8 =	vadd.f32 v2, v0;
	v14 =	vmul.f32 v15, v1;
	[tilespmem:s5+$0x8380] =	vst v7;
	v4 =	vadd.f32 $-8.388616000e+06, v4  }
0xaf: {  	s15 =	sadd.s32 s15, s3;
	s3 =	smov.u32 s9;
	s9 =	smov.u32 s12;
	v5 =	vadd.f32 v5, v0;
	v7 =	vadd.f32 v3, v0;
	v11 =	vmul.f32 v11, v1;
	[tilespmem:s5+$0x8400] =	vst v6  }
0xb0: {  	v6 =	vadd.f32 v10, v0;
	v10 =	vadd.f32 v13, v0;
	s5 =	smov.u32 s6;
	s6 =	smov.u32 s14;
	v2 =	vmul.f32 v12, v1;
	[tilespmem:s8+$0x8100] =	vst v4;
	s8 =	sor.u32 $0x380, s15  }
0xb1: {  	v4 =	vadd.f32 v14, v0;
	v3 =	vmul.f32 v9, v1;
	v9 =	vadd.f32 v11, v0;
	v13 =	vld [tilespmem:s8+$0x8100]  }
.Ltmp1:
0xb2: {  	v5 =	vmax.f32 v5, $5.000000000e-01;
	v12 =	vmax.f32 v7, $5.000000000e-01;
	v11 =	vmax.f32 v8, $5.000000000e-01;
	(pc) =	sbr.rel @p0 .LBB2_4-.Ltmp1, $4  }
0xb3: {  	v14 =	vmax.f32 v6, $5.000000000e-01;
	v8 =	vmax.f32 v10, $5.000000000e-01;
	v7 =	vmax.f32 v4, $5.000000000e-01  }
0xb4: {  	v10 =	vmin.f32 v12, $1.525000000e+01;
	v4 =	vmin.f32 v11, $1.525000000e+01;
	v6 =	vmax.f32 v9, $5.000000000e-01  }
0xb5: {  	v12 =	vmin.f32 v14, $1.525000000e+01;
	v11 =	vadd.f32 $8.388608000e+06, v4;
	v4 =	vmin.f32 v5, $1.525000000e+01  }
0xb6: {  	v10 =	vadd.f32 $8.388608000e+06, v10;
	v9 =	vadd.f32 $8.388608000e+06, v4;
	v5 =	vld [tilespmem:s6+$0x8200];
	v4 =	vmul.f32 v13, v1  }
0xb7: {  	v11 =	vadd.f32 $-8.388616000e+06, v11  }
0xb8: {  	v12 =	vadd.f32 $8.388608000e+06, v12;
	v8 =	vmin.f32 v8, $1.525000000e+01;
	v2 =	vadd.f32 v2, v0  }
0xb9: {  	v13 =	vld [tilespmem:s6+$0x8280];
	v7 =	vmin.f32 v7, $1.525000000e+01;
	v3 =	vadd.f32 v3, v0;
	v10 =	vadd.f32 $-8.388616000e+06, v10  }
0xba: {  	v14 =	vld [tilespmem:s6+$0x8300];
	v6 =	vmin.f32 v6, $1.525000000e+01;
	v9 =	vadd.f32 $-8.388616000e+06, v9;
	v8 =	vadd.f32 $8.388608000e+06, v8  }
0xbb: {  	v15 =	vld [tilespmem:s6+$0x8380];
	v7 =	vadd.f32 $8.388608000e+06, v7;
	v6 =	vadd.f32 $8.388608000e+06, v6  }
0xbc: {  	v16 =	vld [tilespmem:s6+$0x8400];
	v12 =	vadd.f32 $-8.388616000e+06, v12;
	v2 =	vmax.f32 v2, $5.000000000e-01;
	v8 =	vadd.f32 $-8.388616000e+06, v8  }
0xbd: {  	v3 =	vmax.f32 v3, $5.000000000e-01;
	v7 =	vadd.f32 $-8.388616000e+06, v7;
	v6 =	vadd.f32 $-8.388616000e+06, v6  }
0xbe: {  	v2 =	vmin.f32 v2, $1.525000000e+01;
	v3 =	vmin.f32 v3, $1.525000000e+01;
	v5 =	vmul.f32 v5, v1  }
0xbf: {  	v2 =	vadd.f32 $8.388608000e+06, v2;
	v3 =	vadd.f32 $8.388608000e+06, v3;
	v13 =	vmul.f32 v13, v1  }
0xc0: {  	[tilespmem:s5+$0x8100] =	vst v11;
	v14 =	vmul.f32 v14, v1;
	v15 =	vmul.f32 v15, v1;
	v5 =	vadd.f32 v5, v0  }
0xc1: {  	[tilespmem:s5+$0x8180] =	vst v10;
	v16 =	vmul.f32 v16, v1;
	v2 =	vadd.f32 $-8.388616000e+06, v2;
	v3 =	vadd.f32 $-8.388616000e+06, v3  }
0xc2: {  	[tilespmem:s5+$0x8200] =	vst v9;
	v13 =	vadd.f32 v13, v0;
	v14 =	vadd.f32 v14, v0  }
0xc3: {  	[tilespmem:s5+$0x8280] =	vst v12;
	v51 =	vadd.f32 v15, v0;
	v52 =	vadd.f32 v16, v0;
	v5 =	vmax.f32 v5, $5.000000000e-01  }
0xc4: {  	[tilespmem:s5+$0x8300] =	vst v8;
	v53 =	vmax.f32 v13, $5.000000000e-01;
	v54 =	vmax.f32 v14, $5.000000000e-01;
	v5 =	vmin.f32 v5, $1.525000000e+01  }
0xc5: {  	[tilespmem:s5+$0x8380] =	vst v7;
	v11 =	vmax.f32 v51, $5.000000000e-01;
	v56 =	vmin.f32 v53, $1.525000000e+01;
	v5 =	vadd.f32 $8.388608000e+06, v5  }
0xc6: {  	[tilespmem:s5+$0x8400] =	vst v6;
	v55 =	vmax.f32 v52, $5.000000000e-01;
	v58 =	vmin.f32 v54, $1.525000000e+01;
	v57 =	vadd.f32 $8.388608000e+06, v56  }
0xc7: {  	[tilespmem:s6+$0x8100] =	vst v2;
	v59 =	vmin.f32 v11, $1.525000000e+01;
	v60 =	vadd.f32 $8.388608000e+06, v58;
	v2 =	vadd.f32 $-8.388616000e+06, v5  }
0xc8: {  	s0 =	sadd.s32 $0x1, s0;
	[tilespmem:s6+$0x8180] =	vst v3;
	v61 =	vmin.f32 v55, $1.525000000e+01;
	v62 =	vadd.f32 $8.388608000e+06, v59;
	v3 =	vadd.f32 $-8.388616000e+06, v57  }
0xc9: {  	s20 =	sand.u32 $0x7, s0;
	s0 =	sadd.s32 $0x1, s0;
	v63 =	vadd.f32 $8.388608000e+06, v61;
	[tilespmem:s6+$0x8200] =	vst v2;
	v2 =	vadd.f32 $-8.388616000e+06, v60  }
0xca: {  	s0 =	sand.u32 $0x7, s0;
	s5 =	sshll.u32 s20, $0x4;
	[tilespmem:s6+$0x8280] =	vst v3;
	v3 =	vadd.f32 $-8.388616000e+06, v62  }
0xcb: {  	s0 =	sshll.u32 s0, $0x4;
	s3 =	sadd.s32 s5, s3;
	[tilespmem:s6+$0x8300] =	vst v2;
	v2 =	vadd.f32 $-8.388616000e+06, v63  }
0xcc: {  	s0 =	sadd.s32 s0, s9;
	s3 =	sor.u32 $0x380, s3;
	[tilespmem:s6+$0x8380] =	vst v3  }
0xcd: {  	s0 =	sor.u32 $0x380, s0;
	v3 =	vld [tilespmem:s3+$0x8100];
	[tilespmem:s6+$0x8400] =	vst v2  }
0xce: {  	v2 =	vld [tilespmem:s0+$0x8100];
	_ =	sdelay $0x3  }
0xcf: {  	v3 =	vmul.f32 v3, v1  }
0xd0: {  	v4 =	vadd.f32 v4, v0;
	v2 =	vmul.f32 v2, v1  }
0xd1: {  	v3 =	vadd.f32 v3, v0  }
0xd2: {  	v4 =	vmax.f32 v4, $5.000000000e-01;
	v2 =	vadd.f32 v2, v0  }
0xd3: {  	v4 =	vmin.f32 v4, $1.525000000e+01;
	v3 =	vmax.f32 v3, $5.000000000e-01  }
0xd4: {  	v4 =	vadd.f32 $8.388608000e+06, v4;
	v3 =	vmin.f32 v3, $1.525000000e+01;
	v2 =	vmax.f32 v2, $5.000000000e-01  }
0xd5: {  	v3 =	vadd.f32 $8.388608000e+06, v3;
	v2 =	vmin.f32 v2, $1.525000000e+01  }
0xd6: {  	v4 =	vadd.f32 $-8.388616000e+06, v4;
	v2 =	vadd.f32 $8.388608000e+06, v2  }
0xd7: {  	v3 =	vadd.f32 $-8.388616000e+06, v3  }
0xd8: {  	[tilespmem:s8+$0x8100] =	vst v4;
	v2 =	vadd.f32 $-8.388616000e+06, v2  }
0xd9: {  	[tilespmem:s3+$0x8100] =	vst v3  }
0xda: {  	[tilespmem:s0+$0x8100] =	vst v2  }
0xdb: {  	s0 =	simm.s32 $0x0;
	s3 =	rddreg [dreg:$0xa]  }
0xdc: {  	[hbm4b:s3+s0] =	stream.linear.scatter [tilespmem:s22], [sflag:$0x5], $0x8000, $0x38;
	[tilespmem:$0x18100] =	vst v63  }
0xdd: {  	s3 =	simm.s32 $0x0  }
.LBB2_6:
0xde: {  	s6 =	smul.u32 $0x3, s3;
	_ =	sdelay $0x1  }
0xdf: {  	s5 =	sshrl.u32 s6, $0x1  }
0xe0: {  	s8 =	sshll.u32 s3, $0xC;
	s5 =	sadd.s32 s13, s5  }
0xe1: {  	s9 =	sshll.u32 s5, $0xD;
	s5 =	sand.u32 $0x1000, s8  }
0xe2: {  	_ =	swait.ge [sflag:s28], $0x8000;
	s8 =	sor.u32 s5, s9  }
0xe3: {  	[sflag:s28] =	ssyncset.done $0x0;
	s20 =	sadd.s32 $0x4000, s8  }
0xe4: {  	[sflag:s28] =	ssyncadd.s32 $0xFFFF8000;
	s8 =	sadd.s32 s1, s20  }
0xe5: {  	[tilespmem:s22], [sflag:$0x2] =	stream.linear.gather [hbm4b:s8+s0], $0x8000, $0x38;
	[tilespmem:$0x18100] =	vst v63  }
0xe6: {  	s14 =	simm.s32 $0x0;
	_ =	swait.ge [sflag:s29], $0x8000  }
0xe7: {  	s15 =	sand.u32 $0x7C00, s0;
	s8 =	sand.u32 $0x70, s14;
	[sflag:s29] =	ssyncset.done $0x0  }
0xe8: {  	s12 =	sor.u32 s8, s15;
	[sflag:s29] =	ssyncadd.s32 $0xFFFF8000  }
0xe9: {  	v2 =	vld [tilespmem:s12+$0x10100]  }
0xea: {  	v3 =	vld [tilespmem:s12+$0x10180]  }
0xeb: {  	v4 =	vld [tilespmem:s12+$0x10200]  }
0xec: {  	v5 =	vld [tilespmem:s12+$0x10280]  }
0xed: {  	s16 =	simm.s32 $0x10;
	s8 =	simm.s32 $0x80;
	v6 =	vld [tilespmem:s12+$0x10300]  }
0xee: {  	s9 =	sand.u32 $0x70, s16;
	s11 =	sand.u32 $0x7C00, s8;
	v7 =	vld [tilespmem:s12+$0x10380]  }
0xef: {  	s9 =	sor.u32 s9, s11;
	v8 =	vld [tilespmem:s12+$0x10400]  }
0xf0: {  	v10 =	vld [tilespmem:s9+$0x10180]  }
0xf1: {  	v2 =	vmul.f32 v2, v1;
	v3 =	vmul.f32 v3, v1  }
0xf2: {  	v11 =	vld [tilespmem:s9+$0x10200];
	v4 =	vmul.f32 v4, v1;
	v5 =	vmul.f32 v5, v1  }
0xf3: {  	v6 =	vmul.f32 v6, v1;
	v7 =	vmul.f32 v7, v1  }
0xf4: {  	v8 =	vmul.f32 v8, v1;
	v2 =	vadd.f32 v2, v0;
	v3 =	vadd.f32 v3, v0  }
0xf5: {  	v10 =	vmul.f32 v10, v1;
	v4 =	vadd.f32 v4, v0;
	v5 =	vadd.f32 v5, v0  }
0xf6: {  	v6 =	vadd.f32 v6, v0;
	v7 =	vadd.f32 v7, v0  }
0xf7: {  	v11 =	vmul.f32 v11, v1;
	v8 =	vadd.f32 v8, v0;
	v10 =	vadd.f32 v10, v0  }
0xf8: {  	v2 =	vmax.f32 v2, $5.000000000e-01;
	v3 =	vmax.f32 v3, $5.000000000e-01;
	v4 =	vmax.f32 v4, $5.000000000e-01  }
0xf9: {  	v5 =	vmax.f32 v5, $5.000000000e-01;
	v6 =	vmax.f32 v6, $5.000000000e-01;
	v2 =	vmin.f32 v2, $1.525000000e+01  }
0xfa: {  	v9 =	vld [tilespmem:s9+$0x10100];
	v7 =	vmax.f32 v7, $5.000000000e-01;
	v3 =	vmin.f32 v3, $1.525000000e+01;
	v2 =	vadd.f32 $8.388608000e+06, v2  }
0xfb: {  	s16 =	simm.s32 $0x100;
	v12 =	vld [tilespmem:s9+$0x10280];
	v8 =	vmax.f32 v8, $5.000000000e-01;
	v4 =	vmin.f32 v4, $1.525000000e+01;
	v3 =	vadd.f32 $8.388608000e+06, v3  }
0xfc: {  	s14 =	sand.u32 $0x7C00, s16;
	s15 =	simm.s32 $0x20;
	v13 =	vld [tilespmem:s9+$0x10300];
	v5 =	vmin.f32 v5, $1.525000000e+01;
	v4 =	vadd.f32 $8.388608000e+06, v4;
	v2 =	vadd.f32 $-8.388616000e+06, v2  }
0xfd: {  	s17 =	sand.u32 $0x70, s15;
	v14 =	vld [tilespmem:s9+$0x10380];
	v6 =	vmin.f32 v6, $1.525000000e+01;
	v5 =	vadd.f32 $8.388608000e+06, v5;
	v3 =	vadd.f32 $-8.388616000e+06, v3  }
0xfe: {  	s11 =	sor.u32 s17, s14;
	v7 =	vmin.f32 v7, $1.525000000e+01;
	[tilespmem:s12+$0x10100] =	vst v2;
	v2 =	vadd.f32 $-8.388616000e+06, v4;
	v4 =	vadd.f32 $8.388608000e+06, v6;
	v6 =	vld [tilespmem:s9+$0x10400]  }
0xff: {  	v8 =	vmin.f32 v8, $1.525000000e+01;
	[tilespmem:s12+$0x10180] =	vst v3;
	v3 =	vadd.f32 $-8.388616000e+06, v5;
	v5 =	vadd.f32 $8.388608000e+06, v7;
	v7 =	vld [tilespmem:s11+$0x10100]  }
0x100: {  	[tilespmem:s12+$0x10200] =	vst v2;
	v2 =	vadd.f32 $-8.388616000e+06, v4;
	v4 =	vadd.f32 $8.388608000e+06, v8  }
0x101: {  	s18 =	sand.u32 $0x7, s0;
	v9 =	vmul.f32 v9, v1;
	v11 =	vadd.f32 v11, v0;
	v8 =	vld [tilespmem:s11+$0x10180];
	[tilespmem:s12+$0x10280] =	vst v3;
	v3 =	vadd.f32 $-8.388616000e+06, v5  }
0x102: {  	s14 =	sshll.u32 s18, $0x4;
	v10 =	vmax.f32 v10, $5.000000000e-01;
	v5 =	vmul.f32 v12, v1;
	[tilespmem:s12+$0x10300] =	vst v2;
	v2 =	vadd.f32 $-8.388616000e+06, v4  }
0x103: {  	s14 =	sadd.s32 $0x0, s14;
	v12 =	vmul.f32 v13, v1;
	v4 =	vadd.f32 v9, v0;
	v9 =	vmul.f32 v14, v1;
	[tilespmem:s12+$0x10380] =	vst v3  }
0x104: {  	v5 =	vadd.f32 v5, v0;
	v6 =	vmul.f32 v6, v1;
	[tilespmem:s12+$0x10400] =	vst v2;
	v2 =	vmul.f32 v7, v1;
	s12 =	sor.u32 $0x380, s14  }
0x105: {  	v7 =	vadd.f32 v12, v0;
	v9 =	vadd.f32 v9, v0;
	v4 =	vmax.f32 v4, $5.000000000e-01;
	v13 =	vld [tilespmem:s12+$0x10100]  }
0x106: {  	v12 =	vmax.f32 v11, $5.000000000e-01;
	v5 =	vmax.f32 v5, $5.000000000e-01;
	v3 =	vmul.f32 v8, v1  }
0x107: {  	v6 =	vadd.f32 v6, v0;
	v4 =	vmin.f32 v4, $1.525000000e+01;
	v8 =	vmax.f32 v7, $5.000000000e-01  }
0x108: {  	v7 =	vmax.f32 v9, $5.000000000e-01;
	v9 =	vmin.f32 v10, $1.525000000e+01;
	v11 =	vadd.f32 $8.388608000e+06, v4  }
0x109: {  	v4 =	vmin.f32 v12, $1.525000000e+01;
	v12 =	vmin.f32 v5, $1.525000000e+01;
	v6 =	vmax.f32 v6, $5.000000000e-01  }
0x10a: {  	s17 =	simm.s32 $0x0;
	s14 =	simm.s32 $0x100;
	v5 =	vld [tilespmem:s11+$0x10200];
	v10 =	vadd.f32 $8.388608000e+06, v9;
	v9 =	vadd.f32 $8.388608000e+06, v4;
	v4 =	vmul.f32 v13, v1  }
.LBB2_7:
0x10b: {  	s15 =	sadd.s32 $0x10, s15;
	v13 =	vld [tilespmem:s11+$0x10280];
	s16 =	sadd.s32 $0x80, s16;
	v11 =	vadd.f32 $-8.388616000e+06, v11;
	v12 =	vadd.f32 $8.388608000e+06, v12;
	v8 =	vmin.f32 v8, $1.525000000e+01  }
0x10c: {  	v7 =	vmin.f32 v7, $1.525000000e+01;
	s18 =	sand.u32 $0x70, s15;
	s7 =	sand.u32 $0x7C00, s16;
	v14 =	vld [tilespmem:s11+$0x10300];
	v10 =	vadd.f32 $-8.388616000e+06, v10;
	v4 =	vadd.f32 v4, v0  }
0x10d: {  	v6 =	vmin.f32 v6, $1.525000000e+01;
	v9 =	vadd.f32 $-8.388616000e+06, v9;
	v8 =	vadd.f32 $8.388608000e+06, v8;
	v15 =	vld [tilespmem:s11+$0x10380];
	[tilespmem:s9+$0x10100] =	vst v11  }
0x10e: {  	v7 =	vadd.f32 $8.388608000e+06, v7;
	s7 =	sor.u32 s18, s7;
	v11 =	vld [tilespmem:s11+$0x10400];
	[tilespmem:s9+$0x10180] =	vst v10;
	v10 =	vadd.f32 $-8.388616000e+06, v12;
	v4 =	vmax.f32 v4, $5.000000000e-01  }
0x10f: {  	v6 =	vadd.f32 $8.388608000e+06, v6;
	v8 =	vadd.f32 $-8.388616000e+06, v8;
	v12 =	vld [tilespmem:s7+$0x10100];
	[tilespmem:s9+$0x10200] =	vst v9;
	v4 =	vmin.f32 v4, $1.525000000e+01  }
0x110: {  	s17 =	sadd.s32 $0x1, s17;
	v7 =	vadd.f32 $-8.388616000e+06, v7;
	v5 =	vmul.f32 v5, v1;
	v9 =	vld [tilespmem:s7+$0x10180];
	[tilespmem:s9+$0x10280] =	vst v10;
	v4 =	vadd.f32 $8.388608000e+06, v4  }
0x111: {  	s18 =	sand.u32 $0x7, s17;
	v6 =	vadd.f32 $-8.388616000e+06, v6;
	v10 =	vmul.f32 v13, v1;
	v13 =	vmul.f32 v14, v1;
	[tilespmem:s9+$0x10300] =	vst v8  }
0x112: {  	p0 =	slt.u32 s15, $0xFF0;
	s18 =	sshll.u32 s18, $0x4;
	v8 =	vadd.f32 v2, v0;
	v14 =	vmul.f32 v15, v1;
	[tilespmem:s9+$0x10380] =	vst v7;
	v4 =	vadd.f32 $-8.388616000e+06, v4  }
0x113: {  	s18 =	sadd.s32 s18, s8;
	s8 =	smov.u32 s14;
	s14 =	smov.u32 s16;
	v5 =	vadd.f32 v5, v0;
	v7 =	vadd.f32 v3, v0;
	v11 =	vmul.f32 v11, v1;
	[tilespmem:s9+$0x10400] =	vst v6  }
0x114: {  	v6 =	vadd.f32 v10, v0;
	v10 =	vadd.f32 v13, v0;
	s9 =	smov.u32 s11;
	s11 =	smov.u32 s7;
	v2 =	vmul.f32 v12, v1;
	[tilespmem:s12+$0x10100] =	vst v4;
	s12 =	sor.u32 $0x380, s18  }
0x115: {  	v4 =	vadd.f32 v14, v0;
	v3 =	vmul.f32 v9, v1;
	v9 =	vadd.f32 v11, v0;
	v13 =	vld [tilespmem:s12+$0x10100]  }
.Ltmp2:
0x116: {  	v5 =	vmax.f32 v5, $5.000000000e-01;
	v12 =	vmax.f32 v7, $5.000000000e-01;
	v11 =	vmax.f32 v8, $5.000000000e-01;
	(pc) =	sbr.rel @p0 .LBB2_7-.Ltmp2, $4  }
0x117: {  	v14 =	vmax.f32 v6, $5.000000000e-01;
	v8 =	vmax.f32 v10, $5.000000000e-01;
	v7 =	vmax.f32 v4, $5.000000000e-01  }
0x118: {  	v10 =	vmin.f32 v12, $1.525000000e+01;
	v4 =	vmin.f32 v11, $1.525000000e+01;
	v6 =	vmax.f32 v9, $5.000000000e-01  }
0x119: {  	v12 =	vmin.f32 v14, $1.525000000e+01;
	v11 =	vadd.f32 $8.388608000e+06, v4;
	v4 =	vmin.f32 v5, $1.525000000e+01  }
0x11a: {  	v10 =	vadd.f32 $8.388608000e+06, v10;
	v9 =	vadd.f32 $8.388608000e+06, v4;
	v5 =	vld [tilespmem:s11+$0x10200];
	v4 =	vmul.f32 v13, v1  }
0x11b: {  	v11 =	vadd.f32 $-8.388616000e+06, v11  }
0x11c: {  	v12 =	vadd.f32 $8.388608000e+06, v12;
	v8 =	vmin.f32 v8, $1.525000000e+01;
	v2 =	vadd.f32 v2, v0  }
0x11d: {  	v13 =	vld [tilespmem:s11+$0x10280];
	v7 =	vmin.f32 v7, $1.525000000e+01;
	v3 =	vadd.f32 v3, v0;
	v10 =	vadd.f32 $-8.388616000e+06, v10  }
0x11e: {  	v14 =	vld [tilespmem:s11+$0x10300];
	v6 =	vmin.f32 v6, $1.525000000e+01;
	v9 =	vadd.f32 $-8.388616000e+06, v9;
	v8 =	vadd.f32 $8.388608000e+06, v8  }
0x11f: {  	v15 =	vld [tilespmem:s11+$0x10380];
	v7 =	vadd.f32 $8.388608000e+06, v7;
	v6 =	vadd.f32 $8.388608000e+06, v6  }
0x120: {  	v16 =	vld [tilespmem:s11+$0x10400];
	v12 =	vadd.f32 $-8.388616000e+06, v12;
	v2 =	vmax.f32 v2, $5.000000000e-01;
	v8 =	vadd.f32 $-8.388616000e+06, v8  }
0x121: {  	v3 =	vmax.f32 v3, $5.000000000e-01;
	v7 =	vadd.f32 $-8.388616000e+06, v7;
	v6 =	vadd.f32 $-8.388616000e+06, v6  }
0x122: {  	v2 =	vmin.f32 v2, $1.525000000e+01;
	v3 =	vmin.f32 v3, $1.525000000e+01;
	v5 =	vmul.f32 v5, v1  }
0x123: {  	v2 =	vadd.f32 $8.388608000e+06, v2;
	v3 =	vadd.f32 $8.388608000e+06, v3;
	v13 =	vmul.f32 v13, v1  }
0x124: {  	[tilespmem:s9+$0x10100] =	vst v11;
	v14 =	vmul.f32 v14, v1;
	v15 =	vmul.f32 v15, v1;
	v5 =	vadd.f32 v5, v0  }
0x125: {  	[tilespmem:s9+$0x10180] =	vst v10;
	v16 =	vmul.f32 v16, v1;
	v2 =	vadd.f32 $-8.388616000e+06, v2;
	v3 =	vadd.f32 $-8.388616000e+06, v3  }
0x126: {  	[tilespmem:s9+$0x10200] =	vst v9;
	v13 =	vadd.f32 v13, v0;
	v14 =	vadd.f32 v14, v0  }
0x127: {  	[tilespmem:s9+$0x10280] =	vst v12;
	v11 =	vadd.f32 v15, v0;
	v15 =	vadd.f32 v16, v0;
	v5 =	vmax.f32 v5, $5.000000000e-01  }
0x128: {  	[tilespmem:s9+$0x10300] =	vst v8;
	v9 =	vmax.f32 v13, $5.000000000e-01;
	v10 =	vmax.f32 v14, $5.000000000e-01;
	v5 =	vmin.f32 v5, $1.525000000e+01  }
0x129: {  	[tilespmem:s9+$0x10380] =	vst v7;
	v11 =	vmax.f32 v11, $5.000000000e-01;
	v7 =	vmin.f32 v9, $1.525000000e+01;
	v5 =	vadd.f32 $8.388608000e+06, v5  }
0x12a: {  	[tilespmem:s9+$0x10400] =	vst v6;
	v8 =	vmax.f32 v15, $5.000000000e-01;
	v6 =	vadd.f32 $8.388608000e+06, v7;
	v7 =	vmin.f32 v10, $1.525000000e+01  }
0x12b: {  	[tilespmem:s11+$0x10100] =	vst v2;
	v9 =	vmin.f32 v11, $1.525000000e+01;
	v2 =	vadd.f32 $-8.388616000e+06, v5;
	v5 =	vadd.f32 $8.388608000e+06, v7  }
0x12c: {  	s7 =	sadd.s32 $0x1, s17;
	[tilespmem:s11+$0x10180] =	vst v3;
	v7 =	vmin.f32 v8, $1.525000000e+01;
	v3 =	vadd.f32 $-8.388616000e+06, v6;
	v6 =	vadd.f32 $8.388608000e+06, v9  }
0x12d: {  	s15 =	sand.u32 $0x7, s7;
	s7 =	sadd.s32 $0x1, s7;
	[tilespmem:s11+$0x10200] =	vst v2;
	v2 =	vadd.f32 $-8.388616000e+06, v5;
	v5 =	vadd.f32 $8.388608000e+06, v7  }
0x12e: {  	s7 =	sand.u32 $0x7, s7;
	s9 =	sshll.u32 s15, $0x4;
	[tilespmem:s11+$0x10280] =	vst v3;
	v3 =	vadd.f32 $-8.388616000e+06, v6  }
0x12f: {  	s7 =	sshll.u32 s7, $0x4;
	s8 =	sadd.s32 s9, s8;
	[tilespmem:s11+$0x10300] =	vst v2;
	v2 =	vadd.f32 $-8.388616000e+06, v5  }
0x130: {  	s7 =	sadd.s32 s7, s14;
	s8 =	sor.u32 $0x380, s8;
	[tilespmem:s11+$0x10380] =	vst v3  }
0x131: {  	s7 =	sor.u32 $0x380, s7;
	v3 =	vld [tilespmem:s8+$0x10100];
	[tilespmem:s11+$0x10400] =	vst v2  }
0x132: {  	v2 =	vld [tilespmem:s7+$0x10100];
	_ =	sdelay $0x3  }
0x133: {  	v3 =	vmul.f32 v3, v1  }
0x134: {  	v4 =	vadd.f32 v4, v0;
	v2 =	vmul.f32 v2, v1  }
0x135: {  	v3 =	vadd.f32 v3, v0  }
0x136: {  	v4 =	vmax.f32 v4, $5.000000000e-01;
	v2 =	vadd.f32 v2, v0  }
0x137: {  	v4 =	vmin.f32 v4, $1.525000000e+01;
	v3 =	vmax.f32 v3, $5.000000000e-01  }
0x138: {  	v4 =	vadd.f32 $8.388608000e+06, v4;
	v3 =	vmin.f32 v3, $1.525000000e+01;
	v2 =	vmax.f32 v2, $5.000000000e-01  }
0x139: {  	v3 =	vadd.f32 $8.388608000e+06, v3;
	v2 =	vmin.f32 v2, $1.525000000e+01  }
0x13a: {  	s16 =	sadd.s32 $0x2, s6;
	v4 =	vadd.f32 $-8.388616000e+06, v4;
	v2 =	vadd.f32 $8.388608000e+06, v2  }
0x13b: {  	s9 =	sshrl.u32 s16, $0x1;
	v3 =	vadd.f32 $-8.388616000e+06, v3  }
0x13c: {  	s9 =	sadd.s32 s13, s9;
	[tilespmem:s12+$0x10100] =	vst v4;
	s12 =	sadd.s32 $0x5, s6;
	v2 =	vadd.f32 $-8.388616000e+06, v2  }
0x13d: {  	s18 =	sadd.s32 s2, s5;
	s17 =	sshll.u32 s9, $0xD;
	s14 =	sshrl.u32 s12, $0x1;
	[tilespmem:s8+$0x10100] =	vst v3  }
0x13e: {  	s11 =	sadd.s32 s17, s18;
	s8 =	simm.s32 $0x0;
	[tilespmem:s7+$0x10100] =	vst v2;
	s7 =	sshll.u32 s12, $0xC  }
0x13f: {  	[hbm4b:s11+s8] =	stream.linear.scatter [tilespmem:s23], [sflag:$0x6], $0x8000, $0x38;
	[tilespmem:$0x18100] =	vst v63  }
0x140: {  	s9 =	sadd.s32 s13, s14;
	s7 =	sand.u32 $0x1000, s7;
	_ =	swait.ge [sflag:s30], $0x8000  }
0x141: {  	s9 =	sshll.u32 s9, $0xD;
	s7 =	sadd.s32 s1, s7;
	[sflag:s30] =	ssyncset.done $0x0  }
0x142: {  	s7 =	sadd.s32 s9, s7;
	[sflag:s30] =	ssyncadd.s32 $0xFFFF8000  }
0x143: {  	[tilespmem:s23], [sflag:$0x3] =	stream.linear.gather [hbm4b:s7+s8], $0x8000, $0x38;
	[tilespmem:$0x18100] =	vst v63  }
0x144: {  	s15 =	simm.s32 $0x0;
	_ =	swait.ge [sflag:s24], $0x8000  }
0x145: {  	s16 =	sand.u32 $0x7C00, s8;
	s7 =	sand.u32 $0x70, s15;
	[sflag:s24] =	ssyncset.done $0x0  }
0x146: {  	s14 =	sor.u32 s7, s16;
	[sflag:s24] =	ssyncadd.s32 $0xFFFF8000  }
0x147: {  	v2 =	vld [tilespmem:s14+$0x100]  }
0x148: {  	v3 =	vld [tilespmem:s14+$0x180]  }
0x149: {  	v4 =	vld [tilespmem:s14+$0x200]  }
0x14a: {  	v5 =	vld [tilespmem:s14+$0x280]  }
0x14b: {  	s17 =	simm.s32 $0x10;
	s9 =	simm.s32 $0x80;
	v6 =	vld [tilespmem:s14+$0x300]  }
0x14c: {  	s18 =	sand.u32 $0x7C00, s9;
	s7 =	sand.u32 $0x70, s17;
	v7 =	vld [tilespmem:s14+$0x380]  }
0x14d: {  	s11 =	sor.u32 s7, s18;
	v8 =	vld [tilespmem:s14+$0x400]  }
0x14e: {  	v10 =	vld [tilespmem:s11+$0x180]  }
0x14f: {  	v2 =	vmul.f32 v2, v1;
	v3 =	vmul.f32 v3, v1  }
0x150: {  	v11 =	vld [tilespmem:s11+$0x200];
	v4 =	vmul.f32 v4, v1;
	v5 =	vmul.f32 v5, v1  }
0x151: {  	v6 =	vmul.f32 v6, v1;
	v7 =	vmul.f32 v7, v1  }
0x152: {  	v8 =	vmul.f32 v8, v1;
	v2 =	vadd.f32 v2, v0;
	v3 =	vadd.f32 v3, v0  }
0x153: {  	v10 =	vmul.f32 v10, v1;
	v4 =	vadd.f32 v4, v0;
	v5 =	vadd.f32 v5, v0  }
0x154: {  	v6 =	vadd.f32 v6, v0;
	v7 =	vadd.f32 v7, v0  }
0x155: {  	v11 =	vmul.f32 v11, v1;
	v8 =	vadd.f32 v8, v0;
	v10 =	vadd.f32 v10, v0  }
0x156: {  	v2 =	vmax.f32 v2, $5.000000000e-01;
	v3 =	vmax.f32 v3, $5.000000000e-01;
	v4 =	vmax.f32 v4, $5.000000000e-01  }
0x157: {  	v5 =	vmax.f32 v5, $5.000000000e-01;
	v6 =	vmax.f32 v6, $5.000000000e-01;
	v2 =	vmin.f32 v2, $1.525000000e+01  }
0x158: {  	v9 =	vld [tilespmem:s11+$0x100];
	v7 =	vmax.f32 v7, $5.000000000e-01;
	v3 =	vmin.f32 v3, $1.525000000e+01;
	v2 =	vadd.f32 $8.388608000e+06, v2  }
0x159: {  	s16 =	simm.s32 $0x20;
	v12 =	vld [tilespmem:s11+$0x280];
	v8 =	vmax.f32 v8, $5.000000000e-01;
	v4 =	vmin.f32 v4, $1.525000000e+01;
	v3 =	vadd.f32 $8.388608000e+06, v3  }
0x15a: {  	s17 =	simm.s32 $0x100;
	s12 =	sand.u32 $0x70, s16;
	v13 =	vld [tilespmem:s11+$0x300];
	v5 =	vmin.f32 v5, $1.525000000e+01;
	v4 =	vadd.f32 $8.388608000e+06, v4;
	v2 =	vadd.f32 $-8.388616000e+06, v2  }
0x15b: {  	s15 =	sand.u32 $0x7C00, s17;
	v14 =	vld [tilespmem:s11+$0x380];
	v6 =	vmin.f32 v6, $1.525000000e+01;
	v5 =	vadd.f32 $8.388608000e+06, v5;
	v3 =	vadd.f32 $-8.388616000e+06, v3  }
0x15c: {  	s12 =	sor.u32 s12, s15;
	v7 =	vmin.f32 v7, $1.525000000e+01;
	[tilespmem:s14+$0x100] =	vst v2;
	v2 =	vadd.f32 $-8.388616000e+06, v4;
	v4 =	vadd.f32 $8.388608000e+06, v6;
	v6 =	vld [tilespmem:s11+$0x400]  }
0x15d: {  	v8 =	vmin.f32 v8, $1.525000000e+01;
	[tilespmem:s14+$0x180] =	vst v3;
	v3 =	vadd.f32 $-8.388616000e+06, v5;
	v5 =	vadd.f32 $8.388608000e+06, v7;
	v7 =	vld [tilespmem:s12+$0x100]  }
0x15e: {  	[tilespmem:s14+$0x200] =	vst v2;
	v2 =	vadd.f32 $-8.388616000e+06, v4;
	v4 =	vadd.f32 $8.388608000e+06, v8  }
0x15f: {  	s18 =	sand.u32 $0x7, s8;
	v9 =	vmul.f32 v9, v1;
	v11 =	vadd.f32 v11, v0;
	v8 =	vld [tilespmem:s12+$0x180];
	[tilespmem:s14+$0x280] =	vst v3;
	v3 =	vadd.f32 $-8.388616000e+06, v5  }
0x160: {  	s7 =	sshll.u32 s18, $0x4;
	v10 =	vmax.f32 v10, $5.000000000e-01;
	v5 =	vmul.f32 v12, v1;
	[tilespmem:s14+$0x300] =	vst v2;
	v2 =	vadd.f32 $-8.388616000e+06, v4  }
0x161: {  	s7 =	sadd.s32 $0x0, s7;
	v12 =	vmul.f32 v13, v1;
	v4 =	vadd.f32 v9, v0;
	v9 =	vmul.f32 v14, v1;
	[tilespmem:s14+$0x380] =	vst v3  }
0x162: {  	v5 =	vadd.f32 v5, v0;
	v6 =	vmul.f32 v6, v1;
	[tilespmem:s14+$0x400] =	vst v2;
	v2 =	vmul.f32 v7, v1;
	s14 =	sor.u32 $0x380, s7  }
0x163: {  	v7 =	vadd.f32 v12, v0;
	v9 =	vadd.f32 v9, v0;
	v4 =	vmax.f32 v4, $5.000000000e-01;
	v13 =	vld [tilespmem:s14+$0x100]  }
0x164: {  	v12 =	vmax.f32 v11, $5.000000000e-01;
	v5 =	vmax.f32 v5, $5.000000000e-01;
	v3 =	vmul.f32 v8, v1  }
0x165: {  	v6 =	vadd.f32 v6, v0;
	v4 =	vmin.f32 v4, $1.525000000e+01;
	v8 =	vmax.f32 v7, $5.000000000e-01  }
0x166: {  	v7 =	vmax.f32 v9, $5.000000000e-01;
	v9 =	vmin.f32 v10, $1.525000000e+01;
	v11 =	vadd.f32 $8.388608000e+06, v4  }
0x167: {  	v4 =	vmin.f32 v12, $1.525000000e+01;
	v12 =	vmin.f32 v5, $1.525000000e+01;
	v6 =	vmax.f32 v6, $5.000000000e-01  }
0x168: {  	s15 =	simm.s32 $0x100;
	v5 =	vld [tilespmem:s12+$0x200];
	v10 =	vadd.f32 $8.388608000e+06, v9;
	v9 =	vadd.f32 $8.388608000e+06, v4;
	v4 =	vmul.f32 v13, v1  }
.LBB2_9:
0x169: {  	s16 =	sadd.s32 $0x10, s16;
	v13 =	vld [tilespmem:s12+$0x280];
	s17 =	sadd.s32 $0x80, s17;
	v11 =	vadd.f32 $-8.388616000e+06, v11;
	v12 =	vadd.f32 $8.388608000e+06, v12;
	v8 =	vmin.f32 v8, $1.525000000e+01  }
0x16a: {  	v7 =	vmin.f32 v7, $1.525000000e+01;
	s7 =	sand.u32 $0x70, s16;
	s18 =	sand.u32 $0x7C00, s17;
	v14 =	vld [tilespmem:s12+$0x300];
	v10 =	vadd.f32 $-8.388616000e+06, v10;
	v4 =	vadd.f32 v4, v0  }
0x16b: {  	v6 =	vmin.f32 v6, $1.525000000e+01;
	v9 =	vadd.f32 $-8.388616000e+06, v9;
	v8 =	vadd.f32 $8.388608000e+06, v8;
	v15 =	vld [tilespmem:s12+$0x380];
	[tilespmem:s11+$0x100] =	vst v11  }
0x16c: {  	v7 =	vadd.f32 $8.388608000e+06, v7;
	s7 =	sor.u32 s7, s18;
	v11 =	vld [tilespmem:s12+$0x400];
	[tilespmem:s11+$0x180] =	vst v10;
	v10 =	vadd.f32 $-8.388616000e+06, v12;
	v4 =	vmax.f32 v4, $5.000000000e-01  }
0x16d: {  	v6 =	vadd.f32 $8.388608000e+06, v6;
	v8 =	vadd.f32 $-8.388616000e+06, v8;
	v12 =	vld [tilespmem:s7+$0x100];
	[tilespmem:s11+$0x200] =	vst v9;
	v4 =	vmin.f32 v4, $1.525000000e+01  }
0x16e: {  	s8 =	sadd.s32 $0x1, s8;
	v7 =	vadd.f32 $-8.388616000e+06, v7;
	v5 =	vmul.f32 v5, v1;
	v9 =	vld [tilespmem:s7+$0x180];
	[tilespmem:s11+$0x280] =	vst v10;
	v4 =	vadd.f32 $8.388608000e+06, v4  }
0x16f: {  	s18 =	sand.u32 $0x7, s8;
	v6 =	vadd.f32 $-8.388616000e+06, v6;
	v10 =	vmul.f32 v13, v1;
	v13 =	vmul.f32 v14, v1;
	[tilespmem:s11+$0x300] =	vst v8  }
0x170: {  	p0 =	slt.u32 s16, $0xFF0;
	s18 =	sshll.u32 s18, $0x4;
	v8 =	vadd.f32 v2, v0;
	v14 =	vmul.f32 v15, v1;
	[tilespmem:s11+$0x380] =	vst v7;
	v4 =	vadd.f32 $-8.388616000e+06, v4  }
0x171: {  	s18 =	sadd.s32 s18, s9;
	s9 =	smov.u32 s15;
	s15 =	smov.u32 s17;
	v5 =	vadd.f32 v5, v0;
	v7 =	vadd.f32 v3, v0;
	v11 =	vmul.f32 v11, v1;
	[tilespmem:s11+$0x400] =	vst v6  }
0x172: {  	v6 =	vadd.f32 v10, v0;
	v10 =	vadd.f32 v13, v0;
	s11 =	smov.u32 s12;
	s12 =	smov.u32 s7;
	v2 =	vmul.f32 v12, v1;
	[tilespmem:s14+$0x100] =	vst v4;
	s14 =	sor.u32 $0x380, s18  }
0x173: {  	v4 =	vadd.f32 v14, v0;
	v3 =	vmul.f32 v9, v1;
	v9 =	vadd.f32 v11, v0;
	v13 =	vld [tilespmem:s14+$0x100]  }
.Ltmp3:
0x174: {  	v5 =	vmax.f32 v5, $5.000000000e-01;
	v12 =	vmax.f32 v7, $5.000000000e-01;
	v11 =	vmax.f32 v8, $5.000000000e-01;
	(pc) =	sbr.rel @p0 .LBB2_9-.Ltmp3, $4  }
0x175: {  	v14 =	vmax.f32 v6, $5.000000000e-01;
	v8 =	vmax.f32 v10, $5.000000000e-01;
	v7 =	vmax.f32 v4, $5.000000000e-01  }
0x176: {  	v10 =	vmin.f32 v12, $1.525000000e+01;
	v4 =	vmin.f32 v11, $1.525000000e+01;
	v6 =	vmax.f32 v9, $5.000000000e-01  }
0x177: {  	v12 =	vmin.f32 v14, $1.525000000e+01;
	v11 =	vadd.f32 $8.388608000e+06, v4;
	v4 =	vmin.f32 v5, $1.525000000e+01  }
0x178: {  	v10 =	vadd.f32 $8.388608000e+06, v10;
	v9 =	vadd.f32 $8.388608000e+06, v4;
	v5 =	vld [tilespmem:s12+$0x200];
	v4 =	vmul.f32 v13, v1  }
0x179: {  	v11 =	vadd.f32 $-8.388616000e+06, v11  }
0x17a: {  	v12 =	vadd.f32 $8.388608000e+06, v12;
	v8 =	vmin.f32 v8, $1.525000000e+01;
	v2 =	vadd.f32 v2, v0  }
0x17b: {  	v13 =	vld [tilespmem:s12+$0x280];
	v7 =	vmin.f32 v7, $1.525000000e+01;
	v3 =	vadd.f32 v3, v0;
	v10 =	vadd.f32 $-8.388616000e+06, v10  }
0x17c: {  	v14 =	vld [tilespmem:s12+$0x300];
	v6 =	vmin.f32 v6, $1.525000000e+01;
	v9 =	vadd.f32 $-8.388616000e+06, v9;
	v8 =	vadd.f32 $8.388608000e+06, v8  }
0x17d: {  	v15 =	vld [tilespmem:s12+$0x380];
	v7 =	vadd.f32 $8.388608000e+06, v7;
	v6 =	vadd.f32 $8.388608000e+06, v6  }
0x17e: {  	v16 =	vld [tilespmem:s12+$0x400];
	v12 =	vadd.f32 $-8.388616000e+06, v12;
	v2 =	vmax.f32 v2, $5.000000000e-01;
	v8 =	vadd.f32 $-8.388616000e+06, v8  }
0x17f: {  	v3 =	vmax.f32 v3, $5.000000000e-01;
	v7 =	vadd.f32 $-8.388616000e+06, v7;
	v6 =	vadd.f32 $-8.388616000e+06, v6  }
0x180: {  	v2 =	vmin.f32 v2, $1.525000000e+01;
	v3 =	vmin.f32 v3, $1.525000000e+01;
	v5 =	vmul.f32 v5, v1  }
0x181: {  	v2 =	vadd.f32 $8.388608000e+06, v2;
	v3 =	vadd.f32 $8.388608000e+06, v3;
	v13 =	vmul.f32 v13, v1  }
0x182: {  	[tilespmem:s11+$0x100] =	vst v11;
	v14 =	vmul.f32 v14, v1;
	v15 =	vmul.f32 v15, v1;
	v5 =	vadd.f32 v5, v0  }
0x183: {  	[tilespmem:s11+$0x180] =	vst v10;
	v16 =	vmul.f32 v16, v1;
	v2 =	vadd.f32 $-8.388616000e+06, v2;
	v3 =	vadd.f32 $-8.388616000e+06, v3  }
0x184: {  	[tilespmem:s11+$0x200] =	vst v9;
	v13 =	vadd.f32 v13, v0;
	v14 =	vadd.f32 v14, v0  }
0x185: {  	[tilespmem:s11+$0x280] =	vst v12;
	v11 =	vadd.f32 v15, v0;
	v15 =	vadd.f32 v16, v0;
	v5 =	vmax.f32 v5, $5.000000000e-01  }
0x186: {  	[tilespmem:s11+$0x300] =	vst v8;
	v9 =	vmax.f32 v13, $5.000000000e-01;
	v10 =	vmax.f32 v14, $5.000000000e-01;
	v5 =	vmin.f32 v5, $1.525000000e+01  }
0x187: {  	[tilespmem:s11+$0x380] =	vst v7;
	v11 =	vmax.f32 v11, $5.000000000e-01;
	v7 =	vmin.f32 v9, $1.525000000e+01;
	v5 =	vadd.f32 $8.388608000e+06, v5  }
0x188: {  	[tilespmem:s11+$0x400] =	vst v6;
	v8 =	vmax.f32 v15, $5.000000000e-01;
	v6 =	vadd.f32 $8.388608000e+06, v7;
	v7 =	vmin.f32 v10, $1.525000000e+01  }
0x189: {  	[tilespmem:s12+$0x100] =	vst v2;
	v9 =	vmin.f32 v11, $1.525000000e+01;
	v2 =	vadd.f32 $-8.388616000e+06, v5;
	v5 =	vadd.f32 $8.388608000e+06, v7  }
0x18a: {  	s7 =	sadd.s32 $0x1, s8;
	[tilespmem:s12+$0x180] =	vst v3;
	v7 =	vmin.f32 v8, $1.525000000e+01;
	v3 =	vadd.f32 $-8.388616000e+06, v6;
	v6 =	vadd.f32 $8.388608000e+06, v9  }
0x18b: {  	s8 =	sand.u32 $0x7, s7;
	s7 =	sadd.s32 $0x1, s7;
	[tilespmem:s12+$0x200] =	vst v2;
	v2 =	vadd.f32 $-8.388616000e+06, v5;
	v5 =	vadd.f32 $8.388608000e+06, v7  }
0x18c: {  	s8 =	sshll.u32 s8, $0x4;
	s7 =	sand.u32 $0x7, s7;
	[tilespmem:s12+$0x280] =	vst v3;
	v3 =	vadd.f32 $-8.388616000e+06, v6  }
0x18d: {  	s8 =	sadd.s32 s8, s9;
	s7 =	sshll.u32 s7, $0x4;
	[tilespmem:s12+$0x300] =	vst v2;
	v2 =	vadd.f32 $-8.388616000e+06, v5  }
0x18e: {  	s8 =	sor.u32 $0x380, s8;
	s7 =	sadd.s32 s7, s15;
	[tilespmem:s12+$0x380] =	vst v3  }
0x18f: {  	s7 =	sor.u32 $0x380, s7;
	v3 =	vld [tilespmem:s8+$0x100];
	[tilespmem:s12+$0x400] =	vst v2  }
0x190: {  	v2 =	vld [tilespmem:s7+$0x100];
	_ =	sdelay $0x3  }
0x191: {  	v3 =	vmul.f32 v3, v1  }
0x192: {  	v4 =	vadd.f32 v4, v0;
	v2 =	vmul.f32 v2, v1  }
0x193: {  	v3 =	vadd.f32 v3, v0  }
0x194: {  	v4 =	vmax.f32 v4, $5.000000000e-01;
	v2 =	vadd.f32 v2, v0  }
0x195: {  	v4 =	vmin.f32 v4, $1.525000000e+01;
	v3 =	vmax.f32 v3, $5.000000000e-01  }
0x196: {  	v4 =	vadd.f32 $8.388608000e+06, v4;
	v3 =	vmin.f32 v3, $1.525000000e+01;
	v2 =	vmax.f32 v2, $5.000000000e-01  }
0x197: {  	v3 =	vadd.f32 $8.388608000e+06, v3;
	v2 =	vmin.f32 v2, $1.525000000e+01  }
0x198: {  	s15 =	sadd.s32 $0x3, s6;
	v4 =	vadd.f32 $-8.388616000e+06, v4;
	v2 =	vadd.f32 $8.388608000e+06, v2  }
0x199: {  	s16 =	sshrl.u32 s15, $0x1;
	s9 =	sshll.u32 s15, $0xC;
	v3 =	vadd.f32 $-8.388616000e+06, v3  }
0x19a: {  	s11 =	sadd.s32 s13, s16;
	s9 =	sand.u32 $0x1000, s9;
	[tilespmem:s14+$0x100] =	vst v4;
	v2 =	vadd.f32 $-8.388616000e+06, v2  }
0x19b: {  	s17 =	sshll.u32 s11, $0xD;
	s9 =	sadd.s32 s2, s9;
	[tilespmem:s8+$0x100] =	vst v3  }
0x19c: {  	s18 =	sadd.s32 s17, s9;
	s8 =	simm.s32 $0x0;
	[tilespmem:s7+$0x100] =	vst v2;
	s7 =	sadd.s32 $0x6, s6  }
0x19d: {  	[hbm4b:s18+s8] =	stream.linear.scatter [tilespmem:s21], [sflag:$0x4], $0x8000, $0x38;
	[tilespmem:$0x18100] =	vst v63  }
0x19e: {  	s6 =	sshrl.u32 s7, $0x1  }
0x19f: {  	_ =	swait.ge [sflag:s25], $0x8000;
	s6 =	sadd.s32 s13, s6  }
0x1a0: {  	s5 =	sadd.s32 s1, s5;
	[sflag:s25] =	ssyncset.done $0x0;
	s6 =	sshll.u32 s6, $0xD  }
0x1a1: {  	[sflag:s25] =	ssyncadd.s32 $0xFFFF8000;
	s5 =	sadd.s32 s6, s5  }
0x1a2: {  	[tilespmem:s21], [sflag:$0x1] =	stream.linear.gather [hbm4b:s5+s8], $0x8000, $0x38;
	[tilespmem:$0x18100] =	vst v63  }
0x1a3: {  	s9 =	simm.s32 $0x0;
	_ =	swait.ge [sflag:s26], $0x8000  }
0x1a4: {  	s11 =	sand.u32 $0x7C00, s8;
	s5 =	sand.u32 $0x70, s9;
	[sflag:s26] =	ssyncset.done $0x0  }
0x1a5: {  	s12 =	sor.u32 s5, s11;
	[sflag:s26] =	ssyncadd.s32 $0xFFFF8000  }
0x1a6: {  	v2 =	vld [tilespmem:s12+$0x8100]  }
0x1a7: {  	v3 =	vld [tilespmem:s12+$0x8180]  }
0x1a8: {  	v4 =	vld [tilespmem:s12+$0x8200]  }
0x1a9: {  	v5 =	vld [tilespmem:s12+$0x8280]  }
0x1aa: {  	s14 =	simm.s32 $0x10;
	s5 =	simm.s32 $0x80;
	v6 =	vld [tilespmem:s12+$0x8300]  }
0x1ab: {  	s6 =	sand.u32 $0x70, s14;
	s15 =	sand.u32 $0x7C00, s5;
	v7 =	vld [tilespmem:s12+$0x8380]  }
0x1ac: {  	s6 =	sor.u32 s6, s15;
	v8 =	vld [tilespmem:s12+$0x8400]  }
0x1ad: {  	v10 =	vld [tilespmem:s6+$0x8180]  }
0x1ae: {  	v2 =	vmul.f32 v2, v1;
	v3 =	vmul.f32 v3, v1  }
0x1af: {  	v11 =	vld [tilespmem:s6+$0x8200];
	v4 =	vmul.f32 v4, v1;
	v5 =	vmul.f32 v5, v1  }
0x1b0: {  	v6 =	vmul.f32 v6, v1;
	v7 =	vmul.f32 v7, v1  }
0x1b1: {  	v8 =	vmul.f32 v8, v1;
	v2 =	vadd.f32 v2, v0;
	v3 =	vadd.f32 v3, v0  }
0x1b2: {  	v10 =	vmul.f32 v10, v1;
	v4 =	vadd.f32 v4, v0;
	v5 =	vadd.f32 v5, v0  }
0x1b3: {  	v6 =	vadd.f32 v6, v0;
	v7 =	vadd.f32 v7, v0  }
0x1b4: {  	v11 =	vmul.f32 v11, v1;
	v8 =	vadd.f32 v8, v0;
	v10 =	vadd.f32 v10, v0  }
0x1b5: {  	v2 =	vmax.f32 v2, $5.000000000e-01;
	v3 =	vmax.f32 v3, $5.000000000e-01;
	v4 =	vmax.f32 v4, $5.000000000e-01  }
0x1b6: {  	v5 =	vmax.f32 v5, $5.000000000e-01;
	v6 =	vmax.f32 v6, $5.000000000e-01;
	v2 =	vmin.f32 v2, $1.525000000e+01  }
0x1b7: {  	v9 =	vld [tilespmem:s6+$0x8100];
	v7 =	vmax.f32 v7, $5.000000000e-01;
	v3 =	vmin.f32 v3, $1.525000000e+01;
	v2 =	vadd.f32 $8.388608000e+06, v2  }
0x1b8: {  	s14 =	simm.s32 $0x20;
	v12 =	vld [tilespmem:s6+$0x8280];
	v8 =	vmax.f32 v8, $5.000000000e-01;
	v4 =	vmin.f32 v4, $1.525000000e+01;
	v3 =	vadd.f32 $8.388608000e+06, v3  }
0x1b9: {  	s16 =	sand.u32 $0x70, s14;
	s15 =	simm.s32 $0x100;
	v13 =	vld [tilespmem:s6+$0x8300];
	v5 =	vmin.f32 v5, $1.525000000e+01;
	v4 =	vadd.f32 $8.388608000e+06, v4;
	v2 =	vadd.f32 $-8.388616000e+06, v2  }
0x1ba: {  	s17 =	sand.u32 $0x7C00, s15;
	v14 =	vld [tilespmem:s6+$0x8380];
	v6 =	vmin.f32 v6, $1.525000000e+01;
	v5 =	vadd.f32 $8.388608000e+06, v5;
	v3 =	vadd.f32 $-8.388616000e+06, v3  }
0x1bb: {  	s9 =	sor.u32 s16, s17;
	v7 =	vmin.f32 v7, $1.525000000e+01;
	[tilespmem:s12+$0x8100] =	vst v2;
	v2 =	vadd.f32 $-8.388616000e+06, v4;
	v4 =	vadd.f32 $8.388608000e+06, v6;
	v6 =	vld [tilespmem:s6+$0x8400]  }
0x1bc: {  	v8 =	vmin.f32 v8, $1.525000000e+01;
	[tilespmem:s12+$0x8180] =	vst v3;
	v3 =	vadd.f32 $-8.388616000e+06, v5;
	v5 =	vadd.f32 $8.388608000e+06, v7;
	v7 =	vld [tilespmem:s9+$0x8100]  }
0x1bd: {  	[tilespmem:s12+$0x8200] =	vst v2;
	v2 =	vadd.f32 $-8.388616000e+06, v4;
	v4 =	vadd.f32 $8.388608000e+06, v8  }
0x1be: {  	s18 =	sand.u32 $0x7, s8;
	v9 =	vmul.f32 v9, v1;
	v11 =	vadd.f32 v11, v0;
	v8 =	vld [tilespmem:s9+$0x8180];
	[tilespmem:s12+$0x8280] =	vst v3;
	v3 =	vadd.f32 $-8.388616000e+06, v5  }
0x1bf: {  	s7 =	sshll.u32 s18, $0x4;
	v10 =	vmax.f32 v10, $5.000000000e-01;
	v5 =	vmul.f32 v12, v1;
	[tilespmem:s12+$0x8300] =	vst v2;
	v2 =	vadd.f32 $-8.388616000e+06, v4  }
0x1c0: {  	s7 =	sadd.s32 $0x0, s7;
	v12 =	vmul.f32 v13, v1;
	v4 =	vadd.f32 v9, v0;
	v9 =	vmul.f32 v14, v1;
	[tilespmem:s12+$0x8380] =	vst v3  }
0x1c1: {  	s11 =	sor.u32 $0x380, s7;
	v5 =	vadd.f32 v5, v0;
	v6 =	vmul.f32 v6, v1;
	[tilespmem:s12+$0x8400] =	vst v2;
	v2 =	vmul.f32 v7, v1  }
0x1c2: {  	v7 =	vadd.f32 v12, v0;
	v9 =	vadd.f32 v9, v0;
	v4 =	vmax.f32 v4, $5.000000000e-01;
	v13 =	vld [tilespmem:s11+$0x8100]  }
0x1c3: {  	v12 =	vmax.f32 v11, $5.000000000e-01;
	v5 =	vmax.f32 v5, $5.000000000e-01;
	v3 =	vmul.f32 v8, v1  }
0x1c4: {  	v6 =	vadd.f32 v6, v0;
	v4 =	vmin.f32 v4, $1.525000000e+01;
	v8 =	vmax.f32 v7, $5.000000000e-01  }
0x1c5: {  	v7 =	vmax.f32 v9, $5.000000000e-01;
	v9 =	vmin.f32 v10, $1.525000000e+01;
	v11 =	vadd.f32 $8.388608000e+06, v4  }
0x1c6: {  	v4 =	vmin.f32 v12, $1.525000000e+01;
	v12 =	vmin.f32 v5, $1.525000000e+01;
	v6 =	vmax.f32 v6, $5.000000000e-01  }
0x1c7: {  	s12 =	simm.s32 $0x100;
	v5 =	vld [tilespmem:s9+$0x8200];
	v10 =	vadd.f32 $8.388608000e+06, v9;
	v9 =	vadd.f32 $8.388608000e+06, v4;
	v4 =	vmul.f32 v13, v1  }
.LBB2_11:
0x1c8: {  	s14 =	sadd.s32 $0x10, s14;
	v13 =	vld [tilespmem:s9+$0x8280];
	s15 =	sadd.s32 $0x80, s15;
	v11 =	vadd.f32 $-8.388616000e+06, v11;
	v12 =	vadd.f32 $8.388608000e+06, v12;
	v8 =	vmin.f32 v8, $1.525000000e+01  }
0x1c9: {  	v7 =	vmin.f32 v7, $1.525000000e+01;
	s7 =	sand.u32 $0x70, s14;
	s16 =	sand.u32 $0x7C00, s15;
	v14 =	vld [tilespmem:s9+$0x8300];
	v10 =	vadd.f32 $-8.388616000e+06, v10;
	v4 =	vadd.f32 v4, v0  }
0x1ca: {  	v6 =	vmin.f32 v6, $1.525000000e+01;
	v9 =	vadd.f32 $-8.388616000e+06, v9;
	v8 =	vadd.f32 $8.388608000e+06, v8;
	v15 =	vld [tilespmem:s9+$0x8380];
	[tilespmem:s6+$0x8100] =	vst v11  }
0x1cb: {  	v7 =	vadd.f32 $8.388608000e+06, v7;
	s7 =	sor.u32 s7, s16;
	v11 =	vld [tilespmem:s9+$0x8400];
	[tilespmem:s6+$0x8180] =	vst v10;
	v10 =	vadd.f32 $-8.388616000e+06, v12;
	v4 =	vmax.f32 v4, $5.000000000e-01  }
0x1cc: {  	v6 =	vadd.f32 $8.388608000e+06, v6;
	v8 =	vadd.f32 $-8.388616000e+06, v8;
	v12 =	vld [tilespmem:s7+$0x8100];
	[tilespmem:s6+$0x8200] =	vst v9;
	v4 =	vmin.f32 v4, $1.525000000e+01  }
0x1cd: {  	s8 =	sadd.s32 $0x1, s8;
	v7 =	vadd.f32 $-8.388616000e+06, v7;
	v5 =	vmul.f32 v5, v1;
	v9 =	vld [tilespmem:s7+$0x8180];
	[tilespmem:s6+$0x8280] =	vst v10;
	v4 =	vadd.f32 $8.388608000e+06, v4  }
0x1ce: {  	s16 =	sand.u32 $0x7, s8;
	v6 =	vadd.f32 $-8.388616000e+06, v6;
	v10 =	vmul.f32 v13, v1;
	v13 =	vmul.f32 v14, v1;
	[tilespmem:s6+$0x8300] =	vst v8  }
0x1cf: {  	p0 =	slt.u32 s14, $0xFF0;
	s16 =	sshll.u32 s16, $0x4;
	v8 =	vadd.f32 v2, v0;
	v14 =	vmul.f32 v15, v1;
	[tilespmem:s6+$0x8380] =	vst v7;
	v4 =	vadd.f32 $-8.388616000e+06, v4  }
0x1d0: {  	s16 =	sadd.s32 s16, s5;
	s5 =	smov.u32 s12;
	s12 =	smov.u32 s15;
	v5 =	vadd.f32 v5, v0;
	v7 =	vadd.f32 v3, v0;
	v11 =	vmul.f32 v11, v1;
	[tilespmem:s6+$0x8400] =	vst v6  }
0x1d1: {  	v6 =	vadd.f32 v10, v0;
	v10 =	vadd.f32 v13, v0;
	s6 =	smov.u32 s9;
	s9 =	smov.u32 s7;
	v2 =	vmul.f32 v12, v1;
	[tilespmem:s11+$0x8100] =	vst v4;
	s11 =	sor.u32 $0x380, s16  }
0x1d2: {  	v4 =	vadd.f32 v14, v0;
	v3 =	vmul.f32 v9, v1;
	v9 =	vadd.f32 v11, v0;
	v13 =	vld [tilespmem:s11+$0x8100]  }
.Ltmp4:
0x1d3: {  	v5 =	vmax.f32 v5, $5.000000000e-01;
	v12 =	vmax.f32 v7, $5.000000000e-01;
	v11 =	vmax.f32 v8, $5.000000000e-01;
	(pc) =	sbr.rel @p0 .LBB2_11-.Ltmp4, $4  }
0x1d4: {  	v14 =	vmax.f32 v6, $5.000000000e-01;
	v8 =	vmax.f32 v10, $5.000000000e-01;
	v7 =	vmax.f32 v4, $5.000000000e-01  }
0x1d5: {  	v10 =	vmin.f32 v12, $1.525000000e+01;
	v4 =	vmin.f32 v11, $1.525000000e+01;
	v6 =	vmax.f32 v9, $5.000000000e-01  }
0x1d6: {  	v12 =	vmin.f32 v14, $1.525000000e+01;
	v11 =	vadd.f32 $8.388608000e+06, v4;
	v4 =	vmin.f32 v5, $1.525000000e+01  }
0x1d7: {  	v10 =	vadd.f32 $8.388608000e+06, v10;
	v9 =	vadd.f32 $8.388608000e+06, v4;
	v5 =	vld [tilespmem:s9+$0x8200];
	v4 =	vmul.f32 v13, v1  }
0x1d8: {  	v11 =	vadd.f32 $-8.388616000e+06, v11  }
0x1d9: {  	v12 =	vadd.f32 $8.388608000e+06, v12;
	v8 =	vmin.f32 v8, $1.525000000e+01;
	v2 =	vadd.f32 v2, v0  }
0x1da: {  	v13 =	vld [tilespmem:s9+$0x8280];
	v7 =	vmin.f32 v7, $1.525000000e+01;
	v3 =	vadd.f32 v3, v0;
	v10 =	vadd.f32 $-8.388616000e+06, v10  }
0x1db: {  	v14 =	vld [tilespmem:s9+$0x8300];
	v6 =	vmin.f32 v6, $1.525000000e+01;
	v9 =	vadd.f32 $-8.388616000e+06, v9;
	v8 =	vadd.f32 $8.388608000e+06, v8  }
0x1dc: {  	v15 =	vld [tilespmem:s9+$0x8380];
	v7 =	vadd.f32 $8.388608000e+06, v7;
	v6 =	vadd.f32 $8.388608000e+06, v6  }
0x1dd: {  	v16 =	vld [tilespmem:s9+$0x8400];
	v12 =	vadd.f32 $-8.388616000e+06, v12;
	v2 =	vmax.f32 v2, $5.000000000e-01;
	v8 =	vadd.f32 $-8.388616000e+06, v8  }
0x1de: {  	v3 =	vmax.f32 v3, $5.000000000e-01;
	v7 =	vadd.f32 $-8.388616000e+06, v7;
	v6 =	vadd.f32 $-8.388616000e+06, v6  }
0x1df: {  	v2 =	vmin.f32 v2, $1.525000000e+01;
	v3 =	vmin.f32 v3, $1.525000000e+01;
	v5 =	vmul.f32 v5, v1  }
0x1e0: {  	v2 =	vadd.f32 $8.388608000e+06, v2;
	v3 =	vadd.f32 $8.388608000e+06, v3;
	v13 =	vmul.f32 v13, v1  }
0x1e1: {  	[tilespmem:s6+$0x8100] =	vst v11;
	v14 =	vmul.f32 v14, v1;
	v15 =	vmul.f32 v15, v1;
	v5 =	vadd.f32 v5, v0  }
0x1e2: {  	[tilespmem:s6+$0x8180] =	vst v10;
	v16 =	vmul.f32 v16, v1;
	v2 =	vadd.f32 $-8.388616000e+06, v2;
	v3 =	vadd.f32 $-8.388616000e+06, v3  }
0x1e3: {  	[tilespmem:s6+$0x8200] =	vst v9;
	v13 =	vadd.f32 v13, v0;
	v14 =	vadd.f32 v14, v0  }
0x1e4: {  	[tilespmem:s6+$0x8280] =	vst v12;
	v51 =	vadd.f32 v15, v0;
	v52 =	vadd.f32 v16, v0;
	v5 =	vmax.f32 v5, $5.000000000e-01  }
0x1e5: {  	[tilespmem:s6+$0x8300] =	vst v8;
	v53 =	vmax.f32 v13, $5.000000000e-01;
	v54 =	vmax.f32 v14, $5.000000000e-01;
	v5 =	vmin.f32 v5, $1.525000000e+01  }
0x1e6: {  	[tilespmem:s6+$0x8380] =	vst v7;
	v11 =	vmax.f32 v51, $5.000000000e-01;
	v56 =	vmin.f32 v53, $1.525000000e+01;
	v5 =	vadd.f32 $8.388608000e+06, v5  }
0x1e7: {  	[tilespmem:s6+$0x8400] =	vst v6;
	v55 =	vmax.f32 v52, $5.000000000e-01;
	v58 =	vmin.f32 v54, $1.525000000e+01;
	v57 =	vadd.f32 $8.388608000e+06, v56  }
0x1e8: {  	[tilespmem:s9+$0x8100] =	vst v2;
	v59 =	vmin.f32 v11, $1.525000000e+01;
	v60 =	vadd.f32 $8.388608000e+06, v58;
	v2 =	vadd.f32 $-8.388616000e+06, v5  }
0x1e9: {  	s18 =	sadd.s32 $0x1, s8;
	[tilespmem:s9+$0x8180] =	vst v3;
	v61 =	vmin.f32 v55, $1.525000000e+01;
	v62 =	vadd.f32 $8.388608000e+06, v59;
	v3 =	vadd.f32 $-8.388616000e+06, v57  }
0x1ea: {  	s7 =	sand.u32 $0x7, s18;
	s6 =	sadd.s32 $0x1, s18;
	v63 =	vadd.f32 $8.388608000e+06, v61;
	[tilespmem:s9+$0x8200] =	vst v2;
	v2 =	vadd.f32 $-8.388616000e+06, v60  }
0x1eb: {  	s7 =	sshll.u32 s7, $0x4;
	s6 =	sand.u32 $0x7, s6;
	[tilespmem:s9+$0x8280] =	vst v3;
	v3 =	vadd.f32 $-8.388616000e+06, v62  }
0x1ec: {  	s5 =	sadd.s32 s7, s5;
	s6 =	sshll.u32 s6, $0x4;
	[tilespmem:s9+$0x8300] =	vst v2;
	v2 =	vadd.f32 $-8.388616000e+06, v63  }
0x1ed: {  	s5 =	sor.u32 $0x380, s5;
	s6 =	sadd.s32 s6, s12;
	[tilespmem:s9+$0x8380] =	vst v3  }
0x1ee: {  	s6 =	sor.u32 $0x380, s6;
	v3 =	vld [tilespmem:s5+$0x8100];
	[tilespmem:s9+$0x8400] =	vst v2  }
0x1ef: {  	v2 =	vld [tilespmem:s6+$0x8100];
	_ =	sdelay $0x3  }
0x1f0: {  	v3 =	vmul.f32 v3, v1  }
0x1f1: {  	v4 =	vadd.f32 v4, v0;
	v2 =	vmul.f32 v2, v1  }
0x1f2: {  	v3 =	vadd.f32 v3, v0  }
0x1f3: {  	v4 =	vmax.f32 v4, $5.000000000e-01;
	v2 =	vadd.f32 v2, v0  }
0x1f4: {  	v4 =	vmin.f32 v4, $1.525000000e+01;
	v3 =	vmax.f32 v3, $5.000000000e-01  }
0x1f5: {  	v4 =	vadd.f32 $8.388608000e+06, v4;
	v3 =	vmin.f32 v3, $1.525000000e+01;
	v2 =	vmax.f32 v2, $5.000000000e-01  }
0x1f6: {  	s3 =	sadd.s32 $0x1, s3;
	v3 =	vadd.f32 $8.388608000e+06, v3;
	v2 =	vmin.f32 v2, $1.525000000e+01  }
0x1f7: {  	p0 =	sne.s32 s3, $0x9;
	v4 =	vadd.f32 $-8.388616000e+06, v4;
	v2 =	vadd.f32 $8.388608000e+06, v2  }
.Ltmp5:
0x1f8: {  	v3 =	vadd.f32 $-8.388616000e+06, v3;
	(pc) =	sbr.rel @p0 .LBB2_6-.Ltmp5, $4  }
0x1f9: {  	[tilespmem:s11+$0x8100] =	vst v4;
	v2 =	vadd.f32 $-8.388616000e+06, v2  }
0x1fa: {  	[tilespmem:s5+$0x8100] =	vst v3  }
0x1fb: {  	s20 =	sadd.s32 s2, s20;
	[tilespmem:s6+$0x8100] =	vst v2  }
0x1fc: {  	[hbm4b:s20+s4] =	stream.linear.scatter [tilespmem:s22], [sflag:$0x5], $0x8000, $0x38;
	[tilespmem:$0x18100] =	vst v63  }
0x1fd: {  	_ =	swait.ge [sflag:s28], $0x8000  }
0x1fe: {  	[sflag:s28] =	ssyncset.done $0x0  }
0x1ff: {  	s0 =	simm.s32 $0x0;
	s3 =	rddreg [dreg:$0xb];
	[sflag:s28] =	ssyncadd.s32 $0xFFFF8000  }
0x200: {  	[tilespmem:s22], [sflag:$0x2] =	stream.linear.gather [hbm4b:s3+s0], $0x8000, $0x38;
	[tilespmem:$0x18100] =	vst v63  }
0x201: {  	s16 =	simm.s32 $0x0;
	_ =	swait.ge [sflag:s29], $0x8000  }
0x202: {  	s5 =	sand.u32 $0x7C00, s0;
	s3 =	sand.u32 $0x70, s16;
	[sflag:s29] =	ssyncset.done $0x0  }
0x203: {  	s8 =	sor.u32 s3, s5;
	[sflag:s29] =	ssyncadd.s32 $0xFFFF8000  }
0x204: {  	v2 =	vld [tilespmem:s8+$0x10100]  }
0x205: {  	v3 =	vld [tilespmem:s8+$0x10180]  }
0x206: {  	v4 =	vld [tilespmem:s8+$0x10200]  }
0x207: {  	v5 =	vld [tilespmem:s8+$0x10280]  }
0x208: {  	s17 =	simm.s32 $0x10;
	s3 =	simm.s32 $0x80;
	v6 =	vld [tilespmem:s8+$0x10300]  }
0x209: {  	s5 =	sand.u32 $0x70, s17;
	s6 =	sand.u32 $0x7C00, s3;
	v7 =	vld [tilespmem:s8+$0x10380]  }
0x20a: {  	s5 =	sor.u32 s5, s6;
	v8 =	vld [tilespmem:s8+$0x10400]  }
0x20b: {  	v10 =	vld [tilespmem:s5+$0x10180]  }
0x20c: {  	v2 =	vmul.f32 v2, v1;
	v3 =	vmul.f32 v3, v1  }
0x20d: {  	v11 =	vld [tilespmem:s5+$0x10200];
	v4 =	vmul.f32 v4, v1;
	v5 =	vmul.f32 v5, v1  }
0x20e: {  	v6 =	vmul.f32 v6, v1;
	v7 =	vmul.f32 v7, v1  }
0x20f: {  	v8 =	vmul.f32 v8, v1;
	v2 =	vadd.f32 v2, v0;
	v3 =	vadd.f32 v3, v0  }
0x210: {  	v10 =	vmul.f32 v10, v1;
	v4 =	vadd.f32 v4, v0;
	v5 =	vadd.f32 v5, v0  }
0x211: {  	v6 =	vadd.f32 v6, v0;
	v7 =	vadd.f32 v7, v0  }
0x212: {  	v11 =	vmul.f32 v11, v1;
	v8 =	vadd.f32 v8, v0;
	v10 =	vadd.f32 v10, v0  }
0x213: {  	v2 =	vmax.f32 v2, $5.000000000e-01;
	v3 =	vmax.f32 v3, $5.000000000e-01;
	v4 =	vmax.f32 v4, $5.000000000e-01  }
0x214: {  	v5 =	vmax.f32 v5, $5.000000000e-01;
	v6 =	vmax.f32 v6, $5.000000000e-01;
	v2 =	vmin.f32 v2, $1.525000000e+01  }
0x215: {  	v9 =	vld [tilespmem:s5+$0x10100];
	v7 =	vmax.f32 v7, $5.000000000e-01;
	v3 =	vmin.f32 v3, $1.525000000e+01;
	v2 =	vadd.f32 $8.388608000e+06, v2  }
0x216: {  	s11 =	simm.s32 $0x20;
	v12 =	vld [tilespmem:s5+$0x10280];
	v8 =	vmax.f32 v8, $5.000000000e-01;
	v4 =	vmin.f32 v4, $1.525000000e+01;
	v3 =	vadd.f32 $8.388608000e+06, v3  }
0x217: {  	s12 =	simm.s32 $0x100;
	s18 =	sand.u32 $0x70, s11;
	v13 =	vld [tilespmem:s5+$0x10300];
	v5 =	vmin.f32 v5, $1.525000000e+01;
	v4 =	vadd.f32 $8.388608000e+06, v4;
	v2 =	vadd.f32 $-8.388616000e+06, v2  }
0x218: {  	s7 =	sand.u32 $0x7C00, s12;
	v14 =	vld [tilespmem:s5+$0x10380];
	v6 =	vmin.f32 v6, $1.525000000e+01;
	v5 =	vadd.f32 $8.388608000e+06, v5;
	v3 =	vadd.f32 $-8.388616000e+06, v3  }
0x219: {  	s6 =	sor.u32 s18, s7;
	v7 =	vmin.f32 v7, $1.525000000e+01;
	[tilespmem:s8+$0x10100] =	vst v2;
	v2 =	vadd.f32 $-8.388616000e+06, v4;
	v4 =	vadd.f32 $8.388608000e+06, v6;
	v6 =	vld [tilespmem:s5+$0x10400]  }
0x21a: {  	v8 =	vmin.f32 v8, $1.525000000e+01;
	[tilespmem:s8+$0x10180] =	vst v3;
	v3 =	vadd.f32 $-8.388616000e+06, v5;
	v5 =	vadd.f32 $8.388608000e+06, v7;
	v7 =	vld [tilespmem:s6+$0x10100]  }
0x21b: {  	[tilespmem:s8+$0x10200] =	vst v2;
	v2 =	vadd.f32 $-8.388616000e+06, v4;
	v4 =	vadd.f32 $8.388608000e+06, v8  }
0x21c: {  	s20 =	sand.u32 $0x7, s0;
	v9 =	vmul.f32 v9, v1;
	v11 =	vadd.f32 v11, v0;
	v8 =	vld [tilespmem:s6+$0x10180];
	[tilespmem:s8+$0x10280] =	vst v3;
	v3 =	vadd.f32 $-8.388616000e+06, v5  }
0x21d: {  	s7 =	sshll.u32 s20, $0x4;
	v10 =	vmax.f32 v10, $5.000000000e-01;
	v5 =	vmul.f32 v12, v1;
	[tilespmem:s8+$0x10300] =	vst v2;
	v2 =	vadd.f32 $-8.388616000e+06, v4  }
0x21e: {  	s7 =	sadd.s32 $0x0, s7;
	v12 =	vmul.f32 v13, v1;
	v4 =	vadd.f32 v9, v0;
	v9 =	vmul.f32 v14, v1;
	[tilespmem:s8+$0x10380] =	vst v3  }
0x21f: {  	v5 =	vadd.f32 v5, v0;
	v6 =	vmul.f32 v6, v1;
	[tilespmem:s8+$0x10400] =	vst v2;
	v2 =	vmul.f32 v7, v1;
	s8 =	sor.u32 $0x380, s7  }
0x220: {  	v7 =	vadd.f32 v12, v0;
	v9 =	vadd.f32 v9, v0;
	v4 =	vmax.f32 v4, $5.000000000e-01;
	v13 =	vld [tilespmem:s8+$0x10100]  }
0x221: {  	v12 =	vmax.f32 v11, $5.000000000e-01;
	v5 =	vmax.f32 v5, $5.000000000e-01;
	v3 =	vmul.f32 v8, v1  }
0x222: {  	v6 =	vadd.f32 v6, v0;
	v4 =	vmin.f32 v4, $1.525000000e+01;
	v8 =	vmax.f32 v7, $5.000000000e-01  }
0x223: {  	v7 =	vmax.f32 v9, $5.000000000e-01;
	v9 =	vmin.f32 v10, $1.525000000e+01;
	v11 =	vadd.f32 $8.388608000e+06, v4  }
0x224: {  	v4 =	vmin.f32 v12, $1.525000000e+01;
	v12 =	vmin.f32 v5, $1.525000000e+01;
	v6 =	vmax.f32 v6, $5.000000000e-01  }
0x225: {  	s9 =	simm.s32 $0x100;
	v5 =	vld [tilespmem:s6+$0x10200];
	v10 =	vadd.f32 $8.388608000e+06, v9;
	v9 =	vadd.f32 $8.388608000e+06, v4;
	v4 =	vmul.f32 v13, v1  }
.LBB2_14:
0x226: {  	s11 =	sadd.s32 $0x10, s11;
	v13 =	vld [tilespmem:s6+$0x10280];
	s12 =	sadd.s32 $0x80, s12;
	v11 =	vadd.f32 $-8.388616000e+06, v11;
	v12 =	vadd.f32 $8.388608000e+06, v12;
	v8 =	vmin.f32 v8, $1.525000000e+01  }
0x227: {  	v7 =	vmin.f32 v7, $1.525000000e+01;
	s7 =	sand.u32 $0x70, s11;
	s14 =	sand.u32 $0x7C00, s12;
	v14 =	vld [tilespmem:s6+$0x10300];
	v10 =	vadd.f32 $-8.388616000e+06, v10;
	v4 =	vadd.f32 v4, v0  }
0x228: {  	v6 =	vmin.f32 v6, $1.525000000e+01;
	v9 =	vadd.f32 $-8.388616000e+06, v9;
	v8 =	vadd.f32 $8.388608000e+06, v8;
	v15 =	vld [tilespmem:s6+$0x10380];
	[tilespmem:s5+$0x10100] =	vst v11  }
0x229: {  	v7 =	vadd.f32 $8.388608000e+06, v7;
	s7 =	sor.u32 s7, s14;
	v11 =	vld [tilespmem:s6+$0x10400];
	[tilespmem:s5+$0x10180] =	vst v10;
	v10 =	vadd.f32 $-8.388616000e+06, v12;
	v4 =	vmax.f32 v4, $5.000000000e-01  }
0x22a: {  	v6 =	vadd.f32 $8.388608000e+06, v6;
	v8 =	vadd.f32 $-8.388616000e+06, v8;
	v12 =	vld [tilespmem:s7+$0x10100];
	[tilespmem:s5+$0x10200] =	vst v9;
	v4 =	vmin.f32 v4, $1.525000000e+01  }
0x22b: {  	s0 =	sadd.s32 $0x1, s0;
	v7 =	vadd.f32 $-8.388616000e+06, v7;
	v5 =	vmul.f32 v5, v1;
	v9 =	vld [tilespmem:s7+$0x10180];
	[tilespmem:s5+$0x10280] =	vst v10;
	v4 =	vadd.f32 $8.388608000e+06, v4  }
0x22c: {  	s14 =	sand.u32 $0x7, s0;
	v6 =	vadd.f32 $-8.388616000e+06, v6;
	v10 =	vmul.f32 v13, v1;
	v13 =	vmul.f32 v14, v1;
	[tilespmem:s5+$0x10300] =	vst v8  }
0x22d: {  	p0 =	slt.u32 s11, $0xFF0;
	s14 =	sshll.u32 s14, $0x4;
	v8 =	vadd.f32 v2, v0;
	v14 =	vmul.f32 v15, v1;
	[tilespmem:s5+$0x10380] =	vst v7;
	v4 =	vadd.f32 $-8.388616000e+06, v4  }
0x22e: {  	s14 =	sadd.s32 s14, s3;
	s3 =	smov.u32 s9;
	s9 =	smov.u32 s12;
	v5 =	vadd.f32 v5, v0;
	v7 =	vadd.f32 v3, v0;
	v11 =	vmul.f32 v11, v1;
	[tilespmem:s5+$0x10400] =	vst v6  }
0x22f: {  	v6 =	vadd.f32 v10, v0;
	v10 =	vadd.f32 v13, v0;
	s5 =	smov.u32 s6;
	s6 =	smov.u32 s7;
	v2 =	vmul.f32 v12, v1;
	[tilespmem:s8+$0x10100] =	vst v4;
	s8 =	sor.u32 $0x380, s14  }
0x230: {  	v4 =	vadd.f32 v14, v0;
	v3 =	vmul.f32 v9, v1;
	v9 =	vadd.f32 v11, v0;
	v13 =	vld [tilespmem:s8+$0x10100]  }
.Ltmp6:
0x231: {  	v5 =	vmax.f32 v5, $5.000000000e-01;
	v12 =	vmax.f32 v7, $5.000000000e-01;
	v11 =	vmax.f32 v8, $5.000000000e-01;
	(pc) =	sbr.rel @p0 .LBB2_14-.Ltmp6, $4  }
0x232: {  	v14 =	vmax.f32 v6, $5.000000000e-01;
	v8 =	vmax.f32 v10, $5.000000000e-01;
	v7 =	vmax.f32 v4, $5.000000000e-01  }
0x233: {  	v10 =	vmin.f32 v12, $1.525000000e+01;
	v4 =	vmin.f32 v11, $1.525000000e+01;
	v6 =	vmax.f32 v9, $5.000000000e-01  }
0x234: {  	v12 =	vmin.f32 v14, $1.525000000e+01;
	v11 =	vadd.f32 $8.388608000e+06, v4;
	v4 =	vmin.f32 v5, $1.525000000e+01  }
0x235: {  	v10 =	vadd.f32 $8.388608000e+06, v10;
	v9 =	vadd.f32 $8.388608000e+06, v4;
	v5 =	vld [tilespmem:s6+$0x10200];
	v4 =	vmul.f32 v13, v1  }
0x236: {  	v11 =	vadd.f32 $-8.388616000e+06, v11  }
0x237: {  	v12 =	vadd.f32 $8.388608000e+06, v12;
	v8 =	vmin.f32 v8, $1.525000000e+01;
	v2 =	vadd.f32 v2, v0  }
0x238: {  	v13 =	vld [tilespmem:s6+$0x10280];
	v7 =	vmin.f32 v7, $1.525000000e+01;
	v3 =	vadd.f32 v3, v0;
	v10 =	vadd.f32 $-8.388616000e+06, v10  }
0x239: {  	v14 =	vld [tilespmem:s6+$0x10300];
	v6 =	vmin.f32 v6, $1.525000000e+01;
	v9 =	vadd.f32 $-8.388616000e+06, v9;
	v8 =	vadd.f32 $8.388608000e+06, v8  }
0x23a: {  	v15 =	vld [tilespmem:s6+$0x10380];
	v7 =	vadd.f32 $8.388608000e+06, v7;
	v6 =	vadd.f32 $8.388608000e+06, v6  }
0x23b: {  	v16 =	vld [tilespmem:s6+$0x10400];
	v12 =	vadd.f32 $-8.388616000e+06, v12;
	v2 =	vmax.f32 v2, $5.000000000e-01;
	v8 =	vadd.f32 $-8.388616000e+06, v8  }
0x23c: {  	v3 =	vmax.f32 v3, $5.000000000e-01;
	v7 =	vadd.f32 $-8.388616000e+06, v7;
	v6 =	vadd.f32 $-8.388616000e+06, v6  }
0x23d: {  	v2 =	vmin.f32 v2, $1.525000000e+01;
	v3 =	vmin.f32 v3, $1.525000000e+01;
	v5 =	vmul.f32 v5, v1  }
0x23e: {  	v2 =	vadd.f32 $8.388608000e+06, v2;
	v3 =	vadd.f32 $8.388608000e+06, v3;
	v13 =	vmul.f32 v13, v1  }
0x23f: {  	[tilespmem:s5+$0x10100] =	vst v11;
	v14 =	vmul.f32 v14, v1;
	v15 =	vmul.f32 v15, v1;
	v5 =	vadd.f32 v5, v0  }
0x240: {  	[tilespmem:s5+$0x10180] =	vst v10;
	v16 =	vmul.f32 v16, v1;
	v2 =	vadd.f32 $-8.388616000e+06, v2;
	v3 =	vadd.f32 $-8.388616000e+06, v3  }
0x241: {  	[tilespmem:s5+$0x10200] =	vst v9;
	v13 =	vadd.f32 v13, v0;
	v14 =	vadd.f32 v14, v0  }
0x242: {  	[tilespmem:s5+$0x10280] =	vst v12;
	v11 =	vadd.f32 v15, v0;
	v15 =	vadd.f32 v16, v0;
	v5 =	vmax.f32 v5, $5.000000000e-01  }
0x243: {  	[tilespmem:s5+$0x10300] =	vst v8;
	v9 =	vmax.f32 v13, $5.000000000e-01;
	v10 =	vmax.f32 v14, $5.000000000e-01;
	v5 =	vmin.f32 v5, $1.525000000e+01  }
0x244: {  	[tilespmem:s5+$0x10380] =	vst v7;
	v11 =	vmax.f32 v11, $5.000000000e-01;
	v7 =	vmin.f32 v9, $1.525000000e+01;
	v5 =	vadd.f32 $8.388608000e+06, v5  }
0x245: {  	[tilespmem:s5+$0x10400] =	vst v6;
	v8 =	vmax.f32 v15, $5.000000000e-01;
	v6 =	vadd.f32 $8.388608000e+06, v7;
	v7 =	vmin.f32 v10, $1.525000000e+01  }
0x246: {  	[tilespmem:s6+$0x10100] =	vst v2;
	v9 =	vmin.f32 v11, $1.525000000e+01;
	v2 =	vadd.f32 $-8.388616000e+06, v5;
	v5 =	vadd.f32 $8.388608000e+06, v7  }
0x247: {  	s0 =	sadd.s32 $0x1, s0;
	[tilespmem:s6+$0x10180] =	vst v3;
	v7 =	vmin.f32 v8, $1.525000000e+01;
	v3 =	vadd.f32 $-8.388616000e+06, v6;
	v6 =	vadd.f32 $8.388608000e+06, v9  }
0x248: {  	s11 =	sand.u32 $0x7, s0;
	s0 =	sadd.s32 $0x1, s0;
	[tilespmem:s6+$0x10200] =	vst v2;
	v2 =	vadd.f32 $-8.388616000e+06, v5;
	v5 =	vadd.f32 $8.388608000e+06, v7  }
0x249: {  	s0 =	sand.u32 $0x7, s0;
	s5 =	sshll.u32 s11, $0x4;
	[tilespmem:s6+$0x10280] =	vst v3;
	v3 =	vadd.f32 $-8.388616000e+06, v6  }
0x24a: {  	s0 =	sshll.u32 s0, $0x4;
	s3 =	sadd.s32 s5, s3;
	[tilespmem:s6+$0x10300] =	vst v2;
	v2 =	vadd.f32 $-8.388616000e+06, v5  }
0x24b: {  	s0 =	sadd.s32 s0, s9;
	s3 =	sor.u32 $0x380, s3;
	[tilespmem:s6+$0x10380] =	vst v3  }
0x24c: {  	s0 =	sor.u32 $0x380, s0;
	v3 =	vld [tilespmem:s3+$0x10100];
	[tilespmem:s6+$0x10400] =	vst v2  }
0x24d: {  	v2 =	vld [tilespmem:s0+$0x10100];
	_ =	sdelay $0x3  }
0x24e: {  	v3 =	vmul.f32 v3, v1  }
0x24f: {  	v4 =	vadd.f32 v4, v0;
	v2 =	vmul.f32 v2, v1  }
0x250: {  	v3 =	vadd.f32 v3, v0  }
0x251: {  	v4 =	vmax.f32 v4, $5.000000000e-01;
	v2 =	vadd.f32 v2, v0  }
0x252: {  	v4 =	vmin.f32 v4, $1.525000000e+01;
	v3 =	vmax.f32 v3, $5.000000000e-01  }
0x253: {  	v4 =	vadd.f32 $8.388608000e+06, v4;
	v3 =	vmin.f32 v3, $1.525000000e+01;
	v2 =	vmax.f32 v2, $5.000000000e-01  }
0x254: {  	v3 =	vadd.f32 $8.388608000e+06, v3;
	v2 =	vmin.f32 v2, $1.525000000e+01  }
0x255: {  	v4 =	vadd.f32 $-8.388616000e+06, v4;
	v2 =	vadd.f32 $8.388608000e+06, v2  }
0x256: {  	v3 =	vadd.f32 $-8.388616000e+06, v3  }
0x257: {  	[tilespmem:s8+$0x10100] =	vst v4;
	v2 =	vadd.f32 $-8.388616000e+06, v2  }
0x258: {  	[tilespmem:s3+$0x10100] =	vst v3  }
0x259: {  	[tilespmem:s0+$0x10100] =	vst v2  }
0x25a: {  	s0 =	simm.s32 $0x0;
	s3 =	rddreg [dreg:$0xc]  }
0x25b: {  	[hbm4b:s3+s0] =	stream.linear.scatter [tilespmem:s23], [sflag:$0x6], $0x8000, $0x38;
	[tilespmem:$0x18100] =	vst v63  }
0x25c: {  	_ =	swait.ge [sflag:s30], $0x8000  }
0x25d: {  	[sflag:s30] =	ssyncset.done $0x0  }
0x25e: {  	[sflag:s30] =	ssyncadd.s32 $0xFFFF8000  }
0x25f: {  	s12 =	simm.s32 $0x0;
	_ =	swait.ge [sflag:s24], $0x8000  }
0x260: {  	s14 =	sand.u32 $0x7C00, s0;
	s3 =	sand.u32 $0x70, s12;
	[sflag:s24] =	ssyncset.done $0x0  }
0x261: {  	s15 =	sor.u32 s3, s14;
	[sflag:s24] =	ssyncadd.s32 $0xFFFF8000  }
0x262: {  	v2 =	vld [tilespmem:s15+$0x100]  }
0x263: {  	v3 =	vld [tilespmem:s15+$0x180]  }
0x264: {  	v4 =	vld [tilespmem:s15+$0x200]  }
0x265: {  	v5 =	vld [tilespmem:s15+$0x280]  }
0x266: {  	s16 =	simm.s32 $0x10;
	s3 =	simm.s32 $0x80;
	v6 =	vld [tilespmem:s15+$0x300]  }
0x267: {  	s5 =	sand.u32 $0x70, s16;
	s17 =	sand.u32 $0x7C00, s3;
	v7 =	vld [tilespmem:s15+$0x380]  }
0x268: {  	s5 =	sor.u32 s5, s17;
	v8 =	vld [tilespmem:s15+$0x400]  }
0x269: {  	v10 =	vld [tilespmem:s5+$0x180]  }
0x26a: {  	v2 =	vmul.f32 v2, v1;
	v3 =	vmul.f32 v3, v1  }
0x26b: {  	v11 =	vld [tilespmem:s5+$0x200];
	v4 =	vmul.f32 v4, v1;
	v5 =	vmul.f32 v5, v1  }
0x26c: {  	v6 =	vmul.f32 v6, v1;
	v7 =	vmul.f32 v7, v1  }
0x26d: {  	v8 =	vmul.f32 v8, v1;
	v2 =	vadd.f32 v2, v0;
	v3 =	vadd.f32 v3, v0  }
0x26e: {  	v10 =	vmul.f32 v10, v1;
	v4 =	vadd.f32 v4, v0;
	v5 =	vadd.f32 v5, v0  }
0x26f: {  	v6 =	vadd.f32 v6, v0;
	v7 =	vadd.f32 v7, v0  }
0x270: {  	v11 =	vmul.f32 v11, v1;
	v8 =	vadd.f32 v8, v0;
	v10 =	vadd.f32 v10, v0  }
0x271: {  	v2 =	vmax.f32 v2, $5.000000000e-01;
	v3 =	vmax.f32 v3, $5.000000000e-01;
	v4 =	vmax.f32 v4, $5.000000000e-01  }
0x272: {  	v5 =	vmax.f32 v5, $5.000000000e-01;
	v6 =	vmax.f32 v6, $5.000000000e-01;
	v2 =	vmin.f32 v2, $1.525000000e+01  }
0x273: {  	v9 =	vld [tilespmem:s5+$0x100];
	v7 =	vmax.f32 v7, $5.000000000e-01;
	v3 =	vmin.f32 v3, $1.525000000e+01;
	v2 =	vadd.f32 $8.388608000e+06, v2  }
0x274: {  	s11 =	simm.s32 $0x20;
	v12 =	vld [tilespmem:s5+$0x280];
	v8 =	vmax.f32 v8, $5.000000000e-01;
	v4 =	vmin.f32 v4, $1.525000000e+01;
	v3 =	vadd.f32 $8.388608000e+06, v3  }
0x275: {  	s18 =	sand.u32 $0x70, s11;
	s12 =	simm.s32 $0x100;
	v13 =	vld [tilespmem:s5+$0x300];
	v5 =	vmin.f32 v5, $1.525000000e+01;
	v4 =	vadd.f32 $8.388608000e+06, v4;
	v2 =	vadd.f32 $-8.388616000e+06, v2  }
0x276: {  	s7 =	sand.u32 $0x7C00, s12;
	v14 =	vld [tilespmem:s5+$0x380];
	v6 =	vmin.f32 v6, $1.525000000e+01;
	v5 =	vadd.f32 $8.388608000e+06, v5;
	v3 =	vadd.f32 $-8.388616000e+06, v3  }
0x277: {  	s6 =	sor.u32 s18, s7;
	v7 =	vmin.f32 v7, $1.525000000e+01;
	[tilespmem:s15+$0x100] =	vst v2;
	v2 =	vadd.f32 $-8.388616000e+06, v4;
	v4 =	vadd.f32 $8.388608000e+06, v6;
	v6 =	vld [tilespmem:s5+$0x400]  }
0x278: {  	v8 =	vmin.f32 v8, $1.525000000e+01;
	[tilespmem:s15+$0x180] =	vst v3;
	v3 =	vadd.f32 $-8.388616000e+06, v5;
	v5 =	vadd.f32 $8.388608000e+06, v7;
	v7 =	vld [tilespmem:s6+$0x100]  }
0x279: {  	[tilespmem:s15+$0x200] =	vst v2;
	v2 =	vadd.f32 $-8.388616000e+06, v4;
	v4 =	vadd.f32 $8.388608000e+06, v8  }
0x27a: {  	s20 =	sand.u32 $0x7, s0;
	v9 =	vmul.f32 v9, v1;
	v11 =	vadd.f32 v11, v0;
	v8 =	vld [tilespmem:s6+$0x180];
	[tilespmem:s15+$0x280] =	vst v3;
	v3 =	vadd.f32 $-8.388616000e+06, v5  }
0x27b: {  	s7 =	sshll.u32 s20, $0x4;
	v10 =	vmax.f32 v10, $5.000000000e-01;
	v5 =	vmul.f32 v12, v1;
	[tilespmem:s15+$0x300] =	vst v2;
	v2 =	vadd.f32 $-8.388616000e+06, v4  }
0x27c: {  	s7 =	sadd.s32 $0x0, s7;
	v12 =	vmul.f32 v13, v1;
	v4 =	vadd.f32 v9, v0;
	v9 =	vmul.f32 v14, v1;
	[tilespmem:s15+$0x380] =	vst v3  }
0x27d: {  	s8 =	sor.u32 $0x380, s7;
	v5 =	vadd.f32 v5, v0;
	v6 =	vmul.f32 v6, v1;
	[tilespmem:s15+$0x400] =	vst v2;
	v2 =	vmul.f32 v7, v1  }
0x27e: {  	v7 =	vadd.f32 v12, v0;
	v9 =	vadd.f32 v9, v0;
	v4 =	vmax.f32 v4, $5.000000000e-01;
	v13 =	vld [tilespmem:s8+$0x100]  }
0x27f: {  	v12 =	vmax.f32 v11, $5.000000000e-01;
	v5 =	vmax.f32 v5, $5.000000000e-01;
	v3 =	vmul.f32 v8, v1  }
0x280: {  	v6 =	vadd.f32 v6, v0;
	v4 =	vmin.f32 v4, $1.525000000e+01;
	v8 =	vmax.f32 v7, $5.000000000e-01  }
0x281: {  	v7 =	vmax.f32 v9, $5.000000000e-01;
	v9 =	vmin.f32 v10, $1.525000000e+01;
	v11 =	vadd.f32 $8.388608000e+06, v4  }
0x282: {  	v4 =	vmin.f32 v12, $1.525000000e+01;
	v12 =	vmin.f32 v5, $1.525000000e+01;
	v6 =	vmax.f32 v6, $5.000000000e-01  }
0x283: {  	s9 =	simm.s32 $0x100;
	v5 =	vld [tilespmem:s6+$0x200];
	v10 =	vadd.f32 $8.388608000e+06, v9;
	v9 =	vadd.f32 $8.388608000e+06, v4;
	v4 =	vmul.f32 v13, v1  }
.LBB2_16:
0x284: {  	s11 =	sadd.s32 $0x10, s11;
	v13 =	vld [tilespmem:s6+$0x280];
	s12 =	sadd.s32 $0x80, s12;
	v11 =	vadd.f32 $-8.388616000e+06, v11;
	v12 =	vadd.f32 $8.388608000e+06, v12;
	v8 =	vmin.f32 v8, $1.525000000e+01  }
0x285: {  	v7 =	vmin.f32 v7, $1.525000000e+01;
	s7 =	sand.u32 $0x70, s11;
	s14 =	sand.u32 $0x7C00, s12;
	v14 =	vld [tilespmem:s6+$0x300];
	v10 =	vadd.f32 $-8.388616000e+06, v10;
	v4 =	vadd.f32 v4, v0  }
0x286: {  	v6 =	vmin.f32 v6, $1.525000000e+01;
	v9 =	vadd.f32 $-8.388616000e+06, v9;
	v8 =	vadd.f32 $8.388608000e+06, v8;
	v15 =	vld [tilespmem:s6+$0x380];
	[tilespmem:s5+$0x100] =	vst v11  }
0x287: {  	v7 =	vadd.f32 $8.388608000e+06, v7;
	s7 =	sor.u32 s7, s14;
	v11 =	vld [tilespmem:s6+$0x400];
	[tilespmem:s5+$0x180] =	vst v10;
	v10 =	vadd.f32 $-8.388616000e+06, v12;
	v4 =	vmax.f32 v4, $5.000000000e-01  }
0x288: {  	v6 =	vadd.f32 $8.388608000e+06, v6;
	v8 =	vadd.f32 $-8.388616000e+06, v8;
	v12 =	vld [tilespmem:s7+$0x100];
	[tilespmem:s5+$0x200] =	vst v9;
	v4 =	vmin.f32 v4, $1.525000000e+01  }
0x289: {  	s0 =	sadd.s32 $0x1, s0;
	v7 =	vadd.f32 $-8.388616000e+06, v7;
	v5 =	vmul.f32 v5, v1;
	v9 =	vld [tilespmem:s7+$0x180];
	[tilespmem:s5+$0x280] =	vst v10;
	v4 =	vadd.f32 $8.388608000e+06, v4  }
0x28a: {  	s14 =	sand.u32 $0x7, s0;
	v6 =	vadd.f32 $-8.388616000e+06, v6;
	v10 =	vmul.f32 v13, v1;
	v13 =	vmul.f32 v14, v1;
	[tilespmem:s5+$0x300] =	vst v8  }
0x28b: {  	p0 =	slt.u32 s11, $0xFF0;
	s14 =	sshll.u32 s14, $0x4;
	v8 =	vadd.f32 v2, v0;
	v14 =	vmul.f32 v15, v1;
	[tilespmem:s5+$0x380] =	vst v7;
	v4 =	vadd.f32 $-8.388616000e+06, v4  }
0x28c: {  	s14 =	sadd.s32 s14, s3;
	s3 =	smov.u32 s9;
	s9 =	smov.u32 s12;
	v5 =	vadd.f32 v5, v0;
	v7 =	vadd.f32 v3, v0;
	v11 =	vmul.f32 v11, v1;
	[tilespmem:s5+$0x400] =	vst v6  }
0x28d: {  	v6 =	vadd.f32 v10, v0;
	v10 =	vadd.f32 v13, v0;
	s5 =	smov.u32 s6;
	s6 =	smov.u32 s7;
	v2 =	vmul.f32 v12, v1;
	[tilespmem:s8+$0x100] =	vst v4;
	s8 =	sor.u32 $0x380, s14  }
0x28e: {  	v4 =	vadd.f32 v14, v0;
	v3 =	vmul.f32 v9, v1;
	v9 =	vadd.f32 v11, v0;
	v13 =	vld [tilespmem:s8+$0x100]  }
.Ltmp7:
0x28f: {  	v5 =	vmax.f32 v5, $5.000000000e-01;
	v12 =	vmax.f32 v7, $5.000000000e-01;
	v11 =	vmax.f32 v8, $5.000000000e-01;
	(pc) =	sbr.rel @p0 .LBB2_16-.Ltmp7, $4  }
0x290: {  	v14 =	vmax.f32 v6, $5.000000000e-01;
	v8 =	vmax.f32 v10, $5.000000000e-01;
	v7 =	vmax.f32 v4, $5.000000000e-01  }
0x291: {  	v10 =	vmin.f32 v12, $1.525000000e+01;
	v4 =	vmin.f32 v11, $1.525000000e+01;
	v6 =	vmax.f32 v9, $5.000000000e-01  }
0x292: {  	v12 =	vmin.f32 v14, $1.525000000e+01;
	v11 =	vadd.f32 $8.388608000e+06, v4;
	v4 =	vmin.f32 v5, $1.525000000e+01  }
0x293: {  	v10 =	vadd.f32 $8.388608000e+06, v10;
	v9 =	vadd.f32 $8.388608000e+06, v4;
	v5 =	vld [tilespmem:s6+$0x200];
	v4 =	vmul.f32 v13, v1  }
0x294: {  	v11 =	vadd.f32 $-8.388616000e+06, v11  }
0x295: {  	v12 =	vadd.f32 $8.388608000e+06, v12;
	v8 =	vmin.f32 v8, $1.525000000e+01;
	v2 =	vadd.f32 v2, v0  }
0x296: {  	v13 =	vld [tilespmem:s6+$0x280];
	v7 =	vmin.f32 v7, $1.525000000e+01;
	v3 =	vadd.f32 v3, v0;
	v10 =	vadd.f32 $-8.388616000e+06, v10  }
0x297: {  	v14 =	vld [tilespmem:s6+$0x300];
	v6 =	vmin.f32 v6, $1.525000000e+01;
	v9 =	vadd.f32 $-8.388616000e+06, v9;
	v8 =	vadd.f32 $8.388608000e+06, v8  }
0x298: {  	v15 =	vld [tilespmem:s6+$0x380];
	v7 =	vadd.f32 $8.388608000e+06, v7;
	v6 =	vadd.f32 $8.388608000e+06, v6  }
0x299: {  	v16 =	vld [tilespmem:s6+$0x400];
	v12 =	vadd.f32 $-8.388616000e+06, v12;
	v2 =	vmax.f32 v2, $5.000000000e-01;
	v8 =	vadd.f32 $-8.388616000e+06, v8  }
0x29a: {  	v3 =	vmax.f32 v3, $5.000000000e-01;
	v7 =	vadd.f32 $-8.388616000e+06, v7;
	v6 =	vadd.f32 $-8.388616000e+06, v6  }
0x29b: {  	v2 =	vmin.f32 v2, $1.525000000e+01;
	v3 =	vmin.f32 v3, $1.525000000e+01;
	v5 =	vmul.f32 v5, v1  }
0x29c: {  	v2 =	vadd.f32 $8.388608000e+06, v2;
	v3 =	vadd.f32 $8.388608000e+06, v3;
	v13 =	vmul.f32 v13, v1  }
0x29d: {  	[tilespmem:s5+$0x100] =	vst v11;
	v14 =	vmul.f32 v14, v1;
	v15 =	vmul.f32 v15, v1;
	v5 =	vadd.f32 v5, v0  }
0x29e: {  	[tilespmem:s5+$0x180] =	vst v10;
	v16 =	vmul.f32 v16, v1;
	v2 =	vadd.f32 $-8.388616000e+06, v2;
	v3 =	vadd.f32 $-8.388616000e+06, v3  }
0x29f: {  	[tilespmem:s5+$0x200] =	vst v9;
	v13 =	vadd.f32 v13, v0;
	v14 =	vadd.f32 v14, v0  }
0x2a0: {  	[tilespmem:s5+$0x280] =	vst v12;
	v11 =	vadd.f32 v15, v0;
	v15 =	vadd.f32 v16, v0;
	v5 =	vmax.f32 v5, $5.000000000e-01  }
0x2a1: {  	[tilespmem:s5+$0x300] =	vst v8;
	v9 =	vmax.f32 v13, $5.000000000e-01;
	v10 =	vmax.f32 v14, $5.000000000e-01;
	v5 =	vmin.f32 v5, $1.525000000e+01  }
0x2a2: {  	[tilespmem:s5+$0x380] =	vst v7;
	v11 =	vmax.f32 v11, $5.000000000e-01;
	v7 =	vmin.f32 v9, $1.525000000e+01;
	v5 =	vadd.f32 $8.388608000e+06, v5  }
0x2a3: {  	[tilespmem:s5+$0x400] =	vst v6;
	v8 =	vmax.f32 v15, $5.000000000e-01;
	v6 =	vadd.f32 $8.388608000e+06, v7;
	v7 =	vmin.f32 v10, $1.525000000e+01  }
0x2a4: {  	[tilespmem:s6+$0x100] =	vst v2;
	v9 =	vmin.f32 v11, $1.525000000e+01;
	v2 =	vadd.f32 $-8.388616000e+06, v5;
	v5 =	vadd.f32 $8.388608000e+06, v7  }
0x2a5: {  	s0 =	sadd.s32 $0x1, s0;
	[tilespmem:s6+$0x180] =	vst v3;
	v7 =	vmin.f32 v8, $1.525000000e+01;
	v3 =	vadd.f32 $-8.388616000e+06, v6;
	v6 =	vadd.f32 $8.388608000e+06, v9  }
0x2a6: {  	s11 =	sand.u32 $0x7, s0;
	s0 =	sadd.s32 $0x1, s0;
	[tilespmem:s6+$0x200] =	vst v2;
	v2 =	vadd.f32 $-8.388616000e+06, v5;
	v5 =	vadd.f32 $8.388608000e+06, v7  }
0x2a7: {  	s0 =	sand.u32 $0x7, s0;
	s5 =	sshll.u32 s11, $0x4;
	[tilespmem:s6+$0x280] =	vst v3;
	v3 =	vadd.f32 $-8.388616000e+06, v6  }
0x2a8: {  	s0 =	sshll.u32 s0, $0x4;
	s3 =	sadd.s32 s5, s3;
	[tilespmem:s6+$0x300] =	vst v2;
	v2 =	vadd.f32 $-8.388616000e+06, v5  }
0x2a9: {  	s0 =	sadd.s32 s0, s9;
	s3 =	sor.u32 $0x380, s3;
	[tilespmem:s6+$0x380] =	vst v3  }
0x2aa: {  	s0 =	sor.u32 $0x380, s0;
	v3 =	vld [tilespmem:s3+$0x100];
	[tilespmem:s6+$0x400] =	vst v2  }
0x2ab: {  	v2 =	vld [tilespmem:s0+$0x100];
	_ =	sdelay $0x3  }
0x2ac: {  	v3 =	vmul.f32 v3, v1  }
0x2ad: {  	v4 =	vadd.f32 v4, v0;
	v2 =	vmul.f32 v2, v1  }
0x2ae: {  	v3 =	vadd.f32 v3, v0  }
0x2af: {  	v4 =	vmax.f32 v4, $5.000000000e-01;
	v2 =	vadd.f32 v2, v0  }
0x2b0: {  	v4 =	vmin.f32 v4, $1.525000000e+01;
	v3 =	vmax.f32 v3, $5.000000000e-01  }
0x2b1: {  	v4 =	vadd.f32 $8.388608000e+06, v4;
	v3 =	vmin.f32 v3, $1.525000000e+01;
	v2 =	vmax.f32 v2, $5.000000000e-01  }
0x2b2: {  	v3 =	vadd.f32 $8.388608000e+06, v3;
	v2 =	vmin.f32 v2, $1.525000000e+01  }
0x2b3: {  	v4 =	vadd.f32 $-8.388616000e+06, v4;
	v2 =	vadd.f32 $8.388608000e+06, v2  }
0x2b4: {  	v3 =	vadd.f32 $-8.388616000e+06, v3  }
0x2b5: {  	[tilespmem:s8+$0x100] =	vst v4;
	v2 =	vadd.f32 $-8.388616000e+06, v2  }
0x2b6: {  	[tilespmem:s3+$0x100] =	vst v3  }
0x2b7: {  	[tilespmem:s0+$0x100] =	vst v2  }
0x2b8: {  	s0 =	simm.s32 $0x0;
	s3 =	rddreg [dreg:$0xd]  }
0x2b9: {  	[hbm4b:s3+s0] =	stream.linear.scatter [tilespmem:s21], [sflag:$0x4], $0x8000, $0x38;
	[tilespmem:$0x18100] =	vst v63  }
0x2ba: {  	_ =	swait.ge [sflag:s25], $0x8000  }
0x2bb: {  	[sflag:s25] =	ssyncset.done $0x0  }
0x2bc: {  	[sflag:s25] =	ssyncadd.s32 $0xFFFF8000  }
0x2bd: {  	s12 =	simm.s32 $0x0;
	_ =	swait.ge [sflag:s26], $0x8000  }
0x2be: {  	s14 =	sand.u32 $0x7C00, s0;
	s3 =	sand.u32 $0x70, s12;
	[sflag:s26] =	ssyncset.done $0x0  }
0x2bf: {  	s15 =	sor.u32 s3, s14;
	[sflag:s26] =	ssyncadd.s32 $0xFFFF8000  }
0x2c0: {  	v2 =	vld [tilespmem:s15+$0x8100]  }
0x2c1: {  	v3 =	vld [tilespmem:s15+$0x8180]  }
0x2c2: {  	v4 =	vld [tilespmem:s15+$0x8200]  }
0x2c3: {  	v5 =	vld [tilespmem:s15+$0x8280]  }
0x2c4: {  	s16 =	simm.s32 $0x10;
	s3 =	simm.s32 $0x80;
	v6 =	vld [tilespmem:s15+$0x8300]  }
0x2c5: {  	s5 =	sand.u32 $0x70, s16;
	s17 =	sand.u32 $0x7C00, s3;
	v7 =	vld [tilespmem:s15+$0x8380]  }
0x2c6: {  	s5 =	sor.u32 s5, s17;
	v8 =	vld [tilespmem:s15+$0x8400]  }
0x2c7: {  	v10 =	vld [tilespmem:s5+$0x8180]  }
0x2c8: {  	v2 =	vmul.f32 v2, v1;
	v3 =	vmul.f32 v3, v1  }
0x2c9: {  	v11 =	vld [tilespmem:s5+$0x8200];
	v4 =	vmul.f32 v4, v1;
	v5 =	vmul.f32 v5, v1  }
0x2ca: {  	v6 =	vmul.f32 v6, v1;
	v7 =	vmul.f32 v7, v1  }
0x2cb: {  	v8 =	vmul.f32 v8, v1;
	v2 =	vadd.f32 v2, v0;
	v3 =	vadd.f32 v3, v0  }
0x2cc: {  	v10 =	vmul.f32 v10, v1;
	v4 =	vadd.f32 v4, v0;
	v5 =	vadd.f32 v5, v0  }
0x2cd: {  	v6 =	vadd.f32 v6, v0;
	v7 =	vadd.f32 v7, v0  }
0x2ce: {  	v11 =	vmul.f32 v11, v1;
	v8 =	vadd.f32 v8, v0;
	v10 =	vadd.f32 v10, v0  }
0x2cf: {  	v2 =	vmax.f32 v2, $5.000000000e-01;
	v3 =	vmax.f32 v3, $5.000000000e-01;
	v4 =	vmax.f32 v4, $5.000000000e-01  }
0x2d0: {  	v5 =	vmax.f32 v5, $5.000000000e-01;
	v6 =	vmax.f32 v6, $5.000000000e-01;
	v2 =	vmin.f32 v2, $1.525000000e+01  }
0x2d1: {  	v9 =	vld [tilespmem:s5+$0x8100];
	v7 =	vmax.f32 v7, $5.000000000e-01;
	v3 =	vmin.f32 v3, $1.525000000e+01;
	v2 =	vadd.f32 $8.388608000e+06, v2  }
0x2d2: {  	s11 =	simm.s32 $0x20;
	v12 =	vld [tilespmem:s5+$0x8280];
	v8 =	vmax.f32 v8, $5.000000000e-01;
	v4 =	vmin.f32 v4, $1.525000000e+01;
	v3 =	vadd.f32 $8.388608000e+06, v3  }
0x2d3: {  	s18 =	sand.u32 $0x70, s11;
	s12 =	simm.s32 $0x100;
	v13 =	vld [tilespmem:s5+$0x8300];
	v5 =	vmin.f32 v5, $1.525000000e+01;
	v4 =	vadd.f32 $8.388608000e+06, v4;
	v2 =	vadd.f32 $-8.388616000e+06, v2  }
0x2d4: {  	s7 =	sand.u32 $0x7C00, s12;
	v14 =	vld [tilespmem:s5+$0x8380];
	v6 =	vmin.f32 v6, $1.525000000e+01;
	v5 =	vadd.f32 $8.388608000e+06, v5;
	v3 =	vadd.f32 $-8.388616000e+06, v3  }
0x2d5: {  	s6 =	sor.u32 s18, s7;
	v7 =	vmin.f32 v7, $1.525000000e+01;
	[tilespmem:s15+$0x8100] =	vst v2;
	v2 =	vadd.f32 $-8.388616000e+06, v4;
	v4 =	vadd.f32 $8.388608000e+06, v6;
	v6 =	vld [tilespmem:s5+$0x8400]  }
0x2d6: {  	v8 =	vmin.f32 v8, $1.525000000e+01;
	[tilespmem:s15+$0x8180] =	vst v3;
	v3 =	vadd.f32 $-8.388616000e+06, v5;
	v5 =	vadd.f32 $8.388608000e+06, v7;
	v7 =	vld [tilespmem:s6+$0x8100]  }
0x2d7: {  	[tilespmem:s15+$0x8200] =	vst v2;
	v2 =	vadd.f32 $-8.388616000e+06, v4;
	v4 =	vadd.f32 $8.388608000e+06, v8  }
0x2d8: {  	s20 =	sand.u32 $0x7, s0;
	v9 =	vmul.f32 v9, v1;
	v11 =	vadd.f32 v11, v0;
	v8 =	vld [tilespmem:s6+$0x8180];
	[tilespmem:s15+$0x8280] =	vst v3;
	v3 =	vadd.f32 $-8.388616000e+06, v5  }
0x2d9: {  	s7 =	sshll.u32 s20, $0x4;
	v10 =	vmax.f32 v10, $5.000000000e-01;
	v5 =	vmul.f32 v12, v1;
	[tilespmem:s15+$0x8300] =	vst v2;
	v2 =	vadd.f32 $-8.388616000e+06, v4  }
0x2da: {  	s7 =	sadd.s32 $0x0, s7;
	v12 =	vmul.f32 v13, v1;
	v4 =	vadd.f32 v9, v0;
	v9 =	vmul.f32 v14, v1;
	[tilespmem:s15+$0x8380] =	vst v3  }
0x2db: {  	s8 =	sor.u32 $0x380, s7;
	v5 =	vadd.f32 v5, v0;
	v6 =	vmul.f32 v6, v1;
	[tilespmem:s15+$0x8400] =	vst v2;
	v2 =	vmul.f32 v7, v1  }
0x2dc: {  	v7 =	vadd.f32 v12, v0;
	v9 =	vadd.f32 v9, v0;
	v4 =	vmax.f32 v4, $5.000000000e-01;
	v13 =	vld [tilespmem:s8+$0x8100]  }
0x2dd: {  	v12 =	vmax.f32 v11, $5.000000000e-01;
	v5 =	vmax.f32 v5, $5.000000000e-01;
	v3 =	vmul.f32 v8, v1  }
0x2de: {  	v6 =	vadd.f32 v6, v0;
	v4 =	vmin.f32 v4, $1.525000000e+01;
	v8 =	vmax.f32 v7, $5.000000000e-01  }
0x2df: {  	v7 =	vmax.f32 v9, $5.000000000e-01;
	v9 =	vmin.f32 v10, $1.525000000e+01;
	v11 =	vadd.f32 $8.388608000e+06, v4  }
0x2e0: {  	v4 =	vmin.f32 v12, $1.525000000e+01;
	v12 =	vmin.f32 v5, $1.525000000e+01;
	v6 =	vmax.f32 v6, $5.000000000e-01  }
0x2e1: {  	s9 =	simm.s32 $0x100;
	v5 =	vld [tilespmem:s6+$0x8200];
	v10 =	vadd.f32 $8.388608000e+06, v9;
	v9 =	vadd.f32 $8.388608000e+06, v4;
	v4 =	vmul.f32 v13, v1  }
.LBB2_18:
0x2e2: {  	s11 =	sadd.s32 $0x10, s11;
	v13 =	vld [tilespmem:s6+$0x8280];
	s12 =	sadd.s32 $0x80, s12;
	v11 =	vadd.f32 $-8.388616000e+06, v11;
	v12 =	vadd.f32 $8.388608000e+06, v12;
	v8 =	vmin.f32 v8, $1.525000000e+01  }
0x2e3: {  	v7 =	vmin.f32 v7, $1.525000000e+01;
	s7 =	sand.u32 $0x70, s11;
	s14 =	sand.u32 $0x7C00, s12;
	v14 =	vld [tilespmem:s6+$0x8300];
	v10 =	vadd.f32 $-8.388616000e+06, v10;
	v4 =	vadd.f32 v4, v0  }
0x2e4: {  	v6 =	vmin.f32 v6, $1.525000000e+01;
	v9 =	vadd.f32 $-8.388616000e+06, v9;
	v8 =	vadd.f32 $8.388608000e+06, v8;
	v15 =	vld [tilespmem:s6+$0x8380];
	[tilespmem:s5+$0x8100] =	vst v11  }
0x2e5: {  	v7 =	vadd.f32 $8.388608000e+06, v7;
	s7 =	sor.u32 s7, s14;
	v11 =	vld [tilespmem:s6+$0x8400];
	[tilespmem:s5+$0x8180] =	vst v10;
	v10 =	vadd.f32 $-8.388616000e+06, v12;
	v4 =	vmax.f32 v4, $5.000000000e-01  }
0x2e6: {  	v6 =	vadd.f32 $8.388608000e+06, v6;
	v8 =	vadd.f32 $-8.388616000e+06, v8;
	v12 =	vld [tilespmem:s7+$0x8100];
	[tilespmem:s5+$0x8200] =	vst v9;
	v4 =	vmin.f32 v4, $1.525000000e+01  }
0x2e7: {  	s0 =	sadd.s32 $0x1, s0;
	v7 =	vadd.f32 $-8.388616000e+06, v7;
	v5 =	vmul.f32 v5, v1;
	v9 =	vld [tilespmem:s7+$0x8180];
	[tilespmem:s5+$0x8280] =	vst v10;
	v4 =	vadd.f32 $8.388608000e+06, v4  }
0x2e8: {  	s14 =	sand.u32 $0x7, s0;
	v6 =	vadd.f32 $-8.388616000e+06, v6;
	v10 =	vmul.f32 v13, v1;
	v13 =	vmul.f32 v14, v1;
	[tilespmem:s5+$0x8300] =	vst v8  }
0x2e9: {  	p0 =	slt.u32 s11, $0xFF0;
	s14 =	sshll.u32 s14, $0x4;
	v8 =	vadd.f32 v2, v0;
	v14 =	vmul.f32 v15, v1;
	[tilespmem:s5+$0x8380] =	vst v7;
	v4 =	vadd.f32 $-8.388616000e+06, v4  }
0x2ea: {  	s14 =	sadd.s32 s14, s3;
	s3 =	smov.u32 s9;
	s9 =	smov.u32 s12;
	v5 =	vadd.f32 v5, v0;
	v7 =	vadd.f32 v3, v0;
	v11 =	vmul.f32 v11, v1;
	[tilespmem:s5+$0x8400] =	vst v6  }
0x2eb: {  	v6 =	vadd.f32 v10, v0;
	v10 =	vadd.f32 v13, v0;
	s5 =	smov.u32 s6;
	s6 =	smov.u32 s7;
	v2 =	vmul.f32 v12, v1;
	[tilespmem:s8+$0x8100] =	vst v4;
	s8 =	sor.u32 $0x380, s14  }
0x2ec: {  	v4 =	vadd.f32 v14, v0;
	v3 =	vmul.f32 v9, v1;
	v9 =	vadd.f32 v11, v0;
	v13 =	vld [tilespmem:s8+$0x8100]  }
.Ltmp8:
0x2ed: {  	v5 =	vmax.f32 v5, $5.000000000e-01;
	v12 =	vmax.f32 v7, $5.000000000e-01;
	v11 =	vmax.f32 v8, $5.000000000e-01;
	(pc) =	sbr.rel @p0 .LBB2_18-.Ltmp8, $4  }
0x2ee: {  	v14 =	vmax.f32 v6, $5.000000000e-01;
	v8 =	vmax.f32 v10, $5.000000000e-01;
	v7 =	vmax.f32 v4, $5.000000000e-01  }
0x2ef: {  	v10 =	vmin.f32 v12, $1.525000000e+01;
	v4 =	vmin.f32 v11, $1.525000000e+01;
	v6 =	vmax.f32 v9, $5.000000000e-01  }
0x2f0: {  	v12 =	vmin.f32 v14, $1.525000000e+01;
	v11 =	vadd.f32 $8.388608000e+06, v4;
	v4 =	vmin.f32 v5, $1.525000000e+01  }
0x2f1: {  	v10 =	vadd.f32 $8.388608000e+06, v10;
	v9 =	vadd.f32 $8.388608000e+06, v4;
	v5 =	vld [tilespmem:s6+$0x8200];
	v4 =	vmul.f32 v13, v1  }
0x2f2: {  	v11 =	vadd.f32 $-8.388616000e+06, v11  }
0x2f3: {  	v12 =	vadd.f32 $8.388608000e+06, v12;
	v8 =	vmin.f32 v8, $1.525000000e+01;
	v2 =	vadd.f32 v2, v0  }
0x2f4: {  	v13 =	vld [tilespmem:s6+$0x8280];
	v7 =	vmin.f32 v7, $1.525000000e+01;
	v3 =	vadd.f32 v3, v0;
	v10 =	vadd.f32 $-8.388616000e+06, v10  }
0x2f5: {  	v14 =	vld [tilespmem:s6+$0x8300];
	v6 =	vmin.f32 v6, $1.525000000e+01;
	v9 =	vadd.f32 $-8.388616000e+06, v9;
	v8 =	vadd.f32 $8.388608000e+06, v8  }
0x2f6: {  	v15 =	vld [tilespmem:s6+$0x8380];
	v7 =	vadd.f32 $8.388608000e+06, v7;
	v6 =	vadd.f32 $8.388608000e+06, v6  }
0x2f7: {  	v16 =	vld [tilespmem:s6+$0x8400];
	v12 =	vadd.f32 $-8.388616000e+06, v12;
	v2 =	vmax.f32 v2, $5.000000000e-01;
	v8 =	vadd.f32 $-8.388616000e+06, v8  }
0x2f8: {  	v3 =	vmax.f32 v3, $5.000000000e-01;
	v7 =	vadd.f32 $-8.388616000e+06, v7;
	v6 =	vadd.f32 $-8.388616000e+06, v6  }
0x2f9: {  	v2 =	vmin.f32 v2, $1.525000000e+01;
	v3 =	vmin.f32 v3, $1.525000000e+01;
	v5 =	vmul.f32 v5, v1  }
0x2fa: {  	v2 =	vadd.f32 $8.388608000e+06, v2;
	v3 =	vadd.f32 $8.388608000e+06, v3;
	v13 =	vmul.f32 v13, v1  }
0x2fb: {  	[tilespmem:s5+$0x8100] =	vst v11;
	v14 =	vmul.f32 v14, v1;
	v15 =	vmul.f32 v15, v1;
	v5 =	vadd.f32 v5, v0  }
0x2fc: {  	[tilespmem:s5+$0x8180] =	vst v10;
	v16 =	vmul.f32 v16, v1;
	v2 =	vadd.f32 $-8.388616000e+06, v2;
	v3 =	vadd.f32 $-8.388616000e+06, v3  }
0x2fd: {  	[tilespmem:s5+$0x8200] =	vst v9;
	v13 =	vadd.f32 v13, v0;
	v14 =	vadd.f32 v14, v0  }
0x2fe: {  	[tilespmem:s5+$0x8280] =	vst v12;
	v40 =	vadd.f32 v15, v0;
	v41 =	vadd.f32 v16, v0;
	v5 =	vmax.f32 v5, $5.000000000e-01  }
0x2ff: {  	[tilespmem:s5+$0x8300] =	vst v8;
	v42 =	vmax.f32 v13, $5.000000000e-01;
	v43 =	vmax.f32 v14, $5.000000000e-01;
	v5 =	vmin.f32 v5, $1.525000000e+01  }
0x300: {  	[tilespmem:s5+$0x8380] =	vst v7;
	v11 =	vmax.f32 v40, $5.000000000e-01;
	v45 =	vmin.f32 v42, $1.525000000e+01;
	v5 =	vadd.f32 $8.388608000e+06, v5  }
0x301: {  	[tilespmem:s5+$0x8400] =	vst v6;
	v44 =	vmax.f32 v41, $5.000000000e-01;
	v47 =	vmin.f32 v43, $1.525000000e+01;
	v46 =	vadd.f32 $8.388608000e+06, v45  }
0x302: {  	[tilespmem:s6+$0x8100] =	vst v2;
	v48 =	vmin.f32 v11, $1.525000000e+01;
	v50 =	vadd.f32 $8.388608000e+06, v47;
	v49 =	vadd.f32 $-8.388616000e+06, v5  }
0x303: {  	s0 =	sadd.s32 $0x1, s0;
	[tilespmem:s6+$0x8180] =	vst v3;
	v51 =	vmin.f32 v44, $1.525000000e+01;
	v53 =	vadd.f32 $8.388608000e+06, v48;
	v52 =	vadd.f32 $-8.388616000e+06, v46  }
0x304: {  	s18 =	sand.u32 $0x7, s0;
	s0 =	sadd.s32 $0x1, s0;
	v55 =	vadd.f32 $8.388608000e+06, v51;
	v54 =	vadd.f32 $-8.388616000e+06, v50;
	[tilespmem:s6+$0x8200] =	vst v49  }
0x305: {  	s0 =	sand.u32 $0x7, s0;
	s5 =	sshll.u32 s18, $0x4;
	v56 =	vadd.f32 $-8.388616000e+06, v53;
	[tilespmem:s6+$0x8280] =	vst v52  }
0x306: {  	s0 =	sshll.u32 s0, $0x4;
	s3 =	sadd.s32 s5, s3;
	v57 =	vadd.f32 $-8.388616000e+06, v55;
	[tilespmem:s6+$0x8300] =	vst v54  }
0x307: {  	s0 =	sadd.s32 s0, s9;
	s3 =	sor.u32 $0x380, s3;
	[tilespmem:s6+$0x8380] =	vst v56  }
0x308: {  	s0 =	sor.u32 $0x380, s0;
	v58 =	vld [tilespmem:s3+$0x8100];
	[tilespmem:s6+$0x8400] =	vst v57  }
0x309: {  	v2 =	vld [tilespmem:s0+$0x8100];
	_ =	sdelay $0x3  }
0x30a: {  	v3 =	vmul.f32 v58, v1  }
0x30b: {  	v4 =	vadd.f32 v4, v0;
	v59 =	vmul.f32 v2, v1  }
0x30c: {  	v60 =	vadd.f32 v3, v0  }
0x30d: {  	v61 =	vmax.f32 v4, $5.000000000e-01;
	v62 =	vadd.f32 v59, v0  }
0x30e: {  	v63 =	vmin.f32 v61, $1.525000000e+01;
	v2 =	vmax.f32 v60, $5.000000000e-01  }
0x30f: {  	v1 =	vadd.f32 $8.388608000e+06, v63;
	v2 =	vmin.f32 v2, $1.525000000e+01;
	v0 =	vmax.f32 v62, $5.000000000e-01  }
0x310: {  	v2 =	vadd.f32 $8.388608000e+06, v2;
	v0 =	vmin.f32 v0, $1.525000000e+01  }
0x311: {  	v1 =	vadd.f32 $-8.388616000e+06, v1;
	v0 =	vadd.f32 $8.388608000e+06, v0  }
0x312: {  	v2 =	vadd.f32 $-8.388616000e+06, v2  }
0x313: {  	[tilespmem:s8+$0x8100] =	vst v1;
	v0 =	vadd.f32 $-8.388616000e+06, v0  }
0x314: {  	[tilespmem:s3+$0x8100] =	vst v2  }
0x315: {  	[tilespmem:s0+$0x8100] =	vst v0  }
0x316: {  	s0 =	rddreg [dreg:$0xe]  }
0x317: {  	[hbm4b:s0+s4] =	stream.linear.scatter [tilespmem:s22], [sflag:$0x5], $0x8000, $0x38;
	[tilespmem:$0x18100] =	vst v63  }
0x318: {  	_ =	swait.ge [sflag:s28], $0x8000  }
0x319: {  	s31 =	sadd.s32 $0x1, s31;
	s20 =	rddreg [dreg:$0xf]  }
0x31a: {  	p0 =	sne.s32 s31, s20  }
.Ltmp9:
0x31b: {  	_ = 	snop;
	(pc) =	sbr.rel @p0 .LBB2_1-.Ltmp9, $3  }
0x31c: {  	_ =	sdelay $0x1  }
0x31d: {  	[sflag:s28] =	ssyncset.done $0x0  }
0x31e: {  	[sflag:s28] =	ssyncadd.s32 $0xFFFF8000  }
0x31f: {  	_ =	sfence.sel $0x180000  }
0x320: {  	[bflag:$0x0] =	sbarrier.arrive $0xFFFF  }
0x321: {  	_ =	strace $0x90000047  }
0x322: {  	s0 =	stileid.u32;
	[bflag:$0x2] =	sbarrier.arrive $0xFFFF  }
0x323: {  	p0 =	sne.s32 s0, $0x0;
	s0 =	rddreg [dreg:$0x3]  }
0x324: {  	s0 =	sadd.s32 @!p0 $0x100000, s0  }
0x325: {  	[sflag:s0] =	ssyncadd.tile.s32 @!p0 $0x1;
	_ =	shalt  }
.Lfunc_end2:
_tile_overlayer_lowered:
.L_overlay_start_2:
0x326: {  	(tag) =	ssettag $0x2  }
0x327: {  	s0 =	rddreg [dreg:$0x0];
	s2 =	stileid.u32  }
0x328: {  	s1 =	rddreg [dreg:$0x1];
	p0 =	sne.s32 s2, $0x0  }
0x329: {  	s3 =	rddreg [dreg:$0x2];
	[bflag:$0x3] =	sbarrier.arrive $0xFFFF;
	s2 =	simm.s32 @!p0 $0x1C07  }
0x32a: {  	[timem:s3], [sflag:s2] =	dma.local @!p0 [hbm:s0], s1  }
0x32b: {  	s0 =	simm.s32 @!p0 $0x7  }
0x32c: {  	_ =	swait.ge @!p0 [sflag:s0], s1  }
0x32d: {  	s1 =	ssub.s32 @!p0 $0x0, s1;
	[sflag:s0] =	ssyncset.done @!p0 $0x0  }
0x32e: {  	[sflag:s0] =	ssyncadd.s32 @!p0 s1  }
0x32f: {  	[bflag:$0x3] =	sbarrier.arrive $0xFFFF  }
0x330: {  	_ =	shalt  }

</sc_bundles>
